<compile_context>
chip_gen: v7x
topology: tpu7x:2x2x1
jax: 0.10.2.dev20260603
libtpu: 0.0.44.dev20260713+nightly
codegen_flags: <defaults>
</compile_context>

<pallas_src>
import functools
import jax
import jax.numpy as jnp
from jax import lax
from jax.experimental import pallas as pl
from jax.experimental.pallas import tpu as pltpu
from jax.experimental.pallas import tpu_sc as plsc

_N = 50000
_E = 800000
_HALF = _E // 2
_DP = 128
_BM = 512
_NP = 50176
_EP = 802816
_B = 128
_NC, _NS = 2, 16
_R = 14080
_TRASH = _R
_RANGES = ((0, _R, 0), (_R, _R, 1), (2 * _R, _R, 0), (3 * _R, _NP - 3 * _R, 1))


def _mm(a, wt, b, act):
    m = a.shape[0]

    def body(a_ref, w_ref, b_ref, o_ref):
        acc = jnp.dot(a_ref[...], w_ref[...],
                      preferred_element_type=jnp.float32) + b_ref[...]
        o_ref[...] = jnp.maximum(acc, 0.0) if act else acc

    return pl.pallas_call(
        body,
        grid=(m // _BM,),
        in_specs=[
            pl.BlockSpec((_BM, _DP), lambda i: (i, 0)),
            pl.BlockSpec((_DP, _DP), lambda i: (0, 0)),
            pl.BlockSpec((1, _DP), lambda i: (0, 0)),
        ],
        out_specs=pl.BlockSpec((_BM, _DP), lambda i: (i, 0)),
        out_shape=jax.ShapeDtypeStruct((m, _DP), jnp.float32),
    )(a, wt, b)


def _sc_messages(td, ts, et, idxd, idxs):
    per_tile = _EP // (_NC * _NS)
    nblk = per_tile // _B
    mesh = plsc.VectorSubcoreMesh(core_axis_name="c", subcore_axis_name="s")

    @functools.partial(
        pl.kernel, mesh=mesh,
        out_type=jax.ShapeDtypeStruct((_EP, _DP), jnp.float32),
        scratch_types=[
            pltpu.VMEM((_B,), jnp.int32),
            pltpu.VMEM((_B,), jnp.int32),
            pltpu.VMEM((_B, _DP), jnp.float32),
            pltpu.VMEM((_B, _DP), jnp.float32),
            pltpu.VMEM((_B, _DP), jnp.float32),
            pltpu.SemaphoreType.DMA,
            pltpu.SemaphoreType.DMA,
        ],
    )
    def k(td_h, ts_h, et_h, idxd_h, idxs_h, out_h, ivd, ivs, rd, rs, ev,
          sem1, sem2):
        wid = lax.axis_index("s") * _NC + lax.axis_index("c")
        base = wid * per_tile

        def blk(i, carry):
            off = pl.multiple_of(base + i * _B, _B)
            pltpu.sync_copy(idxd_h.at[pl.ds(off, _B)], ivd)
            pltpu.sync_copy(idxs_h.at[pl.ds(off, _B)], ivs)
            cp1 = pltpu.async_copy(td_h.at[ivd], rd, sem1)
            cp2 = pltpu.async_copy(ts_h.at[ivs], rs, sem2)
            pltpu.sync_copy(et_h.at[pl.ds(off, _B)], ev)
            cp1.wait()
            cp2.wait()

            def row(r, c2):
                for cj in range(_DP // 16):
                    sl = pl.ds(cj * 16, 16)
                    v = rd[r, sl] + rs[r, sl] + ev[r, sl]
                    ev[r, sl] = jnp.maximum(v, 0.0)
                return c2

            lax.fori_loop(0, _B, row, 0)
            pltpu.sync_copy(ev, out_h.at[pl.ds(off, _B)])
            return carry

        lax.fori_loop(0, nblk, blk, 0)

    return k(td, ts, et, idxd, idxs)


def _sc_scatter(msg, dst, xp):
    per_sub = _EP // _NS
    nblk = per_sub // _B
    mesh = plsc.VectorSubcoreMesh(core_axis_name="c", subcore_axis_name="s")

    @functools.partial(
        pl.kernel, mesh=mesh,
        out_type=jax.ShapeDtypeStruct((_NP, _DP), jnp.float32),
        scratch_types=[
            pltpu.VMEM_SHARED((_R + 8, _DP), jnp.float32),
            pltpu.VMEM((_B,), jnp.int32),
            pltpu.VMEM((_B,), jnp.int32),
            pltpu.VMEM((_B, _DP), jnp.float32),
        ],
    )
    def k(msg_h, dst_h, xp_h, out_h, shared, dv, ilv, mv):
        c = lax.axis_index("c")
        s = lax.axis_index("s")

        for rb, rl, rc in _RANGES:
            chunk = rl // _NS

            @pl.when(c == rc)
            def _():
                pltpu.sync_copy(xp_h.at[pl.ds(rb + s * chunk, chunk)],
                                shared.at[pl.ds(s * chunk, chunk)])
                plsc.subcore_barrier()

                def blk(i, carry):
                    off = pl.multiple_of(s * per_sub + i * _B, _B)
                    pltpu.sync_copy(dst_h.at[pl.ds(off, _B)], dv)
                    pltpu.sync_copy(msg_h.at[pl.ds(off, _B)], mv)
                    for cj in range(_B // 16):
                        sl = pl.ds(cj * 16, 16)
                        d = dv[sl] - rb
                        ok = (d >= 0) & (d < rl)
                        ilv[sl] = jnp.where(ok, d, _TRASH)
                    pltpu.sync_copy(mv, shared.at[ilv], add=True)
                    return carry

                lax.fori_loop(0, nblk, blk, 0)
                plsc.subcore_barrier()
                pltpu.sync_copy(shared.at[pl.ds(s * chunk, chunk)],
                                out_h.at[pl.ds(rb + s * chunk, chunk)])
                plsc.subcore_barrier()

    return k(msg, dst, xp)


def _padw(w):
    wt = w.T
    return jnp.pad(wt, ((0, _DP - wt.shape[0]), (0, _DP - wt.shape[1])))


def _padb(b):
    return jnp.pad(b, (0, _DP - b.shape[0]))[None, :]


def _conv(xp, idxd, idxs, dstp, ea1, ea2, linW, linB, lin2W, lin2B,
          m1W, m1B, m2W, m2B, relu_out):
    d = linW.shape[0]
    zb = jnp.zeros((1, _DP), jnp.float32)
    w1a, w1b, w1c = linW[:, :d], linW[:, d:2 * d], linW[:, 2 * d:]
    w2a, w2b, w2c = lin2W[:, :d], lin2W[:, d:2 * d], lin2W[:, 2 * d:]
    td = jnp.concatenate([_mm(xp, _padw(w1a), zb, False)[:_N],
                          _mm(xp, _padw(w2c), zb, False)[:_N]], axis=0)
    ts = jnp.concatenate([_mm(xp, _padw(w1c), zb, False)[:_N],
                          _mm(xp, _padw(w2a), zb, False)[:_N]], axis=0)
    et1 = _mm(ea1, _padw(w1b), _padb(linB), False)[:_HALF]
    et2 = _mm(ea2, _padw(w2b), _padb(lin2B), False)[:_HALF]
    et = jnp.concatenate(
        [et1, et2, jnp.zeros((_EP - _E, _DP), jnp.float32)], axis=0)
    msg = _sc_messages(td, ts, et, idxd, idxs)
    agg = _sc_scatter(msg, dstp, xp)
    h = _mm(agg, _padw(m1W), _padb(m1B), True)
    return _mm(h, _padw(m2W), _padb(m2B), relu_out)


def kernel(x, edge_index, edge_attr, c1_linW, c1_linB, c1_lin2W, c1_lin2B,
           c1_m1W, c1_m1B, c1_m2W, c1_m2B, c2_linW, c2_linB, c2_lin2W,
           c2_lin2B, c2_m1W, c2_m1B, c2_m2W, c2_m2B):
    d = x.shape[1]
    xp = jnp.pad(x, ((0, _NP - _N), (0, _DP - d)))
    src = edge_index[0]
    dst = edge_index[1]
    hoff = jnp.where(jnp.arange(_E, dtype=jnp.int32) < _HALF, 0, _N)
    idxd = jnp.pad(dst + hoff, (0, _EP - _E))
    idxs = jnp.pad(src + hoff, (0, _EP - _E))
    dstp = jnp.pad(dst, (0, _EP - _E), constant_values=-1)
    ea_rows_pad = -(-_HALF // _BM) * _BM - _HALF
    ea1 = jnp.pad(edge_attr[:_HALF], ((0, ea_rows_pad), (0, _DP - d)))
    ea2 = jnp.pad(edge_attr[_HALF:], ((0, ea_rows_pad), (0, _DP - d)))
    f = _conv(xp, idxd, idxs, dstp, ea1, ea2, c1_linW, c1_linB, c1_lin2W,
              c1_lin2B, c1_m1W, c1_m1B, c1_m2W, c1_m2B, True)
    out = _conv(f, idxd, idxs, dstp, ea1, ea2, c2_linW, c2_linB, c2_lin2W,
                c2_lin2B, c2_m1W, c2_m1B, c2_m2W, c2_m2B, False)
    return out[:_N]

# --- scband reference (transcript-rebuilt; emitter-appended) ---
"""Pipeline reference for scband-sub-graph-net-83958020702805 (READ-ONLY COPY).

The authoritative reference and input builder live on the scoring server;
editing this copy changes nothing except your own understanding.
"""

import jax, jax.numpy as jnp
import numpy as np

N = 50000
E = 800000
D = 100
DIM = 128

def _init_linear(key, out_f, in_f):
    k1, k2 = jax.random.split(key)
    bound = 1.0 / np.sqrt(in_f)
    W = jax.random.uniform(k1, (out_f, in_f), minval=-bound, maxval=bound, dtype=jnp.float32)
    b = jax.random.uniform(k2, (out_f,), minval=-bound, maxval=bound, dtype=jnp.float32)
    return W, b

def setup_inputs(seed: int = 0):
    key = jax.random.key(seed)
    ks = jax.random.split(key, 16)
    inp = {}
    inp['x'] = jax.random.normal(ks[0], (N, D), dtype=jnp.float32)
    inp['edge_index'] = jax.random.randint(ks[1], (2, E), 0, N, dtype=jnp.int32)
    inp['edge_attr'] = jax.random.normal(ks[2], (E, D), dtype=jnp.float32)
    inp['c1_linW'], inp['c1_linB'] = _init_linear(ks[3], D, 3 * D)
    inp['c1_lin2W'], inp['c1_lin2B'] = _init_linear(ks[4], D, 3 * D)
    inp['c1_m1W'], inp['c1_m1B'] = _init_linear(ks[5], D, D)
    inp['c1_m2W'], inp['c1_m2B'] = _init_linear(ks[6], D, D)
    inp['c2_linW'], inp['c2_linB'] = _init_linear(ks[7], D, 3 * D)
    inp['c2_lin2W'], inp['c2_lin2B'] = _init_linear(ks[8], D, 3 * D)
    inp['c2_m1W'], inp['c2_m1B'] = _init_linear(ks[9], 64, D)
    inp['c2_m2W'], inp['c2_m2B'] = _init_linear(ks[10], DIM, 64)
    return inp

def _triple_conv(x, edge_index, edge_attr, linW, linB, lin2W, lin2B, mW1, mB1, mW2, mB2, eps=0.0):
    # PyG MessagePassing (flow=source_to_target): x_j = x[src], x_i = x[dst]
    src = edge_index[0]
    dst = edge_index[1]
    x_j = jnp.take(x, src, axis=0)
    x_i = jnp.take(x, dst, axis=0)
    half = edge_attr.shape[0] // 2
    # message(): directional split of edges into two halves
    res1 = jax.nn.relu(jnp.concatenate([x_i[:half], edge_attr[:half], x_j[:half]], axis=1) @ linW.T + linB)
    res2 = jax.nn.relu(jnp.concatenate([x_j[half:], edge_attr[half:], x_i[half:]], axis=1) @ lin2W.T + lin2B)
    res = jnp.concatenate([res1, res2], axis=0)
    # aggregate: scatter-add by destination node
    agg = jax.ops.segment_sum(res, dst, num_segments=x.shape[0])
    out = agg + (1.0 + eps) * x
    # self.nn (2-layer MLP)
    h = jax.nn.relu(out @ mW1.T + mB1)
    return h @ mW2.T + mB2

def reference(x, edge_index, edge_attr, c1_linW, c1_linB, c1_lin2W, c1_lin2B, c1_m1W, c1_m1B, c1_m2W, c1_m2B, c2_linW, c2_linB, c2_lin2W, c2_lin2B, c2_m1W, c2_m1B, c2_m2W, c2_m2B):
    # SubGraphNet.convolutional_pass: conv1 -> relu -> conv2
    f = _triple_conv(x, edge_index, edge_attr, c1_linW, c1_linB, c1_lin2W, c1_lin2B, c1_m1W, c1_m1B, c1_m2W, c1_m2B)
    f = jax.nn.relu(f)
    out = _triple_conv(f, edge_index, edge_attr, c2_linW, c2_linB, c2_lin2W, c2_lin2B, c2_m1W, c2_m1B, c2_m2W, c2_m2B)
    return out

if __name__ == "__main__":
    import jax
    _d = setup_inputs()
    print(jax.jit(kernel)(*tuple(_d.values())))

</pallas_src>

<mosaic_0001>
#map = affine_map<(d0, d1) -> (0, 0)>
#map1 = affine_map<(d0, d1) -> (0)>
module attributes {stable_mosaic.version = 14 : i64} {
  func.func @k(%arg0: i32, %arg1: i32, %arg2: memref<802816x128xf32, #tpu.memory_space<hbm>>, %arg3: memref<802816xi32, #tpu.memory_space<hbm>>, %arg4: memref<50176x128xf32, #tpu.memory_space<hbm>>, %arg5: memref<50176x128xf32, #tpu.memory_space<hbm>>, %arg6: memref<14088x128xf32, #tpu.memory_space<vmem_shared>>, %arg7: memref<128xi32, #tpu.memory_space<vmem>>, %arg8: memref<128xi32, #tpu.memory_space<vmem>>, %arg9: memref<128x128xf32, #tpu.memory_space<vmem>>) attributes {dimension_semantics = [#tpu.dimension_semantics<core_parallel>, #tpu.dimension_semantics<subcore_parallel>], iteration_bounds = array<i64: 2, 16>, scalar_prefetch = 0 : i64, scratch_operands = 4 : i64, tpu.core_type = #tpu.core_type<sc_vector_subcore>, window_params = [{transform_indices = #map}, {transform_indices = #map1}, {transform_indices = #map}, {transform_indices = #map}]} {
    %eq3A = arith.constant 0 : i32
    %eq3A_0 = arith.cmpi eq, %arg0, %eq3A : i32
    %convert_element_type3A = arith.extui %eq3A_0 : i1 to i32
    %cond3A = arith.constant 0 : i32
    %cond3A_1 = arith.cmpi ne, %convert_element_type3A, %cond3A : i32
    scf.if %cond3A_1 {
      %mul3A = arith.constant 880 : i32
      %mul3A_17 = arith.muli %arg1, %mul3A : i32
      %add3A = arith.constant 0 : i32
      %add3A_18 = arith.addi %add3A, %mul3A_17 : i32
      %mul3A_19 = arith.constant 880 : i32
      %mul3A_20 = arith.muli %arg1, %mul3A_19 : i32
      "tpu.region"() ({
        %run_scoped3A = tpu.sem_alloc : memref<!tpu.dma_semaphore, #tpu.memory_space<semaphore_mem>>
        %dma_start3A = arith.constant 0 : i32
        %dma_start3A_34 = tpu.memref_slice %arg6[%mul3A_20, %dma_start3A] : memref<14088x128xf32, #tpu.memory_space<vmem_shared>> -> memref<880x128xf32, #tpu.memory_space<vmem_shared>>
        %dma_start3A_35 = arith.constant 0 : i32
        %dma_start3A_36 = tpu.memref_slice %arg4[%add3A_18, %dma_start3A_35] : memref<50176x128xf32, #tpu.memory_space<hbm>> -> memref<880x128xf32, #tpu.memory_space<hbm>>
        tpu.enqueue_dma source(%dma_start3A_36 : memref<880x128xf32, #tpu.memory_space<hbm>>) target(%dma_start3A_34 : memref<880x128xf32, #tpu.memory_space<vmem_shared>>) target_semaphore(%run_scoped3A : memref<!tpu.dma_semaphore, #tpu.memory_space<semaphore_mem>>)
        %dma_wait3A = arith.constant 0 : i32
        %dma_wait3A_37 = tpu.memref_slice %arg6[%mul3A_20, %dma_wait3A] : memref<14088x128xf32, #tpu.memory_space<vmem_shared>> -> memref<880x128xf32, #tpu.memory_space<vmem_shared>>
        %dma_wait3A_38 = arith.constant 0 : i32
        %dma_wait3A_39 = tpu.memref_slice %arg4[%add3A_18, %dma_wait3A_38] : memref<50176x128xf32, #tpu.memory_space<hbm>> -> memref<880x128xf32, #tpu.memory_space<hbm>>
        tpu.wait_dma2 semaphore(%run_scoped3A : memref<!tpu.dma_semaphore, #tpu.memory_space<semaphore_mem>>) src(%dma_wait3A_39 : memref<880x128xf32, #tpu.memory_space<hbm>>) dst(%dma_wait3A_37 : memref<880x128xf32, #tpu.memory_space<vmem_shared>>)
        tpu.yield
      }) : () -> ()
      %barrier3A = arith.constant 0 : index
      tpu.barrier barrier_id(%barrier3A)
      %scan3A = arith.constant 0 : i32
      %scan3A_21 = arith.constant 0 : i32
      %scan3A_22 = arith.constant 392 : i32
      %scan3A_23 = arith.addi %scan3A_21, %scan3A_22 : i32
      %scan3A_24 = arith.constant 1 : i32
      scf.for %scan3A_34 = %scan3A_21 to %scan3A_23 step %scan3A_24  : i32 {
        %mul3A_35 = arith.constant 50176 : i32
        %mul3A_36 = arith.muli %arg1, %mul3A_35 : i32
        %mul3A_37 = arith.constant 128 : i32
        %mul3A_38 = arith.muli %scan3A_34, %mul3A_37 : i32
        %add3A_39 = arith.addi %mul3A_36, %mul3A_38 : i32
        %multiple_of3A = tpu.assume_multiple %add3A_39, 128 : i32
        "tpu.region"() ({
          %run_scoped3A = tpu.sem_alloc : memref<!tpu.dma_semaphore, #tpu.memory_space<semaphore_mem>>
          %dma_start3A = tpu.memref_slice %arg3[%multiple_of3A] : memref<802816xi32, #tpu.memory_space<hbm>> -> memref<128xi32, #tpu.memory_space<hbm>>
          %dma_start3A_191 = tpu.memref_slice %arg3[%multiple_of3A] : memref<802816xi32, #tpu.memory_space<hbm>> -> memref<128xi32, #tpu.memory_space<hbm>>
          tpu.enqueue_dma source(%dma_start3A_191 : memref<128xi32, #tpu.memory_space<hbm>>) target(%arg7 : memref<128xi32, #tpu.memory_space<vmem>>) target_semaphore(%run_scoped3A : memref<!tpu.dma_semaphore, #tpu.memory_space<semaphore_mem>>)
          %dma_wait3A = tpu.memref_slice %arg3[%multiple_of3A] : memref<802816xi32, #tpu.memory_space<hbm>> -> memref<128xi32, #tpu.memory_space<hbm>>
          %dma_wait3A_192 = tpu.memref_slice %arg3[%multiple_of3A] : memref<802816xi32, #tpu.memory_space<hbm>> -> memref<128xi32, #tpu.memory_space<hbm>>
          tpu.wait_dma2 semaphore(%run_scoped3A : memref<!tpu.dma_semaphore, #tpu.memory_space<semaphore_mem>>) src(%dma_wait3A_192 : memref<128xi32, #tpu.memory_space<hbm>>) dst(%arg7 : memref<128xi32, #tpu.memory_space<vmem>>)
          tpu.yield
        }) : () -> ()
        "tpu.region"() ({
          %run_scoped3A = tpu.sem_alloc : memref<!tpu.dma_semaphore, #tpu.memory_space<semaphore_mem>>
          %dma_start3A = arith.constant 0 : i32
          %dma_start3A_191 = tpu.memref_slice %arg2[%multiple_of3A, %dma_start3A] : memref<802816x128xf32, #tpu.memory_space<hbm>> -> memref<128x128xf32, #tpu.memory_space<hbm>>
          %dma_start3A_192 = arith.constant 0 : i32
          %dma_start3A_193 = tpu.memref_slice %arg2[%multiple_of3A, %dma_start3A_192] : memref<802816x128xf32, #tpu.memory_space<hbm>> -> memref<128x128xf32, #tpu.memory_space<hbm>>
          tpu.enqueue_dma source(%dma_start3A_193 : memref<128x128xf32, #tpu.memory_space<hbm>>) target(%arg9 : memref<128x128xf32, #tpu.memory_space<vmem>>) target_semaphore(%run_scoped3A : memref<!tpu.dma_semaphore, #tpu.memory_space<semaphore_mem>>)
          %dma_wait3A = arith.constant 0 : i32
          %dma_wait3A_194 = tpu.memref_slice %arg2[%multiple_of3A, %dma_wait3A] : memref<802816x128xf32, #tpu.memory_space<hbm>> -> memref<128x128xf32, #tpu.memory_space<hbm>>
          %dma_wait3A_195 = arith.constant 0 : i32
          %dma_wait3A_196 = tpu.memref_slice %arg2[%multiple_of3A, %dma_wait3A_195] : memref<802816x128xf32, #tpu.memory_space<hbm>> -> memref<128x128xf32, #tpu.memory_space<hbm>>
          tpu.wait_dma2 semaphore(%run_scoped3A : memref<!tpu.dma_semaphore, #tpu.memory_space<semaphore_mem>>) src(%dma_wait3A_196 : memref<128x128xf32, #tpu.memory_space<hbm>>) dst(%arg9 : memref<128x128xf32, #tpu.memory_space<vmem>>)
          tpu.yield
        }) : () -> ()
        %get3A = arith.constant 0 : index
        %get3A_40 = tpu.vector_load %arg7[%get3A] {strides = array<i32>} : memref<128xi32, #tpu.memory_space<vmem>>, vector<16xi32>,
        %get3A_41 = vector.shape_cast %get3A_40 : vector<16xi32> to vector<16xi32>
        %sub3A = arith.constant 0 : i32
        %sub3A_42 = vector.broadcast %sub3A : i32 to vector<16xi32>
        %sub3A_43 = arith.subi %get3A_41, %sub3A_42 : vector<16xi32>
        %ge3A = arith.constant 0 : i32
        %ge3A_44 = vector.broadcast %ge3A : i32 to vector<16xi32>
        %ge3A_45 = arith.cmpi sge, %sub3A_43, %ge3A_44 : vector<16xi32>
        %lt3A = arith.constant 14080 : i32
        %lt3A_46 = vector.broadcast %lt3A : i32 to vector<16xi32>
        %lt3A_47 = arith.cmpi slt, %sub3A_43, %lt3A_46 : vector<16xi32>
        %and3A = arith.andi %ge3A_45, %lt3A_47 : vector<16xi1>
        %jit3A = arith.constant 14080 : i32
        %broadcast_in_dim3A = vector.broadcast %jit3A : i32 to vector<16xi32>
        %select_n3A = arith.select %and3A, %sub3A_43, %broadcast_in_dim3A : vector<16xi1>, vector<16xi32>
        %swap3A = arith.constant 0 : index
        %swap3A_48 = tpu.vector_load %arg8[%swap3A] {strides = array<i32>} : memref<128xi32, #tpu.memory_space<vmem>>, vector<16xi32>,
        %swap3A_49 = vector.shape_cast %swap3A_48 : vector<16xi32> to vector<16xi32>
        %swap3A_50 = vector.shape_cast %select_n3A : vector<16xi32> to vector<16xi32>
        tpu.vector_store %arg8[%swap3A], %swap3A_50 {strides = array<i32>} : memref<128xi32, #tpu.memory_space<vmem>>, vector<16xi32>,
        %get3A_51 = arith.constant 16 : index
        %get3A_52 = tpu.vector_load %arg7[%get3A_51] {strides = array<i32>} : memref<128xi32, #tpu.memory_space<vmem>>, vector<16xi32>,
        %get3A_53 = vector.shape_cast %get3A_52 : vector<16xi32> to vector<16xi32>
        %sub3A_54 = arith.constant 0 : i32
        %sub3A_55 = vector.broadcast %sub3A_54 : i32 to vector<16xi32>
        %sub3A_56 = arith.subi %get3A_53, %sub3A_55 : vector<16xi32>
        %ge3A_57 = arith.constant 0 : i32
        %ge3A_58 = vector.broadcast %ge3A_57 : i32 to vector<16xi32>
        %ge3A_59 = arith.cmpi sge, %sub3A_56, %ge3A_58 : vector<16xi32>
        %lt3A_60 = arith.constant 14080 : i32
        %lt3A_61 = vector.broadcast %lt3A_60 : i32 to vector<16xi32>
        %lt3A_62 = arith.cmpi slt, %sub3A_56, %lt3A_61 : vector<16xi32>
        %and3A_63 = arith.andi %ge3A_59, %lt3A_62 : vector<16xi1>
        %jit3A_64 = arith.constant 14080 : i32
        %broadcast_in_dim3A_65 = vector.broadcast %jit3A_64 : i32 to vector<16xi32>
        %select_n3A_66 = arith.select %and3A_63, %sub3A_56, %broadcast_in_dim3A_65 : vector<16xi1>, vector<16xi32>
        %swap3A_67 = arith.constant 16 : index
        %swap3A_68 = tpu.vector_load %arg8[%swap3A_67] {strides = array<i32>} : memref<128xi32, #tpu.memory_space<vmem>>, vector<16xi32>,
        %swap3A_69 = vector.shape_cast %swap3A_68 : vector<16xi32> to vector<16xi32>
        %swap3A_70 = vector.shape_cast %select_n3A_66 : vector<16xi32> to vector<16xi32>
        tpu.vector_store %arg8[%swap3A_67], %swap3A_70 {strides = array<i32>} : memref<128xi32, #tpu.memory_space<vmem>>, vector<16xi32>,
        %get3A_71 = arith.constant 32 : index
        %get3A_72 = tpu.vector_load %arg7[%get3A_71] {strides = array<i32>} : memref<128xi32, #tpu.memory_space<vmem>>, vector<16xi32>,
        %get3A_73 = vector.shape_cast %get3A_72 : vector<16xi32> to vector<16xi32>
        %sub3A_74 = arith.constant 0 : i32
        %sub3A_75 = vector.broadcast %sub3A_74 : i32 to vector<16xi32>
        %sub3A_76 = arith.subi %get3A_73, %sub3A_75 : vector<16xi32>
        %ge3A_77 = arith.constant 0 : i32
        %ge3A_78 = vector.broadcast %ge3A_77 : i32 to vector<16xi32>
        %ge3A_79 = arith.cmpi sge, %sub3A_76, %ge3A_78 : vector<16xi32>
        %lt3A_80 = arith.constant 14080 : i32
        %lt3A_81 = vector.broadcast %lt3A_80 : i32 to vector<16xi32>
        %lt3A_82 = arith.cmpi slt, %sub3A_76, %lt3A_81 : vector<16xi32>
        %and3A_83 = arith.andi %ge3A_79, %lt3A_82 : vector<16xi1>
        %jit3A_84 = arith.constant 14080 : i32
        %broadcast_in_dim3A_85 = vector.broadcast %jit3A_84 : i32 to vector<16xi32>
        %select_n3A_86 = arith.select %and3A_83, %sub3A_76, %broadcast_in_dim3A_85 : vector<16xi1>, vector<16xi32>
        %swap3A_87 = arith.constant 32 : index
        %swap3A_88 = tpu.vector_load %arg8[%swap3A_87] {strides = array<i32>} : memref<128xi32, #tpu.memory_space<vmem>>, vector<16xi32>,
        %swap3A_89 = vector.shape_cast %swap3A_88 : vector<16xi32> to vector<16xi32>
        %swap3A_90 = vector.shape_cast %select_n3A_86 : vector<16xi32> to vector<16xi32>
        tpu.vector_store %arg8[%swap3A_87], %swap3A_90 {strides = array<i32>} : memref<128xi32, #tpu.memory_space<vmem>>, vector<16xi32>,
        %get3A_91 = arith.constant 48 : index
        %get3A_92 = tpu.vector_load %arg7[%get3A_91] {strides = array<i32>} : memref<128xi32, #tpu.memory_space<vmem>>, vector<16xi32>,
        %get3A_93 = vector.shape_cast %get3A_92 : vector<16xi32> to vector<16xi32>
        %sub3A_94 = arith.constant 0 : i32
        %sub3A_95 = vector.broadcast %sub3A_94 : i32 to vector<16xi32>
        %sub3A_96 = arith.subi %get3A_93, %sub3A_95 : vector<16xi32>
        %ge3A_97 = arith.constant 0 : i32
        %ge3A_98 = vector.broadcast %ge3A_97 : i32 to vector<16xi32>
        %ge3A_99 = arith.cmpi sge, %sub3A_96, %ge3A_98 : vector<16xi32>
        %lt3A_100 = arith.constant 14080 : i32
        %lt3A_101 = vector.broadcast %lt3A_100 : i32 to vector<16xi32>
        %lt3A_102 = arith.cmpi slt, %sub3A_96, %lt3A_101 : vector<16xi32>
        %and3A_103 = arith.andi %ge3A_99, %lt3A_102 : vector<16xi1>
        %jit3A_104 = arith.constant 14080 : i32
        %broadcast_in_dim3A_105 = vector.broadcast %jit3A_104 : i32 to vector<16xi32>
        %select_n3A_106 = arith.select %and3A_103, %sub3A_96, %broadcast_in_dim3A_105 : vector<16xi1>, vector<16xi32>
        %swap3A_107 = arith.constant 48 : index
        %swap3A_108 = tpu.vector_load %arg8[%swap3A_107] {strides = array<i32>} : memref<128xi32, #tpu.memory_space<vmem>>, vector<16xi32>,
        %swap3A_109 = vector.shape_cast %swap3A_108 : vector<16xi32> to vector<16xi32>
        %swap3A_110 = vector.shape_cast %select_n3A_106 : vector<16xi32> to vector<16xi32>
        tpu.vector_store %arg8[%swap3A_107], %swap3A_110 {strides = array<i32>} : memref<128xi32, #tpu.memory_space<vmem>>, vector<16xi32>,
        %get3A_111 = arith.constant 64 : index
        %get3A_112 = tpu.vector_load %arg7[%get3A_111] {strides = array<i32>} : memref<128xi32, #tpu.memory_space<vmem>>, vector<16xi32>,
        %get3A_113 = vector.shape_cast %get3A_112 : vector<16xi32> to vector<16xi32>
        %sub3A_114 = arith.constant 0 : i32
        %sub3A_115 = vector.broadcast %sub3A_114 : i32 to vector<16xi32>
        %sub3A_116 = arith.subi %get3A_113, %sub3A_115 : vector<16xi32>
        %ge3A_117 = arith.constant 0 : i32
        %ge3A_118 = vector.broadcast %ge3A_117 : i32 to vector<16xi32>
        %ge3A_119 = arith.cmpi sge, %sub3A_116, %ge3A_118 : vector<16xi32>
        %lt3A_120 = arith.constant 14080 : i32
        %lt3A_121 = vector.broadcast %lt3A_120 : i32 to vector<16xi32>
        %lt3A_122 = arith.cmpi slt, %sub3A_116, %lt3A_121 : vector<16xi32>
        %and3A_123 = arith.andi %ge3A_119, %lt3A_122 : vector<16xi1>
        %jit3A_124 = arith.constant 14080 : i32
        %broadcast_in_dim3A_125 = vector.broadcast %jit3A_124 : i32 to vector<16xi32>
        %select_n3A_126 = arith.select %and3A_123, %sub3A_116, %broadcast_in_dim3A_125 : vector<16xi1>, vector<16xi32>
        %swap3A_127 = arith.constant 64 : index
        %swap3A_128 = tpu.vector_load %arg8[%swap3A_127] {strides = array<i32>} : memref<128xi32, #tpu.memory_space<vmem>>, vector<16xi32>,
        %swap3A_129 = vector.shape_cast %swap3A_128 : vector<16xi32> to vector<16xi32>
        %swap3A_130 = vector.shape_cast %select_n3A_126 : vector<16xi32> to vector<16xi32>
        tpu.vector_store %arg8[%swap3A_127], %swap3A_130 {strides = array<i32>} : memref<128xi32, #tpu.memory_space<vmem>>, vector<16xi32>,
        %get3A_131 = arith.constant 80 : index
        %get3A_132 = tpu.vector_load %arg7[%get3A_131] {strides = array<i32>} : memref<128xi32, #tpu.memory_space<vmem>>, vector<16xi32>,
        %get3A_133 = vector.shape_cast %get3A_132 : vector<16xi32> to vector<16xi32>
        %sub3A_134 = arith.constant 0 : i32
        %sub3A_135 = vector.broadcast %sub3A_134 : i32 to vector<16xi32>
        %sub3A_136 = arith.subi %get3A_133, %sub3A_135 : vector<16xi32>
        %ge3A_137 = arith.constant 0 : i32
        %ge3A_138 = vector.broadcast %ge3A_137 : i32 to vector<16xi32>
        %ge3A_139 = arith.cmpi sge, %sub3A_136, %ge3A_138 : vector<16xi32>
        %lt3A_140 = arith.constant 14080 : i32
        %lt3A_141 = vector.broadcast %lt3A_140 : i32 to vector<16xi32>
        %lt3A_142 = arith.cmpi slt, %sub3A_136, %lt3A_141 : vector<16xi32>
        %and3A_143 = arith.andi %ge3A_139, %lt3A_142 : vector<16xi1>
        %jit3A_144 = arith.constant 14080 : i32
        %broadcast_in_dim3A_145 = vector.broadcast %jit3A_144 : i32 to vector<16xi32>
        %select_n3A_146 = arith.select %and3A_143, %sub3A_136, %broadcast_in_dim3A_145 : vector<16xi1>, vector<16xi32>
        %swap3A_147 = arith.constant 80 : index
        %swap3A_148 = tpu.vector_load %arg8[%swap3A_147] {strides = array<i32>} : memref<128xi32, #tpu.memory_space<vmem>>, vector<16xi32>,
        %swap3A_149 = vector.shape_cast %swap3A_148 : vector<16xi32> to vector<16xi32>
        %swap3A_150 = vector.shape_cast %select_n3A_146 : vector<16xi32> to vector<16xi32>
        tpu.vector_store %arg8[%swap3A_147], %swap3A_150 {strides = array<i32>} : memref<128xi32, #tpu.memory_space<vmem>>, vector<16xi32>,
        %get3A_151 = arith.constant 96 : index
        %get3A_152 = tpu.vector_load %arg7[%get3A_151] {strides = array<i32>} : memref<128xi32, #tpu.memory_space<vmem>>, vector<16xi32>,
        %get3A_153 = vector.shape_cast %get3A_152 : vector<16xi32> to vector<16xi32>
        %sub3A_154 = arith.constant 0 : i32
        %sub3A_155 = vector.broadcast %sub3A_154 : i32 to vector<16xi32>
        %sub3A_156 = arith.subi %get3A_153, %sub3A_155 : vector<16xi32>
        %ge3A_157 = arith.constant 0 : i32
        %ge3A_158 = vector.broadcast %ge3A_157 : i32 to vector<16xi32>
        %ge3A_159 = arith.cmpi sge, %sub3A_156, %ge3A_158 : vector<16xi32>
        %lt3A_160 = arith.constant 14080 : i32
        %lt3A_161 = vector.broadcast %lt3A_160 : i32 to vector<16xi32>
        %lt3A_162 = arith.cmpi slt, %sub3A_156, %lt3A_161 : vector<16xi32>
        %and3A_163 = arith.andi %ge3A_159, %lt3A_162 : vector<16xi1>
        %jit3A_164 = arith.constant 14080 : i32
        %broadcast_in_dim3A_165 = vector.broadcast %jit3A_164 : i32 to vector<16xi32>
        %select_n3A_166 = arith.select %and3A_163, %sub3A_156, %broadcast_in_dim3A_165 : vector<16xi1>, vector<16xi32>
        %swap3A_167 = arith.constant 96 : index
        %swap3A_168 = tpu.vector_load %arg8[%swap3A_167] {strides = array<i32>} : memref<128xi32, #tpu.memory_space<vmem>>, vector<16xi32>,
        %swap3A_169 = vector.shape_cast %swap3A_168 : vector<16xi32> to vector<16xi32>
        %swap3A_170 = vector.shape_cast %select_n3A_166 : vector<16xi32> to vector<16xi32>
        tpu.vector_store %arg8[%swap3A_167], %swap3A_170 {strides = array<i32>} : memref<128xi32, #tpu.memory_space<vmem>>, vector<16xi32>,
        %get3A_171 = arith.constant 112 : index
        %get3A_172 = tpu.vector_load %arg7[%get3A_171] {strides = array<i32>} : memref<128xi32, #tpu.memory_space<vmem>>, vector<16xi32>,
        %get3A_173 = vector.shape_cast %get3A_172 : vector<16xi32> to vector<16xi32>
        %sub3A_174 = arith.constant 0 : i32
        %sub3A_175 = vector.broadcast %sub3A_174 : i32 to vector<16xi32>
        %sub3A_176 = arith.subi %get3A_173, %sub3A_175 : vector<16xi32>
        %ge3A_177 = arith.constant 0 : i32
        %ge3A_178 = vector.broadcast %ge3A_177 : i32 to vector<16xi32>
        %ge3A_179 = arith.cmpi sge, %sub3A_176, %ge3A_178 : vector<16xi32>
        %lt3A_180 = arith.constant 14080 : i32
        %lt3A_181 = vector.broadcast %lt3A_180 : i32 to vector<16xi32>
        %lt3A_182 = arith.cmpi slt, %sub3A_176, %lt3A_181 : vector<16xi32>
        %and3A_183 = arith.andi %ge3A_179, %lt3A_182 : vector<16xi1>
        %jit3A_184 = arith.constant 14080 : i32
        %broadcast_in_dim3A_185 = vector.broadcast %jit3A_184 : i32 to vector<16xi32>
        %select_n3A_186 = arith.select %and3A_183, %sub3A_176, %broadcast_in_dim3A_185 : vector<16xi1>, vector<16xi32>
        %swap3A_187 = arith.constant 112 : index
        %swap3A_188 = tpu.vector_load %arg8[%swap3A_187] {strides = array<i32>} : memref<128xi32, #tpu.memory_space<vmem>>, vector<16xi32>,
        %swap3A_189 = vector.shape_cast %swap3A_188 : vector<16xi32> to vector<16xi32>
        %swap3A_190 = vector.shape_cast %select_n3A_186 : vector<16xi32> to vector<16xi32>
        tpu.vector_store %arg8[%swap3A_187], %swap3A_190 {strides = array<i32>} : memref<128xi32, #tpu.memory_space<vmem>>, vector<16xi32>,
        "tpu.region"() ({
          %run_scoped3A = tpu.sem_alloc : memref<!tpu.dma_semaphore, #tpu.memory_space<semaphore_mem>>
          %dma_start3A = arith.constant 0 : i32
          %dma_start3A_191 = arith.constant 0 : i32
          %dma_start3A_192 = tpu.memref_slice %arg6[%dma_start3A, %dma_start3A_191] : memref<14088x128xf32, #tpu.memory_space<vmem_shared>> -> memref<14088x128xf32, #tpu.memory_space<vmem_shared>>
          tpu.enqueue_indirect_dma source(%arg9 : memref<128x128xf32, #tpu.memory_space<vmem>>) target(%dma_start3A_192 : memref<14088x128xf32, #tpu.memory_space<vmem_shared>>) offsets(%arg8 : memref<128xi32, #tpu.memory_space<vmem>>) semaphore(%run_scoped3A : memref<!tpu.dma_semaphore, #tpu.memory_space<semaphore_mem>>) {add = true}
          %dma_wait3A = arith.constant 0 : i32
          %dma_wait3A_193 = arith.constant 0 : i32
          %dma_wait3A_194 = tpu.memref_slice %arg6[%dma_wait3A, %dma_wait3A_193] : memref<14088x128xf32, #tpu.memory_space<vmem_shared>> -> memref<14088x128xf32, #tpu.memory_space<vmem_shared>>
          tpu.wait_indirect_dma semaphore(%run_scoped3A : memref<!tpu.dma_semaphore, #tpu.memory_space<semaphore_mem>>) src(%arg9 : memref<128x128xf32, #tpu.memory_space<vmem>>) dst(%dma_wait3A_194 : memref<14088x128xf32, #tpu.memory_space<vmem_shared>>)
          tpu.yield
        }) : () -> ()
      }
      %scan3A_25 = arith.constant 392 : i32
      %barrier3A_26 = arith.constant 0 : index
      tpu.barrier barrier_id(%barrier3A_26)
      %mul3A_27 = arith.constant 880 : i32
      %mul3A_28 = arith.muli %arg1, %mul3A_27 : i32
      %mul3A_29 = arith.constant 880 : i32
      %mul3A_30 = arith.muli %arg1, %mul3A_29 : i32
      %add3A_31 = arith.constant 0 : i32
      %add3A_32 = arith.addi %add3A_31, %mul3A_30 : i32
      "tpu.region"() ({
        %run_scoped3A = tpu.sem_alloc : memref<!tpu.dma_semaphore, #tpu.memory_space<semaphore_mem>>
        %dma_start3A = arith.constant 0 : i32
        %dma_start3A_34 = tpu.memref_slice %arg5[%add3A_32, %dma_start3A] : memref<50176x128xf32, #tpu.memory_space<hbm>> -> memref<880x128xf32, #tpu.memory_space<hbm>>
        %dma_start3A_35 = arith.constant 0 : i32
        %dma_start3A_36 = tpu.memref_slice %arg6[%mul3A_28, %dma_start3A_35] : memref<14088x128xf32, #tpu.memory_space<vmem_shared>> -> memref<880x128xf32, #tpu.memory_space<vmem_shared>>
        tpu.enqueue_dma source(%dma_start3A_36 : memref<880x128xf32, #tpu.memory_space<vmem_shared>>) target(%dma_start3A_34 : memref<880x128xf32, #tpu.memory_space<hbm>>) target_semaphore(%run_scoped3A : memref<!tpu.dma_semaphore, #tpu.memory_space<semaphore_mem>>)
        %dma_wait3A = arith.constant 0 : i32
        %dma_wait3A_37 = tpu.memref_slice %arg5[%add3A_32, %dma_wait3A] : memref<50176x128xf32, #tpu.memory_space<hbm>> -> memref<880x128xf32, #tpu.memory_space<hbm>>
        %dma_wait3A_38 = arith.constant 0 : i32
        %dma_wait3A_39 = tpu.memref_slice %arg6[%mul3A_28, %dma_wait3A_38] : memref<14088x128xf32, #tpu.memory_space<vmem_shared>> -> memref<880x128xf32, #tpu.memory_space<vmem_shared>>
        tpu.wait_dma2 semaphore(%run_scoped3A : memref<!tpu.dma_semaphore, #tpu.memory_space<semaphore_mem>>) src(%dma_wait3A_39 : memref<880x128xf32, #tpu.memory_space<vmem_shared>>) dst(%dma_wait3A_37 : memref<880x128xf32, #tpu.memory_space<hbm>>)
        tpu.yield
      }) : () -> ()
      %barrier3A_33 = arith.constant 0 : index
      tpu.barrier barrier_id(%barrier3A_33)
    } else {
    }
    %eq3A_2 = arith.constant 1 : i32
    %eq3A_3 = arith.cmpi eq, %arg0, %eq3A_2 : i32
    %convert_element_type3A_4 = arith.extui %eq3A_3 : i1 to i32
    %cond3A_5 = arith.constant 0 : i32
    %cond3A_6 = arith.cmpi ne, %convert_element_type3A_4, %cond3A_5 : i32
    scf.if %cond3A_6 {
      %mul3A = arith.constant 880 : i32
      %mul3A_17 = arith.muli %arg1, %mul3A : i32
      %add3A = arith.constant 14080 : i32
      %add3A_18 = arith.addi %add3A, %mul3A_17 : i32
      %mul3A_19 = arith.constant 880 : i32
      %mul3A_20 = arith.muli %arg1, %mul3A_19 : i32
      "tpu.region"() ({
        %run_scoped3A = tpu.sem_alloc : memref<!tpu.dma_semaphore, #tpu.memory_space<semaphore_mem>>
        %dma_start3A = arith.constant 0 : i32
        %dma_start3A_34 = tpu.memref_slice %arg6[%mul3A_20, %dma_start3A] : memref<14088x128xf32, #tpu.memory_space<vmem_shared>> -> memref<880x128xf32, #tpu.memory_space<vmem_shared>>
        %dma_start3A_35 = arith.constant 0 : i32
        %dma_start3A_36 = tpu.memref_slice %arg4[%add3A_18, %dma_start3A_35] : memref<50176x128xf32, #tpu.memory_space<hbm>> -> memref<880x128xf32, #tpu.memory_space<hbm>>
        tpu.enqueue_dma source(%dma_start3A_36 : memref<880x128xf32, #tpu.memory_space<hbm>>) target(%dma_start3A_34 : memref<880x128xf32, #tpu.memory_space<vmem_shared>>) target_semaphore(%run_scoped3A : memref<!tpu.dma_semaphore, #tpu.memory_space<semaphore_mem>>)
        %dma_wait3A = arith.constant 0 : i32
        %dma_wait3A_37 = tpu.memref_slice %arg6[%mul3A_20, %dma_wait3A] : memref<14088x128xf32, #tpu.memory_space<vmem_shared>> -> memref<880x128xf32, #tpu.memory_space<vmem_shared>>
        %dma_wait3A_38 = arith.constant 0 : i32
        %dma_wait3A_39 = tpu.memref_slice %arg4[%add3A_18, %dma_wait3A_38] : memref<50176x128xf32, #tpu.memory_space<hbm>> -> memref<880x128xf32, #tpu.memory_space<hbm>>
        tpu.wait_dma2 semaphore(%run_scoped3A : memref<!tpu.dma_semaphore, #tpu.memory_space<semaphore_mem>>) src(%dma_wait3A_39 : memref<880x128xf32, #tpu.memory_space<hbm>>) dst(%dma_wait3A_37 : memref<880x128xf32, #tpu.memory_space<vmem_shared>>)
        tpu.yield
      }) : () -> ()
      %barrier3A = arith.constant 0 : index
      tpu.barrier barrier_id(%barrier3A)
      %scan3A = arith.constant 0 : i32
      %scan3A_21 = arith.constant 0 : i32
      %scan3A_22 = arith.constant 392 : i32
      %scan3A_23 = arith.addi %scan3A_21, %scan3A_22 : i32
      %scan3A_24 = arith.constant 1 : i32
      scf.for %scan3A_34 = %scan3A_21 to %scan3A_23 step %scan3A_24  : i32 {
        %mul3A_35 = arith.constant 50176 : i32
        %mul3A_36 = arith.muli %arg1, %mul3A_35 : i32
        %mul3A_37 = arith.constant 128 : i32
        %mul3A_38 = arith.muli %scan3A_34, %mul3A_37 : i32
        %add3A_39 = arith.addi %mul3A_36, %mul3A_38 : i32
        %multiple_of3A = tpu.assume_multiple %add3A_39, 128 : i32
        "tpu.region"() ({
          %run_scoped3A = tpu.sem_alloc : memref<!tpu.dma_semaphore, #tpu.memory_space<semaphore_mem>>
          %dma_start3A = tpu.memref_slice %arg3[%multiple_of3A] : memref<802816xi32, #tpu.memory_space<hbm>> -> memref<128xi32, #tpu.memory_space<hbm>>
          %dma_start3A_191 = tpu.memref_slice %arg3[%multiple_of3A] : memref<802816xi32, #tpu.memory_space<hbm>> -> memref<128xi32, #tpu.memory_space<hbm>>
          tpu.enqueue_dma source(%dma_start3A_191 : memref<128xi32, #tpu.memory_space<hbm>>) target(%arg7 : memref<128xi32, #tpu.memory_space<vmem>>) target_semaphore(%run_scoped3A : memref<!tpu.dma_semaphore, #tpu.memory_space<semaphore_mem>>)
          %dma_wait3A = tpu.memref_slice %arg3[%multiple_of3A] : memref<802816xi32, #tpu.memory_space<hbm>> -> memref<128xi32, #tpu.memory_space<hbm>>
          %dma_wait3A_192 = tpu.memref_slice %arg3[%multiple_of3A] : memref<802816xi32, #tpu.memory_space<hbm>> -> memref<128xi32, #tpu.memory_space<hbm>>
          tpu.wait_dma2 semaphore(%run_scoped3A : memref<!tpu.dma_semaphore, #tpu.memory_space<semaphore_mem>>) src(%dma_wait3A_192 : memref<128xi32, #tpu.memory_space<hbm>>) dst(%arg7 : memref<128xi32, #tpu.memory_space<vmem>>)
          tpu.yield
        }) : () -> ()
        "tpu.region"() ({
          %run_scoped3A = tpu.sem_alloc : memref<!tpu.dma_semaphore, #tpu.memory_space<semaphore_mem>>
          %dma_start3A = arith.constant 0 : i32
          %dma_start3A_191 = tpu.memref_slice %arg2[%multiple_of3A, %dma_start3A] : memref<802816x128xf32, #tpu.memory_space<hbm>> -> memref<128x128xf32, #tpu.memory_space<hbm>>
          %dma_start3A_192 = arith.constant 0 : i32
          %dma_start3A_193 = tpu.memref_slice %arg2[%multiple_of3A, %dma_start3A_192] : memref<802816x128xf32, #tpu.memory_space<hbm>> -> memref<128x128xf32, #tpu.memory_space<hbm>>
          tpu.enqueue_dma source(%dma_start3A_193 : memref<128x128xf32, #tpu.memory_space<hbm>>) target(%arg9 : memref<128x128xf32, #tpu.memory_space<vmem>>) target_semaphore(%run_scoped3A : memref<!tpu.dma_semaphore, #tpu.memory_space<semaphore_mem>>)
          %dma_wait3A = arith.constant 0 : i32
          %dma_wait3A_194 = tpu.memref_slice %arg2[%multiple_of3A, %dma_wait3A] : memref<802816x128xf32, #tpu.memory_space<hbm>> -> memref<128x128xf32, #tpu.memory_space<hbm>>
          %dma_wait3A_195 = arith.constant 0 : i32
          %dma_wait3A_196 = tpu.memref_slice %arg2[%multiple_of3A, %dma_wait3A_195] : memref<802816x128xf32, #tpu.memory_space<hbm>> -> memref<128x128xf32, #tpu.memory_space<hbm>>
          tpu.wait_dma2 semaphore(%run_scoped3A : memref<!tpu.dma_semaphore, #tpu.memory_space<semaphore_mem>>) src(%dma_wait3A_196 : memref<128x128xf32, #tpu.memory_space<hbm>>) dst(%arg9 : memref<128x128xf32, #tpu.memory_space<vmem>>)
          tpu.yield
        }) : () -> ()
        %get3A = arith.constant 0 : index
        %get3A_40 = tpu.vector_load %arg7[%get3A] {strides = array<i32>} : memref<128xi32, #tpu.memory_space<vmem>>, vector<16xi32>,
        %get3A_41 = vector.shape_cast %get3A_40 : vector<16xi32> to vector<16xi32>
        %sub3A = arith.constant 14080 : i32
        %sub3A_42 = vector.broadcast %sub3A : i32 to vector<16xi32>
        %sub3A_43 = arith.subi %get3A_41, %sub3A_42 : vector<16xi32>
        %ge3A = arith.constant 0 : i32
        %ge3A_44 = vector.broadcast %ge3A : i32 to vector<16xi32>
        %ge3A_45 = arith.cmpi sge, %sub3A_43, %ge3A_44 : vector<16xi32>
        %lt3A = arith.constant 14080 : i32
        %lt3A_46 = vector.broadcast %lt3A : i32 to vector<16xi32>
        %lt3A_47 = arith.cmpi slt, %sub3A_43, %lt3A_46 : vector<16xi32>
        %and3A = arith.andi %ge3A_45, %lt3A_47 : vector<16xi1>
        %jit3A = arith.constant 14080 : i32
        %broadcast_in_dim3A = vector.broadcast %jit3A : i32 to vector<16xi32>
        %select_n3A = arith.select %and3A, %sub3A_43, %broadcast_in_dim3A : vector<16xi1>, vector<16xi32>
        %swap3A = arith.constant 0 : index
        %swap3A_48 = tpu.vector_load %arg8[%swap3A] {strides = array<i32>} : memref<128xi32, #tpu.memory_space<vmem>>, vector<16xi32>,
        %swap3A_49 = vector.shape_cast %swap3A_48 : vector<16xi32> to vector<16xi32>
        %swap3A_50 = vector.shape_cast %select_n3A : vector<16xi32> to vector<16xi32>
        tpu.vector_store %arg8[%swap3A], %swap3A_50 {strides = array<i32>} : memref<128xi32, #tpu.memory_space<vmem>>, vector<16xi32>,
        %get3A_51 = arith.constant 16 : index
        %get3A_52 = tpu.vector_load %arg7[%get3A_51] {strides = array<i32>} : memref<128xi32, #tpu.memory_space<vmem>>, vector<16xi32>,
        %get3A_53 = vector.shape_cast %get3A_52 : vector<16xi32> to vector<16xi32>
        %sub3A_54 = arith.constant 14080 : i32
        %sub3A_55 = vector.broadcast %sub3A_54 : i32 to vector<16xi32>
        %sub3A_56 = arith.subi %get3A_53, %sub3A_55 : vector<16xi32>
        %ge3A_57 = arith.constant 0 : i32
        %ge3A_58 = vector.broadcast %ge3A_57 : i32 to vector<16xi32>
        %ge3A_59 = arith.cmpi sge, %sub3A_56, %ge3A_58 : vector<16xi32>
        %lt3A_60 = arith.constant 14080 : i32
        %lt3A_61 = vector.broadcast %lt3A_60 : i32 to vector<16xi32>
        %lt3A_62 = arith.cmpi slt, %sub3A_56, %lt3A_61 : vector<16xi32>
        %and3A_63 = arith.andi %ge3A_59, %lt3A_62 : vector<16xi1>
        %jit3A_64 = arith.constant 14080 : i32
        %broadcast_in_dim3A_65 = vector.broadcast %jit3A_64 : i32 to vector<16xi32>
        %select_n3A_66 = arith.select %and3A_63, %sub3A_56, %broadcast_in_dim3A_65 : vector<16xi1>, vector<16xi32>
        %swap3A_67 = arith.constant 16 : index
        %swap3A_68 = tpu.vector_load %arg8[%swap3A_67] {strides = array<i32>} : memref<128xi32, #tpu.memory_space<vmem>>, vector<16xi32>,
        %swap3A_69 = vector.shape_cast %swap3A_68 : vector<16xi32> to vector<16xi32>
        %swap3A_70 = vector.shape_cast %select_n3A_66 : vector<16xi32> to vector<16xi32>
        tpu.vector_store %arg8[%swap3A_67], %swap3A_70 {strides = array<i32>} : memref<128xi32, #tpu.memory_space<vmem>>, vector<16xi32>,
        %get3A_71 = arith.constant 32 : index
        %get3A_72 = tpu.vector_load %arg7[%get3A_71] {strides = array<i32>} : memref<128xi32, #tpu.memory_space<vmem>>, vector<16xi32>,
        %get3A_73 = vector.shape_cast %get3A_72 : vector<16xi32> to vector<16xi32>
        %sub3A_74 = arith.constant 14080 : i32
        %sub3A_75 = vector.broadcast %sub3A_74 : i32 to vector<16xi32>
        %sub3A_76 = arith.subi %get3A_73, %sub3A_75 : vector<16xi32>
        %ge3A_77 = arith.constant 0 : i32
        %ge3A_78 = vector.broadcast %ge3A_77 : i32 to vector<16xi32>
        %ge3A_79 = arith.cmpi sge, %sub3A_76, %ge3A_78 : vector<16xi32>
        %lt3A_80 = arith.constant 14080 : i32
        %lt3A_81 = vector.broadcast %lt3A_80 : i32 to vector<16xi32>
        %lt3A_82 = arith.cmpi slt, %sub3A_76, %lt3A_81 : vector<16xi32>
        %and3A_83 = arith.andi %ge3A_79, %lt3A_82 : vector<16xi1>
        %jit3A_84 = arith.constant 14080 : i32
        %broadcast_in_dim3A_85 = vector.broadcast %jit3A_84 : i32 to vector<16xi32>
        %select_n3A_86 = arith.select %and3A_83, %sub3A_76, %broadcast_in_dim3A_85 : vector<16xi1>, vector<16xi32>
        %swap3A_87 = arith.constant 32 : index
        %swap3A_88 = tpu.vector_load %arg8[%swap3A_87] {strides = array<i32>} : memref<128xi32, #tpu.memory_space<vmem>>, vector<16xi32>,
        %swap3A_89 = vector.shape_cast %swap3A_88 : vector<16xi32> to vector<16xi32>
        %swap3A_90 = vector.shape_cast %select_n3A_86 : vector<16xi32> to vector<16xi32>
        tpu.vector_store %arg8[%swap3A_87], %swap3A_90 {strides = array<i32>} : memref<128xi32, #tpu.memory_space<vmem>>, vector<16xi32>,
        %get3A_91 = arith.constant 48 : index
        %get3A_92 = tpu.vector_load %arg7[%get3A_91] {strides = array<i32>} : memref<128xi32, #tpu.memory_space<vmem>>, vector<16xi32>,
        %get3A_93 = vector.shape_cast %get3A_92 : vector<16xi32> to vector<16xi32>
        %sub3A_94 = arith.constant 14080 : i32
        %sub3A_95 = vector.broadcast %sub3A_94 : i32 to vector<16xi32>
        %sub3A_96 = arith.subi %get3A_93, %sub3A_95 : vector<16xi32>
        %ge3A_97 = arith.constant 0 : i32
        %ge3A_98 = vector.broadcast %ge3A_97 : i32 to vector<16xi32>
        %ge3A_99 = arith.cmpi sge, %sub3A_96, %ge3A_98 : vector<16xi32>
        %lt3A_100 = arith.constant 14080 : i32
        %lt3A_101 = vector.broadcast %lt3A_100 : i32 to vector<16xi32>
        %lt3A_102 = arith.cmpi slt, %sub3A_96, %lt3A_101 : vector<16xi32>
        %and3A_103 = arith.andi %ge3A_99, %lt3A_102 : vector<16xi1>
        %jit3A_104 = arith.constant 14080 : i32
        %broadcast_in_dim3A_105 = vector.broadcast %jit3A_104 : i32 to vector<16xi32>
        %select_n3A_106 = arith.select %and3A_103, %sub3A_96, %broadcast_in_dim3A_105 : vector<16xi1>, vector<16xi32>
        %swap3A_107 = arith.constant 48 : index
        %swap3A_108 = tpu.vector_load %arg8[%swap3A_107] {strides = array<i32>} : memref<128xi32, #tpu.memory_space<vmem>>, vector<16xi32>,
        %swap3A_109 = vector.shape_cast %swap3A_108 : vector<16xi32> to vector<16xi32>
        %swap3A_110 = vector.shape_cast %select_n3A_106 : vector<16xi32> to vector<16xi32>
        tpu.vector_store %arg8[%swap3A_107], %swap3A_110 {strides = array<i32>} : memref<128xi32, #tpu.memory_space<vmem>>, vector<16xi32>,
        %get3A_111 = arith.constant 64 : index
        %get3A_112 = tpu.vector_load %arg7[%get3A_111] {strides = array<i32>} : memref<128xi32, #tpu.memory_space<vmem>>, vector<16xi32>,
        %get3A_113 = vector.shape_cast %get3A_112 : vector<16xi32> to vector<16xi32>
        %sub3A_114 = arith.constant 14080 : i32
        %sub3A_115 = vector.broadcast %sub3A_114 : i32 to vector<16xi32>
        %sub3A_116 = arith.subi %get3A_113, %sub3A_115 : vector<16xi32>
        %ge3A_117 = arith.constant 0 : i32
        %ge3A_118 = vector.broadcast %ge3A_117 : i32 to vector<16xi32>
        %ge3A_119 = arith.cmpi sge, %sub3A_116, %ge3A_118 : vector<16xi32>
        %lt3A_120 = arith.constant 14080 : i32
        %lt3A_121 = vector.broadcast %lt3A_120 : i32 to vector<16xi32>
        %lt3A_122 = arith.cmpi slt, %sub3A_116, %lt3A_121 : vector<16xi32>
        %and3A_123 = arith.andi %ge3A_119, %lt3A_122 : vector<16xi1>
        %jit3A_124 = arith.constant 14080 : i32
        %broadcast_in_dim3A_125 = vector.broadcast %jit3A_124 : i32 to vector<16xi32>
        %select_n3A_126 = arith.select %and3A_123, %sub3A_116, %broadcast_in_dim3A_125 : vector<16xi1>, vector<16xi32>
        %swap3A_127 = arith.constant 64 : index
        %swap3A_128 = tpu.vector_load %arg8[%swap3A_127] {strides = array<i32>} : memref<128xi32, #tpu.memory_space<vmem>>, vector<16xi32>,
        %swap3A_129 = vector.shape_cast %swap3A_128 : vector<16xi32> to vector<16xi32>
        %swap3A_130 = vector.shape_cast %select_n3A_126 : vector<16xi32> to vector<16xi32>
        tpu.vector_store %arg8[%swap3A_127], %swap3A_130 {strides = array<i32>} : memref<128xi32, #tpu.memory_space<vmem>>, vector<16xi32>,
        %get3A_131 = arith.constant 80 : index
        %get3A_132 = tpu.vector_load %arg7[%get3A_131] {strides = array<i32>} : memref<128xi32, #tpu.memory_space<vmem>>, vector<16xi32>,
        %get3A_133 = vector.shape_cast %get3A_132 : vector<16xi32> to vector<16xi32>
        %sub3A_134 = arith.constant 14080 : i32
        %sub3A_135 = vector.broadcast %sub3A_134 : i32 to vector<16xi32>
        %sub3A_136 = arith.subi %get3A_133, %sub3A_135 : vector<16xi32>
        %ge3A_137 = arith.constant 0 : i32
        %ge3A_138 = vector.broadcast %ge3A_137 : i32 to vector<16xi32>
        %ge3A_139 = arith.cmpi sge, %sub3A_136, %ge3A_138 : vector<16xi32>
        %lt3A_140 = arith.constant 14080 : i32
        %lt3A_141 = vector.broadcast %lt3A_140 : i32 to vector<16xi32>
        %lt3A_142 = arith.cmpi slt, %sub3A_136, %lt3A_141 : vector<16xi32>
        %and3A_143 = arith.andi %ge3A_139, %lt3A_142 : vector<16xi1>
        %jit3A_144 = arith.constant 14080 : i32
        %broadcast_in_dim3A_145 = vector.broadcast %jit3A_144 : i32 to vector<16xi32>
        %select_n3A_146 = arith.select %and3A_143, %sub3A_136, %broadcast_in_dim3A_145 : vector<16xi1>, vector<16xi32>
        %swap3A_147 = arith.constant 80 : index
        %swap3A_148 = tpu.vector_load %arg8[%swap3A_147] {strides = array<i32>} : memref<128xi32, #tpu.memory_space<vmem>>, vector<16xi32>,
        %swap3A_149 = vector.shape_cast %swap3A_148 : vector<16xi32> to vector<16xi32>
        %swap3A_150 = vector.shape_cast %select_n3A_146 : vector<16xi32> to vector<16xi32>
        tpu.vector_store %arg8[%swap3A_147], %swap3A_150 {strides = array<i32>} : memref<128xi32, #tpu.memory_space<vmem>>, vector<16xi32>,
        %get3A_151 = arith.constant 96 : index
        %get3A_152 = tpu.vector_load %arg7[%get3A_151] {strides = array<i32>} : memref<128xi32, #tpu.memory_space<vmem>>, vector<16xi32>,
        %get3A_153 = vector.shape_cast %get3A_152 : vector<16xi32> to vector<16xi32>
        %sub3A_154 = arith.constant 14080 : i32
        %sub3A_155 = vector.broadcast %sub3A_154 : i32 to vector<16xi32>
        %sub3A_156 = arith.subi %get3A_153, %sub3A_155 : vector<16xi32>
        %ge3A_157 = arith.constant 0 : i32
        %ge3A_158 = vector.broadcast %ge3A_157 : i32 to vector<16xi32>
        %ge3A_159 = arith.cmpi sge, %sub3A_156, %ge3A_158 : vector<16xi32>
        %lt3A_160 = arith.constant 14080 : i32
        %lt3A_161 = vector.broadcast %lt3A_160 : i32 to vector<16xi32>
        %lt3A_162 = arith.cmpi slt, %sub3A_156, %lt3A_161 : vector<16xi32>
        %and3A_163 = arith.andi %ge3A_159, %lt3A_162 : vector<16xi1>
        %jit3A_164 = arith.constant 14080 : i32
        %broadcast_in_dim3A_165 = vector.broadcast %jit3A_164 : i32 to vector<16xi32>
        %select_n3A_166 = arith.select %and3A_163, %sub3A_156, %broadcast_in_dim3A_165 : vector<16xi1>, vector<16xi32>
        %swap3A_167 = arith.constant 96 : index
        %swap3A_168 = tpu.vector_load %arg8[%swap3A_167] {strides = array<i32>} : memref<128xi32, #tpu.memory_space<vmem>>, vector<16xi32>,
        %swap3A_169 = vector.shape_cast %swap3A_168 : vector<16xi32> to vector<16xi32>
        %swap3A_170 = vector.shape_cast %select_n3A_166 : vector<16xi32> to vector<16xi32>
        tpu.vector_store %arg8[%swap3A_167], %swap3A_170 {strides = array<i32>} : memref<128xi32, #tpu.memory_space<vmem>>, vector<16xi32>,
        %get3A_171 = arith.constant 112 : index
        %get3A_172 = tpu.vector_load %arg7[%get3A_171] {strides = array<i32>} : memref<128xi32, #tpu.memory_space<vmem>>, vector<16xi32>,
        %get3A_173 = vector.shape_cast %get3A_172 : vector<16xi32> to vector<16xi32>
        %sub3A_174 = arith.constant 14080 : i32
        %sub3A_175 = vector.broadcast %sub3A_174 : i32 to vector<16xi32>
        %sub3A_176 = arith.subi %get3A_173, %sub3A_175 : vector<16xi32>
        %ge3A_177 = arith.constant 0 : i32
        %ge3A_178 = vector.broadcast %ge3A_177 : i32 to vector<16xi32>
        %ge3A_179 = arith.cmpi sge, %sub3A_176, %ge3A_178 : vector<16xi32>
        %lt3A_180 = arith.constant 14080 : i32
        %lt3A_181 = vector.broadcast %lt3A_180 : i32 to vector<16xi32>
        %lt3A_182 = arith.cmpi slt, %sub3A_176, %lt3A_181 : vector<16xi32>
        %and3A_183 = arith.andi %ge3A_179, %lt3A_182 : vector<16xi1>
        %jit3A_184 = arith.constant 14080 : i32
        %broadcast_in_dim3A_185 = vector.broadcast %jit3A_184 : i32 to vector<16xi32>
        %select_n3A_186 = arith.select %and3A_183, %sub3A_176, %broadcast_in_dim3A_185 : vector<16xi1>, vector<16xi32>
        %swap3A_187 = arith.constant 112 : index
        %swap3A_188 = tpu.vector_load %arg8[%swap3A_187] {strides = array<i32>} : memref<128xi32, #tpu.memory_space<vmem>>, vector<16xi32>,
        %swap3A_189 = vector.shape_cast %swap3A_188 : vector<16xi32> to vector<16xi32>
        %swap3A_190 = vector.shape_cast %select_n3A_186 : vector<16xi32> to vector<16xi32>
        tpu.vector_store %arg8[%swap3A_187], %swap3A_190 {strides = array<i32>} : memref<128xi32, #tpu.memory_space<vmem>>, vector<16xi32>,
        "tpu.region"() ({
          %run_scoped3A = tpu.sem_alloc : memref<!tpu.dma_semaphore, #tpu.memory_space<semaphore_mem>>
          %dma_start3A = arith.constant 0 : i32
          %dma_start3A_191 = arith.constant 0 : i32
          %dma_start3A_192 = tpu.memref_slice %arg6[%dma_start3A, %dma_start3A_191] : memref<14088x128xf32, #tpu.memory_space<vmem_shared>> -> memref<14088x128xf32, #tpu.memory_space<vmem_shared>>
          tpu.enqueue_indirect_dma source(%arg9 : memref<128x128xf32, #tpu.memory_space<vmem>>) target(%dma_start3A_192 : memref<14088x128xf32, #tpu.memory_space<vmem_shared>>) offsets(%arg8 : memref<128xi32, #tpu.memory_space<vmem>>) semaphore(%run_scoped3A : memref<!tpu.dma_semaphore, #tpu.memory_space<semaphore_mem>>) {add = true}
          %dma_wait3A = arith.constant 0 : i32
          %dma_wait3A_193 = arith.constant 0 : i32
          %dma_wait3A_194 = tpu.memref_slice %arg6[%dma_wait3A, %dma_wait3A_193] : memref<14088x128xf32, #tpu.memory_space<vmem_shared>> -> memref<14088x128xf32, #tpu.memory_space<vmem_shared>>
          tpu.wait_indirect_dma semaphore(%run_scoped3A : memref<!tpu.dma_semaphore, #tpu.memory_space<semaphore_mem>>) src(%arg9 : memref<128x128xf32, #tpu.memory_space<vmem>>) dst(%dma_wait3A_194 : memref<14088x128xf32, #tpu.memory_space<vmem_shared>>)
          tpu.yield
        }) : () -> ()
      }
      %scan3A_25 = arith.constant 392 : i32
      %barrier3A_26 = arith.constant 0 : index
      tpu.barrier barrier_id(%barrier3A_26)
      %mul3A_27 = arith.constant 880 : i32
      %mul3A_28 = arith.muli %arg1, %mul3A_27 : i32
      %mul3A_29 = arith.constant 880 : i32
      %mul3A_30 = arith.muli %arg1, %mul3A_29 : i32
      %add3A_31 = arith.constant 14080 : i32
      %add3A_32 = arith.addi %add3A_31, %mul3A_30 : i32
      "tpu.region"() ({
        %run_scoped3A = tpu.sem_alloc : memref<!tpu.dma_semaphore, #tpu.memory_space<semaphore_mem>>
        %dma_start3A = arith.constant 0 : i32
        %dma_start3A_34 = tpu.memref_slice %arg5[%add3A_32, %dma_start3A] : memref<50176x128xf32, #tpu.memory_space<hbm>> -> memref<880x128xf32, #tpu.memory_space<hbm>>
        %dma_start3A_35 = arith.constant 0 : i32
        %dma_start3A_36 = tpu.memref_slice %arg6[%mul3A_28, %dma_start3A_35] : memref<14088x128xf32, #tpu.memory_space<vmem_shared>> -> memref<880x128xf32, #tpu.memory_space<vmem_shared>>
        tpu.enqueue_dma source(%dma_start3A_36 : memref<880x128xf32, #tpu.memory_space<vmem_shared>>) target(%dma_start3A_34 : memref<880x128xf32, #tpu.memory_space<hbm>>) target_semaphore(%run_scoped3A : memref<!tpu.dma_semaphore, #tpu.memory_space<semaphore_mem>>)
        %dma_wait3A = arith.constant 0 : i32
        %dma_wait3A_37 = tpu.memref_slice %arg5[%add3A_32, %dma_wait3A] : memref<50176x128xf32, #tpu.memory_space<hbm>> -> memref<880x128xf32, #tpu.memory_space<hbm>>
        %dma_wait3A_38 = arith.constant 0 : i32
        %dma_wait3A_39 = tpu.memref_slice %arg6[%mul3A_28, %dma_wait3A_38] : memref<14088x128xf32, #tpu.memory_space<vmem_shared>> -> memref<880x128xf32, #tpu.memory_space<vmem_shared>>
        tpu.wait_dma2 semaphore(%run_scoped3A : memref<!tpu.dma_semaphore, #tpu.memory_space<semaphore_mem>>) src(%dma_wait3A_39 : memref<880x128xf32, #tpu.memory_space<vmem_shared>>) dst(%dma_wait3A_37 : memref<880x128xf32, #tpu.memory_space<hbm>>)
        tpu.yield
      }) : () -> ()
      %barrier3A_33 = arith.constant 0 : index
      tpu.barrier barrier_id(%barrier3A_33)
    } else {
    }
    %eq3A_7 = arith.constant 0 : i32
    %eq3A_8 = arith.cmpi eq, %arg0, %eq3A_7 : i32
    %convert_element_type3A_9 = arith.extui %eq3A_8 : i1 to i32
    %cond3A_10 = arith.constant 0 : i32
    %cond3A_11 = arith.cmpi ne, %convert_element_type3A_9, %cond3A_10 : i32
    scf.if %cond3A_11 {
      %mul3A = arith.constant 880 : i32
      %mul3A_17 = arith.muli %arg1, %mul3A : i32
      %add3A = arith.constant 28160 : i32
      %add3A_18 = arith.addi %add3A, %mul3A_17 : i32
      %mul3A_19 = arith.constant 880 : i32
      %mul3A_20 = arith.muli %arg1, %mul3A_19 : i32
      "tpu.region"() ({
        %run_scoped3A = tpu.sem_alloc : memref<!tpu.dma_semaphore, #tpu.memory_space<semaphore_mem>>
        %dma_start3A = arith.constant 0 : i32
        %dma_start3A_34 = tpu.memref_slice %arg6[%mul3A_20, %dma_start3A] : memref<14088x128xf32, #tpu.memory_space<vmem_shared>> -> memref<880x128xf32, #tpu.memory_space<vmem_shared>>
        %dma_start3A_35 = arith.constant 0 : i32
        %dma_start3A_36 = tpu.memref_slice %arg4[%add3A_18, %dma_start3A_35] : memref<50176x128xf32, #tpu.memory_space<hbm>> -> memref<880x128xf32, #tpu.memory_space<hbm>>
        tpu.enqueue_dma source(%dma_start3A_36 : memref<880x128xf32, #tpu.memory_space<hbm>>) target(%dma_start3A_34 : memref<880x128xf32, #tpu.memory_space<vmem_shared>>) target_semaphore(%run_scoped3A : memref<!tpu.dma_semaphore, #tpu.memory_space<semaphore_mem>>)
        %dma_wait3A = arith.constant 0 : i32
        %dma_wait3A_37 = tpu.memref_slice %arg6[%mul3A_20, %dma_wait3A] : memref<14088x128xf32, #tpu.memory_space<vmem_shared>> -> memref<880x128xf32, #tpu.memory_space<vmem_shared>>
        %dma_wait3A_38 = arith.constant 0 : i32
        %dma_wait3A_39 = tpu.memref_slice %arg4[%add3A_18, %dma_wait3A_38] : memref<50176x128xf32, #tpu.memory_space<hbm>> -> memref<880x128xf32, #tpu.memory_space<hbm>>
        tpu.wait_dma2 semaphore(%run_scoped3A : memref<!tpu.dma_semaphore, #tpu.memory_space<semaphore_mem>>) src(%dma_wait3A_39 : memref<880x128xf32, #tpu.memory_space<hbm>>) dst(%dma_wait3A_37 : memref<880x128xf32, #tpu.memory_space<vmem_shared>>)
        tpu.yield
      }) : () -> ()
      %barrier3A = arith.constant 0 : index
      tpu.barrier barrier_id(%barrier3A)
      %scan3A = arith.constant 0 : i32
      %scan3A_21 = arith.constant 0 : i32
      %scan3A_22 = arith.constant 392 : i32
      %scan3A_23 = arith.addi %scan3A_21, %scan3A_22 : i32
      %scan3A_24 = arith.constant 1 : i32
      scf.for %scan3A_34 = %scan3A_21 to %scan3A_23 step %scan3A_24  : i32 {
        %mul3A_35 = arith.constant 50176 : i32
        %mul3A_36 = arith.muli %arg1, %mul3A_35 : i32
        %mul3A_37 = arith.constant 128 : i32
        %mul3A_38 = arith.muli %scan3A_34, %mul3A_37 : i32
        %add3A_39 = arith.addi %mul3A_36, %mul3A_38 : i32
        %multiple_of3A = tpu.assume_multiple %add3A_39, 128 : i32
        "tpu.region"() ({
          %run_scoped3A = tpu.sem_alloc : memref<!tpu.dma_semaphore, #tpu.memory_space<semaphore_mem>>
          %dma_start3A = tpu.memref_slice %arg3[%multiple_of3A] : memref<802816xi32, #tpu.memory_space<hbm>> -> memref<128xi32, #tpu.memory_space<hbm>>
          %dma_start3A_191 = tpu.memref_slice %arg3[%multiple_of3A] : memref<802816xi32, #tpu.memory_space<hbm>> -> memref<128xi32, #tpu.memory_space<hbm>>
          tpu.enqueue_dma source(%dma_start3A_191 : memref<128xi32, #tpu.memory_space<hbm>>) target(%arg7 : memref<128xi32, #tpu.memory_space<vmem>>) target_semaphore(%run_scoped3A : memref<!tpu.dma_semaphore, #tpu.memory_space<semaphore_mem>>)
          %dma_wait3A = tpu.memref_slice %arg3[%multiple_of3A] : memref<802816xi32, #tpu.memory_space<hbm>> -> memref<128xi32, #tpu.memory_space<hbm>>
          %dma_wait3A_192 = tpu.memref_slice %arg3[%multiple_of3A] : memref<802816xi32, #tpu.memory_space<hbm>> -> memref<128xi32, #tpu.memory_space<hbm>>
          tpu.wait_dma2 semaphore(%run_scoped3A : memref<!tpu.dma_semaphore, #tpu.memory_space<semaphore_mem>>) src(%dma_wait3A_192 : memref<128xi32, #tpu.memory_space<hbm>>) dst(%arg7 : memref<128xi32, #tpu.memory_space<vmem>>)
          tpu.yield
        }) : () -> ()
        "tpu.region"() ({
          %run_scoped3A = tpu.sem_alloc : memref<!tpu.dma_semaphore, #tpu.memory_space<semaphore_mem>>
          %dma_start3A = arith.constant 0 : i32
          %dma_start3A_191 = tpu.memref_slice %arg2[%multiple_of3A, %dma_start3A] : memref<802816x128xf32, #tpu.memory_space<hbm>> -> memref<128x128xf32, #tpu.memory_space<hbm>>
          %dma_start3A_192 = arith.constant 0 : i32
          %dma_start3A_193 = tpu.memref_slice %arg2[%multiple_of3A, %dma_start3A_192] : memref<802816x128xf32, #tpu.memory_space<hbm>> -> memref<128x128xf32, #tpu.memory_space<hbm>>
          tpu.enqueue_dma source(%dma_start3A_193 : memref<128x128xf32, #tpu.memory_space<hbm>>) target(%arg9 : memref<128x128xf32, #tpu.memory_space<vmem>>) target_semaphore(%run_scoped3A : memref<!tpu.dma_semaphore, #tpu.memory_space<semaphore_mem>>)
          %dma_wait3A = arith.constant 0 : i32
          %dma_wait3A_194 = tpu.memref_slice %arg2[%multiple_of3A, %dma_wait3A] : memref<802816x128xf32, #tpu.memory_space<hbm>> -> memref<128x128xf32, #tpu.memory_space<hbm>>
          %dma_wait3A_195 = arith.constant 0 : i32
          %dma_wait3A_196 = tpu.memref_slice %arg2[%multiple_of3A, %dma_wait3A_195] : memref<802816x128xf32, #tpu.memory_space<hbm>> -> memref<128x128xf32, #tpu.memory_space<hbm>>
          tpu.wait_dma2 semaphore(%run_scoped3A : memref<!tpu.dma_semaphore, #tpu.memory_space<semaphore_mem>>) src(%dma_wait3A_196 : memref<128x128xf32, #tpu.memory_space<hbm>>) dst(%arg9 : memref<128x128xf32, #tpu.memory_space<vmem>>)
          tpu.yield
        }) : () -> ()
        %get3A = arith.constant 0 : index
        %get3A_40 = tpu.vector_load %arg7[%get3A] {strides = array<i32>} : memref<128xi32, #tpu.memory_space<vmem>>, vector<16xi32>,
        %get3A_41 = vector.shape_cast %get3A_40 : vector<16xi32> to vector<16xi32>
        %sub3A = arith.constant 28160 : i32
        %sub3A_42 = vector.broadcast %sub3A : i32 to vector<16xi32>
        %sub3A_43 = arith.subi %get3A_41, %sub3A_42 : vector<16xi32>
        %ge3A = arith.constant 0 : i32
        %ge3A_44 = vector.broadcast %ge3A : i32 to vector<16xi32>
        %ge3A_45 = arith.cmpi sge, %sub3A_43, %ge3A_44 : vector<16xi32>
        %lt3A = arith.constant 14080 : i32
        %lt3A_46 = vector.broadcast %lt3A : i32 to vector<16xi32>
        %lt3A_47 = arith.cmpi slt, %sub3A_43, %lt3A_46 : vector<16xi32>
        %and3A = arith.andi %ge3A_45, %lt3A_47 : vector<16xi1>
        %jit3A = arith.constant 14080 : i32
        %broadcast_in_dim3A = vector.broadcast %jit3A : i32 to vector<16xi32>
        %select_n3A = arith.select %and3A, %sub3A_43, %broadcast_in_dim3A : vector<16xi1>, vector<16xi32>
        %swap3A = arith.constant 0 : index
        %swap3A_48 = tpu.vector_load %arg8[%swap3A] {strides = array<i32>} : memref<128xi32, #tpu.memory_space<vmem>>, vector<16xi32>,
        %swap3A_49 = vector.shape_cast %swap3A_48 : vector<16xi32> to vector<16xi32>
        %swap3A_50 = vector.shape_cast %select_n3A : vector<16xi32> to vector<16xi32>
        tpu.vector_store %arg8[%swap3A], %swap3A_50 {strides = array<i32>} : memref<128xi32, #tpu.memory_space<vmem>>, vector<16xi32>,
        %get3A_51 = arith.constant 16 : index
        %get3A_52 = tpu.vector_load %arg7[%get3A_51] {strides = array<i32>} : memref<128xi32, #tpu.memory_space<vmem>>, vector<16xi32>,
        %get3A_53 = vector.shape_cast %get3A_52 : vector<16xi32> to vector<16xi32>
        %sub3A_54 = arith.constant 28160 : i32
        %sub3A_55 = vector.broadcast %sub3A_54 : i32 to vector<16xi32>
        %sub3A_56 = arith.subi %get3A_53, %sub3A_55 : vector<16xi32>
        %ge3A_57 = arith.constant 0 : i32
        %ge3A_58 = vector.broadcast %ge3A_57 : i32 to vector<16xi32>
        %ge3A_59 = arith.cmpi sge, %sub3A_56, %ge3A_58 : vector<16xi32>
        %lt3A_60 = arith.constant 14080 : i32
        %lt3A_61 = vector.broadcast %lt3A_60 : i32 to vector<16xi32>
        %lt3A_62 = arith.cmpi slt, %sub3A_56, %lt3A_61 : vector<16xi32>
        %and3A_63 = arith.andi %ge3A_59, %lt3A_62 : vector<16xi1>
        %jit3A_64 = arith.constant 14080 : i32
        %broadcast_in_dim3A_65 = vector.broadcast %jit3A_64 : i32 to vector<16xi32>
        %select_n3A_66 = arith.select %and3A_63, %sub3A_56, %broadcast_in_dim3A_65 : vector<16xi1>, vector<16xi32>
        %swap3A_67 = arith.constant 16 : index
        %swap3A_68 = tpu.vector_load %arg8[%swap3A_67] {strides = array<i32>} : memref<128xi32, #tpu.memory_space<vmem>>, vector<16xi32>,
        %swap3A_69 = vector.shape_cast %swap3A_68 : vector<16xi32> to vector<16xi32>
        %swap3A_70 = vector.shape_cast %select_n3A_66 : vector<16xi32> to vector<16xi32>
        tpu.vector_store %arg8[%swap3A_67], %swap3A_70 {strides = array<i32>} : memref<128xi32, #tpu.memory_space<vmem>>, vector<16xi32>,
        %get3A_71 = arith.constant 32 : index
        %get3A_72 = tpu.vector_load %arg7[%get3A_71] {strides = array<i32>} : memref<128xi32, #tpu.memory_space<vmem>>, vector<16xi32>,
        %get3A_73 = vector.shape_cast %get3A_72 : vector<16xi32> to vector<16xi32>
        %sub3A_74 = arith.constant 28160 : i32
        %sub3A_75 = vector.broadcast %sub3A_74 : i32 to vector<16xi32>
        %sub3A_76 = arith.subi %get3A_73, %sub3A_75 : vector<16xi32>
        %ge3A_77 = arith.constant 0 : i32
        %ge3A_78 = vector.broadcast %ge3A_77 : i32 to vector<16xi32>
        %ge3A_79 = arith.cmpi sge, %sub3A_76, %ge3A_78 : vector<16xi32>
        %lt3A_80 = arith.constant 14080 : i32
        %lt3A_81 = vector.broadcast %lt3A_80 : i32 to vector<16xi32>
        %lt3A_82 = arith.cmpi slt, %sub3A_76, %lt3A_81 : vector<16xi32>
        %and3A_83 = arith.andi %ge3A_79, %lt3A_82 : vector<16xi1>
        %jit3A_84 = arith.constant 14080 : i32
        %broadcast_in_dim3A_85 = vector.broadcast %jit3A_84 : i32 to vector<16xi32>
        %select_n3A_86 = arith.select %and3A_83, %sub3A_76, %broadcast_in_dim3A_85 : vector<16xi1>, vector<16xi32>
        %swap3A_87 = arith.constant 32 : index
        %swap3A_88 = tpu.vector_load %arg8[%swap3A_87] {strides = array<i32>} : memref<128xi32, #tpu.memory_space<vmem>>, vector<16xi32>,
        %swap3A_89 = vector.shape_cast %swap3A_88 : vector<16xi32> to vector<16xi32>
        %swap3A_90 = vector.shape_cast %select_n3A_86 : vector<16xi32> to vector<16xi32>
        tpu.vector_store %arg8[%swap3A_87], %swap3A_90 {strides = array<i32>} : memref<128xi32, #tpu.memory_space<vmem>>, vector<16xi32>,
        %get3A_91 = arith.constant 48 : index
        %get3A_92 = tpu.vector_load %arg7[%get3A_91] {strides = array<i32>} : memref<128xi32, #tpu.memory_space<vmem>>, vector<16xi32>,
        %get3A_93 = vector.shape_cast %get3A_92 : vector<16xi32> to vector<16xi32>
        %sub3A_94 = arith.constant 28160 : i32
        %sub3A_95 = vector.broadcast %sub3A_94 : i32 to vector<16xi32>
        %sub3A_96 = arith.subi %get3A_93, %sub3A_95 : vector<16xi32>
        %ge3A_97 = arith.constant 0 : i32
        %ge3A_98 = vector.broadcast %ge3A_97 : i32 to vector<16xi32>
        %ge3A_99 = arith.cmpi sge, %sub3A_96, %ge3A_98 : vector<16xi32>
        %lt3A_100 = arith.constant 14080 : i32
        %lt3A_101 = vector.broadcast %lt3A_100 : i32 to vector<16xi32>
        %lt3A_102 = arith.cmpi slt, %sub3A_96, %lt3A_101 : vector<16xi32>
        %and3A_103 = arith.andi %ge3A_99, %lt3A_102 : vector<16xi1>
        %jit3A_104 = arith.constant 14080 : i32
        %broadcast_in_dim3A_105 = vector.broadcast %jit3A_104 : i32 to vector<16xi32>
        %select_n3A_106 = arith.select %and3A_103, %sub3A_96, %broadcast_in_dim3A_105 : vector<16xi1>, vector<16xi32>
        %swap3A_107 = arith.constant 48 : index
        %swap3A_108 = tpu.vector_load %arg8[%swap3A_107] {strides = array<i32>} : memref<128xi32, #tpu.memory_space<vmem>>, vector<16xi32>,
        %swap3A_109 = vector.shape_cast %swap3A_108 : vector<16xi32> to vector<16xi32>
        %swap3A_110 = vector.shape_cast %select_n3A_106 : vector<16xi32> to vector<16xi32>
        tpu.vector_store %arg8[%swap3A_107], %swap3A_110 {strides = array<i32>} : memref<128xi32, #tpu.memory_space<vmem>>, vector<16xi32>,
        %get3A_111 = arith.constant 64 : index
        %get3A_112 = tpu.vector_load %arg7[%get3A_111] {strides = array<i32>} : memref<128xi32, #tpu.memory_space<vmem>>, vector<16xi32>,
        %get3A_113 = vector.shape_cast %get3A_112 : vector<16xi32> to vector<16xi32>
        %sub3A_114 = arith.constant 28160 : i32
        %sub3A_115 = vector.broadcast %sub3A_114 : i32 to vector<16xi32>
        %sub3A_116 = arith.subi %get3A_113, %sub3A_115 : vector<16xi32>
        %ge3A_117 = arith.constant 0 : i32
        %ge3A_118 = vector.broadcast %ge3A_117 : i32 to vector<16xi32>
        %ge3A_119 = arith.cmpi sge, %sub3A_116, %ge3A_118 : vector<16xi32>
        %lt3A_120 = arith.constant 14080 : i32
        %lt3A_121 = vector.broadcast %lt3A_120 : i32 to vector<16xi32>
        %lt3A_122 = arith.cmpi slt, %sub3A_116, %lt3A_121 : vector<16xi32>
        %and3A_123 = arith.andi %ge3A_119, %lt3A_122 : vector<16xi1>
        %jit3A_124 = arith.constant 14080 : i32
        %broadcast_in_dim3A_125 = vector.broadcast %jit3A_124 : i32 to vector<16xi32>
        %select_n3A_126 = arith.select %and3A_123, %sub3A_116, %broadcast_in_dim3A_125 : vector<16xi1>, vector<16xi32>
        %swap3A_127 = arith.constant 64 : index
        %swap3A_128 = tpu.vector_load %arg8[%swap3A_127] {strides = array<i32>} : memref<128xi32, #tpu.memory_space<vmem>>, vector<16xi32>,
        %swap3A_129 = vector.shape_cast %swap3A_128 : vector<16xi32> to vector<16xi32>
        %swap3A_130 = vector.shape_cast %select_n3A_126 : vector<16xi32> to vector<16xi32>
        tpu.vector_store %arg8[%swap3A_127], %swap3A_130 {strides = array<i32>} : memref<128xi32, #tpu.memory_space<vmem>>, vector<16xi32>,
        %get3A_131 = arith.constant 80 : index
        %get3A_132 = tpu.vector_load %arg7[%get3A_131] {strides = array<i32>} : memref<128xi32, #tpu.memory_space<vmem>>, vector<16xi32>,
        %get3A_133 = vector.shape_cast %get3A_132 : vector<16xi32> to vector<16xi32>
        %sub3A_134 = arith.constant 28160 : i32
        %sub3A_135 = vector.broadcast %sub3A_134 : i32 to vector<16xi32>
        %sub3A_136 = arith.subi %get3A_133, %sub3A_135 : vector<16xi32>
        %ge3A_137 = arith.constant 0 : i32
        %ge3A_138 = vector.broadcast %ge3A_137 : i32 to vector<16xi32>
        %ge3A_139 = arith.cmpi sge, %sub3A_136, %ge3A_138 : vector<16xi32>
        %lt3A_140 = arith.constant 14080 : i32
        %lt3A_141 = vector.broadcast %lt3A_140 : i32 to vector<16xi32>
        %lt3A_142 = arith.cmpi slt, %sub3A_136, %lt3A_141 : vector<16xi32>
        %and3A_143 = arith.andi %ge3A_139, %lt3A_142 : vector<16xi1>
        %jit3A_144 = arith.constant 14080 : i32
        %broadcast_in_dim3A_145 = vector.broadcast %jit3A_144 : i32 to vector<16xi32>
        %select_n3A_146 = arith.select %and3A_143, %sub3A_136, %broadcast_in_dim3A_145 : vector<16xi1>, vector<16xi32>
        %swap3A_147 = arith.constant 80 : index
        %swap3A_148 = tpu.vector_load %arg8[%swap3A_147] {strides = array<i32>} : memref<128xi32, #tpu.memory_space<vmem>>, vector<16xi32>,
        %swap3A_149 = vector.shape_cast %swap3A_148 : vector<16xi32> to vector<16xi32>
        %swap3A_150 = vector.shape_cast %select_n3A_146 : vector<16xi32> to vector<16xi32>
        tpu.vector_store %arg8[%swap3A_147], %swap3A_150 {strides = array<i32>} : memref<128xi32, #tpu.memory_space<vmem>>, vector<16xi32>,
        %get3A_151 = arith.constant 96 : index
        %get3A_152 = tpu.vector_load %arg7[%get3A_151] {strides = array<i32>} : memref<128xi32, #tpu.memory_space<vmem>>, vector<16xi32>,
        %get3A_153 = vector.shape_cast %get3A_152 : vector<16xi32> to vector<16xi32>
        %sub3A_154 = arith.constant 28160 : i32
        %sub3A_155 = vector.broadcast %sub3A_154 : i32 to vector<16xi32>
        %sub3A_156 = arith.subi %get3A_153, %sub3A_155 : vector<16xi32>
        %ge3A_157 = arith.constant 0 : i32
        %ge3A_158 = vector.broadcast %ge3A_157 : i32 to vector<16xi32>
        %ge3A_159 = arith.cmpi sge, %sub3A_156, %ge3A_158 : vector<16xi32>
        %lt3A_160 = arith.constant 14080 : i32
        %lt3A_161 = vector.broadcast %lt3A_160 : i32 to vector<16xi32>
        %lt3A_162 = arith.cmpi slt, %sub3A_156, %lt3A_161 : vector<16xi32>
        %and3A_163 = arith.andi %ge3A_159, %lt3A_162 : vector<16xi1>
        %jit3A_164 = arith.constant 14080 : i32
        %broadcast_in_dim3A_165 = vector.broadcast %jit3A_164 : i32 to vector<16xi32>
        %select_n3A_166 = arith.select %and3A_163, %sub3A_156, %broadcast_in_dim3A_165 : vector<16xi1>, vector<16xi32>
        %swap3A_167 = arith.constant 96 : index
        %swap3A_168 = tpu.vector_load %arg8[%swap3A_167] {strides = array<i32>} : memref<128xi32, #tpu.memory_space<vmem>>, vector<16xi32>,
        %swap3A_169 = vector.shape_cast %swap3A_168 : vector<16xi32> to vector<16xi32>
        %swap3A_170 = vector.shape_cast %select_n3A_166 : vector<16xi32> to vector<16xi32>
        tpu.vector_store %arg8[%swap3A_167], %swap3A_170 {strides = array<i32>} : memref<128xi32, #tpu.memory_space<vmem>>, vector<16xi32>,
        %get3A_171 = arith.constant 112 : index
        %get3A_172 = tpu.vector_load %arg7[%get3A_171] {strides = array<i32>} : memref<128xi32, #tpu.memory_space<vmem>>, vector<16xi32>,
        %get3A_173 = vector.shape_cast %get3A_172 : vector<16xi32> to vector<16xi32>
        %sub3A_174 = arith.constant 28160 : i32
        %sub3A_175 = vector.broadcast %sub3A_174 : i32 to vector<16xi32>
        %sub3A_176 = arith.subi %get3A_173, %sub3A_175 : vector<16xi32>
        %ge3A_177 = arith.constant 0 : i32
        %ge3A_178 = vector.broadcast %ge3A_177 : i32 to vector<16xi32>
        %ge3A_179 = arith.cmpi sge, %sub3A_176, %ge3A_178 : vector<16xi32>
        %lt3A_180 = arith.constant 14080 : i32
        %lt3A_181 = vector.broadcast %lt3A_180 : i32 to vector<16xi32>
        %lt3A_182 = arith.cmpi slt, %sub3A_176, %lt3A_181 : vector<16xi32>
        %and3A_183 = arith.andi %ge3A_179, %lt3A_182 : vector<16xi1>
        %jit3A_184 = arith.constant 14080 : i32
        %broadcast_in_dim3A_185 = vector.broadcast %jit3A_184 : i32 to vector<16xi32>
        %select_n3A_186 = arith.select %and3A_183, %sub3A_176, %broadcast_in_dim3A_185 : vector<16xi1>, vector<16xi32>
        %swap3A_187 = arith.constant 112 : index
        %swap3A_188 = tpu.vector_load %arg8[%swap3A_187] {strides = array<i32>} : memref<128xi32, #tpu.memory_space<vmem>>, vector<16xi32>,
        %swap3A_189 = vector.shape_cast %swap3A_188 : vector<16xi32> to vector<16xi32>
        %swap3A_190 = vector.shape_cast %select_n3A_186 : vector<16xi32> to vector<16xi32>
        tpu.vector_store %arg8[%swap3A_187], %swap3A_190 {strides = array<i32>} : memref<128xi32, #tpu.memory_space<vmem>>, vector<16xi32>,
        "tpu.region"() ({
          %run_scoped3A = tpu.sem_alloc : memref<!tpu.dma_semaphore, #tpu.memory_space<semaphore_mem>>
          %dma_start3A = arith.constant 0 : i32
          %dma_start3A_191 = arith.constant 0 : i32
          %dma_start3A_192 = tpu.memref_slice %arg6[%dma_start3A, %dma_start3A_191] : memref<14088x128xf32, #tpu.memory_space<vmem_shared>> -> memref<14088x128xf32, #tpu.memory_space<vmem_shared>>
          tpu.enqueue_indirect_dma source(%arg9 : memref<128x128xf32, #tpu.memory_space<vmem>>) target(%dma_start3A_192 : memref<14088x128xf32, #tpu.memory_space<vmem_shared>>) offsets(%arg8 : memref<128xi32, #tpu.memory_space<vmem>>) semaphore(%run_scoped3A : memref<!tpu.dma_semaphore, #tpu.memory_space<semaphore_mem>>) {add = true}
          %dma_wait3A = arith.constant 0 : i32
          %dma_wait3A_193 = arith.constant 0 : i32
          %dma_wait3A_194 = tpu.memref_slice %arg6[%dma_wait3A, %dma_wait3A_193] : memref<14088x128xf32, #tpu.memory_space<vmem_shared>> -> memref<14088x128xf32, #tpu.memory_space<vmem_shared>>
          tpu.wait_indirect_dma semaphore(%run_scoped3A : memref<!tpu.dma_semaphore, #tpu.memory_space<semaphore_mem>>) src(%arg9 : memref<128x128xf32, #tpu.memory_space<vmem>>) dst(%dma_wait3A_194 : memref<14088x128xf32, #tpu.memory_space<vmem_shared>>)
          tpu.yield
        }) : () -> ()
      }
      %scan3A_25 = arith.constant 392 : i32
      %barrier3A_26 = arith.constant 0 : index
      tpu.barrier barrier_id(%barrier3A_26)
      %mul3A_27 = arith.constant 880 : i32
      %mul3A_28 = arith.muli %arg1, %mul3A_27 : i32
      %mul3A_29 = arith.constant 880 : i32
      %mul3A_30 = arith.muli %arg1, %mul3A_29 : i32
      %add3A_31 = arith.constant 28160 : i32
      %add3A_32 = arith.addi %add3A_31, %mul3A_30 : i32
      "tpu.region"() ({
        %run_scoped3A = tpu.sem_alloc : memref<!tpu.dma_semaphore, #tpu.memory_space<semaphore_mem>>
        %dma_start3A = arith.constant 0 : i32
        %dma_start3A_34 = tpu.memref_slice %arg5[%add3A_32, %dma_start3A] : memref<50176x128xf32, #tpu.memory_space<hbm>> -> memref<880x128xf32, #tpu.memory_space<hbm>>
        %dma_start3A_35 = arith.constant 0 : i32
        %dma_start3A_36 = tpu.memref_slice %arg6[%mul3A_28, %dma_start3A_35] : memref<14088x128xf32, #tpu.memory_space<vmem_shared>> -> memref<880x128xf32, #tpu.memory_space<vmem_shared>>
        tpu.enqueue_dma source(%dma_start3A_36 : memref<880x128xf32, #tpu.memory_space<vmem_shared>>) target(%dma_start3A_34 : memref<880x128xf32, #tpu.memory_space<hbm>>) target_semaphore(%run_scoped3A : memref<!tpu.dma_semaphore, #tpu.memory_space<semaphore_mem>>)
        %dma_wait3A = arith.constant 0 : i32
        %dma_wait3A_37 = tpu.memref_slice %arg5[%add3A_32, %dma_wait3A] : memref<50176x128xf32, #tpu.memory_space<hbm>> -> memref<880x128xf32, #tpu.memory_space<hbm>>
        %dma_wait3A_38 = arith.constant 0 : i32
        %dma_wait3A_39 = tpu.memref_slice %arg6[%mul3A_28, %dma_wait3A_38] : memref<14088x128xf32, #tpu.memory_space<vmem_shared>> -> memref<880x128xf32, #tpu.memory_space<vmem_shared>>
        tpu.wait_dma2 semaphore(%run_scoped3A : memref<!tpu.dma_semaphore, #tpu.memory_space<semaphore_mem>>) src(%dma_wait3A_39 : memref<880x128xf32, #tpu.memory_space<vmem_shared>>) dst(%dma_wait3A_37 : memref<880x128xf32, #tpu.memory_space<hbm>>)
        tpu.yield
      }) : () -> ()
      %barrier3A_33 = arith.constant 0 : index
      tpu.barrier barrier_id(%barrier3A_33)
    } else {
    }
    %eq3A_12 = arith.constant 1 : i32
    %eq3A_13 = arith.cmpi eq, %arg0, %eq3A_12 : i32
    %convert_element_type3A_14 = arith.extui %eq3A_13 : i1 to i32
    %cond3A_15 = arith.constant 0 : i32
    %cond3A_16 = arith.cmpi ne, %convert_element_type3A_14, %cond3A_15 : i32
    scf.if %cond3A_16 {
      %mul3A = arith.constant 496 : i32
      %mul3A_17 = arith.muli %arg1, %mul3A : i32
      %add3A = arith.constant 42240 : i32
      %add3A_18 = arith.addi %add3A, %mul3A_17 : i32
      %mul3A_19 = arith.constant 496 : i32
      %mul3A_20 = arith.muli %arg1, %mul3A_19 : i32
      "tpu.region"() ({
        %run_scoped3A = tpu.sem_alloc : memref<!tpu.dma_semaphore, #tpu.memory_space<semaphore_mem>>
        %dma_start3A = arith.constant 0 : i32
        %dma_start3A_34 = tpu.memref_slice %arg6[%mul3A_20, %dma_start3A] : memref<14088x128xf32, #tpu.memory_space<vmem_shared>> -> memref<496x128xf32, #tpu.memory_space<vmem_shared>>
        %dma_start3A_35 = arith.constant 0 : i32
        %dma_start3A_36 = tpu.memref_slice %arg4[%add3A_18, %dma_start3A_35] : memref<50176x128xf32, #tpu.memory_space<hbm>> -> memref<496x128xf32, #tpu.memory_space<hbm>>
        tpu.enqueue_dma source(%dma_start3A_36 : memref<496x128xf32, #tpu.memory_space<hbm>>) target(%dma_start3A_34 : memref<496x128xf32, #tpu.memory_space<vmem_shared>>) target_semaphore(%run_scoped3A : memref<!tpu.dma_semaphore, #tpu.memory_space<semaphore_mem>>)
        %dma_wait3A = arith.constant 0 : i32
        %dma_wait3A_37 = tpu.memref_slice %arg6[%mul3A_20, %dma_wait3A] : memref<14088x128xf32, #tpu.memory_space<vmem_shared>> -> memref<496x128xf32, #tpu.memory_space<vmem_shared>>
        %dma_wait3A_38 = arith.constant 0 : i32
        %dma_wait3A_39 = tpu.memref_slice %arg4[%add3A_18, %dma_wait3A_38] : memref<50176x128xf32, #tpu.memory_space<hbm>> -> memref<496x128xf32, #tpu.memory_space<hbm>>
        tpu.wait_dma2 semaphore(%run_scoped3A : memref<!tpu.dma_semaphore, #tpu.memory_space<semaphore_mem>>) src(%dma_wait3A_39 : memref<496x128xf32, #tpu.memory_space<hbm>>) dst(%dma_wait3A_37 : memref<496x128xf32, #tpu.memory_space<vmem_shared>>)
        tpu.yield
      }) : () -> ()
      %barrier3A = arith.constant 0 : index
      tpu.barrier barrier_id(%barrier3A)
      %scan3A = arith.constant 0 : i32
      %scan3A_21 = arith.constant 0 : i32
      %scan3A_22 = arith.constant 392 : i32
      %scan3A_23 = arith.addi %scan3A_21, %scan3A_22 : i32
      %scan3A_24 = arith.constant 1 : i32
      scf.for %scan3A_34 = %scan3A_21 to %scan3A_23 step %scan3A_24  : i32 {
        %mul3A_35 = arith.constant 50176 : i32
        %mul3A_36 = arith.muli %arg1, %mul3A_35 : i32
        %mul3A_37 = arith.constant 128 : i32
        %mul3A_38 = arith.muli %scan3A_34, %mul3A_37 : i32
        %add3A_39 = arith.addi %mul3A_36, %mul3A_38 : i32
        %multiple_of3A = tpu.assume_multiple %add3A_39, 128 : i32
        "tpu.region"() ({
          %run_scoped3A = tpu.sem_alloc : memref<!tpu.dma_semaphore, #tpu.memory_space<semaphore_mem>>
          %dma_start3A = tpu.memref_slice %arg3[%multiple_of3A] : memref<802816xi32, #tpu.memory_space<hbm>> -> memref<128xi32, #tpu.memory_space<hbm>>
          %dma_start3A_191 = tpu.memref_slice %arg3[%multiple_of3A] : memref<802816xi32, #tpu.memory_space<hbm>> -> memref<128xi32, #tpu.memory_space<hbm>>
          tpu.enqueue_dma source(%dma_start3A_191 : memref<128xi32, #tpu.memory_space<hbm>>) target(%arg7 : memref<128xi32, #tpu.memory_space<vmem>>) target_semaphore(%run_scoped3A : memref<!tpu.dma_semaphore, #tpu.memory_space<semaphore_mem>>)
          %dma_wait3A = tpu.memref_slice %arg3[%multiple_of3A] : memref<802816xi32, #tpu.memory_space<hbm>> -> memref<128xi32, #tpu.memory_space<hbm>>
          %dma_wait3A_192 = tpu.memref_slice %arg3[%multiple_of3A] : memref<802816xi32, #tpu.memory_space<hbm>> -> memref<128xi32, #tpu.memory_space<hbm>>
          tpu.wait_dma2 semaphore(%run_scoped3A : memref<!tpu.dma_semaphore, #tpu.memory_space<semaphore_mem>>) src(%dma_wait3A_192 : memref<128xi32, #tpu.memory_space<hbm>>) dst(%arg7 : memref<128xi32, #tpu.memory_space<vmem>>)
          tpu.yield
        }) : () -> ()
        "tpu.region"() ({
          %run_scoped3A = tpu.sem_alloc : memref<!tpu.dma_semaphore, #tpu.memory_space<semaphore_mem>>
          %dma_start3A = arith.constant 0 : i32
          %dma_start3A_191 = tpu.memref_slice %arg2[%multiple_of3A, %dma_start3A] : memref<802816x128xf32, #tpu.memory_space<hbm>> -> memref<128x128xf32, #tpu.memory_space<hbm>>
          %dma_start3A_192 = arith.constant 0 : i32
          %dma_start3A_193 = tpu.memref_slice %arg2[%multiple_of3A, %dma_start3A_192] : memref<802816x128xf32, #tpu.memory_space<hbm>> -> memref<128x128xf32, #tpu.memory_space<hbm>>
          tpu.enqueue_dma source(%dma_start3A_193 : memref<128x128xf32, #tpu.memory_space<hbm>>) target(%arg9 : memref<128x128xf32, #tpu.memory_space<vmem>>) target_semaphore(%run_scoped3A : memref<!tpu.dma_semaphore, #tpu.memory_space<semaphore_mem>>)
          %dma_wait3A = arith.constant 0 : i32
          %dma_wait3A_194 = tpu.memref_slice %arg2[%multiple_of3A, %dma_wait3A] : memref<802816x128xf32, #tpu.memory_space<hbm>> -> memref<128x128xf32, #tpu.memory_space<hbm>>
          %dma_wait3A_195 = arith.constant 0 : i32
          %dma_wait3A_196 = tpu.memref_slice %arg2[%multiple_of3A, %dma_wait3A_195] : memref<802816x128xf32, #tpu.memory_space<hbm>> -> memref<128x128xf32, #tpu.memory_space<hbm>>
          tpu.wait_dma2 semaphore(%run_scoped3A : memref<!tpu.dma_semaphore, #tpu.memory_space<semaphore_mem>>) src(%dma_wait3A_196 : memref<128x128xf32, #tpu.memory_space<hbm>>) dst(%arg9 : memref<128x128xf32, #tpu.memory_space<vmem>>)
          tpu.yield
        }) : () -> ()
        %get3A = arith.constant 0 : index
        %get3A_40 = tpu.vector_load %arg7[%get3A] {strides = array<i32>} : memref<128xi32, #tpu.memory_space<vmem>>, vector<16xi32>,
        %get3A_41 = vector.shape_cast %get3A_40 : vector<16xi32> to vector<16xi32>
        %sub3A = arith.constant 42240 : i32
        %sub3A_42 = vector.broadcast %sub3A : i32 to vector<16xi32>
        %sub3A_43 = arith.subi %get3A_41, %sub3A_42 : vector<16xi32>
        %ge3A = arith.constant 0 : i32
        %ge3A_44 = vector.broadcast %ge3A : i32 to vector<16xi32>
        %ge3A_45 = arith.cmpi sge, %sub3A_43, %ge3A_44 : vector<16xi32>
        %lt3A = arith.constant 7936 : i32
        %lt3A_46 = vector.broadcast %lt3A : i32 to vector<16xi32>
        %lt3A_47 = arith.cmpi slt, %sub3A_43, %lt3A_46 : vector<16xi32>
        %and3A = arith.andi %ge3A_45, %lt3A_47 : vector<16xi1>
        %jit3A = arith.constant 14080 : i32
        %broadcast_in_dim3A = vector.broadcast %jit3A : i32 to vector<16xi32>
        %select_n3A = arith.select %and3A, %sub3A_43, %broadcast_in_dim3A : vector<16xi1>, vector<16xi32>
        %swap3A = arith.constant 0 : index
        %swap3A_48 = tpu.vector_load %arg8[%swap3A] {strides = array<i32>} : memref<128xi32, #tpu.memory_space<vmem>>, vector<16xi32>,
        %swap3A_49 = vector.shape_cast %swap3A_48 : vector<16xi32> to vector<16xi32>
        %swap3A_50 = vector.shape_cast %select_n3A : vector<16xi32> to vector<16xi32>
        tpu.vector_store %arg8[%swap3A], %swap3A_50 {strides = array<i32>} : memref<128xi32, #tpu.memory_space<vmem>>, vector<16xi32>,
        %get3A_51 = arith.constant 16 : index
        %get3A_52 = tpu.vector_load %arg7[%get3A_51] {strides = array<i32>} : memref<128xi32, #tpu.memory_space<vmem>>, vector<16xi32>,
        %get3A_53 = vector.shape_cast %get3A_52 : vector<16xi32> to vector<16xi32>
        %sub3A_54 = arith.constant 42240 : i32
        %sub3A_55 = vector.broadcast %sub3A_54 : i32 to vector<16xi32>
        %sub3A_56 = arith.subi %get3A_53, %sub3A_55 : vector<16xi32>
        %ge3A_57 = arith.constant 0 : i32
        %ge3A_58 = vector.broadcast %ge3A_57 : i32 to vector<16xi32>
        %ge3A_59 = arith.cmpi sge, %sub3A_56, %ge3A_58 : vector<16xi32>
        %lt3A_60 = arith.constant 7936 : i32
        %lt3A_61 = vector.broadcast %lt3A_60 : i32 to vector<16xi32>
        %lt3A_62 = arith.cmpi slt, %sub3A_56, %lt3A_61 : vector<16xi32>
        %and3A_63 = arith.andi %ge3A_59, %lt3A_62 : vector<16xi1>
        %jit3A_64 = arith.constant 14080 : i32
        %broadcast_in_dim3A_65 = vector.broadcast %jit3A_64 : i32 to vector<16xi32>
        %select_n3A_66 = arith.select %and3A_63, %sub3A_56, %broadcast_in_dim3A_65 : vector<16xi1>, vector<16xi32>
        %swap3A_67 = arith.constant 16 : index
        %swap3A_68 = tpu.vector_load %arg8[%swap3A_67] {strides = array<i32>} : memref<128xi32, #tpu.memory_space<vmem>>, vector<16xi32>,
        %swap3A_69 = vector.shape_cast %swap3A_68 : vector<16xi32> to vector<16xi32>
        %swap3A_70 = vector.shape_cast %select_n3A_66 : vector<16xi32> to vector<16xi32>
        tpu.vector_store %arg8[%swap3A_67], %swap3A_70 {strides = array<i32>} : memref<128xi32, #tpu.memory_space<vmem>>, vector<16xi32>,
        %get3A_71 = arith.constant 32 : index
        %get3A_72 = tpu.vector_load %arg7[%get3A_71] {strides = array<i32>} : memref<128xi32, #tpu.memory_space<vmem>>, vector<16xi32>,
        %get3A_73 = vector.shape_cast %get3A_72 : vector<16xi32> to vector<16xi32>
        %sub3A_74 = arith.constant 42240 : i32
        %sub3A_75 = vector.broadcast %sub3A_74 : i32 to vector<16xi32>
        %sub3A_76 = arith.subi %get3A_73, %sub3A_75 : vector<16xi32>
        %ge3A_77 = arith.constant 0 : i32
        %ge3A_78 = vector.broadcast %ge3A_77 : i32 to vector<16xi32>
        %ge3A_79 = arith.cmpi sge, %sub3A_76, %ge3A_78 : vector<16xi32>
        %lt3A_80 = arith.constant 7936 : i32
        %lt3A_81 = vector.broadcast %lt3A_80 : i32 to vector<16xi32>
        %lt3A_82 = arith.cmpi slt, %sub3A_76, %lt3A_81 : vector<16xi32>
        %and3A_83 = arith.andi %ge3A_79, %lt3A_82 : vector<16xi1>
        %jit3A_84 = arith.constant 14080 : i32
        %broadcast_in_dim3A_85 = vector.broadcast %jit3A_84 : i32 to vector<16xi32>
        %select_n3A_86 = arith.select %and3A_83, %sub3A_76, %broadcast_in_dim3A_85 : vector<16xi1>, vector<16xi32>
        %swap3A_87 = arith.constant 32 : index
        %swap3A_88 = tpu.vector_load %arg8[%swap3A_87] {strides = array<i32>} : memref<128xi32, #tpu.memory_space<vmem>>, vector<16xi32>,
        %swap3A_89 = vector.shape_cast %swap3A_88 : vector<16xi32> to vector<16xi32>
        %swap3A_90 = vector.shape_cast %select_n3A_86 : vector<16xi32> to vector<16xi32>
        tpu.vector_store %arg8[%swap3A_87], %swap3A_90 {strides = array<i32>} : memref<128xi32, #tpu.memory_space<vmem>>, vector<16xi32>,
        %get3A_91 = arith.constant 48 : index
        %get3A_92 = tpu.vector_load %arg7[%get3A_91] {strides = array<i32>} : memref<128xi32, #tpu.memory_space<vmem>>, vector<16xi32>,
        %get3A_93 = vector.shape_cast %get3A_92 : vector<16xi32> to vector<16xi32>
        %sub3A_94 = arith.constant 42240 : i32
        %sub3A_95 = vector.broadcast %sub3A_94 : i32 to vector<16xi32>
        %sub3A_96 = arith.subi %get3A_93, %sub3A_95 : vector<16xi32>
        %ge3A_97 = arith.constant 0 : i32
        %ge3A_98 = vector.broadcast %ge3A_97 : i32 to vector<16xi32>
        %ge3A_99 = arith.cmpi sge, %sub3A_96, %ge3A_98 : vector<16xi32>
        %lt3A_100 = arith.constant 7936 : i32
        %lt3A_101 = vector.broadcast %lt3A_100 : i32 to vector<16xi32>
        %lt3A_102 = arith.cmpi slt, %sub3A_96, %lt3A_101 : vector<16xi32>
        %and3A_103 = arith.andi %ge3A_99, %lt3A_102 : vector<16xi1>
        %jit3A_104 = arith.constant 14080 : i32
        %broadcast_in_dim3A_105 = vector.broadcast %jit3A_104 : i32 to vector<16xi32>
        %select_n3A_106 = arith.select %and3A_103, %sub3A_96, %broadcast_in_dim3A_105 : vector<16xi1>, vector<16xi32>
        %swap3A_107 = arith.constant 48 : index
        %swap3A_108 = tpu.vector_load %arg8[%swap3A_107] {strides = array<i32>} : memref<128xi32, #tpu.memory_space<vmem>>, vector<16xi32>,
        %swap3A_109 = vector.shape_cast %swap3A_108 : vector<16xi32> to vector<16xi32>
        %swap3A_110 = vector.shape_cast %select_n3A_106 : vector<16xi32> to vector<16xi32>
        tpu.vector_store %arg8[%swap3A_107], %swap3A_110 {strides = array<i32>} : memref<128xi32, #tpu.memory_space<vmem>>, vector<16xi32>,
        %get3A_111 = arith.constant 64 : index
        %get3A_112 = tpu.vector_load %arg7[%get3A_111] {strides = array<i32>} : memref<128xi32, #tpu.memory_space<vmem>>, vector<16xi32>,
        %get3A_113 = vector.shape_cast %get3A_112 : vector<16xi32> to vector<16xi32>
        %sub3A_114 = arith.constant 42240 : i32
        %sub3A_115 = vector.broadcast %sub3A_114 : i32 to vector<16xi32>
        %sub3A_116 = arith.subi %get3A_113, %sub3A_115 : vector<16xi32>
        %ge3A_117 = arith.constant 0 : i32
        %ge3A_118 = vector.broadcast %ge3A_117 : i32 to vector<16xi32>
        %ge3A_119 = arith.cmpi sge, %sub3A_116, %ge3A_118 : vector<16xi32>
        %lt3A_120 = arith.constant 7936 : i32
        %lt3A_121 = vector.broadcast %lt3A_120 : i32 to vector<16xi32>
        %lt3A_122 = arith.cmpi slt, %sub3A_116, %lt3A_121 : vector<16xi32>
        %and3A_123 = arith.andi %ge3A_119, %lt3A_122 : vector<16xi1>
        %jit3A_124 = arith.constant 14080 : i32
        %broadcast_in_dim3A_125 = vector.broadcast %jit3A_124 : i32 to vector<16xi32>
        %select_n3A_126 = arith.select %and3A_123, %sub3A_116, %broadcast_in_dim3A_125 : vector<16xi1>, vector<16xi32>
        %swap3A_127 = arith.constant 64 : index
        %swap3A_128 = tpu.vector_load %arg8[%swap3A_127] {strides = array<i32>} : memref<128xi32, #tpu.memory_space<vmem>>, vector<16xi32>,
        %swap3A_129 = vector.shape_cast %swap3A_128 : vector<16xi32> to vector<16xi32>
        %swap3A_130 = vector.shape_cast %select_n3A_126 : vector<16xi32> to vector<16xi32>
        tpu.vector_store %arg8[%swap3A_127], %swap3A_130 {strides = array<i32>} : memref<128xi32, #tpu.memory_space<vmem>>, vector<16xi32>,
        %get3A_131 = arith.constant 80 : index
        %get3A_132 = tpu.vector_load %arg7[%get3A_131] {strides = array<i32>} : memref<128xi32, #tpu.memory_space<vmem>>, vector<16xi32>,
        %get3A_133 = vector.shape_cast %get3A_132 : vector<16xi32> to vector<16xi32>
        %sub3A_134 = arith.constant 42240 : i32
        %sub3A_135 = vector.broadcast %sub3A_134 : i32 to vector<16xi32>
        %sub3A_136 = arith.subi %get3A_133, %sub3A_135 : vector<16xi32>
        %ge3A_137 = arith.constant 0 : i32
        %ge3A_138 = vector.broadcast %ge3A_137 : i32 to vector<16xi32>
        %ge3A_139 = arith.cmpi sge, %sub3A_136, %ge3A_138 : vector<16xi32>
        %lt3A_140 = arith.constant 7936 : i32
        %lt3A_141 = vector.broadcast %lt3A_140 : i32 to vector<16xi32>
        %lt3A_142 = arith.cmpi slt, %sub3A_136, %lt3A_141 : vector<16xi32>
        %and3A_143 = arith.andi %ge3A_139, %lt3A_142 : vector<16xi1>
        %jit3A_144 = arith.constant 14080 : i32
        %broadcast_in_dim3A_145 = vector.broadcast %jit3A_144 : i32 to vector<16xi32>
        %select_n3A_146 = arith.select %and3A_143, %sub3A_136, %broadcast_in_dim3A_145 : vector<16xi1>, vector<16xi32>
        %swap3A_147 = arith.constant 80 : index
        %swap3A_148 = tpu.vector_load %arg8[%swap3A_147] {strides = array<i32>} : memref<128xi32, #tpu.memory_space<vmem>>, vector<16xi32>,
        %swap3A_149 = vector.shape_cast %swap3A_148 : vector<16xi32> to vector<16xi32>
        %swap3A_150 = vector.shape_cast %select_n3A_146 : vector<16xi32> to vector<16xi32>
        tpu.vector_store %arg8[%swap3A_147], %swap3A_150 {strides = array<i32>} : memref<128xi32, #tpu.memory_space<vmem>>, vector<16xi32>,
        %get3A_151 = arith.constant 96 : index
        %get3A_152 = tpu.vector_load %arg7[%get3A_151] {strides = array<i32>} : memref<128xi32, #tpu.memory_space<vmem>>, vector<16xi32>,
        %get3A_153 = vector.shape_cast %get3A_152 : vector<16xi32> to vector<16xi32>
        %sub3A_154 = arith.constant 42240 : i32
        %sub3A_155 = vector.broadcast %sub3A_154 : i32 to vector<16xi32>
        %sub3A_156 = arith.subi %get3A_153, %sub3A_155 : vector<16xi32>
        %ge3A_157 = arith.constant 0 : i32
        %ge3A_158 = vector.broadcast %ge3A_157 : i32 to vector<16xi32>
        %ge3A_159 = arith.cmpi sge, %sub3A_156, %ge3A_158 : vector<16xi32>
        %lt3A_160 = arith.constant 7936 : i32
        %lt3A_161 = vector.broadcast %lt3A_160 : i32 to vector<16xi32>
        %lt3A_162 = arith.cmpi slt, %sub3A_156, %lt3A_161 : vector<16xi32>
        %and3A_163 = arith.andi %ge3A_159, %lt3A_162 : vector<16xi1>
        %jit3A_164 = arith.constant 14080 : i32
        %broadcast_in_dim3A_165 = vector.broadcast %jit3A_164 : i32 to vector<16xi32>
        %select_n3A_166 = arith.select %and3A_163, %sub3A_156, %broadcast_in_dim3A_165 : vector<16xi1>, vector<16xi32>
        %swap3A_167 = arith.constant 96 : index
        %swap3A_168 = tpu.vector_load %arg8[%swap3A_167] {strides = array<i32>} : memref<128xi32, #tpu.memory_space<vmem>>, vector<16xi32>,
        %swap3A_169 = vector.shape_cast %swap3A_168 : vector<16xi32> to vector<16xi32>
        %swap3A_170 = vector.shape_cast %select_n3A_166 : vector<16xi32> to vector<16xi32>
        tpu.vector_store %arg8[%swap3A_167], %swap3A_170 {strides = array<i32>} : memref<128xi32, #tpu.memory_space<vmem>>, vector<16xi32>,
        %get3A_171 = arith.constant 112 : index
        %get3A_172 = tpu.vector_load %arg7[%get3A_171] {strides = array<i32>} : memref<128xi32, #tpu.memory_space<vmem>>, vector<16xi32>,
        %get3A_173 = vector.shape_cast %get3A_172 : vector<16xi32> to vector<16xi32>
        %sub3A_174 = arith.constant 42240 : i32
        %sub3A_175 = vector.broadcast %sub3A_174 : i32 to vector<16xi32>
        %sub3A_176 = arith.subi %get3A_173, %sub3A_175 : vector<16xi32>
        %ge3A_177 = arith.constant 0 : i32
        %ge3A_178 = vector.broadcast %ge3A_177 : i32 to vector<16xi32>
        %ge3A_179 = arith.cmpi sge, %sub3A_176, %ge3A_178 : vector<16xi32>
        %lt3A_180 = arith.constant 7936 : i32
        %lt3A_181 = vector.broadcast %lt3A_180 : i32 to vector<16xi32>
        %lt3A_182 = arith.cmpi slt, %sub3A_176, %lt3A_181 : vector<16xi32>
        %and3A_183 = arith.andi %ge3A_179, %lt3A_182 : vector<16xi1>
        %jit3A_184 = arith.constant 14080 : i32
        %broadcast_in_dim3A_185 = vector.broadcast %jit3A_184 : i32 to vector<16xi32>
        %select_n3A_186 = arith.select %and3A_183, %sub3A_176, %broadcast_in_dim3A_185 : vector<16xi1>, vector<16xi32>
        %swap3A_187 = arith.constant 112 : index
        %swap3A_188 = tpu.vector_load %arg8[%swap3A_187] {strides = array<i32>} : memref<128xi32, #tpu.memory_space<vmem>>, vector<16xi32>,
        %swap3A_189 = vector.shape_cast %swap3A_188 : vector<16xi32> to vector<16xi32>
        %swap3A_190 = vector.shape_cast %select_n3A_186 : vector<16xi32> to vector<16xi32>
        tpu.vector_store %arg8[%swap3A_187], %swap3A_190 {strides = array<i32>} : memref<128xi32, #tpu.memory_space<vmem>>, vector<16xi32>,
        "tpu.region"() ({
          %run_scoped3A = tpu.sem_alloc : memref<!tpu.dma_semaphore, #tpu.memory_space<semaphore_mem>>
          %dma_start3A = arith.constant 0 : i32
          %dma_start3A_191 = arith.constant 0 : i32
          %dma_start3A_192 = tpu.memref_slice %arg6[%dma_start3A, %dma_start3A_191] : memref<14088x128xf32, #tpu.memory_space<vmem_shared>> -> memref<14088x128xf32, #tpu.memory_space<vmem_shared>>
          tpu.enqueue_indirect_dma source(%arg9 : memref<128x128xf32, #tpu.memory_space<vmem>>) target(%dma_start3A_192 : memref<14088x128xf32, #tpu.memory_space<vmem_shared>>) offsets(%arg8 : memref<128xi32, #tpu.memory_space<vmem>>) semaphore(%run_scoped3A : memref<!tpu.dma_semaphore, #tpu.memory_space<semaphore_mem>>) {add = true}
          %dma_wait3A = arith.constant 0 : i32
          %dma_wait3A_193 = arith.constant 0 : i32
          %dma_wait3A_194 = tpu.memref_slice %arg6[%dma_wait3A, %dma_wait3A_193] : memref<14088x128xf32, #tpu.memory_space<vmem_shared>> -> memref<14088x128xf32, #tpu.memory_space<vmem_shared>>
          tpu.wait_indirect_dma semaphore(%run_scoped3A : memref<!tpu.dma_semaphore, #tpu.memory_space<semaphore_mem>>) src(%arg9 : memref<128x128xf32, #tpu.memory_space<vmem>>) dst(%dma_wait3A_194 : memref<14088x128xf32, #tpu.memory_space<vmem_shared>>)
          tpu.yield
        }) : () -> ()
      }
      %scan3A_25 = arith.constant 392 : i32
      %barrier3A_26 = arith.constant 0 : index
      tpu.barrier barrier_id(%barrier3A_26)
      %mul3A_27 = arith.constant 496 : i32
      %mul3A_28 = arith.muli %arg1, %mul3A_27 : i32
      %mul3A_29 = arith.constant 496 : i32
      %mul3A_30 = arith.muli %arg1, %mul3A_29 : i32
      %add3A_31 = arith.constant 42240 : i32
      %add3A_32 = arith.addi %add3A_31, %mul3A_30 : i32
      "tpu.region"() ({
        %run_scoped3A = tpu.sem_alloc : memref<!tpu.dma_semaphore, #tpu.memory_space<semaphore_mem>>
        %dma_start3A = arith.constant 0 : i32
        %dma_start3A_34 = tpu.memref_slice %arg5[%add3A_32, %dma_start3A] : memref<50176x128xf32, #tpu.memory_space<hbm>> -> memref<496x128xf32, #tpu.memory_space<hbm>>
        %dma_start3A_35 = arith.constant 0 : i32
        %dma_start3A_36 = tpu.memref_slice %arg6[%mul3A_28, %dma_start3A_35] : memref<14088x128xf32, #tpu.memory_space<vmem_shared>> -> memref<496x128xf32, #tpu.memory_space<vmem_shared>>
        tpu.enqueue_dma source(%dma_start3A_36 : memref<496x128xf32, #tpu.memory_space<vmem_shared>>) target(%dma_start3A_34 : memref<496x128xf32, #tpu.memory_space<hbm>>) target_semaphore(%run_scoped3A : memref<!tpu.dma_semaphore, #tpu.memory_space<semaphore_mem>>)
        %dma_wait3A = arith.constant 0 : i32
        %dma_wait3A_37 = tpu.memref_slice %arg5[%add3A_32, %dma_wait3A] : memref<50176x128xf32, #tpu.memory_space<hbm>> -> memref<496x128xf32, #tpu.memory_space<hbm>>
        %dma_wait3A_38 = arith.constant 0 : i32
        %dma_wait3A_39 = tpu.memref_slice %arg6[%mul3A_28, %dma_wait3A_38] : memref<14088x128xf32, #tpu.memory_space<vmem_shared>> -> memref<496x128xf32, #tpu.memory_space<vmem_shared>>
        tpu.wait_dma2 semaphore(%run_scoped3A : memref<!tpu.dma_semaphore, #tpu.memory_space<semaphore_mem>>) src(%dma_wait3A_39 : memref<496x128xf32, #tpu.memory_space<vmem_shared>>) dst(%dma_wait3A_37 : memref<496x128xf32, #tpu.memory_space<hbm>>)
        tpu.yield
      }) : () -> ()
      %barrier3A_33 = arith.constant 0 : index
      tpu.barrier barrier_id(%barrier3A_33)
    } else {
    }
    return
  }
}

#map = affine_map<(d0, d1) -> (0, 0)>
#map1 = affine_map<(d0, d1) -> (0)>
module attributes {stable_mosaic.version = 14 : i64} {
  func.func @k(%arg0: i32, %arg1: i32, %arg2: memref<100000x128xf32, #tpu.memory_space<hbm>>, %arg3: memref<100000x128xf32, #tpu.memory_space<hbm>>, %arg4: memref<802816x128xf32, #tpu.memory_space<hbm>>, %arg5: memref<802816xi32, #tpu.memory_space<hbm>>, %arg6: memref<802816xi32, #tpu.memory_space<hbm>>, %arg7: memref<802816x128xf32, #tpu.memory_space<hbm>>, %arg8: memref<128xi32, #tpu.memory_space<vmem>>, %arg9: memref<128xi32, #tpu.memory_space<vmem>>, %arg10: memref<128x128xf32, #tpu.memory_space<vmem>>, %arg11: memref<128x128xf32, #tpu.memory_space<vmem>>, %arg12: memref<128x128xf32, #tpu.memory_space<vmem>>, %arg13: memref<!tpu.dma_semaphore, #tpu.memory_space<semaphore_mem>>, %arg14: memref<!tpu.dma_semaphore, #tpu.memory_space<semaphore_mem>>) attributes {dimension_semantics = [#tpu.dimension_semantics<core_parallel>, #tpu.dimension_semantics<subcore_parallel>], iteration_bounds = array<i64: 2, 16>, scalar_prefetch = 0 : i64, scratch_operands = 7 : i64, tpu.core_type = #tpu.core_type<sc_vector_subcore>, window_params = [{transform_indices = #map}, {transform_indices = #map}, {transform_indices = #map}, {transform_indices = #map1}, {transform_indices = #map1}, {transform_indices = #map}]} {
    %mul3A = arith.constant 2 : i32
    %mul3A_0 = arith.muli %arg1, %mul3A : i32
    %add3A = arith.addi %mul3A_0, %arg0 : i32
    %mul3A_1 = arith.constant 25088 : i32
    %mul3A_2 = arith.muli %add3A, %mul3A_1 : i32
    %scan3A = arith.constant 0 : i32
    %scan3A_3 = arith.constant 0 : i32
    %scan3A_4 = arith.constant 196 : i32
    %scan3A_5 = arith.addi %scan3A_3, %scan3A_4 : i32
    %scan3A_6 = arith.constant 1 : i32
    scf.for %scan3A_8 = %scan3A_3 to %scan3A_5 step %scan3A_6  : i32 {
      %mul3A_9 = arith.constant 128 : i32
      %mul3A_10 = arith.muli %scan3A_8, %mul3A_9 : i32
      %add3A_11 = arith.addi %mul3A_2, %mul3A_10 : i32
      %multiple_of3A = tpu.assume_multiple %add3A_11, 128 : i32
      "tpu.region"() ({
        %run_scoped3A = tpu.sem_alloc : memref<!tpu.dma_semaphore, #tpu.memory_space<semaphore_mem>>
        %dma_start3A_28 = tpu.memref_slice %arg5[%multiple_of3A] : memref<802816xi32, #tpu.memory_space<hbm>> -> memref<128xi32, #tpu.memory_space<hbm>>
        %dma_start3A_29 = tpu.memref_slice %arg5[%multiple_of3A] : memref<802816xi32, #tpu.memory_space<hbm>> -> memref<128xi32, #tpu.memory_space<hbm>>
        tpu.enqueue_dma source(%dma_start3A_29 : memref<128xi32, #tpu.memory_space<hbm>>) target(%arg8 : memref<128xi32, #tpu.memory_space<vmem>>) target_semaphore(%run_scoped3A : memref<!tpu.dma_semaphore, #tpu.memory_space<semaphore_mem>>)
        %dma_wait3A_30 = tpu.memref_slice %arg5[%multiple_of3A] : memref<802816xi32, #tpu.memory_space<hbm>> -> memref<128xi32, #tpu.memory_space<hbm>>
        %dma_wait3A_31 = tpu.memref_slice %arg5[%multiple_of3A] : memref<802816xi32, #tpu.memory_space<hbm>> -> memref<128xi32, #tpu.memory_space<hbm>>
        tpu.wait_dma2 semaphore(%run_scoped3A : memref<!tpu.dma_semaphore, #tpu.memory_space<semaphore_mem>>) src(%dma_wait3A_31 : memref<128xi32, #tpu.memory_space<hbm>>) dst(%arg8 : memref<128xi32, #tpu.memory_space<vmem>>)
        tpu.yield
      }) : () -> ()
      "tpu.region"() ({
        %run_scoped3A = tpu.sem_alloc : memref<!tpu.dma_semaphore, #tpu.memory_space<semaphore_mem>>
        %dma_start3A_28 = tpu.memref_slice %arg6[%multiple_of3A] : memref<802816xi32, #tpu.memory_space<hbm>> -> memref<128xi32, #tpu.memory_space<hbm>>
        %dma_start3A_29 = tpu.memref_slice %arg6[%multiple_of3A] : memref<802816xi32, #tpu.memory_space<hbm>> -> memref<128xi32, #tpu.memory_space<hbm>>
        tpu.enqueue_dma source(%dma_start3A_29 : memref<128xi32, #tpu.memory_space<hbm>>) target(%arg9 : memref<128xi32, #tpu.memory_space<vmem>>) target_semaphore(%run_scoped3A : memref<!tpu.dma_semaphore, #tpu.memory_space<semaphore_mem>>)
        %dma_wait3A_30 = tpu.memref_slice %arg6[%multiple_of3A] : memref<802816xi32, #tpu.memory_space<hbm>> -> memref<128xi32, #tpu.memory_space<hbm>>
        %dma_wait3A_31 = tpu.memref_slice %arg6[%multiple_of3A] : memref<802816xi32, #tpu.memory_space<hbm>> -> memref<128xi32, #tpu.memory_space<hbm>>
        tpu.wait_dma2 semaphore(%run_scoped3A : memref<!tpu.dma_semaphore, #tpu.memory_space<semaphore_mem>>) src(%dma_wait3A_31 : memref<128xi32, #tpu.memory_space<hbm>>) dst(%arg9 : memref<128xi32, #tpu.memory_space<vmem>>)
        tpu.yield
      }) : () -> ()
      %dma_start3A = arith.constant 0 : i32
      %dma_start3A_12 = arith.constant 0 : i32
      %dma_start3A_13 = tpu.memref_slice %arg2[%dma_start3A, %dma_start3A_12] : memref<100000x128xf32, #tpu.memory_space<hbm>> -> memref<100000x128xf32, #tpu.memory_space<hbm>>
      tpu.enqueue_indirect_dma source(%dma_start3A_13 : memref<100000x128xf32, #tpu.memory_space<hbm>>) target(%arg10 : memref<128x128xf32, #tpu.memory_space<vmem>>) offsets(%arg8 : memref<128xi32, #tpu.memory_space<vmem>>) semaphore(%arg13 : memref<!tpu.dma_semaphore, #tpu.memory_space<semaphore_mem>>)
      %dma_start3A_14 = arith.constant 0 : i32
      %dma_start3A_15 = arith.constant 0 : i32
      %dma_start3A_16 = tpu.memref_slice %arg3[%dma_start3A_14, %dma_start3A_15] : memref<100000x128xf32, #tpu.memory_space<hbm>> -> memref<100000x128xf32, #tpu.memory_space<hbm>>
      tpu.enqueue_indirect_dma source(%dma_start3A_16 : memref<100000x128xf32, #tpu.memory_space<hbm>>) target(%arg11 : memref<128x128xf32, #tpu.memory_space<vmem>>) offsets(%arg9 : memref<128xi32, #tpu.memory_space<vmem>>) semaphore(%arg14 : memref<!tpu.dma_semaphore, #tpu.memory_space<semaphore_mem>>)
      "tpu.region"() ({
        %run_scoped3A = tpu.sem_alloc : memref<!tpu.dma_semaphore, #tpu.memory_space<semaphore_mem>>
        %dma_start3A_28 = arith.constant 0 : i32
        %dma_start3A_29 = tpu.memref_slice %arg4[%multiple_of3A, %dma_start3A_28] : memref<802816x128xf32, #tpu.memory_space<hbm>> -> memref<128x128xf32, #tpu.memory_space<hbm>>
        %dma_start3A_30 = arith.constant 0 : i32
        %dma_start3A_31 = tpu.memref_slice %arg4[%multiple_of3A, %dma_start3A_30] : memref<802816x128xf32, #tpu.memory_space<hbm>> -> memref<128x128xf32, #tpu.memory_space<hbm>>
        tpu.enqueue_dma source(%dma_start3A_31 : memref<128x128xf32, #tpu.memory_space<hbm>>) target(%arg12 : memref<128x128xf32, #tpu.memory_space<vmem>>) target_semaphore(%run_scoped3A : memref<!tpu.dma_semaphore, #tpu.memory_space<semaphore_mem>>)
        %dma_wait3A_32 = arith.constant 0 : i32
        %dma_wait3A_33 = tpu.memref_slice %arg4[%multiple_of3A, %dma_wait3A_32] : memref<802816x128xf32, #tpu.memory_space<hbm>> -> memref<128x128xf32, #tpu.memory_space<hbm>>
        %dma_wait3A_34 = arith.constant 0 : i32
        %dma_wait3A_35 = tpu.memref_slice %arg4[%multiple_of3A, %dma_wait3A_34] : memref<802816x128xf32, #tpu.memory_space<hbm>> -> memref<128x128xf32, #tpu.memory_space<hbm>>
        tpu.wait_dma2 semaphore(%run_scoped3A : memref<!tpu.dma_semaphore, #tpu.memory_space<semaphore_mem>>) src(%dma_wait3A_35 : memref<128x128xf32, #tpu.memory_space<hbm>>) dst(%arg12 : memref<128x128xf32, #tpu.memory_space<vmem>>)
        tpu.yield
      }) : () -> ()
      %dma_wait3A = arith.constant 0 : i32
      %dma_wait3A_17 = arith.constant 0 : i32
      %dma_wait3A_18 = tpu.memref_slice %arg2[%dma_wait3A, %dma_wait3A_17] : memref<100000x128xf32, #tpu.memory_space<hbm>> -> memref<100000x128xf32, #tpu.memory_space<hbm>>
      tpu.wait_indirect_dma semaphore(%arg13 : memref<!tpu.dma_semaphore, #tpu.memory_space<semaphore_mem>>) src(%dma_wait3A_18 : memref<100000x128xf32, #tpu.memory_space<hbm>>) dst(%arg10 : memref<128x128xf32, #tpu.memory_space<vmem>>)
      %dma_wait3A_19 = arith.constant 0 : i32
      %dma_wait3A_20 = arith.constant 0 : i32
      %dma_wait3A_21 = tpu.memref_slice %arg3[%dma_wait3A_19, %dma_wait3A_20] : memref<100000x128xf32, #tpu.memory_space<hbm>> -> memref<100000x128xf32, #tpu.memory_space<hbm>>
      tpu.wait_indirect_dma semaphore(%arg14 : memref<!tpu.dma_semaphore, #tpu.memory_space<semaphore_mem>>) src(%dma_wait3A_21 : memref<100000x128xf32, #tpu.memory_space<hbm>>) dst(%arg11 : memref<128x128xf32, #tpu.memory_space<vmem>>)
      %scan3A_22 = arith.constant 0 : i32
      %scan3A_23 = arith.constant 0 : i32
      %scan3A_24 = arith.constant 128 : i32
      %scan3A_25 = arith.addi %scan3A_23, %scan3A_24 : i32
      %scan3A_26 = arith.constant 1 : i32
      scf.for %scan3A_28 = %scan3A_23 to %scan3A_25 step %scan3A_26  : i32 {
        %get3A = arith.index_cast %scan3A_28 : i32 to index
        %get3A_29 = arith.constant 0 : index
        %get3A_30 = tpu.vector_load %arg10[%get3A, %get3A_29] {strides = array<i32>} : memref<128x128xf32, #tpu.memory_space<vmem>>, vector<1x16xf32>,
        %get3A_31 = vector.shape_cast %get3A_30 : vector<1x16xf32> to vector<16xf32>
        %get3A_32 = arith.index_cast %scan3A_28 : i32 to index
        %get3A_33 = arith.constant 0 : index
        %get3A_34 = tpu.vector_load %arg11[%get3A_32, %get3A_33] {strides = array<i32>} : memref<128x128xf32, #tpu.memory_space<vmem>>, vector<1x16xf32>,
        %get3A_35 = vector.shape_cast %get3A_34 : vector<1x16xf32> to vector<16xf32>
        %add3A_36 = arith.addf %get3A_31, %get3A_35 : vector<16xf32>
        %get3A_37 = arith.index_cast %scan3A_28 : i32 to index
        %get3A_38 = arith.constant 0 : index
        %get3A_39 = tpu.vector_load %arg12[%get3A_37, %get3A_38] {strides = array<i32>} : memref<128x128xf32, #tpu.memory_space<vmem>>, vector<1x16xf32>,
        %get3A_40 = vector.shape_cast %get3A_39 : vector<1x16xf32> to vector<16xf32>
        %add3A_41 = arith.addf %add3A_36, %get3A_40 : vector<16xf32>
        %max3A = arith.constant 0.000000e+00 : f32
        %max3A_42 = vector.broadcast %max3A : f32 to vector<16xf32>
        %max3A_43 = arith.maximumf %add3A_41, %max3A_42 : vector<16xf32>
        %swap3A = arith.index_cast %scan3A_28 : i32 to index
        %swap3A_44 = arith.constant 0 : index
        %swap3A_45 = tpu.vector_load %arg12[%swap3A, %swap3A_44] {strides = array<i32>} : memref<128x128xf32, #tpu.memory_space<vmem>>, vector<1x16xf32>,
        %swap3A_46 = vector.shape_cast %swap3A_45 : vector<1x16xf32> to vector<16xf32>
        %swap3A_47 = vector.shape_cast %max3A_43 : vector<16xf32> to vector<1x16xf32>
        tpu.vector_store %arg12[%swap3A, %swap3A_44], %swap3A_47 {strides = array<i32>} : memref<128x128xf32, #tpu.memory_space<vmem>>, vector<1x16xf32>,
        %get3A_48 = arith.index_cast %scan3A_28 : i32 to index
        %get3A_49 = arith.constant 16 : index
        %get3A_50 = tpu.vector_load %arg10[%get3A_48, %get3A_49] {strides = array<i32>} : memref<128x128xf32, #tpu.memory_space<vmem>>, vector<1x16xf32>,
        %get3A_51 = vector.shape_cast %get3A_50 : vector<1x16xf32> to vector<16xf32>
        %get3A_52 = arith.index_cast %scan3A_28 : i32 to index
        %get3A_53 = arith.constant 16 : index
        %get3A_54 = tpu.vector_load %arg11[%get3A_52, %get3A_53] {strides = array<i32>} : memref<128x128xf32, #tpu.memory_space<vmem>>, vector<1x16xf32>,
        %get3A_55 = vector.shape_cast %get3A_54 : vector<1x16xf32> to vector<16xf32>
        %add3A_56 = arith.addf %get3A_51, %get3A_55 : vector<16xf32>
        %get3A_57 = arith.index_cast %scan3A_28 : i32 to index
        %get3A_58 = arith.constant 16 : index
        %get3A_59 = tpu.vector_load %arg12[%get3A_57, %get3A_58] {strides = array<i32>} : memref<128x128xf32, #tpu.memory_space<vmem>>, vector<1x16xf32>,
        %get3A_60 = vector.shape_cast %get3A_59 : vector<1x16xf32> to vector<16xf32>
        %add3A_61 = arith.addf %add3A_56, %get3A_60 : vector<16xf32>
        %max3A_62 = arith.constant 0.000000e+00 : f32
        %max3A_63 = vector.broadcast %max3A_62 : f32 to vector<16xf32>
        %max3A_64 = arith.maximumf %add3A_61, %max3A_63 : vector<16xf32>
        %swap3A_65 = arith.index_cast %scan3A_28 : i32 to index
        %swap3A_66 = arith.constant 16 : index
        %swap3A_67 = tpu.vector_load %arg12[%swap3A_65, %swap3A_66] {strides = array<i32>} : memref<128x128xf32, #tpu.memory_space<vmem>>, vector<1x16xf32>,
        %swap3A_68 = vector.shape_cast %swap3A_67 : vector<1x16xf32> to vector<16xf32>
        %swap3A_69 = vector.shape_cast %max3A_64 : vector<16xf32> to vector<1x16xf32>
        tpu.vector_store %arg12[%swap3A_65, %swap3A_66], %swap3A_69 {strides = array<i32>} : memref<128x128xf32, #tpu.memory_space<vmem>>, vector<1x16xf32>,
        %get3A_70 = arith.index_cast %scan3A_28 : i32 to index
        %get3A_71 = arith.constant 32 : index
        %get3A_72 = tpu.vector_load %arg10[%get3A_70, %get3A_71] {strides = array<i32>} : memref<128x128xf32, #tpu.memory_space<vmem>>, vector<1x16xf32>,
        %get3A_73 = vector.shape_cast %get3A_72 : vector<1x16xf32> to vector<16xf32>
        %get3A_74 = arith.index_cast %scan3A_28 : i32 to index
        %get3A_75 = arith.constant 32 : index
        %get3A_76 = tpu.vector_load %arg11[%get3A_74, %get3A_75] {strides = array<i32>} : memref<128x128xf32, #tpu.memory_space<vmem>>, vector<1x16xf32>,
        %get3A_77 = vector.shape_cast %get3A_76 : vector<1x16xf32> to vector<16xf32>
        %add3A_78 = arith.addf %get3A_73, %get3A_77 : vector<16xf32>
        %get3A_79 = arith.index_cast %scan3A_28 : i32 to index
        %get3A_80 = arith.constant 32 : index
        %get3A_81 = tpu.vector_load %arg12[%get3A_79, %get3A_80] {strides = array<i32>} : memref<128x128xf32, #tpu.memory_space<vmem>>, vector<1x16xf32>,
        %get3A_82 = vector.shape_cast %get3A_81 : vector<1x16xf32> to vector<16xf32>
        %add3A_83 = arith.addf %add3A_78, %get3A_82 : vector<16xf32>
        %max3A_84 = arith.constant 0.000000e+00 : f32
        %max3A_85 = vector.broadcast %max3A_84 : f32 to vector<16xf32>
        %max3A_86 = arith.maximumf %add3A_83, %max3A_85 : vector<16xf32>
        %swap3A_87 = arith.index_cast %scan3A_28 : i32 to index
        %swap3A_88 = arith.constant 32 : index
        %swap3A_89 = tpu.vector_load %arg12[%swap3A_87, %swap3A_88] {strides = array<i32>} : memref<128x128xf32, #tpu.memory_space<vmem>>, vector<1x16xf32>,
        %swap3A_90 = vector.shape_cast %swap3A_89 : vector<1x16xf32> to vector<16xf32>
        %swap3A_91 = vector.shape_cast %max3A_86 : vector<16xf32> to vector<1x16xf32>
        tpu.vector_store %arg12[%swap3A_87, %swap3A_88], %swap3A_91 {strides = array<i32>} : memref<128x128xf32, #tpu.memory_space<vmem>>, vector<1x16xf32>,
        %get3A_92 = arith.index_cast %scan3A_28 : i32 to index
        %get3A_93 = arith.constant 48 : index
        %get3A_94 = tpu.vector_load %arg10[%get3A_92, %get3A_93] {strides = array<i32>} : memref<128x128xf32, #tpu.memory_space<vmem>>, vector<1x16xf32>,
        %get3A_95 = vector.shape_cast %get3A_94 : vector<1x16xf32> to vector<16xf32>
        %get3A_96 = arith.index_cast %scan3A_28 : i32 to index
        %get3A_97 = arith.constant 48 : index
        %get3A_98 = tpu.vector_load %arg11[%get3A_96, %get3A_97] {strides = array<i32>} : memref<128x128xf32, #tpu.memory_space<vmem>>, vector<1x16xf32>,
        %get3A_99 = vector.shape_cast %get3A_98 : vector<1x16xf32> to vector<16xf32>
        %add3A_100 = arith.addf %get3A_95, %get3A_99 : vector<16xf32>
        %get3A_101 = arith.index_cast %scan3A_28 : i32 to index
        %get3A_102 = arith.constant 48 : index
        %get3A_103 = tpu.vector_load %arg12[%get3A_101, %get3A_102] {strides = array<i32>} : memref<128x128xf32, #tpu.memory_space<vmem>>, vector<1x16xf32>,
        %get3A_104 = vector.shape_cast %get3A_103 : vector<1x16xf32> to vector<16xf32>
        %add3A_105 = arith.addf %add3A_100, %get3A_104 : vector<16xf32>
        %max3A_106 = arith.constant 0.000000e+00 : f32
        %max3A_107 = vector.broadcast %max3A_106 : f32 to vector<16xf32>
        %max3A_108 = arith.maximumf %add3A_105, %max3A_107 : vector<16xf32>
        %swap3A_109 = arith.index_cast %scan3A_28 : i32 to index
        %swap3A_110 = arith.constant 48 : index
        %swap3A_111 = tpu.vector_load %arg12[%swap3A_109, %swap3A_110] {strides = array<i32>} : memref<128x128xf32, #tpu.memory_space<vmem>>, vector<1x16xf32>,
        %swap3A_112 = vector.shape_cast %swap3A_111 : vector<1x16xf32> to vector<16xf32>
        %swap3A_113 = vector.shape_cast %max3A_108 : vector<16xf32> to vector<1x16xf32>
        tpu.vector_store %arg12[%swap3A_109, %swap3A_110], %swap3A_113 {strides = array<i32>} : memref<128x128xf32, #tpu.memory_space<vmem>>, vector<1x16xf32>,
        %get3A_114 = arith.index_cast %scan3A_28 : i32 to index
        %get3A_115 = arith.constant 64 : index
        %get3A_116 = tpu.vector_load %arg10[%get3A_114, %get3A_115] {strides = array<i32>} : memref<128x128xf32, #tpu.memory_space<vmem>>, vector<1x16xf32>,
        %get3A_117 = vector.shape_cast %get3A_116 : vector<1x16xf32> to vector<16xf32>
        %get3A_118 = arith.index_cast %scan3A_28 : i32 to index
        %get3A_119 = arith.constant 64 : index
        %get3A_120 = tpu.vector_load %arg11[%get3A_118, %get3A_119] {strides = array<i32>} : memref<128x128xf32, #tpu.memory_space<vmem>>, vector<1x16xf32>,
        %get3A_121 = vector.shape_cast %get3A_120 : vector<1x16xf32> to vector<16xf32>
        %add3A_122 = arith.addf %get3A_117, %get3A_121 : vector<16xf32>
        %get3A_123 = arith.index_cast %scan3A_28 : i32 to index
        %get3A_124 = arith.constant 64 : index
        %get3A_125 = tpu.vector_load %arg12[%get3A_123, %get3A_124] {strides = array<i32>} : memref<128x128xf32, #tpu.memory_space<vmem>>, vector<1x16xf32>,
        %get3A_126 = vector.shape_cast %get3A_125 : vector<1x16xf32> to vector<16xf32>
        %add3A_127 = arith.addf %add3A_122, %get3A_126 : vector<16xf32>
        %max3A_128 = arith.constant 0.000000e+00 : f32
        %max3A_129 = vector.broadcast %max3A_128 : f32 to vector<16xf32>
        %max3A_130 = arith.maximumf %add3A_127, %max3A_129 : vector<16xf32>
        %swap3A_131 = arith.index_cast %scan3A_28 : i32 to index
        %swap3A_132 = arith.constant 64 : index
        %swap3A_133 = tpu.vector_load %arg12[%swap3A_131, %swap3A_132] {strides = array<i32>} : memref<128x128xf32, #tpu.memory_space<vmem>>, vector<1x16xf32>,
        %swap3A_134 = vector.shape_cast %swap3A_133 : vector<1x16xf32> to vector<16xf32>
        %swap3A_135 = vector.shape_cast %max3A_130 : vector<16xf32> to vector<1x16xf32>
        tpu.vector_store %arg12[%swap3A_131, %swap3A_132], %swap3A_135 {strides = array<i32>} : memref<128x128xf32, #tpu.memory_space<vmem>>, vector<1x16xf32>,
        %get3A_136 = arith.index_cast %scan3A_28 : i32 to index
        %get3A_137 = arith.constant 80 : index
        %get3A_138 = tpu.vector_load %arg10[%get3A_136, %get3A_137] {strides = array<i32>} : memref<128x128xf32, #tpu.memory_space<vmem>>, vector<1x16xf32>,
        %get3A_139 = vector.shape_cast %get3A_138 : vector<1x16xf32> to vector<16xf32>
        %get3A_140 = arith.index_cast %scan3A_28 : i32 to index
        %get3A_141 = arith.constant 80 : index
        %get3A_142 = tpu.vector_load %arg11[%get3A_140, %get3A_141] {strides = array<i32>} : memref<128x128xf32, #tpu.memory_space<vmem>>, vector<1x16xf32>,
        %get3A_143 = vector.shape_cast %get3A_142 : vector<1x16xf32> to vector<16xf32>
        %add3A_144 = arith.addf %get3A_139, %get3A_143 : vector<16xf32>
        %get3A_145 = arith.index_cast %scan3A_28 : i32 to index
        %get3A_146 = arith.constant 80 : index
        %get3A_147 = tpu.vector_load %arg12[%get3A_145, %get3A_146] {strides = array<i32>} : memref<128x128xf32, #tpu.memory_space<vmem>>, vector<1x16xf32>,
        %get3A_148 = vector.shape_cast %get3A_147 : vector<1x16xf32> to vector<16xf32>
        %add3A_149 = arith.addf %add3A_144, %get3A_148 : vector<16xf32>
        %max3A_150 = arith.constant 0.000000e+00 : f32
        %max3A_151 = vector.broadcast %max3A_150 : f32 to vector<16xf32>
        %max3A_152 = arith.maximumf %add3A_149, %max3A_151 : vector<16xf32>
        %swap3A_153 = arith.index_cast %scan3A_28 : i32 to index
        %swap3A_154 = arith.constant 80 : index
        %swap3A_155 = tpu.vector_load %arg12[%swap3A_153, %swap3A_154] {strides = array<i32>} : memref<128x128xf32, #tpu.memory_space<vmem>>, vector<1x16xf32>,
        %swap3A_156 = vector.shape_cast %swap3A_155 : vector<1x16xf32> to vector<16xf32>
        %swap3A_157 = vector.shape_cast %max3A_152 : vector<16xf32> to vector<1x16xf32>
        tpu.vector_store %arg12[%swap3A_153, %swap3A_154], %swap3A_157 {strides = array<i32>} : memref<128x128xf32, #tpu.memory_space<vmem>>, vector<1x16xf32>,
        %get3A_158 = arith.index_cast %scan3A_28 : i32 to index
        %get3A_159 = arith.constant 96 : index
        %get3A_160 = tpu.vector_load %arg10[%get3A_158, %get3A_159] {strides = array<i32>} : memref<128x128xf32, #tpu.memory_space<vmem>>, vector<1x16xf32>,
        %get3A_161 = vector.shape_cast %get3A_160 : vector<1x16xf32> to vector<16xf32>
        %get3A_162 = arith.index_cast %scan3A_28 : i32 to index
        %get3A_163 = arith.constant 96 : index
        %get3A_164 = tpu.vector_load %arg11[%get3A_162, %get3A_163] {strides = array<i32>} : memref<128x128xf32, #tpu.memory_space<vmem>>, vector<1x16xf32>,
        %get3A_165 = vector.shape_cast %get3A_164 : vector<1x16xf32> to vector<16xf32>
        %add3A_166 = arith.addf %get3A_161, %get3A_165 : vector<16xf32>
        %get3A_167 = arith.index_cast %scan3A_28 : i32 to index
        %get3A_168 = arith.constant 96 : index
        %get3A_169 = tpu.vector_load %arg12[%get3A_167, %get3A_168] {strides = array<i32>} : memref<128x128xf32, #tpu.memory_space<vmem>>, vector<1x16xf32>,
        %get3A_170 = vector.shape_cast %get3A_169 : vector<1x16xf32> to vector<16xf32>
        %add3A_171 = arith.addf %add3A_166, %get3A_170 : vector<16xf32>
        %max3A_172 = arith.constant 0.000000e+00 : f32
        %max3A_173 = vector.broadcast %max3A_172 : f32 to vector<16xf32>
        %max3A_174 = arith.maximumf %add3A_171, %max3A_173 : vector<16xf32>
        %swap3A_175 = arith.index_cast %scan3A_28 : i32 to index
        %swap3A_176 = arith.constant 96 : index
        %swap3A_177 = tpu.vector_load %arg12[%swap3A_175, %swap3A_176] {strides = array<i32>} : memref<128x128xf32, #tpu.memory_space<vmem>>, vector<1x16xf32>,
        %swap3A_178 = vector.shape_cast %swap3A_177 : vector<1x16xf32> to vector<16xf32>
        %swap3A_179 = vector.shape_cast %max3A_174 : vector<16xf32> to vector<1x16xf32>
        tpu.vector_store %arg12[%swap3A_175, %swap3A_176], %swap3A_179 {strides = array<i32>} : memref<128x128xf32, #tpu.memory_space<vmem>>, vector<1x16xf32>,
        %get3A_180 = arith.index_cast %scan3A_28 : i32 to index
        %get3A_181 = arith.constant 112 : index
        %get3A_182 = tpu.vector_load %arg10[%get3A_180, %get3A_181] {strides = array<i32>} : memref<128x128xf32, #tpu.memory_space<vmem>>, vector<1x16xf32>,
        %get3A_183 = vector.shape_cast %get3A_182 : vector<1x16xf32> to vector<16xf32>
        %get3A_184 = arith.index_cast %scan3A_28 : i32 to index
        %get3A_185 = arith.constant 112 : index
        %get3A_186 = tpu.vector_load %arg11[%get3A_184, %get3A_185] {strides = array<i32>} : memref<128x128xf32, #tpu.memory_space<vmem>>, vector<1x16xf32>,
        %get3A_187 = vector.shape_cast %get3A_186 : vector<1x16xf32> to vector<16xf32>
        %add3A_188 = arith.addf %get3A_183, %get3A_187 : vector<16xf32>
        %get3A_189 = arith.index_cast %scan3A_28 : i32 to index
        %get3A_190 = arith.constant 112 : index
        %get3A_191 = tpu.vector_load %arg12[%get3A_189, %get3A_190] {strides = array<i32>} : memref<128x128xf32, #tpu.memory_space<vmem>>, vector<1x16xf32>,
        %get3A_192 = vector.shape_cast %get3A_191 : vector<1x16xf32> to vector<16xf32>
        %add3A_193 = arith.addf %add3A_188, %get3A_192 : vector<16xf32>
        %max3A_194 = arith.constant 0.000000e+00 : f32
        %max3A_195 = vector.broadcast %max3A_194 : f32 to vector<16xf32>
        %max3A_196 = arith.maximumf %add3A_193, %max3A_195 : vector<16xf32>
        %swap3A_197 = arith.index_cast %scan3A_28 : i32 to index
        %swap3A_198 = arith.constant 112 : index
        %swap3A_199 = tpu.vector_load %arg12[%swap3A_197, %swap3A_198] {strides = array<i32>} : memref<128x128xf32, #tpu.memory_space<vmem>>, vector<1x16xf32>,
        %swap3A_200 = vector.shape_cast %swap3A_199 : vector<1x16xf32> to vector<16xf32>
        %swap3A_201 = vector.shape_cast %max3A_196 : vector<16xf32> to vector<1x16xf32>
        tpu.vector_store %arg12[%swap3A_197, %swap3A_198], %swap3A_201 {strides = array<i32>} : memref<128x128xf32, #tpu.memory_space<vmem>>, vector<1x16xf32>,
      }
      %scan3A_27 = arith.constant 128 : i32
      "tpu.region"() ({
        %run_scoped3A = tpu.sem_alloc : memref<!tpu.dma_semaphore, #tpu.memory_space<semaphore_mem>>
        %dma_start3A_28 = arith.constant 0 : i32
        %dma_start3A_29 = tpu.memref_slice %arg7[%multiple_of3A, %dma_start3A_28] : memref<802816x128xf32, #tpu.memory_space<hbm>> -> memref<128x128xf32, #tpu.memory_space<hbm>>
        %dma_start3A_30 = arith.constant 0 : i32
        %dma_start3A_31 = tpu.memref_slice %arg7[%multiple_of3A, %dma_start3A_30] : memref<802816x128xf32, #tpu.memory_space<hbm>> -> memref<128x128xf32, #tpu.memory_space<hbm>>
        tpu.enqueue_dma source(%arg12 : memref<128x128xf32, #tpu.memory_space<vmem>>) target(%dma_start3A_31 : memref<128x128xf32, #tpu.memory_space<hbm>>) target_semaphore(%run_scoped3A : memref<!tpu.dma_semaphore, #tpu.memory_space<semaphore_mem>>)
        %dma_wait3A_32 = arith.constant 0 : i32
        %dma_wait3A_33 = tpu.memref_slice %arg7[%multiple_of3A, %dma_wait3A_32] : memref<802816x128xf32, #tpu.memory_space<hbm>> -> memref<128x128xf32, #tpu.memory_space<hbm>>
        %dma_wait3A_34 = arith.constant 0 : i32
        %dma_wait3A_35 = tpu.memref_slice %arg7[%multiple_of3A, %dma_wait3A_34] : memref<802816x128xf32, #tpu.memory_space<hbm>> -> memref<128x128xf32, #tpu.memory_space<hbm>>
        tpu.wait_dma2 semaphore(%run_scoped3A : memref<!tpu.dma_semaphore, #tpu.memory_space<semaphore_mem>>) src(%arg12 : memref<128x128xf32, #tpu.memory_space<vmem>>) dst(%dma_wait3A_35 : memref<128x128xf32, #tpu.memory_space<hbm>>)
        tpu.yield
      }) : () -> ()
    }
    %scan3A_7 = arith.constant 196 : i32
    return
  }
}

#map = affine_map<(d0, d1) -> (0, 0)>
#map1 = affine_map<(d0, d1) -> (0)>
module attributes {stable_mosaic.version = 14 : i64} {
  func.func @k(%arg0: i32, %arg1: i32, %arg2: memref<802816x128xf32, #tpu.memory_space<hbm>>, %arg3: memref<802816xi32, #tpu.memory_space<hbm>>, %arg4: memref<50176x128xf32, #tpu.memory_space<hbm>>, %arg5: memref<50176x128xf32, #tpu.memory_space<hbm>>, %arg6: memref<14088x128xf32, #tpu.memory_space<vmem_shared>>, %arg7: memref<128xi32, #tpu.memory_space<vmem>>, %arg8: memref<128xi32, #tpu.memory_space<vmem>>, %arg9: memref<128x128xf32, #tpu.memory_space<vmem>>) attributes {dimension_semantics = [#tpu.dimension_semantics<core_parallel>, #tpu.dimension_semantics<subcore_parallel>], iteration_bounds = array<i64: 2, 16>, scalar_prefetch = 0 : i64, scratch_operands = 4 : i64, tpu.core_type = #tpu.core_type<sc_vector_subcore>, window_params = [{transform_indices = #map}, {transform_indices = #map1}, {transform_indices = #map}, {transform_indices = #map}]} {
    %eq3A = arith.constant 0 : i32
    %eq3A_0 = arith.cmpi eq, %arg0, %eq3A : i32
    %convert_element_type3A = arith.extui %eq3A_0 : i1 to i32
    %cond3A = arith.constant 0 : i32
    %cond3A_1 = arith.cmpi ne, %convert_element_type3A, %cond3A : i32
    scf.if %cond3A_1 {
      %mul3A = arith.constant 880 : i32
      %mul3A_17 = arith.muli %arg1, %mul3A : i32
      %add3A = arith.constant 0 : i32
      %add3A_18 = arith.addi %add3A, %mul3A_17 : i32
      %mul3A_19 = arith.constant 880 : i32
      %mul3A_20 = arith.muli %arg1, %mul3A_19 : i32
      "tpu.region"() ({
        %run_scoped3A = tpu.sem_alloc : memref<!tpu.dma_semaphore, #tpu.memory_space<semaphore_mem>>
        %dma_start3A = arith.constant 0 : i32
        %dma_start3A_34 = tpu.memref_slice %arg6[%mul3A_20, %dma_start3A] : memref<14088x128xf32, #tpu.memory_space<vmem_shared>> -> memref<880x128xf32, #tpu.memory_space<vmem_shared>>
        %dma_start3A_35 = arith.constant 0 : i32
        %dma_start3A_36 = tpu.memref_slice %arg4[%add3A_18, %dma_start3A_35] : memref<50176x128xf32, #tpu.memory_space<hbm>> -> memref<880x128xf32, #tpu.memory_space<hbm>>
        tpu.enqueue_dma source(%dma_start3A_36 : memref<880x128xf32, #tpu.memory_space<hbm>>) target(%dma_start3A_34 : memref<880x128xf32, #tpu.memory_space<vmem_shared>>) target_semaphore(%run_scoped3A : memref<!tpu.dma_semaphore, #tpu.memory_space<semaphore_mem>>)
        %dma_wait3A = arith.constant 0 : i32
        %dma_wait3A_37 = tpu.memref_slice %arg6[%mul3A_20, %dma_wait3A] : memref<14088x128xf32, #tpu.memory_space<vmem_shared>> -> memref<880x128xf32, #tpu.memory_space<vmem_shared>>
        %dma_wait3A_38 = arith.constant 0 : i32
        %dma_wait3A_39 = tpu.memref_slice %arg4[%add3A_18, %dma_wait3A_38] : memref<50176x128xf32, #tpu.memory_space<hbm>> -> memref<880x128xf32, #tpu.memory_space<hbm>>
        tpu.wait_dma2 semaphore(%run_scoped3A : memref<!tpu.dma_semaphore, #tpu.memory_space<semaphore_mem>>) src(%dma_wait3A_39 : memref<880x128xf32, #tpu.memory_space<hbm>>) dst(%dma_wait3A_37 : memref<880x128xf32, #tpu.memory_space<vmem_shared>>)
        tpu.yield
      }) : () -> ()
      %barrier3A = arith.constant 0 : index
      tpu.barrier barrier_id(%barrier3A)
      %scan3A = arith.constant 0 : i32
      %scan3A_21 = arith.constant 0 : i32
      %scan3A_22 = arith.constant 392 : i32
      %scan3A_23 = arith.addi %scan3A_21, %scan3A_22 : i32
      %scan3A_24 = arith.constant 1 : i32
      scf.for %scan3A_34 = %scan3A_21 to %scan3A_23 step %scan3A_24  : i32 {
        %mul3A_35 = arith.constant 50176 : i32
        %mul3A_36 = arith.muli %arg1, %mul3A_35 : i32
        %mul3A_37 = arith.constant 128 : i32
        %mul3A_38 = arith.muli %scan3A_34, %mul3A_37 : i32
        %add3A_39 = arith.addi %mul3A_36, %mul3A_38 : i32
        %multiple_of3A = tpu.assume_multiple %add3A_39, 128 : i32
        "tpu.region"() ({
          %run_scoped3A = tpu.sem_alloc : memref<!tpu.dma_semaphore, #tpu.memory_space<semaphore_mem>>
          %dma_start3A = tpu.memref_slice %arg3[%multiple_of3A] : memref<802816xi32, #tpu.memory_space<hbm>> -> memref<128xi32, #tpu.memory_space<hbm>>
          %dma_start3A_191 = tpu.memref_slice %arg3[%multiple_of3A] : memref<802816xi32, #tpu.memory_space<hbm>> -> memref<128xi32, #tpu.memory_space<hbm>>
          tpu.enqueue_dma source(%dma_start3A_191 : memref<128xi32, #tpu.memory_space<hbm>>) target(%arg7 : memref<128xi32, #tpu.memory_space<vmem>>) target_semaphore(%run_scoped3A : memref<!tpu.dma_semaphore, #tpu.memory_space<semaphore_mem>>)
          %dma_wait3A = tpu.memref_slice %arg3[%multiple_of3A] : memref<802816xi32, #tpu.memory_space<hbm>> -> memref<128xi32, #tpu.memory_space<hbm>>
          %dma_wait3A_192 = tpu.memref_slice %arg3[%multiple_of3A] : memref<802816xi32, #tpu.memory_space<hbm>> -> memref<128xi32, #tpu.memory_space<hbm>>
          tpu.wait_dma2 semaphore(%run_scoped3A : memref<!tpu.dma_semaphore, #tpu.memory_space<semaphore_mem>>) src(%dma_wait3A_192 : memref<128xi32, #tpu.memory_space<hbm>>) dst(%arg7 : memref<128xi32, #tpu.memory_space<vmem>>)
          tpu.yield
        }) : () -> ()
        "tpu.region"() ({
          %run_scoped3A = tpu.sem_alloc : memref<!tpu.dma_semaphore, #tpu.memory_space<semaphore_mem>>
          %dma_start3A = arith.constant 0 : i32
          %dma_start3A_191 = tpu.memref_slice %arg2[%multiple_of3A, %dma_start3A] : memref<802816x128xf32, #tpu.memory_space<hbm>> -> memref<128x128xf32, #tpu.memory_space<hbm>>
          %dma_start3A_192 = arith.constant 0 : i32
          %dma_start3A_193 = tpu.memref_slice %arg2[%multiple_of3A, %dma_start3A_192] : memref<802816x128xf32, #tpu.memory_space<hbm>> -> memref<128x128xf32, #tpu.memory_space<hbm>>
          tpu.enqueue_dma source(%dma_start3A_193 : memref<128x128xf32, #tpu.memory_space<hbm>>) target(%arg9 : memref<128x128xf32, #tpu.memory_space<vmem>>) target_semaphore(%run_scoped3A : memref<!tpu.dma_semaphore, #tpu.memory_space<semaphore_mem>>)
          %dma_wait3A = arith.constant 0 : i32
          %dma_wait3A_194 = tpu.memref_slice %arg2[%multiple_of3A, %dma_wait3A] : memref<802816x128xf32, #tpu.memory_space<hbm>> -> memref<128x128xf32, #tpu.memory_space<hbm>>
          %dma_wait3A_195 = arith.constant 0 : i32
          %dma_wait3A_196 = tpu.memref_slice %arg2[%multiple_of3A, %dma_wait3A_195] : memref<802816x128xf32, #tpu.memory_space<hbm>> -> memref<128x128xf32, #tpu.memory_space<hbm>>
          tpu.wait_dma2 semaphore(%run_scoped3A : memref<!tpu.dma_semaphore, #tpu.memory_space<semaphore_mem>>) src(%dma_wait3A_196 : memref<128x128xf32, #tpu.memory_space<hbm>>) dst(%arg9 : memref<128x128xf32, #tpu.memory_space<vmem>>)
          tpu.yield
        }) : () -> ()
        %get3A = arith.constant 0 : index
        %get3A_40 = tpu.vector_load %arg7[%get3A] {strides = array<i32>} : memref<128xi32, #tpu.memory_space<vmem>>, vector<16xi32>,
        %get3A_41 = vector.shape_cast %get3A_40 : vector<16xi32> to vector<16xi32>
        %sub3A = arith.constant 0 : i32
        %sub3A_42 = vector.broadcast %sub3A : i32 to vector<16xi32>
        %sub3A_43 = arith.subi %get3A_41, %sub3A_42 : vector<16xi32>
        %ge3A = arith.constant 0 : i32
        %ge3A_44 = vector.broadcast %ge3A : i32 to vector<16xi32>
        %ge3A_45 = arith.cmpi sge, %sub3A_43, %ge3A_44 : vector<16xi32>
        %lt3A = arith.constant 14080 : i32
        %lt3A_46 = vector.broadcast %lt3A : i32 to vector<16xi32>
        %lt3A_47 = arith.cmpi slt, %sub3A_43, %lt3A_46 : vector<16xi32>
        %and3A = arith.andi %ge3A_45, %lt3A_47 : vector<16xi1>
        %jit3A = arith.constant 14080 : i32
        %broadcast_in_dim3A = vector.broadcast %jit3A : i32 to vector<16xi32>
        %select_n3A = arith.select %and3A, %sub3A_43, %broadcast_in_dim3A : vector<16xi1>, vector<16xi32>
        %swap3A = arith.constant 0 : index
        %swap3A_48 = tpu.vector_load %arg8[%swap3A] {strides = array<i32>} : memref<128xi32, #tpu.memory_space<vmem>>, vector<16xi32>,
        %swap3A_49 = vector.shape_cast %swap3A_48 : vector<16xi32> to vector<16xi32>
        %swap3A_50 = vector.shape_cast %select_n3A : vector<16xi32> to vector<16xi32>
        tpu.vector_store %arg8[%swap3A], %swap3A_50 {strides = array<i32>} : memref<128xi32, #tpu.memory_space<vmem>>, vector<16xi32>,
        %get3A_51 = arith.constant 16 : index
        %get3A_52 = tpu.vector_load %arg7[%get3A_51] {strides = array<i32>} : memref<128xi32, #tpu.memory_space<vmem>>, vector<16xi32>,
        %get3A_53 = vector.shape_cast %get3A_52 : vector<16xi32> to vector<16xi32>
        %sub3A_54 = arith.constant 0 : i32
        %sub3A_55 = vector.broadcast %sub3A_54 : i32 to vector<16xi32>
        %sub3A_56 = arith.subi %get3A_53, %sub3A_55 : vector<16xi32>
        %ge3A_57 = arith.constant 0 : i32
        %ge3A_58 = vector.broadcast %ge3A_57 : i32 to vector<16xi32>
        %ge3A_59 = arith.cmpi sge, %sub3A_56, %ge3A_58 : vector<16xi32>
        %lt3A_60 = arith.constant 14080 : i32
        %lt3A_61 = vector.broadcast %lt3A_60 : i32 to vector<16xi32>
        %lt3A_62 = arith.cmpi slt, %sub3A_56, %lt3A_61 : vector<16xi32>
        %and3A_63 = arith.andi %ge3A_59, %lt3A_62 : vector<16xi1>
        %jit3A_64 = arith.constant 14080 : i32
        %broadcast_in_dim3A_65 = vector.broadcast %jit3A_64 : i32 to vector<16xi32>
        %select_n3A_66 = arith.select %and3A_63, %sub3A_56, %broadcast_in_dim3A_65 : vector<16xi1>, vector<16xi32>
        %swap3A_67 = arith.constant 16 : index
        %swap3A_68 = tpu.vector_load %arg8[%swap3A_67] {strides = array<i32>} : memref<128xi32, #tpu.memory_space<vmem>>, vector<16xi32>,
        %swap3A_69 = vector.shape_cast %swap3A_68 : vector<16xi32> to vector<16xi32>
        %swap3A_70 = vector.shape_cast %select_n3A_66 : vector<16xi32> to vector<16xi32>
        tpu.vector_store %arg8[%swap3A_67], %swap3A_70 {strides = array<i32>} : memref<128xi32, #tpu.memory_space<vmem>>, vector<16xi32>,
        %get3A_71 = arith.constant 32 : index
        %get3A_72 = tpu.vector_load %arg7[%get3A_71] {strides = array<i32>} : memref<128xi32, #tpu.memory_space<vmem>>, vector<16xi32>,
        %get3A_73 = vector.shape_cast %get3A_72 : vector<16xi32> to vector<16xi32>
        %sub3A_74 = arith.constant 0 : i32
        %sub3A_75 = vector.broadcast %sub3A_74 : i32 to vector<16xi32>
        %sub3A_76 = arith.subi %get3A_73, %sub3A_75 : vector<16xi32>
        %ge3A_77 = arith.constant 0 : i32
        %ge3A_78 = vector.broadcast %ge3A_77 : i32 to vector<16xi32>
        %ge3A_79 = arith.cmpi sge, %sub3A_76, %ge3A_78 : vector<16xi32>
        %lt3A_80 = arith.constant 14080 : i32
        %lt3A_81 = vector.broadcast %lt3A_80 : i32 to vector<16xi32>
        %lt3A_82 = arith.cmpi slt, %sub3A_76, %lt3A_81 : vector<16xi32>
        %and3A_83 = arith.andi %ge3A_79, %lt3A_82 : vector<16xi1>
        %jit3A_84 = arith.constant 14080 : i32
        %broadcast_in_dim3A_85 = vector.broadcast %jit3A_84 : i32 to vector<16xi32>
        %select_n3A_86 = arith.select %and3A_83, %sub3A_76, %broadcast_in_dim3A_85 : vector<16xi1>, vector<16xi32>
        %swap3A_87 = arith.constant 32 : index
        %swap3A_88 = tpu.vector_load %arg8[%swap3A_87] {strides = array<i32>} : memref<128xi32, #tpu.memory_space<vmem>>, vector<16xi32>,
        %swap3A_89 = vector.shape_cast %swap3A_88 : vector<16xi32> to vector<16xi32>
        %swap3A_90 = vector.shape_cast %select_n3A_86 : vector<16xi32> to vector<16xi32>
        tpu.vector_store %arg8[%swap3A_87], %swap3A_90 {strides = array<i32>} : memref<128xi32, #tpu.memory_space<vmem>>, vector<16xi32>,
        %get3A_91 = arith.constant 48 : index
        %get3A_92 = tpu.vector_load %arg7[%get3A_91] {strides = array<i32>} : memref<128xi32, #tpu.memory_space<vmem>>, vector<16xi32>,
        %get3A_93 = vector.shape_cast %get3A_92 : vector<16xi32> to vector<16xi32>
        %sub3A_94 = arith.constant 0 : i32
        %sub3A_95 = vector.broadcast %sub3A_94 : i32 to vector<16xi32>
        %sub3A_96 = arith.subi %get3A_93, %sub3A_95 : vector<16xi32>
        %ge3A_97 = arith.constant 0 : i32
        %ge3A_98 = vector.broadcast %ge3A_97 : i32 to vector<16xi32>
        %ge3A_99 = arith.cmpi sge, %sub3A_96, %ge3A_98 : vector<16xi32>
        %lt3A_100 = arith.constant 14080 : i32
        %lt3A_101 = vector.broadcast %lt3A_100 : i32 to vector<16xi32>
        %lt3A_102 = arith.cmpi slt, %sub3A_96, %lt3A_101 : vector<16xi32>
        %and3A_103 = arith.andi %ge3A_99, %lt3A_102 : vector<16xi1>
        %jit3A_104 = arith.constant 14080 : i32
        %broadcast_in_dim3A_105 = vector.broadcast %jit3A_104 : i32 to vector<16xi32>
        %select_n3A_106 = arith.select %and3A_103, %sub3A_96, %broadcast_in_dim3A_105 : vector<16xi1>, vector<16xi32>
        %swap3A_107 = arith.constant 48 : index
        %swap3A_108 = tpu.vector_load %arg8[%swap3A_107] {strides = array<i32>} : memref<128xi32, #tpu.memory_space<vmem>>, vector<16xi32>,
        %swap3A_109 = vector.shape_cast %swap3A_108 : vector<16xi32> to vector<16xi32>
        %swap3A_110 = vector.shape_cast %select_n3A_106 : vector<16xi32> to vector<16xi32>
        tpu.vector_store %arg8[%swap3A_107], %swap3A_110 {strides = array<i32>} : memref<128xi32, #tpu.memory_space<vmem>>, vector<16xi32>,
        %get3A_111 = arith.constant 64 : index
        %get3A_112 = tpu.vector_load %arg7[%get3A_111] {strides = array<i32>} : memref<128xi32, #tpu.memory_space<vmem>>, vector<16xi32>,
        %get3A_113 = vector.shape_cast %get3A_112 : vector<16xi32> to vector<16xi32>
        %sub3A_114 = arith.constant 0 : i32
        %sub3A_115 = vector.broadcast %sub3A_114 : i32 to vector<16xi32>
        %sub3A_116 = arith.subi %get3A_113, %sub3A_115 : vector<16xi32>
        %ge3A_117 = arith.constant 0 : i32
        %ge3A_118 = vector.broadcast %ge3A_117 : i32 to vector<16xi32>
        %ge3A_119 = arith.cmpi sge, %sub3A_116, %ge3A_118 : vector<16xi32>
        %lt3A_120 = arith.constant 14080 : i32
        %lt3A_121 = vector.broadcast %lt3A_120 : i32 to vector<16xi32>
        %lt3A_122 = arith.cmpi slt, %sub3A_116, %lt3A_121 : vector<16xi32>
        %and3A_123 = arith.andi %ge3A_119, %lt3A_122 : vector<16xi1>
        %jit3A_124 = arith.constant 14080 : i32
        %broadcast_in_dim3A_125 = vector.broadcast %jit3A_124 : i32 to vector<16xi32>
        %select_n3A_126 = arith.select %and3A_123, %sub3A_116, %broadcast_in_dim3A_125 : vector<16xi1>, vector<16xi32>
        %swap3A_127 = arith.constant 64 : index
        %swap3A_128 = tpu.vector_load %arg8[%swap3A_127] {strides = array<i32>} : memref<128xi32, #tpu.memory_space<vmem>>, vector<16xi32>,
        %swap3A_129 = vector.shape_cast %swap3A_128 : vector<16xi32> to vector<16xi32>
        %swap3A_130 = vector.shape_cast %select_n3A_126 : vector<16xi32> to vector<16xi32>
        tpu.vector_store %arg8[%swap3A_127], %swap3A_130 {strides = array<i32>} : memref<128xi32, #tpu.memory_space<vmem>>, vector<16xi32>,
        %get3A_131 = arith.constant 80 : index
        %get3A_132 = tpu.vector_load %arg7[%get3A_131] {strides = array<i32>} : memref<128xi32, #tpu.memory_space<vmem>>, vector<16xi32>,
        %get3A_133 = vector.shape_cast %get3A_132 : vector<16xi32> to vector<16xi32>
        %sub3A_134 = arith.constant 0 : i32
        %sub3A_135 = vector.broadcast %sub3A_134 : i32 to vector<16xi32>
        %sub3A_136 = arith.subi %get3A_133, %sub3A_135 : vector<16xi32>
        %ge3A_137 = arith.constant 0 : i32
        %ge3A_138 = vector.broadcast %ge3A_137 : i32 to vector<16xi32>
        %ge3A_139 = arith.cmpi sge, %sub3A_136, %ge3A_138 : vector<16xi32>
        %lt3A_140 = arith.constant 14080 : i32
        %lt3A_141 = vector.broadcast %lt3A_140 : i32 to vector<16xi32>
        %lt3A_142 = arith.cmpi slt, %sub3A_136, %lt3A_141 : vector<16xi32>
        %and3A_143 = arith.andi %ge3A_139, %lt3A_142 : vector<16xi1>
        %jit3A_144 = arith.constant 14080 : i32
        %broadcast_in_dim3A_145 = vector.broadcast %jit3A_144 : i32 to vector<16xi32>
        %select_n3A_146 = arith.select %and3A_143, %sub3A_136, %broadcast_in_dim3A_145 : vector<16xi1>, vector<16xi32>
        %swap3A_147 = arith.constant 80 : index
        %swap3A_148 = tpu.vector_load %arg8[%swap3A_147] {strides = array<i32>} : memref<128xi32, #tpu.memory_space<vmem>>, vector<16xi32>,
        %swap3A_149 = vector.shape_cast %swap3A_148 : vector<16xi32> to vector<16xi32>
        %swap3A_150 = vector.shape_cast %select_n3A_146 : vector<16xi32> to vector<16xi32>
        tpu.vector_store %arg8[%swap3A_147], %swap3A_150 {strides = array<i32>} : memref<128xi32, #tpu.memory_space<vmem>>, vector<16xi32>,
        %get3A_151 = arith.constant 96 : index
        %get3A_152 = tpu.vector_load %arg7[%get3A_151] {strides = array<i32>} : memref<128xi32, #tpu.memory_space<vmem>>, vector<16xi32>,
        %get3A_153 = vector.shape_cast %get3A_152 : vector<16xi32> to vector<16xi32>
        %sub3A_154 = arith.constant 0 : i32
        %sub3A_155 = vector.broadcast %sub3A_154 : i32 to vector<16xi32>
        %sub3A_156 = arith.subi %get3A_153, %sub3A_155 : vector<16xi32>
        %ge3A_157 = arith.constant 0 : i32
        %ge3A_158 = vector.broadcast %ge3A_157 : i32 to vector<16xi32>
        %ge3A_159 = arith.cmpi sge, %sub3A_156, %ge3A_158 : vector<16xi32>
        %lt3A_160 = arith.constant 14080 : i32
        %lt3A_161 = vector.broadcast %lt3A_160 : i32 to vector<16xi32>
        %lt3A_162 = arith.cmpi slt, %sub3A_156, %lt3A_161 : vector<16xi32>
        %and3A_163 = arith.andi %ge3A_159, %lt3A_162 : vector<16xi1>
        %jit3A_164 = arith.constant 14080 : i32
        %broadcast_in_dim3A_165 = vector.broadcast %jit3A_164 : i32 to vector<16xi32>
        %select_n3A_166 = arith.select %and3A_163, %sub3A_156, %broadcast_in_dim3A_165 : vector<16xi1>, vector<16xi32>
        %swap3A_167 = arith.constant 96 : index
        %swap3A_168 = tpu.vector_load %arg8[%swap3A_167] {strides = array<i32>} : memref<128xi32, #tpu.memory_space<vmem>>, vector<16xi32>,
        %swap3A_169 = vector.shape_cast %swap3A_168 : vector<16xi32> to vector<16xi32>
        %swap3A_170 = vector.shape_cast %select_n3A_166 : vector<16xi32> to vector<16xi32>
        tpu.vector_store %arg8[%swap3A_167], %swap3A_170 {strides = array<i32>} : memref<128xi32, #tpu.memory_space<vmem>>, vector<16xi32>,
        %get3A_171 = arith.constant 112 : index
        %get3A_172 = tpu.vector_load %arg7[%get3A_171] {strides = array<i32>} : memref<128xi32, #tpu.memory_space<vmem>>, vector<16xi32>,
        %get3A_173 = vector.shape_cast %get3A_172 : vector<16xi32> to vector<16xi32>
        %sub3A_174 = arith.constant 0 : i32
        %sub3A_175 = vector.broadcast %sub3A_174 : i32 to vector<16xi32>
        %sub3A_176 = arith.subi %get3A_173, %sub3A_175 : vector<16xi32>
        %ge3A_177 = arith.constant 0 : i32
        %ge3A_178 = vector.broadcast %ge3A_177 : i32 to vector<16xi32>
        %ge3A_179 = arith.cmpi sge, %sub3A_176, %ge3A_178 : vector<16xi32>
        %lt3A_180 = arith.constant 14080 : i32
        %lt3A_181 = vector.broadcast %lt3A_180 : i32 to vector<16xi32>
        %lt3A_182 = arith.cmpi slt, %sub3A_176, %lt3A_181 : vector<16xi32>
        %and3A_183 = arith.andi %ge3A_179, %lt3A_182 : vector<16xi1>
        %jit3A_184 = arith.constant 14080 : i32
        %broadcast_in_dim3A_185 = vector.broadcast %jit3A_184 : i32 to vector<16xi32>
        %select_n3A_186 = arith.select %and3A_183, %sub3A_176, %broadcast_in_dim3A_185 : vector<16xi1>, vector<16xi32>
        %swap3A_187 = arith.constant 112 : index
        %swap3A_188 = tpu.vector_load %arg8[%swap3A_187] {strides = array<i32>} : memref<128xi32, #tpu.memory_space<vmem>>, vector<16xi32>,
        %swap3A_189 = vector.shape_cast %swap3A_188 : vector<16xi32> to vector<16xi32>
        %swap3A_190 = vector.shape_cast %select_n3A_186 : vector<16xi32> to vector<16xi32>
        tpu.vector_store %arg8[%swap3A_187], %swap3A_190 {strides = array<i32>} : memref<128xi32, #tpu.memory_space<vmem>>, vector<16xi32>,
        "tpu.region"() ({
          %run_scoped3A = tpu.sem_alloc : memref<!tpu.dma_semaphore, #tpu.memory_space<semaphore_mem>>
          %dma_start3A = arith.constant 0 : i32
          %dma_start3A_191 = arith.constant 0 : i32
          %dma_start3A_192 = tpu.memref_slice %arg6[%dma_start3A, %dma_start3A_191] : memref<14088x128xf32, #tpu.memory_space<vmem_shared>> -> memref<14088x128xf32, #tpu.memory_space<vmem_shared>>
          tpu.enqueue_indirect_dma source(%arg9 : memref<128x128xf32, #tpu.memory_space<vmem>>) target(%dma_start3A_192 : memref<14088x128xf32, #tpu.memory_space<vmem_shared>>) offsets(%arg8 : memref<128xi32, #tpu.memory_space<vmem>>) semaphore(%run_scoped3A : memref<!tpu.dma_semaphore, #tpu.memory_space<semaphore_mem>>) {add = true}
          %dma_wait3A = arith.constant 0 : i32
          %dma_wait3A_193 = arith.constant 0 : i32
          %dma_wait3A_194 = tpu.memref_slice %arg6[%dma_wait3A, %dma_wait3A_193] : memref<14088x128xf32, #tpu.memory_space<vmem_shared>> -> memref<14088x128xf32, #tpu.memory_space<vmem_shared>>
          tpu.wait_indirect_dma semaphore(%run_scoped3A : memref<!tpu.dma_semaphore, #tpu.memory_space<semaphore_mem>>) src(%arg9 : memref<128x128xf32, #tpu.memory_space<vmem>>) dst(%dma_wait3A_194 : memref<14088x128xf32, #tpu.memory_space<vmem_shared>>)
          tpu.yield
        }) : () -> ()
      }
      %scan3A_25 = arith.constant 392 : i32
      %barrier3A_26 = arith.constant 0 : index
      tpu.barrier barrier_id(%barrier3A_26)
      %mul3A_27 = arith.constant 880 : i32
      %mul3A_28 = arith.muli %arg1, %mul3A_27 : i32
      %mul3A_29 = arith.constant 880 : i32
      %mul3A_30 = arith.muli %arg1, %mul3A_29 : i32
      %add3A_31 = arith.constant 0 : i32
      %add3A_32 = arith.addi %add3A_31, %mul3A_30 : i32
      "tpu.region"() ({
        %run_scoped3A = tpu.sem_alloc : memref<!tpu.dma_semaphore, #tpu.memory_space<semaphore_mem>>
        %dma_start3A = arith.constant 0 : i32
        %dma_start3A_34 = tpu.memref_slice %arg5[%add3A_32, %dma_start3A] : memref<50176x128xf32, #tpu.memory_space<hbm>> -> memref<880x128xf32, #tpu.memory_space<hbm>>
        %dma_start3A_35 = arith.constant 0 : i32
        %dma_start3A_36 = tpu.memref_slice %arg6[%mul3A_28, %dma_start3A_35] : memref<14088x128xf32, #tpu.memory_space<vmem_shared>> -> memref<880x128xf32, #tpu.memory_space<vmem_shared>>
        tpu.enqueue_dma source(%dma_start3A_36 : memref<880x128xf32, #tpu.memory_space<vmem_shared>>) target(%dma_start3A_34 : memref<880x128xf32, #tpu.memory_space<hbm>>) target_semaphore(%run_scoped3A : memref<!tpu.dma_semaphore, #tpu.memory_space<semaphore_mem>>)
        %dma_wait3A = arith.constant 0 : i32
        %dma_wait3A_37 = tpu.memref_slice %arg5[%add3A_32, %dma_wait3A] : memref<50176x128xf32, #tpu.memory_space<hbm>> -> memref<880x128xf32, #tpu.memory_space<hbm>>
        %dma_wait3A_38 = arith.constant 0 : i32
        %dma_wait3A_39 = tpu.memref_slice %arg6[%mul3A_28, %dma_wait3A_38] : memref<14088x128xf32, #tpu.memory_space<vmem_shared>> -> memref<880x128xf32, #tpu.memory_space<vmem_shared>>
        tpu.wait_dma2 semaphore(%run_scoped3A : memref<!tpu.dma_semaphore, #tpu.memory_space<semaphore_mem>>) src(%dma_wait3A_39 : memref<880x128xf32, #tpu.memory_space<vmem_shared>>) dst(%dma_wait3A_37 : memref<880x128xf32, #tpu.memory_space<hbm>>)
        tpu.yield
      }) : () -> ()
      %barrier3A_33 = arith.constant 0 : index
      tpu.barrier barrier_id(%barrier3A_33)
    } else {
    }
    %eq3A_2 = arith.constant 1 : i32
    %eq3A_3 = arith.cmpi eq, %arg0, %eq3A_2 : i32
    %convert_element_type3A_4 = arith.extui %eq3A_3 : i1 to i32
    %cond3A_5 = arith.constant 0 : i32
    %cond3A_6 = arith.cmpi ne, %convert_element_type3A_4, %cond3A_5 : i32
    scf.if %cond3A_6 {
      %mul3A = arith.constant 880 : i32
      %mul3A_17 = arith.muli %arg1, %mul3A : i32
      %add3A = arith.constant 14080 : i32
      %add3A_18 = arith.addi %add3A, %mul3A_17 : i32
      %mul3A_19 = arith.constant 880 : i32
      %mul3A_20 = arith.muli %arg1, %mul3A_19 : i32
      "tpu.region"() ({
        %run_scoped3A = tpu.sem_alloc : memref<!tpu.dma_semaphore, #tpu.memory_space<semaphore_mem>>
        %dma_start3A = arith.constant 0 : i32
        %dma_start3A_34 = tpu.memref_slice %arg6[%mul3A_20, %dma_start3A] : memref<14088x128xf32, #tpu.memory_space<vmem_shared>> -> memref<880x128xf32, #tpu.memory_space<vmem_shared>>
        %dma_start3A_35 = arith.constant 0 : i32
        %dma_start3A_36 = tpu.memref_slice %arg4[%add3A_18, %dma_start3A_35] : memref<50176x128xf32, #tpu.memory_space<hbm>> -> memref<880x128xf32, #tpu.memory_space<hbm>>
        tpu.enqueue_dma source(%dma_start3A_36 : memref<880x128xf32, #tpu.memory_space<hbm>>) target(%dma_start3A_34 : memref<880x128xf32, #tpu.memory_space<vmem_shared>>) target_semaphore(%run_scoped3A : memref<!tpu.dma_semaphore, #tpu.memory_space<semaphore_mem>>)
        %dma_wait3A = arith.constant 0 : i32
        %dma_wait3A_37 = tpu.memref_slice %arg6[%mul3A_20, %dma_wait3A] : memref<14088x128xf32, #tpu.memory_space<vmem_shared>> -> memref<880x128xf32, #tpu.memory_space<vmem_shared>>
        %dma_wait3A_38 = arith.constant 0 : i32
        %dma_wait3A_39 = tpu.memref_slice %arg4[%add3A_18, %dma_wait3A_38] : memref<50176x128xf32, #tpu.memory_space<hbm>> -> memref<880x128xf32, #tpu.memory_space<hbm>>
        tpu.wait_dma2 semaphore(%run_scoped3A : memref<!tpu.dma_semaphore, #tpu.memory_space<semaphore_mem>>) src(%dma_wait3A_39 : memref<880x128xf32, #tpu.memory_space<hbm>>) dst(%dma_wait3A_37 : memref<880x128xf32, #tpu.memory_space<vmem_shared>>)
        tpu.yield
      }) : () -> ()
      %barrier3A = arith.constant 0 : index
      tpu.barrier barrier_id(%barrier3A)
      %scan3A = arith.constant 0 : i32
      %scan3A_21 = arith.constant 0 : i32
      %scan3A_22 = arith.constant 392 : i32
      %scan3A_23 = arith.addi %scan3A_21, %scan3A_22 : i32
      %scan3A_24 = arith.constant 1 : i32
      scf.for %scan3A_34 = %scan3A_21 to %scan3A_23 step %scan3A_24  : i32 {
        %mul3A_35 = arith.constant 50176 : i32
        %mul3A_36 = arith.muli %arg1, %mul3A_35 : i32
        %mul3A_37 = arith.constant 128 : i32
        %mul3A_38 = arith.muli %scan3A_34, %mul3A_37 : i32
        %add3A_39 = arith.addi %mul3A_36, %mul3A_38 : i32
        %multiple_of3A = tpu.assume_multiple %add3A_39, 128 : i32
        "tpu.region"() ({
          %run_scoped3A = tpu.sem_alloc : memref<!tpu.dma_semaphore, #tpu.memory_space<semaphore_mem>>
          %dma_start3A = tpu.memref_slice %arg3[%multiple_of3A] : memref<802816xi32, #tpu.memory_space<hbm>> -> memref<128xi32, #tpu.memory_space<hbm>>
          %dma_start3A_191 = tpu.memref_slice %arg3[%multiple_of3A] : memref<802816xi32, #tpu.memory_space<hbm>> -> memref<128xi32, #tpu.memory_space<hbm>>
          tpu.enqueue_dma source(%dma_start3A_191 : memref<128xi32, #tpu.memory_space<hbm>>) target(%arg7 : memref<128xi32, #tpu.memory_space<vmem>>) target_semaphore(%run_scoped3A : memref<!tpu.dma_semaphore, #tpu.memory_space<semaphore_mem>>)
          %dma_wait3A = tpu.memref_slice %arg3[%multiple_of3A] : memref<802816xi32, #tpu.memory_space<hbm>> -> memref<128xi32, #tpu.memory_space<hbm>>
          %dma_wait3A_192 = tpu.memref_slice %arg3[%multiple_of3A] : memref<802816xi32, #tpu.memory_space<hbm>> -> memref<128xi32, #tpu.memory_space<hbm>>
          tpu.wait_dma2 semaphore(%run_scoped3A : memref<!tpu.dma_semaphore, #tpu.memory_space<semaphore_mem>>) src(%dma_wait3A_192 : memref<128xi32, #tpu.memory_space<hbm>>) dst(%arg7 : memref<128xi32, #tpu.memory_space<vmem>>)
          tpu.yield
        }) : () -> ()
        "tpu.region"() ({
          %run_scoped3A = tpu.sem_alloc : memref<!tpu.dma_semaphore, #tpu.memory_space<semaphore_mem>>
          %dma_start3A = arith.constant 0 : i32
          %dma_start3A_191 = tpu.memref_slice %arg2[%multiple_of3A, %dma_start3A] : memref<802816x128xf32, #tpu.memory_space<hbm>> -> memref<128x128xf32, #tpu.memory_space<hbm>>
          %dma_start3A_192 = arith.constant 0 : i32
          %dma_start3A_193 = tpu.memref_slice %arg2[%multiple_of3A, %dma_start3A_192] : memref<802816x128xf32, #tpu.memory_space<hbm>> -> memref<128x128xf32, #tpu.memory_space<hbm>>
          tpu.enqueue_dma source(%dma_start3A_193 : memref<128x128xf32, #tpu.memory_space<hbm>>) target(%arg9 : memref<128x128xf32, #tpu.memory_space<vmem>>) target_semaphore(%run_scoped3A : memref<!tpu.dma_semaphore, #tpu.memory_space<semaphore_mem>>)
          %dma_wait3A = arith.constant 0 : i32
          %dma_wait3A_194 = tpu.memref_slice %arg2[%multiple_of3A, %dma_wait3A] : memref<802816x128xf32, #tpu.memory_space<hbm>> -> memref<128x128xf32, #tpu.memory_space<hbm>>
          %dma_wait3A_195 = arith.constant 0 : i32
          %dma_wait3A_196 = tpu.memref_slice %arg2[%multiple_of3A, %dma_wait3A_195] : memref<802816x128xf32, #tpu.memory_space<hbm>> -> memref<128x128xf32, #tpu.memory_space<hbm>>
          tpu.wait_dma2 semaphore(%run_scoped3A : memref<!tpu.dma_semaphore, #tpu.memory_space<semaphore_mem>>) src(%dma_wait3A_196 : memref<128x128xf32, #tpu.memory_space<hbm>>) dst(%arg9 : memref<128x128xf32, #tpu.memory_space<vmem>>)
          tpu.yield
        }) : () -> ()
        %get3A = arith.constant 0 : index
        %get3A_40 = tpu.vector_load %arg7[%get3A] {strides = array<i32>} : memref<128xi32, #tpu.memory_space<vmem>>, vector<16xi32>,
        %get3A_41 = vector.shape_cast %get3A_40 : vector<16xi32> to vector<16xi32>
        %sub3A = arith.constant 14080 : i32
        %sub3A_42 = vector.broadcast %sub3A : i32 to vector<16xi32>
        %sub3A_43 = arith.subi %get3A_41, %sub3A_42 : vector<16xi32>
        %ge3A = arith.constant 0 : i32
        %ge3A_44 = vector.broadcast %ge3A : i32 to vector<16xi32>
        %ge3A_45 = arith.cmpi sge, %sub3A_43, %ge3A_44 : vector<16xi32>
        %lt3A = arith.constant 14080 : i32
        %lt3A_46 = vector.broadcast %lt3A : i32 to vector<16xi32>
        %lt3A_47 = arith.cmpi slt, %sub3A_43, %lt3A_46 : vector<16xi32>
        %and3A = arith.andi %ge3A_45, %lt3A_47 : vector<16xi1>
        %jit3A = arith.constant 14080 : i32
        %broadcast_in_dim3A = vector.broadcast %jit3A : i32 to vector<16xi32>
        %select_n3A = arith.select %and3A, %sub3A_43, %broadcast_in_dim3A : vector<16xi1>, vector<16xi32>
        %swap3A = arith.constant 0 : index
        %swap3A_48 = tpu.vector_load %arg8[%swap3A] {strides = array<i32>} : memref<128xi32, #tpu.memory_space<vmem>>, vector<16xi32>,
        %swap3A_49 = vector.shape_cast %swap3A_48 : vector<16xi32> to vector<16xi32>
        %swap3A_50 = vector.shape_cast %select_n3A : vector<16xi32> to vector<16xi32>
        tpu.vector_store %arg8[%swap3A], %swap3A_50 {strides = array<i32>} : memref<128xi32, #tpu.memory_space<vmem>>, vector<16xi32>,
        %get3A_51 = arith.constant 16 : index
        %get3A_52 = tpu.vector_load %arg7[%get3A_51] {strides = array<i32>} : memref<128xi32, #tpu.memory_space<vmem>>, vector<16xi32>,
        %get3A_53 = vector.shape_cast %get3A_52 : vector<16xi32> to vector<16xi32>
        %sub3A_54 = arith.constant 14080 : i32
        %sub3A_55 = vector.broadcast %sub3A_54 : i32 to vector<16xi32>
        %sub3A_56 = arith.subi %get3A_53, %sub3A_55 : vector<16xi32>
        %ge3A_57 = arith.constant 0 : i32
        %ge3A_58 = vector.broadcast %ge3A_57 : i32 to vector<16xi32>
        %ge3A_59 = arith.cmpi sge, %sub3A_56, %ge3A_58 : vector<16xi32>
        %lt3A_60 = arith.constant 14080 : i32
        %lt3A_61 = vector.broadcast %lt3A_60 : i32 to vector<16xi32>
        %lt3A_62 = arith.cmpi slt, %sub3A_56, %lt3A_61 : vector<16xi32>
        %and3A_63 = arith.andi %ge3A_59, %lt3A_62 : vector<16xi1>
        %jit3A_64 = arith.constant 14080 : i32
        %broadcast_in_dim3A_65 = vector.broadcast %jit3A_64 : i32 to vector<16xi32>
        %select_n3A_66 = arith.select %and3A_63, %sub3A_56, %broadcast_in_dim3A_65 : vector<16xi1>, vector<16xi32>
        %swap3A_67 = arith.constant 16 : index
        %swap3A_68 = tpu.vector_load %arg8[%swap3A_67] {strides = array<i32>} : memref<128xi32, #tpu.memory_space<vmem>>, vector<16xi32>,
        %swap3A_69 = vector.shape_cast %swap3A_68 : vector<16xi32> to vector<16xi32>
        %swap3A_70 = vector.shape_cast %select_n3A_66 : vector<16xi32> to vector<16xi32>
        tpu.vector_store %arg8[%swap3A_67], %swap3A_70 {strides = array<i32>} : memref<128xi32, #tpu.memory_space<vmem>>, vector<16xi32>,
        %get3A_71 = arith.constant 32 : index
        %get3A_72 = tpu.vector_load %arg7[%get3A_71] {strides = array<i32>} : memref<128xi32, #tpu.memory_space<vmem>>, vector<16xi32>,
        %get3A_73 = vector.shape_cast %get3A_72 : vector<16xi32> to vector<16xi32>
        %sub3A_74 = arith.constant 14080 : i32
        %sub3A_75 = vector.broadcast %sub3A_74 : i32 to vector<16xi32>
        %sub3A_76 = arith.subi %get3A_73, %sub3A_75 : vector<16xi32>
        %ge3A_77 = arith.constant 0 : i32
        %ge3A_78 = vector.broadcast %ge3A_77 : i32 to vector<16xi32>
        %ge3A_79 = arith.cmpi sge, %sub3A_76, %ge3A_78 : vector<16xi32>
        %lt3A_80 = arith.constant 14080 : i32
        %lt3A_81 = vector.broadcast %lt3A_80 : i32 to vector<16xi32>
        %lt3A_82 = arith.cmpi slt, %sub3A_76, %lt3A_81 : vector<16xi32>
        %and3A_83 = arith.andi %ge3A_79, %lt3A_82 : vector<16xi1>
        %jit3A_84 = arith.constant 14080 : i32
        %broadcast_in_dim3A_85 = vector.broadcast %jit3A_84 : i32 to vector<16xi32>
        %select_n3A_86 = arith.select %and3A_83, %sub3A_76, %broadcast_in_dim3A_85 : vector<16xi1>, vector<16xi32>
        %swap3A_87 = arith.constant 32 : index
        %swap3A_88 = tpu.vector_load %arg8[%swap3A_87] {strides = array<i32>} : memref<128xi32, #tpu.memory_space<vmem>>, vector<16xi32>,
        %swap3A_89 = vector.shape_cast %swap3A_88 : vector<16xi32> to vector<16xi32>
        %swap3A_90 = vector.shape_cast %select_n3A_86 : vector<16xi32> to vector<16xi32>
        tpu.vector_store %arg8[%swap3A_87], %swap3A_90 {strides = array<i32>} : memref<128xi32, #tpu.memory_space<vmem>>, vector<16xi32>,
        %get3A_91 = arith.constant 48 : index
        %get3A_92 = tpu.vector_load %arg7[%get3A_91] {strides = array<i32>} : memref<128xi32, #tpu.memory_space<vmem>>, vector<16xi32>,
        %get3A_93 = vector.shape_cast %get3A_92 : vector<16xi32> to vector<16xi32>
        %sub3A_94 = arith.constant 14080 : i32
        %sub3A_95 = vector.broadcast %sub3A_94 : i32 to vector<16xi32>
        %sub3A_96 = arith.subi %get3A_93, %sub3A_95 : vector<16xi32>
        %ge3A_97 = arith.constant 0 : i32
        %ge3A_98 = vector.broadcast %ge3A_97 : i32 to vector<16xi32>
        %ge3A_99 = arith.cmpi sge, %sub3A_96, %ge3A_98 : vector<16xi32>
        %lt3A_100 = arith.constant 14080 : i32
        %lt3A_101 = vector.broadcast %lt3A_100 : i32 to vector<16xi32>
        %lt3A_102 = arith.cmpi slt, %sub3A_96, %lt3A_101 : vector<16xi32>
        %and3A_103 = arith.andi %ge3A_99, %lt3A_102 : vector<16xi1>
        %jit3A_104 = arith.constant 14080 : i32
        %broadcast_in_dim3A_105 = vector.broadcast %jit3A_104 : i32 to vector<16xi32>
        %select_n3A_106 = arith.select %and3A_103, %sub3A_96, %broadcast_in_dim3A_105 : vector<16xi1>, vector<16xi32>
        %swap3A_107 = arith.constant 48 : index
        %swap3A_108 = tpu.vector_load %arg8[%swap3A_107] {strides = array<i32>} : memref<128xi32, #tpu.memory_space<vmem>>, vector<16xi32>,
        %swap3A_109 = vector.shape_cast %swap3A_108 : vector<16xi32> to vector<16xi32>
        %swap3A_110 = vector.shape_cast %select_n3A_106 : vector<16xi32> to vector<16xi32>
        tpu.vector_store %arg8[%swap3A_107], %swap3A_110 {strides = array<i32>} : memref<128xi32, #tpu.memory_space<vmem>>, vector<16xi32>,
        %get3A_111 = arith.constant 64 : index
        %get3A_112 = tpu.vector_load %arg7[%get3A_111] {strides = array<i32>} : memref<128xi32, #tpu.memory_space<vmem>>, vector<16xi32>,
        %get3A_113 = vector.shape_cast %get3A_112 : vector<16xi32> to vector<16xi32>
        %sub3A_114 = arith.constant 14080 : i32
        %sub3A_115 = vector.broadcast %sub3A_114 : i32 to vector<16xi32>
        %sub3A_116 = arith.subi %get3A_113, %sub3A_115 : vector<16xi32>
        %ge3A_117 = arith.constant 0 : i32
        %ge3A_118 = vector.broadcast %ge3A_117 : i32 to vector<16xi32>
        %ge3A_119 = arith.cmpi sge, %sub3A_116, %ge3A_118 : vector<16xi32>
        %lt3A_120 = arith.constant 14080 : i32
        %lt3A_121 = vector.broadcast %lt3A_120 : i32 to vector<16xi32>
        %lt3A_122 = arith.cmpi slt, %sub3A_116, %lt3A_121 : vector<16xi32>
        %and3A_123 = arith.andi %ge3A_119, %lt3A_122 : vector<16xi1>
        %jit3A_124 = arith.constant 14080 : i32
        %broadcast_in_dim3A_125 = vector.broadcast %jit3A_124 : i32 to vector<16xi32>
        %select_n3A_126 = arith.select %and3A_123, %sub3A_116, %broadcast_in_dim3A_125 : vector<16xi1>, vector<16xi32>
        %swap3A_127 = arith.constant 64 : index
        %swap3A_128 = tpu.vector_load %arg8[%swap3A_127] {strides = array<i32>} : memref<128xi32, #tpu.memory_space<vmem>>, vector<16xi32>,
        %swap3A_129 = vector.shape_cast %swap3A_128 : vector<16xi32> to vector<16xi32>
        %swap3A_130 = vector.shape_cast %select_n3A_126 : vector<16xi32> to vector<16xi32>
        tpu.vector_store %arg8[%swap3A_127], %swap3A_130 {strides = array<i32>} : memref<128xi32, #tpu.memory_space<vmem>>, vector<16xi32>,
        %get3A_131 = arith.constant 80 : index
        %get3A_132 = tpu.vector_load %arg7[%get3A_131] {strides = array<i32>} : memref<128xi32, #tpu.memory_space<vmem>>, vector<16xi32>,
        %get3A_133 = vector.shape_cast %get3A_132 : vector<16xi32> to vector<16xi32>
        %sub3A_134 = arith.constant 14080 : i32
        %sub3A_135 = vector.broadcast %sub3A_134 : i32 to vector<16xi32>
        %sub3A_136 = arith.subi %get3A_133, %sub3A_135 : vector<16xi32>
        %ge3A_137 = arith.constant 0 : i32
        %ge3A_138 = vector.broadcast %ge3A_137 : i32 to vector<16xi32>
        %ge3A_139 = arith.cmpi sge, %sub3A_136, %ge3A_138 : vector<16xi32>
        %lt3A_140 = arith.constant 14080 : i32
        %lt3A_141 = vector.broadcast %lt3A_140 : i32 to vector<16xi32>
        %lt3A_142 = arith.cmpi slt, %sub3A_136, %lt3A_141 : vector<16xi32>
        %and3A_143 = arith.andi %ge3A_139, %lt3A_142 : vector<16xi1>
        %jit3A_144 = arith.constant 14080 : i32
        %broadcast_in_dim3A_145 = vector.broadcast %jit3A_144 : i32 to vector<16xi32>
        %select_n3A_146 = arith.select %and3A_143, %sub3A_136, %broadcast_in_dim3A_145 : vector<16xi1>, vector<16xi32>
        %swap3A_147 = arith.constant 80 : index
        %swap3A_148 = tpu.vector_load %arg8[%swap3A_147] {strides = array<i32>} : memref<128xi32, #tpu.memory_space<vmem>>, vector<16xi32>,
        %swap3A_149 = vector.shape_cast %swap3A_148 : vector<16xi32> to vector<16xi32>
        %swap3A_150 = vector.shape_cast %select_n3A_146 : vector<16xi32> to vector<16xi32>
        tpu.vector_store %arg8[%swap3A_147], %swap3A_150 {strides = array<i32>} : memref<128xi32, #tpu.memory_space<vmem>>, vector<16xi32>,
        %get3A_151 = arith.constant 96 : index
        %get3A_152 = tpu.vector_load %arg7[%get3A_151] {strides = array<i32>} : memref<128xi32, #tpu.memory_space<vmem>>, vector<16xi32>,
        %get3A_153 = vector.shape_cast %get3A_152 : vector<16xi32> to vector<16xi32>
        %sub3A_154 = arith.constant 14080 : i32
        %sub3A_155 = vector.broadcast %sub3A_154 : i32 to vector<16xi32>
        %sub3A_156 = arith.subi %get3A_153, %sub3A_155 : vector<16xi32>
        %ge3A_157 = arith.constant 0 : i32
        %ge3A_158 = vector.broadcast %ge3A_157 : i32 to vector<16xi32>
        %ge3A_159 = arith.cmpi sge, %sub3A_156, %ge3A_158 : vector<16xi32>
        %lt3A_160 = arith.constant 14080 : i32
        %lt3A_161 = vector.broadcast %lt3A_160 : i32 to vector<16xi32>
        %lt3A_162 = arith.cmpi slt, %sub3A_156, %lt3A_161 : vector<16xi32>
        %and3A_163 = arith.andi %ge3A_159, %lt3A_162 : vector<16xi1>
        %jit3A_164 = arith.constant 14080 : i32
        %broadcast_in_dim3A_165 = vector.broadcast %jit3A_164 : i32 to vector<16xi32>
        %select_n3A_166 = arith.select %and3A_163, %sub3A_156, %broadcast_in_dim3A_165 : vector<16xi1>, vector<16xi32>
        %swap3A_167 = arith.constant 96 : index
        %swap3A_168 = tpu.vector_load %arg8[%swap3A_167] {strides = array<i32>} : memref<128xi32, #tpu.memory_space<vmem>>, vector<16xi32>,
        %swap3A_169 = vector.shape_cast %swap3A_168 : vector<16xi32> to vector<16xi32>
        %swap3A_170 = vector.shape_cast %select_n3A_166 : vector<16xi32> to vector<16xi32>
        tpu.vector_store %arg8[%swap3A_167], %swap3A_170 {strides = array<i32>} : memref<128xi32, #tpu.memory_space<vmem>>, vector<16xi32>,
        %get3A_171 = arith.constant 112 : index
        %get3A_172 = tpu.vector_load %arg7[%get3A_171] {strides = array<i32>} : memref<128xi32, #tpu.memory_space<vmem>>, vector<16xi32>,
        %get3A_173 = vector.shape_cast %get3A_172 : vector<16xi32> to vector<16xi32>
        %sub3A_174 = arith.constant 14080 : i32
        %sub3A_175 = vector.broadcast %sub3A_174 : i32 to vector<16xi32>
        %sub3A_176 = arith.subi %get3A_173, %sub3A_175 : vector<16xi32>
        %ge3A_177 = arith.constant 0 : i32
        %ge3A_178 = vector.broadcast %ge3A_177 : i32 to vector<16xi32>
        %ge3A_179 = arith.cmpi sge, %sub3A_176, %ge3A_178 : vector<16xi32>
        %lt3A_180 = arith.constant 14080 : i32
        %lt3A_181 = vector.broadcast %lt3A_180 : i32 to vector<16xi32>
        %lt3A_182 = arith.cmpi slt, %sub3A_176, %lt3A_181 : vector<16xi32>
        %and3A_183 = arith.andi %ge3A_179, %lt3A_182 : vector<16xi1>
        %jit3A_184 = arith.constant 14080 : i32
        %broadcast_in_dim3A_185 = vector.broadcast %jit3A_184 : i32 to vector<16xi32>
        %select_n3A_186 = arith.select %and3A_183, %sub3A_176, %broadcast_in_dim3A_185 : vector<16xi1>, vector<16xi32>
        %swap3A_187 = arith.constant 112 : index
        %swap3A_188 = tpu.vector_load %arg8[%swap3A_187] {strides = array<i32>} : memref<128xi32, #tpu.memory_space<vmem>>, vector<16xi32>,
        %swap3A_189 = vector.shape_cast %swap3A_188 : vector<16xi32> to vector<16xi32>
        %swap3A_190 = vector.shape_cast %select_n3A_186 : vector<16xi32> to vector<16xi32>
        tpu.vector_store %arg8[%swap3A_187], %swap3A_190 {strides = array<i32>} : memref<128xi32, #tpu.memory_space<vmem>>, vector<16xi32>,
        "tpu.region"() ({
          %run_scoped3A = tpu.sem_alloc : memref<!tpu.dma_semaphore, #tpu.memory_space<semaphore_mem>>
          %dma_start3A = arith.constant 0 : i32
          %dma_start3A_191 = arith.constant 0 : i32
          %dma_start3A_192 = tpu.memref_slice %arg6[%dma_start3A, %dma_start3A_191] : memref<14088x128xf32, #tpu.memory_space<vmem_shared>> -> memref<14088x128xf32, #tpu.memory_space<vmem_shared>>
          tpu.enqueue_indirect_dma source(%arg9 : memref<128x128xf32, #tpu.memory_space<vmem>>) target(%dma_start3A_192 : memref<14088x128xf32, #tpu.memory_space<vmem_shared>>) offsets(%arg8 : memref<128xi32, #tpu.memory_space<vmem>>) semaphore(%run_scoped3A : memref<!tpu.dma_semaphore, #tpu.memory_space<semaphore_mem>>) {add = true}
          %dma_wait3A = arith.constant 0 : i32
          %dma_wait3A_193 = arith.constant 0 : i32
          %dma_wait3A_194 = tpu.memref_slice %arg6[%dma_wait3A, %dma_wait3A_193] : memref<14088x128xf32, #tpu.memory_space<vmem_shared>> -> memref<14088x128xf32, #tpu.memory_space<vmem_shared>>
          tpu.wait_indirect_dma semaphore(%run_scoped3A : memref<!tpu.dma_semaphore, #tpu.memory_space<semaphore_mem>>) src(%arg9 : memref<128x128xf32, #tpu.memory_space<vmem>>) dst(%dma_wait3A_194 : memref<14088x128xf32, #tpu.memory_space<vmem_shared>>)
          tpu.yield
        }) : () -> ()
      }
      %scan3A_25 = arith.constant 392 : i32
      %barrier3A_26 = arith.constant 0 : index
      tpu.barrier barrier_id(%barrier3A_26)
      %mul3A_27 = arith.constant 880 : i32
      %mul3A_28 = arith.muli %arg1, %mul3A_27 : i32
      %mul3A_29 = arith.constant 880 : i32
      %mul3A_30 = arith.muli %arg1, %mul3A_29 : i32
      %add3A_31 = arith.constant 14080 : i32
      %add3A_32 = arith.addi %add3A_31, %mul3A_30 : i32
      "tpu.region"() ({
        %run_scoped3A = tpu.sem_alloc : memref<!tpu.dma_semaphore, #tpu.memory_space<semaphore_mem>>
        %dma_start3A = arith.constant 0 : i32
        %dma_start3A_34 = tpu.memref_slice %arg5[%add3A_32, %dma_start3A] : memref<50176x128xf32, #tpu.memory_space<hbm>> -> memref<880x128xf32, #tpu.memory_space<hbm>>
        %dma_start3A_35 = arith.constant 0 : i32
        %dma_start3A_36 = tpu.memref_slice %arg6[%mul3A_28, %dma_start3A_35] : memref<14088x128xf32, #tpu.memory_space<vmem_shared>> -> memref<880x128xf32, #tpu.memory_space<vmem_shared>>
        tpu.enqueue_dma source(%dma_start3A_36 : memref<880x128xf32, #tpu.memory_space<vmem_shared>>) target(%dma_start3A_34 : memref<880x128xf32, #tpu.memory_space<hbm>>) target_semaphore(%run_scoped3A : memref<!tpu.dma_semaphore, #tpu.memory_space<semaphore_mem>>)
        %dma_wait3A = arith.constant 0 : i32
        %dma_wait3A_37 = tpu.memref_slice %arg5[%add3A_32, %dma_wait3A] : memref<50176x128xf32, #tpu.memory_space<hbm>> -> memref<880x128xf32, #tpu.memory_space<hbm>>
        %dma_wait3A_38 = arith.constant 0 : i32
        %dma_wait3A_39 = tpu.memref_slice %arg6[%mul3A_28, %dma_wait3A_38] : memref<14088x128xf32, #tpu.memory_space<vmem_shared>> -> memref<880x128xf32, #tpu.memory_space<vmem_shared>>
        tpu.wait_dma2 semaphore(%run_scoped3A : memref<!tpu.dma_semaphore, #tpu.memory_space<semaphore_mem>>) src(%dma_wait3A_39 : memref<880x128xf32, #tpu.memory_space<vmem_shared>>) dst(%dma_wait3A_37 : memref<880x128xf32, #tpu.memory_space<hbm>>)
        tpu.yield
      }) : () -> ()
      %barrier3A_33 = arith.constant 0 : index
      tpu.barrier barrier_id(%barrier3A_33)
    } else {
    }
    %eq3A_7 = arith.constant 0 : i32
    %eq3A_8 = arith.cmpi eq, %arg0, %eq3A_7 : i32
    %convert_element_type3A_9 = arith.extui %eq3A_8 : i1 to i32
    %cond3A_10 = arith.constant 0 : i32
    %cond3A_11 = arith.cmpi ne, %convert_element_type3A_9, %cond3A_10 : i32
    scf.if %cond3A_11 {
      %mul3A = arith.constant 880 : i32
      %mul3A_17 = arith.muli %arg1, %mul3A : i32
      %add3A = arith.constant 28160 : i32
      %add3A_18 = arith.addi %add3A, %mul3A_17 : i32
      %mul3A_19 = arith.constant 880 : i32
      %mul3A_20 = arith.muli %arg1, %mul3A_19 : i32
      "tpu.region"() ({
        %run_scoped3A = tpu.sem_alloc : memref<!tpu.dma_semaphore, #tpu.memory_space<semaphore_mem>>
        %dma_start3A = arith.constant 0 : i32
        %dma_start3A_34 = tpu.memref_slice %arg6[%mul3A_20, %dma_start3A] : memref<14088x128xf32, #tpu.memory_space<vmem_shared>> -> memref<880x128xf32, #tpu.memory_space<vmem_shared>>
        %dma_start3A_35 = arith.constant 0 : i32
        %dma_start3A_36 = tpu.memref_slice %arg4[%add3A_18, %dma_start3A_35] : memref<50176x128xf32, #tpu.memory_space<hbm>> -> memref<880x128xf32, #tpu.memory_space<hbm>>
        tpu.enqueue_dma source(%dma_start3A_36 : memref<880x128xf32, #tpu.memory_space<hbm>>) target(%dma_start3A_34 : memref<880x128xf32, #tpu.memory_space<vmem_shared>>) target_semaphore(%run_scoped3A : memref<!tpu.dma_semaphore, #tpu.memory_space<semaphore_mem>>)
        %dma_wait3A = arith.constant 0 : i32
        %dma_wait3A_37 = tpu.memref_slice %arg6[%mul3A_20, %dma_wait3A] : memref<14088x128xf32, #tpu.memory_space<vmem_shared>> -> memref<880x128xf32, #tpu.memory_space<vmem_shared>>
        %dma_wait3A_38 = arith.constant 0 : i32
        %dma_wait3A_39 = tpu.memref_slice %arg4[%add3A_18, %dma_wait3A_38] : memref<50176x128xf32, #tpu.memory_space<hbm>> -> memref<880x128xf32, #tpu.memory_space<hbm>>
        tpu.wait_dma2 semaphore(%run_scoped3A : memref<!tpu.dma_semaphore, #tpu.memory_space<semaphore_mem>>) src(%dma_wait3A_39 : memref<880x128xf32, #tpu.memory_space<hbm>>) dst(%dma_wait3A_37 : memref<880x128xf32, #tpu.memory_space<vmem_shared>>)
        tpu.yield
      }) : () -> ()
      %barrier3A = arith.constant 0 : index
      tpu.barrier barrier_id(%barrier3A)
      %scan3A = arith.constant 0 : i32
      %scan3A_21 = arith.constant 0 : i32
      %scan3A_22 = arith.constant 392 : i32
      %scan3A_23 = arith.addi %scan3A_21, %scan3A_22 : i32
      %scan3A_24 = arith.constant 1 : i32
      scf.for %scan3A_34 = %scan3A_21 to %scan3A_23 step %scan3A_24  : i32 {
        %mul3A_35 = arith.constant 50176 : i32
        %mul3A_36 = arith.muli %arg1, %mul3A_35 : i32
        %mul3A_37 = arith.constant 128 : i32
        %mul3A_38 = arith.muli %scan3A_34, %mul3A_37 : i32
        %add3A_39 = arith.addi %mul3A_36, %mul3A_38 : i32
        %multiple_of3A = tpu.assume_multiple %add3A_39, 128 : i32
        "tpu.region"() ({
          %run_scoped3A = tpu.sem_alloc : memref<!tpu.dma_semaphore, #tpu.memory_space<semaphore_mem>>
          %dma_start3A = tpu.memref_slice %arg3[%multiple_of3A] : memref<802816xi32, #tpu.memory_space<hbm>> -> memref<128xi32, #tpu.memory_space<hbm>>
          %dma_start3A_191 = tpu.memref_slice %arg3[%multiple_of3A] : memref<802816xi32, #tpu.memory_space<hbm>> -> memref<128xi32, #tpu.memory_space<hbm>>
          tpu.enqueue_dma source(%dma_start3A_191 : memref<128xi32, #tpu.memory_space<hbm>>) target(%arg7 : memref<128xi32, #tpu.memory_space<vmem>>) target_semaphore(%run_scoped3A : memref<!tpu.dma_semaphore, #tpu.memory_space<semaphore_mem>>)
          %dma_wait3A = tpu.memref_slice %arg3[%multiple_of3A] : memref<802816xi32, #tpu.memory_space<hbm>> -> memref<128xi32, #tpu.memory_space<hbm>>
          %dma_wait3A_192 = tpu.memref_slice %arg3[%multiple_of3A] : memref<802816xi32, #tpu.memory_space<hbm>> -> memref<128xi32, #tpu.memory_space<hbm>>
          tpu.wait_dma2 semaphore(%run_scoped3A : memref<!tpu.dma_semaphore, #tpu.memory_space<semaphore_mem>>) src(%dma_wait3A_192 : memref<128xi32, #tpu.memory_space<hbm>>) dst(%arg7 : memref<128xi32, #tpu.memory_space<vmem>>)
          tpu.yield
        }) : () -> ()
        "tpu.region"() ({
          %run_scoped3A = tpu.sem_alloc : memref<!tpu.dma_semaphore, #tpu.memory_space<semaphore_mem>>
          %dma_start3A = arith.constant 0 : i32
          %dma_start3A_191 = tpu.memref_slice %arg2[%multiple_of3A, %dma_start3A] : memref<802816x128xf32, #tpu.memory_space<hbm>> -> memref<128x128xf32, #tpu.memory_space<hbm>>
          %dma_start3A_192 = arith.constant 0 : i32
          %dma_start3A_193 = tpu.memref_slice %arg2[%multiple_of3A, %dma_start3A_192] : memref<802816x128xf32, #tpu.memory_space<hbm>> -> memref<128x128xf32, #tpu.memory_space<hbm>>
          tpu.enqueue_dma source(%dma_start3A_193 : memref<128x128xf32, #tpu.memory_space<hbm>>) target(%arg9 : memref<128x128xf32, #tpu.memory_space<vmem>>) target_semaphore(%run_scoped3A : memref<!tpu.dma_semaphore, #tpu.memory_space<semaphore_mem>>)
          %dma_wait3A = arith.constant 0 : i32
          %dma_wait3A_194 = tpu.memref_slice %arg2[%multiple_of3A, %dma_wait3A] : memref<802816x128xf32, #tpu.memory_space<hbm>> -> memref<128x128xf32, #tpu.memory_space<hbm>>
          %dma_wait3A_195 = arith.constant 0 : i32
          %dma_wait3A_196 = tpu.memref_slice %arg2[%multiple_of3A, %dma_wait3A_195] : memref<802816x128xf32, #tpu.memory_space<hbm>> -> memref<128x128xf32, #tpu.memory_space<hbm>>
          tpu.wait_dma2 semaphore(%run_scoped3A : memref<!tpu.dma_semaphore, #tpu.memory_space<semaphore_mem>>) src(%dma_wait3A_196 : memref<128x128xf32, #tpu.memory_space<hbm>>) dst(%arg9 : memref<128x128xf32, #tpu.memory_space<vmem>>)
          tpu.yield
        }) : () -> ()
        %get3A = arith.constant 0 : index
        %get3A_40 = tpu.vector_load %arg7[%get3A] {strides = array<i32>} : memref<128xi32, #tpu.memory_space<vmem>>, vector<16xi32>,
        %get3A_41 = vector.shape_cast %get3A_40 : vector<16xi32> to vector<16xi32>
        %sub3A = arith.constant 28160 : i32
        %sub3A_42 = vector.broadcast %sub3A : i32 to vector<16xi32>
        %sub3A_43 = arith.subi %get3A_41, %sub3A_42 : vector<16xi32>
        %ge3A = arith.constant 0 : i32
        %ge3A_44 = vector.broadcast %ge3A : i32 to vector<16xi32>
        %ge3A_45 = arith.cmpi sge, %sub3A_43, %ge3A_44 : vector<16xi32>
        %lt3A = arith.constant 14080 : i32
        %lt3A_46 = vector.broadcast %lt3A : i32 to vector<16xi32>
        %lt3A_47 = arith.cmpi slt, %sub3A_43, %lt3A_46 : vector<16xi32>
        %and3A = arith.andi %ge3A_45, %lt3A_47 : vector<16xi1>
        %jit3A = arith.constant 14080 : i32
        %broadcast_in_dim3A = vector.broadcast %jit3A : i32 to vector<16xi32>
        %select_n3A = arith.select %and3A, %sub3A_43, %broadcast_in_dim3A : vector<16xi1>, vector<16xi32>
        %swap3A = arith.constant 0 : index
        %swap3A_48 = tpu.vector_load %arg8[%swap3A] {strides = array<i32>} : memref<128xi32, #tpu.memory_space<vmem>>, vector<16xi32>,
        %swap3A_49 = vector.shape_cast %swap3A_48 : vector<16xi32> to vector<16xi32>
        %swap3A_50 = vector.shape_cast %select_n3A : vector<16xi32> to vector<16xi32>
        tpu.vector_store %arg8[%swap3A], %swap3A_50 {strides = array<i32>} : memref<128xi32, #tpu.memory_space<vmem>>, vector<16xi32>,
        %get3A_51 = arith.constant 16 : index
        %get3A_52 = tpu.vector_load %arg7[%get3A_51] {strides = array<i32>} : memref<128xi32, #tpu.memory_space<vmem>>, vector<16xi32>,
        %get3A_53 = vector.shape_cast %get3A_52 : vector<16xi32> to vector<16xi32>
        %sub3A_54 = arith.constant 28160 : i32
        %sub3A_55 = vector.broadcast %sub3A_54 : i32 to vector<16xi32>
        %sub3A_56 = arith.subi %get3A_53, %sub3A_55 : vector<16xi32>
        %ge3A_57 = arith.constant 0 : i32
        %ge3A_58 = vector.broadcast %ge3A_57 : i32 to vector<16xi32>
        %ge3A_59 = arith.cmpi sge, %sub3A_56, %ge3A_58 : vector<16xi32>
        %lt3A_60 = arith.constant 14080 : i32
        %lt3A_61 = vector.broadcast %lt3A_60 : i32 to vector<16xi32>
        %lt3A_62 = arith.cmpi slt, %sub3A_56, %lt3A_61 : vector<16xi32>
        %and3A_63 = arith.andi %ge3A_59, %lt3A_62 : vector<16xi1>
        %jit3A_64 = arith.constant 14080 : i32
        %broadcast_in_dim3A_65 = vector.broadcast %jit3A_64 : i32 to vector<16xi32>
        %select_n3A_66 = arith.select %and3A_63, %sub3A_56, %broadcast_in_dim3A_65 : vector<16xi1>, vector<16xi32>
        %swap3A_67 = arith.constant 16 : index
        %swap3A_68 = tpu.vector_load %arg8[%swap3A_67] {strides = array<i32>} : memref<128xi32, #tpu.memory_space<vmem>>, vector<16xi32>,
        %swap3A_69 = vector.shape_cast %swap3A_68 : vector<16xi32> to vector<16xi32>
        %swap3A_70 = vector.shape_cast %select_n3A_66 : vector<16xi32> to vector<16xi32>
        tpu.vector_store %arg8[%swap3A_67], %swap3A_70 {strides = array<i32>} : memref<128xi32, #tpu.memory_space<vmem>>, vector<16xi32>,
        %get3A_71 = arith.constant 32 : index
        %get3A_72 = tpu.vector_load %arg7[%get3A_71] {strides = array<i32>} : memref<128xi32, #tpu.memory_space<vmem>>, vector<16xi32>,
        %get3A_73 = vector.shape_cast %get3A_72 : vector<16xi32> to vector<16xi32>
        %sub3A_74 = arith.constant 28160 : i32
        %sub3A_75 = vector.broadcast %sub3A_74 : i32 to vector<16xi32>
        %sub3A_76 = arith.subi %get3A_73, %sub3A_75 : vector<16xi32>
        %ge3A_77 = arith.constant 0 : i32
        %ge3A_78 = vector.broadcast %ge3A_77 : i32 to vector<16xi32>
        %ge3A_79 = arith.cmpi sge, %sub3A_76, %ge3A_78 : vector<16xi32>
        %lt3A_80 = arith.constant 14080 : i32
        %lt3A_81 = vector.broadcast %lt3A_80 : i32 to vector<16xi32>
        %lt3A_82 = arith.cmpi slt, %sub3A_76, %lt3A_81 : vector<16xi32>
        %and3A_83 = arith.andi %ge3A_79, %lt3A_82 : vector<16xi1>
        %jit3A_84 = arith.constant 14080 : i32
        %broadcast_in_dim3A_85 = vector.broadcast %jit3A_84 : i32 to vector<16xi32>
        %select_n3A_86 = arith.select %and3A_83, %sub3A_76, %broadcast_in_dim3A_85 : vector<16xi1>, vector<16xi32>
        %swap3A_87 = arith.constant 32 : index
        %swap3A_88 = tpu.vector_load %arg8[%swap3A_87] {strides = array<i32>} : memref<128xi32, #tpu.memory_space<vmem>>, vector<16xi32>,
        %swap3A_89 = vector.shape_cast %swap3A_88 : vector<16xi32> to vector<16xi32>
        %swap3A_90 = vector.shape_cast %select_n3A_86 : vector<16xi32> to vector<16xi32>
        tpu.vector_store %arg8[%swap3A_87], %swap3A_90 {strides = array<i32>} : memref<128xi32, #tpu.memory_space<vmem>>, vector<16xi32>,
        %get3A_91 = arith.constant 48 : index
        %get3A_92 = tpu.vector_load %arg7[%get3A_91] {strides = array<i32>} : memref<128xi32, #tpu.memory_space<vmem>>, vector<16xi32>,
        %get3A_93 = vector.shape_cast %get3A_92 : vector<16xi32> to vector<16xi32>
        %sub3A_94 = arith.constant 28160 : i32
        %sub3A_95 = vector.broadcast %sub3A_94 : i32 to vector<16xi32>
        %sub3A_96 = arith.subi %get3A_93, %sub3A_95 : vector<16xi32>
        %ge3A_97 = arith.constant 0 : i32
        %ge3A_98 = vector.broadcast %ge3A_97 : i32 to vector<16xi32>
        %ge3A_99 = arith.cmpi sge, %sub3A_96, %ge3A_98 : vector<16xi32>
        %lt3A_100 = arith.constant 14080 : i32
        %lt3A_101 = vector.broadcast %lt3A_100 : i32 to vector<16xi32>
        %lt3A_102 = arith.cmpi slt, %sub3A_96, %lt3A_101 : vector<16xi32>
        %and3A_103 = arith.andi %ge3A_99, %lt3A_102 : vector<16xi1>
        %jit3A_104 = arith.constant 14080 : i32
        %broadcast_in_dim3A_105 = vector.broadcast %jit3A_104 : i32 to vector<16xi32>
        %select_n3A_106 = arith.select %and3A_103, %sub3A_96, %broadcast_in_dim3A_105 : vector<16xi1>, vector<16xi32>
        %swap3A_107 = arith.constant 48 : index
        %swap3A_108 = tpu.vector_load %arg8[%swap3A_107] {strides = array<i32>} : memref<128xi32, #tpu.memory_space<vmem>>, vector<16xi32>,
        %swap3A_109 = vector.shape_cast %swap3A_108 : vector<16xi32> to vector<16xi32>
        %swap3A_110 = vector.shape_cast %select_n3A_106 : vector<16xi32> to vector<16xi32>
        tpu.vector_store %arg8[%swap3A_107], %swap3A_110 {strides = array<i32>} : memref<128xi32, #tpu.memory_space<vmem>>, vector<16xi32>,
        %get3A_111 = arith.constant 64 : index
        %get3A_112 = tpu.vector_load %arg7[%get3A_111] {strides = array<i32>} : memref<128xi32, #tpu.memory_space<vmem>>, vector<16xi32>,
        %get3A_113 = vector.shape_cast %get3A_112 : vector<16xi32> to vector<16xi32>
        %sub3A_114 = arith.constant 28160 : i32
        %sub3A_115 = vector.broadcast %sub3A_114 : i32 to vector<16xi32>
        %sub3A_116 = arith.subi %get3A_113, %sub3A_115 : vector<16xi32>
        %ge3A_117 = arith.constant 0 : i32
        %ge3A_118 = vector.broadcast %ge3A_117 : i32 to vector<16xi32>
        %ge3A_119 = arith.cmpi sge, %sub3A_116, %ge3A_118 : vector<16xi32>
        %lt3A_120 = arith.constant 14080 : i32
        %lt3A_121 = vector.broadcast %lt3A_120 : i32 to vector<16xi32>
        %lt3A_122 = arith.cmpi slt, %sub3A_116, %lt3A_121 : vector<16xi32>
        %and3A_123 = arith.andi %ge3A_119, %lt3A_122 : vector<16xi1>
        %jit3A_124 = arith.constant 14080 : i32
        %broadcast_in_dim3A_125 = vector.broadcast %jit3A_124 : i32 to vector<16xi32>
        %select_n3A_126 = arith.select %and3A_123, %sub3A_116, %broadcast_in_dim3A_125 : vector<16xi1>, vector<16xi32>
        %swap3A_127 = arith.constant 64 : index
        %swap3A_128 = tpu.vector_load %arg8[%swap3A_127] {strides = array<i32>} : memref<128xi32, #tpu.memory_space<vmem>>, vector<16xi32>,
        %swap3A_129 = vector.shape_cast %swap3A_128 : vector<16xi32> to vector<16xi32>
        %swap3A_130 = vector.shape_cast %select_n3A_126 : vector<16xi32> to vector<16xi32>
        tpu.vector_store %arg8[%swap3A_127], %swap3A_130 {strides = array<i32>} : memref<128xi32, #tpu.memory_space<vmem>>, vector<16xi32>,
        %get3A_131 = arith.constant 80 : index
        %get3A_132 = tpu.vector_load %arg7[%get3A_131] {strides = array<i32>} : memref<128xi32, #tpu.memory_space<vmem>>, vector<16xi32>,
        %get3A_133 = vector.shape_cast %get3A_132 : vector<16xi32> to vector<16xi32>
        %sub3A_134 = arith.constant 28160 : i32
        %sub3A_135 = vector.broadcast %sub3A_134 : i32 to vector<16xi32>
        %sub3A_136 = arith.subi %get3A_133, %sub3A_135 : vector<16xi32>
        %ge3A_137 = arith.constant 0 : i32
        %ge3A_138 = vector.broadcast %ge3A_137 : i32 to vector<16xi32>
        %ge3A_139 = arith.cmpi sge, %sub3A_136, %ge3A_138 : vector<16xi32>
        %lt3A_140 = arith.constant 14080 : i32
        %lt3A_141 = vector.broadcast %lt3A_140 : i32 to vector<16xi32>
        %lt3A_142 = arith.cmpi slt, %sub3A_136, %lt3A_141 : vector<16xi32>
        %and3A_143 = arith.andi %ge3A_139, %lt3A_142 : vector<16xi1>
        %jit3A_144 = arith.constant 14080 : i32
        %broadcast_in_dim3A_145 = vector.broadcast %jit3A_144 : i32 to vector<16xi32>
        %select_n3A_146 = arith.select %and3A_143, %sub3A_136, %broadcast_in_dim3A_145 : vector<16xi1>, vector<16xi32>
        %swap3A_147 = arith.constant 80 : index
        %swap3A_148 = tpu.vector_load %arg8[%swap3A_147] {strides = array<i32>} : memref<128xi32, #tpu.memory_space<vmem>>, vector<16xi32>,
        %swap3A_149 = vector.shape_cast %swap3A_148 : vector<16xi32> to vector<16xi32>
        %swap3A_150 = vector.shape_cast %select_n3A_146 : vector<16xi32> to vector<16xi32>
        tpu.vector_store %arg8[%swap3A_147], %swap3A_150 {strides = array<i32>} : memref<128xi32, #tpu.memory_space<vmem>>, vector<16xi32>,
        %get3A_151 = arith.constant 96 : index
        %get3A_152 = tpu.vector_load %arg7[%get3A_151] {strides = array<i32>} : memref<128xi32, #tpu.memory_space<vmem>>, vector<16xi32>,
        %get3A_153 = vector.shape_cast %get3A_152 : vector<16xi32> to vector<16xi32>
        %sub3A_154 = arith.constant 28160 : i32
        %sub3A_155 = vector.broadcast %sub3A_154 : i32 to vector<16xi32>
        %sub3A_156 = arith.subi %get3A_153, %sub3A_155 : vector<16xi32>
        %ge3A_157 = arith.constant 0 : i32
        %ge3A_158 = vector.broadcast %ge3A_157 : i32 to vector<16xi32>
        %ge3A_159 = arith.cmpi sge, %sub3A_156, %ge3A_158 : vector<16xi32>
        %lt3A_160 = arith.constant 14080 : i32
        %lt3A_161 = vector.broadcast %lt3A_160 : i32 to vector<16xi32>
        %lt3A_162 = arith.cmpi slt, %sub3A_156, %lt3A_161 : vector<16xi32>
        %and3A_163 = arith.andi %ge3A_159, %lt3A_162 : vector<16xi1>
        %jit3A_164 = arith.constant 14080 : i32
        %broadcast_in_dim3A_165 = vector.broadcast %jit3A_164 : i32 to vector<16xi32>
        %select_n3A_166 = arith.select %and3A_163, %sub3A_156, %broadcast_in_dim3A_165 : vector<16xi1>, vector<16xi32>
        %swap3A_167 = arith.constant 96 : index
        %swap3A_168 = tpu.vector_load %arg8[%swap3A_167] {strides = array<i32>} : memref<128xi32, #tpu.memory_space<vmem>>, vector<16xi32>,
        %swap3A_169 = vector.shape_cast %swap3A_168 : vector<16xi32> to vector<16xi32>
        %swap3A_170 = vector.shape_cast %select_n3A_166 : vector<16xi32> to vector<16xi32>
        tpu.vector_store %arg8[%swap3A_167], %swap3A_170 {strides = array<i32>} : memref<128xi32, #tpu.memory_space<vmem>>, vector<16xi32>,
        %get3A_171 = arith.constant 112 : index
        %get3A_172 = tpu.vector_load %arg7[%get3A_171] {strides = array<i32>} : memref<128xi32, #tpu.memory_space<vmem>>, vector<16xi32>,
        %get3A_173 = vector.shape_cast %get3A_172 : vector<16xi32> to vector<16xi32>
        %sub3A_174 = arith.constant 28160 : i32
        %sub3A_175 = vector.broadcast %sub3A_174 : i32 to vector<16xi32>
        %sub3A_176 = arith.subi %get3A_173, %sub3A_175 : vector<16xi32>
        %ge3A_177 = arith.constant 0 : i32
        %ge3A_178 = vector.broadcast %ge3A_177 : i32 to vector<16xi32>
        %ge3A_179 = arith.cmpi sge, %sub3A_176, %ge3A_178 : vector<16xi32>
        %lt3A_180 = arith.constant 14080 : i32
        %lt3A_181 = vector.broadcast %lt3A_180 : i32 to vector<16xi32>
        %lt3A_182 = arith.cmpi slt, %sub3A_176, %lt3A_181 : vector<16xi32>
        %and3A_183 = arith.andi %ge3A_179, %lt3A_182 : vector<16xi1>
        %jit3A_184 = arith.constant 14080 : i32
        %broadcast_in_dim3A_185 = vector.broadcast %jit3A_184 : i32 to vector<16xi32>
        %select_n3A_186 = arith.select %and3A_183, %sub3A_176, %broadcast_in_dim3A_185 : vector<16xi1>, vector<16xi32>
        %swap3A_187 = arith.constant 112 : index
        %swap3A_188 = tpu.vector_load %arg8[%swap3A_187] {strides = array<i32>} : memref<128xi32, #tpu.memory_space<vmem>>, vector<16xi32>,
        %swap3A_189 = vector.shape_cast %swap3A_188 : vector<16xi32> to vector<16xi32>
        %swap3A_190 = vector.shape_cast %select_n3A_186 : vector<16xi32> to vector<16xi32>
        tpu.vector_store %arg8[%swap3A_187], %swap3A_190 {strides = array<i32>} : memref<128xi32, #tpu.memory_space<vmem>>, vector<16xi32>,
        "tpu.region"() ({
          %run_scoped3A = tpu.sem_alloc : memref<!tpu.dma_semaphore, #tpu.memory_space<semaphore_mem>>
          %dma_start3A = arith.constant 0 : i32
          %dma_start3A_191 = arith.constant 0 : i32
          %dma_start3A_192 = tpu.memref_slice %arg6[%dma_start3A, %dma_start3A_191] : memref<14088x128xf32, #tpu.memory_space<vmem_shared>> -> memref<14088x128xf32, #tpu.memory_space<vmem_shared>>
          tpu.enqueue_indirect_dma source(%arg9 : memref<128x128xf32, #tpu.memory_space<vmem>>) target(%dma_start3A_192 : memref<14088x128xf32, #tpu.memory_space<vmem_shared>>) offsets(%arg8 : memref<128xi32, #tpu.memory_space<vmem>>) semaphore(%run_scoped3A : memref<!tpu.dma_semaphore, #tpu.memory_space<semaphore_mem>>) {add = true}
          %dma_wait3A = arith.constant 0 : i32
          %dma_wait3A_193 = arith.constant 0 : i32
          %dma_wait3A_194 = tpu.memref_slice %arg6[%dma_wait3A, %dma_wait3A_193] : memref<14088x128xf32, #tpu.memory_space<vmem_shared>> -> memref<14088x128xf32, #tpu.memory_space<vmem_shared>>
          tpu.wait_indirect_dma semaphore(%run_scoped3A : memref<!tpu.dma_semaphore, #tpu.memory_space<semaphore_mem>>) src(%arg9 : memref<128x128xf32, #tpu.memory_space<vmem>>) dst(%dma_wait3A_194 : memref<14088x128xf32, #tpu.memory_space<vmem_shared>>)
          tpu.yield
        }) : () -> ()
      }
      %scan3A_25 = arith.constant 392 : i32
      %barrier3A_26 = arith.constant 0 : index
      tpu.barrier barrier_id(%barrier3A_26)
      %mul3A_27 = arith.constant 880 : i32
      %mul3A_28 = arith.muli %arg1, %mul3A_27 : i32
      %mul3A_29 = arith.constant 880 : i32
      %mul3A_30 = arith.muli %arg1, %mul3A_29 : i32
      %add3A_31 = arith.constant 28160 : i32
      %add3A_32 = arith.addi %add3A_31, %mul3A_30 : i32
      "tpu.region"() ({
        %run_scoped3A = tpu.sem_alloc : memref<!tpu.dma_semaphore, #tpu.memory_space<semaphore_mem>>
        %dma_start3A = arith.constant 0 : i32
        %dma_start3A_34 = tpu.memref_slice %arg5[%add3A_32, %dma_start3A] : memref<50176x128xf32, #tpu.memory_space<hbm>> -> memref<880x128xf32, #tpu.memory_space<hbm>>
        %dma_start3A_35 = arith.constant 0 : i32
        %dma_start3A_36 = tpu.memref_slice %arg6[%mul3A_28, %dma_start3A_35] : memref<14088x128xf32, #tpu.memory_space<vmem_shared>> -> memref<880x128xf32, #tpu.memory_space<vmem_shared>>
        tpu.enqueue_dma source(%dma_start3A_36 : memref<880x128xf32, #tpu.memory_space<vmem_shared>>) target(%dma_start3A_34 : memref<880x128xf32, #tpu.memory_space<hbm>>) target_semaphore(%run_scoped3A : memref<!tpu.dma_semaphore, #tpu.memory_space<semaphore_mem>>)
        %dma_wait3A = arith.constant 0 : i32
        %dma_wait3A_37 = tpu.memref_slice %arg5[%add3A_32, %dma_wait3A] : memref<50176x128xf32, #tpu.memory_space<hbm>> -> memref<880x128xf32, #tpu.memory_space<hbm>>
        %dma_wait3A_38 = arith.constant 0 : i32
        %dma_wait3A_39 = tpu.memref_slice %arg6[%mul3A_28, %dma_wait3A_38] : memref<14088x128xf32, #tpu.memory_space<vmem_shared>> -> memref<880x128xf32, #tpu.memory_space<vmem_shared>>
        tpu.wait_dma2 semaphore(%run_scoped3A : memref<!tpu.dma_semaphore, #tpu.memory_space<semaphore_mem>>) src(%dma_wait3A_39 : memref<880x128xf32, #tpu.memory_space<vmem_shared>>) dst(%dma_wait3A_37 : memref<880x128xf32, #tpu.memory_space<hbm>>)
        tpu.yield
      }) : () -> ()
      %barrier3A_33 = arith.constant 0 : index
      tpu.barrier barrier_id(%barrier3A_33)
    } else {
    }
    %eq3A_12 = arith.constant 1 : i32
    %eq3A_13 = arith.cmpi eq, %arg0, %eq3A_12 : i32
    %convert_element_type3A_14 = arith.extui %eq3A_13 : i1 to i32
    %cond3A_15 = arith.constant 0 : i32
    %cond3A_16 = arith.cmpi ne, %convert_element_type3A_14, %cond3A_15 : i32
    scf.if %cond3A_16 {
      %mul3A = arith.constant 496 : i32
      %mul3A_17 = arith.muli %arg1, %mul3A : i32
      %add3A = arith.constant 42240 : i32
      %add3A_18 = arith.addi %add3A, %mul3A_17 : i32
      %mul3A_19 = arith.constant 496 : i32
      %mul3A_20 = arith.muli %arg1, %mul3A_19 : i32
      "tpu.region"() ({
        %run_scoped3A = tpu.sem_alloc : memref<!tpu.dma_semaphore, #tpu.memory_space<semaphore_mem>>
        %dma_start3A = arith.constant 0 : i32
        %dma_start3A_34 = tpu.memref_slice %arg6[%mul3A_20, %dma_start3A] : memref<14088x128xf32, #tpu.memory_space<vmem_shared>> -> memref<496x128xf32, #tpu.memory_space<vmem_shared>>
        %dma_start3A_35 = arith.constant 0 : i32
        %dma_start3A_36 = tpu.memref_slice %arg4[%add3A_18, %dma_start3A_35] : memref<50176x128xf32, #tpu.memory_space<hbm>> -> memref<496x128xf32, #tpu.memory_space<hbm>>
        tpu.enqueue_dma source(%dma_start3A_36 : memref<496x128xf32, #tpu.memory_space<hbm>>) target(%dma_start3A_34 : memref<496x128xf32, #tpu.memory_space<vmem_shared>>) target_semaphore(%run_scoped3A : memref<!tpu.dma_semaphore, #tpu.memory_space<semaphore_mem>>)
        %dma_wait3A = arith.constant 0 : i32
        %dma_wait3A_37 = tpu.memref_slice %arg6[%mul3A_20, %dma_wait3A] : memref<14088x128xf32, #tpu.memory_space<vmem_shared>> -> memref<496x128xf32, #tpu.memory_space<vmem_shared>>
        %dma_wait3A_38 = arith.constant 0 : i32
        %dma_wait3A_39 = tpu.memref_slice %arg4[%add3A_18, %dma_wait3A_38] : memref<50176x128xf32, #tpu.memory_space<hbm>> -> memref<496x128xf32, #tpu.memory_space<hbm>>
        tpu.wait_dma2 semaphore(%run_scoped3A : memref<!tpu.dma_semaphore, #tpu.memory_space<semaphore_mem>>) src(%dma_wait3A_39 : memref<496x128xf32, #tpu.memory_space<hbm>>) dst(%dma_wait3A_37 : memref<496x128xf32, #tpu.memory_space<vmem_shared>>)
        tpu.yield
      }) : () -> ()
      %barrier3A = arith.constant 0 : index
      tpu.barrier barrier_id(%barrier3A)
      %scan3A = arith.constant 0 : i32
      %scan3A_21 = arith.constant 0 : i32
      %scan3A_22 = arith.constant 392 : i32
      %scan3A_23 = arith.addi %scan3A_21, %scan3A_22 : i32
      %scan3A_24 = arith.constant 1 : i32
      scf.for %scan3A_34 = %scan3A_21 to %scan3A_23 step %scan3A_24  : i32 {
        %mul3A_35 = arith.constant 50176 : i32
        %mul3A_36 = arith.muli %arg1, %mul3A_35 : i32
        %mul3A_37 = arith.constant 128 : i32
        %mul3A_38 = arith.muli %scan3A_34, %mul3A_37 : i32
        %add3A_39 = arith.addi %mul3A_36, %mul3A_38 : i32
        %multiple_of3A = tpu.assume_multiple %add3A_39, 128 : i32
        "tpu.region"() ({
          %run_scoped3A = tpu.sem_alloc : memref<!tpu.dma_semaphore, #tpu.memory_space<semaphore_mem>>
          %dma_start3A = tpu.memref_slice %arg3[%multiple_of3A] : memref<802816xi32, #tpu.memory_space<hbm>> -> memref<128xi32, #tpu.memory_space<hbm>>
          %dma_start3A_191 = tpu.memref_slice %arg3[%multiple_of3A] : memref<802816xi32, #tpu.memory_space<hbm>> -> memref<128xi32, #tpu.memory_space<hbm>>
          tpu.enqueue_dma source(%dma_start3A_191 : memref<128xi32, #tpu.memory_space<hbm>>) target(%arg7 : memref<128xi32, #tpu.memory_space<vmem>>) target_semaphore(%run_scoped3A : memref<!tpu.dma_semaphore, #tpu.memory_space<semaphore_mem>>)
          %dma_wait3A = tpu.memref_slice %arg3[%multiple_of3A] : memref<802816xi32, #tpu.memory_space<hbm>> -> memref<128xi32, #tpu.memory_space<hbm>>
          %dma_wait3A_192 = tpu.memref_slice %arg3[%multiple_of3A] : memref<802816xi32, #tpu.memory_space<hbm>> -> memref<128xi32, #tpu.memory_space<hbm>>
          tpu.wait_dma2 semaphore(%run_scoped3A : memref<!tpu.dma_semaphore, #tpu.memory_space<semaphore_mem>>) src(%dma_wait3A_192 : memref<128xi32, #tpu.memory_space<hbm>>) dst(%arg7 : memref<128xi32, #tpu.memory_space<vmem>>)
          tpu.yield
        }) : () -> ()
        "tpu.region"() ({
          %run_scoped3A = tpu.sem_alloc : memref<!tpu.dma_semaphore, #tpu.memory_space<semaphore_mem>>
          %dma_start3A = arith.constant 0 : i32
          %dma_start3A_191 = tpu.memref_slice %arg2[%multiple_of3A, %dma_start3A] : memref<802816x128xf32, #tpu.memory_space<hbm>> -> memref<128x128xf32, #tpu.memory_space<hbm>>
          %dma_start3A_192 = arith.constant 0 : i32
          %dma_start3A_193 = tpu.memref_slice %arg2[%multiple_of3A, %dma_start3A_192] : memref<802816x128xf32, #tpu.memory_space<hbm>> -> memref<128x128xf32, #tpu.memory_space<hbm>>
          tpu.enqueue_dma source(%dma_start3A_193 : memref<128x128xf32, #tpu.memory_space<hbm>>) target(%arg9 : memref<128x128xf32, #tpu.memory_space<vmem>>) target_semaphore(%run_scoped3A : memref<!tpu.dma_semaphore, #tpu.memory_space<semaphore_mem>>)
          %dma_wait3A = arith.constant 0 : i32
          %dma_wait3A_194 = tpu.memref_slice %arg2[%multiple_of3A, %dma_wait3A] : memref<802816x128xf32, #tpu.memory_space<hbm>> -> memref<128x128xf32, #tpu.memory_space<hbm>>
          %dma_wait3A_195 = arith.constant 0 : i32
          %dma_wait3A_196 = tpu.memref_slice %arg2[%multiple_of3A, %dma_wait3A_195] : memref<802816x128xf32, #tpu.memory_space<hbm>> -> memref<128x128xf32, #tpu.memory_space<hbm>>
          tpu.wait_dma2 semaphore(%run_scoped3A : memref<!tpu.dma_semaphore, #tpu.memory_space<semaphore_mem>>) src(%dma_wait3A_196 : memref<128x128xf32, #tpu.memory_space<hbm>>) dst(%arg9 : memref<128x128xf32, #tpu.memory_space<vmem>>)
          tpu.yield
        }) : () -> ()
        %get3A = arith.constant 0 : index
        %get3A_40 = tpu.vector_load %arg7[%get3A] {strides = array<i32>} : memref<128xi32, #tpu.memory_space<vmem>>, vector<16xi32>,
        %get3A_41 = vector.shape_cast %get3A_40 : vector<16xi32> to vector<16xi32>
        %sub3A = arith.constant 42240 : i32
        %sub3A_42 = vector.broadcast %sub3A : i32 to vector<16xi32>
        %sub3A_43 = arith.subi %get3A_41, %sub3A_42 : vector<16xi32>
        %ge3A = arith.constant 0 : i32
        %ge3A_44 = vector.broadcast %ge3A : i32 to vector<16xi32>
        %ge3A_45 = arith.cmpi sge, %sub3A_43, %ge3A_44 : vector<16xi32>
        %lt3A = arith.constant 7936 : i32
        %lt3A_46 = vector.broadcast %lt3A : i32 to vector<16xi32>
        %lt3A_47 = arith.cmpi slt, %sub3A_43, %lt3A_46 : vector<16xi32>
        %and3A = arith.andi %ge3A_45, %lt3A_47 : vector<16xi1>
        %jit3A = arith.constant 14080 : i32
        %broadcast_in_dim3A = vector.broadcast %jit3A : i32 to vector<16xi32>
        %select_n3A = arith.select %and3A, %sub3A_43, %broadcast_in_dim3A : vector<16xi1>, vector<16xi32>
        %swap3A = arith.constant 0 : index
        %swap3A_48 = tpu.vector_load %arg8[%swap3A] {strides = array<i32>} : memref<128xi32, #tpu.memory_space<vmem>>, vector<16xi32>,
        %swap3A_49 = vector.shape_cast %swap3A_48 : vector<16xi32> to vector<16xi32>
        %swap3A_50 = vector.shape_cast %select_n3A : vector<16xi32> to vector<16xi32>
        tpu.vector_store %arg8[%swap3A], %swap3A_50 {strides = array<i32>} : memref<128xi32, #tpu.memory_space<vmem>>, vector<16xi32>,
        %get3A_51 = arith.constant 16 : index
        %get3A_52 = tpu.vector_load %arg7[%get3A_51] {strides = array<i32>} : memref<128xi32, #tpu.memory_space<vmem>>, vector<16xi32>,
        %get3A_53 = vector.shape_cast %get3A_52 : vector<16xi32> to vector<16xi32>
        %sub3A_54 = arith.constant 42240 : i32
        %sub3A_55 = vector.broadcast %sub3A_54 : i32 to vector<16xi32>
        %sub3A_56 = arith.subi %get3A_53, %sub3A_55 : vector<16xi32>
        %ge3A_57 = arith.constant 0 : i32
        %ge3A_58 = vector.broadcast %ge3A_57 : i32 to vector<16xi32>
        %ge3A_59 = arith.cmpi sge, %sub3A_56, %ge3A_58 : vector<16xi32>
        %lt3A_60 = arith.constant 7936 : i32
        %lt3A_61 = vector.broadcast %lt3A_60 : i32 to vector<16xi32>
        %lt3A_62 = arith.cmpi slt, %sub3A_56, %lt3A_61 : vector<16xi32>
        %and3A_63 = arith.andi %ge3A_59, %lt3A_62 : vector<16xi1>
        %jit3A_64 = arith.constant 14080 : i32
        %broadcast_in_dim3A_65 = vector.broadcast %jit3A_64 : i32 to vector<16xi32>
        %select_n3A_66 = arith.select %and3A_63, %sub3A_56, %broadcast_in_dim3A_65 : vector<16xi1>, vector<16xi32>
        %swap3A_67 = arith.constant 16 : index
        %swap3A_68 = tpu.vector_load %arg8[%swap3A_67] {strides = array<i32>} : memref<128xi32, #tpu.memory_space<vmem>>, vector<16xi32>,
        %swap3A_69 = vector.shape_cast %swap3A_68 : vector<16xi32> to vector<16xi32>
        %swap3A_70 = vector.shape_cast %select_n3A_66 : vector<16xi32> to vector<16xi32>
        tpu.vector_store %arg8[%swap3A_67], %swap3A_70 {strides = array<i32>} : memref<128xi32, #tpu.memory_space<vmem>>, vector<16xi32>,
        %get3A_71 = arith.constant 32 : index
        %get3A_72 = tpu.vector_load %arg7[%get3A_71] {strides = array<i32>} : memref<128xi32, #tpu.memory_space<vmem>>, vector<16xi32>,
        %get3A_73 = vector.shape_cast %get3A_72 : vector<16xi32> to vector<16xi32>
        %sub3A_74 = arith.constant 42240 : i32
        %sub3A_75 = vector.broadcast %sub3A_74 : i32 to vector<16xi32>
        %sub3A_76 = arith.subi %get3A_73, %sub3A_75 : vector<16xi32>
        %ge3A_77 = arith.constant 0 : i32
        %ge3A_78 = vector.broadcast %ge3A_77 : i32 to vector<16xi32>
        %ge3A_79 = arith.cmpi sge, %sub3A_76, %ge3A_78 : vector<16xi32>
        %lt3A_80 = arith.constant 7936 : i32
        %lt3A_81 = vector.broadcast %lt3A_80 : i32 to vector<16xi32>
        %lt3A_82 = arith.cmpi slt, %sub3A_76, %lt3A_81 : vector<16xi32>
        %and3A_83 = arith.andi %ge3A_79, %lt3A_82 : vector<16xi1>
        %jit3A_84 = arith.constant 14080 : i32
        %broadcast_in_dim3A_85 = vector.broadcast %jit3A_84 : i32 to vector<16xi32>
        %select_n3A_86 = arith.select %and3A_83, %sub3A_76, %broadcast_in_dim3A_85 : vector<16xi1>, vector<16xi32>
        %swap3A_87 = arith.constant 32 : index
        %swap3A_88 = tpu.vector_load %arg8[%swap3A_87] {strides = array<i32>} : memref<128xi32, #tpu.memory_space<vmem>>, vector<16xi32>,
        %swap3A_89 = vector.shape_cast %swap3A_88 : vector<16xi32> to vector<16xi32>
        %swap3A_90 = vector.shape_cast %select_n3A_86 : vector<16xi32> to vector<16xi32>
        tpu.vector_store %arg8[%swap3A_87], %swap3A_90 {strides = array<i32>} : memref<128xi32, #tpu.memory_space<vmem>>, vector<16xi32>,
        %get3A_91 = arith.constant 48 : index
        %get3A_92 = tpu.vector_load %arg7[%get3A_91] {strides = array<i32>} : memref<128xi32, #tpu.memory_space<vmem>>, vector<16xi32>,
        %get3A_93 = vector.shape_cast %get3A_92 : vector<16xi32> to vector<16xi32>
        %sub3A_94 = arith.constant 42240 : i32
        %sub3A_95 = vector.broadcast %sub3A_94 : i32 to vector<16xi32>
        %sub3A_96 = arith.subi %get3A_93, %sub3A_95 : vector<16xi32>
        %ge3A_97 = arith.constant 0 : i32
        %ge3A_98 = vector.broadcast %ge3A_97 : i32 to vector<16xi32>
        %ge3A_99 = arith.cmpi sge, %sub3A_96, %ge3A_98 : vector<16xi32>
        %lt3A_100 = arith.constant 7936 : i32
        %lt3A_101 = vector.broadcast %lt3A_100 : i32 to vector<16xi32>
        %lt3A_102 = arith.cmpi slt, %sub3A_96, %lt3A_101 : vector<16xi32>
        %and3A_103 = arith.andi %ge3A_99, %lt3A_102 : vector<16xi1>
        %jit3A_104 = arith.constant 14080 : i32
        %broadcast_in_dim3A_105 = vector.broadcast %jit3A_104 : i32 to vector<16xi32>
        %select_n3A_106 = arith.select %and3A_103, %sub3A_96, %broadcast_in_dim3A_105 : vector<16xi1>, vector<16xi32>
        %swap3A_107 = arith.constant 48 : index
        %swap3A_108 = tpu.vector_load %arg8[%swap3A_107] {strides = array<i32>} : memref<128xi32, #tpu.memory_space<vmem>>, vector<16xi32>,
        %swap3A_109 = vector.shape_cast %swap3A_108 : vector<16xi32> to vector<16xi32>
        %swap3A_110 = vector.shape_cast %select_n3A_106 : vector<16xi32> to vector<16xi32>
        tpu.vector_store %arg8[%swap3A_107], %swap3A_110 {strides = array<i32>} : memref<128xi32, #tpu.memory_space<vmem>>, vector<16xi32>,
        %get3A_111 = arith.constant 64 : index
        %get3A_112 = tpu.vector_load %arg7[%get3A_111] {strides = array<i32>} : memref<128xi32, #tpu.memory_space<vmem>>, vector<16xi32>,
        %get3A_113 = vector.shape_cast %get3A_112 : vector<16xi32> to vector<16xi32>
        %sub3A_114 = arith.constant 42240 : i32
        %sub3A_115 = vector.broadcast %sub3A_114 : i32 to vector<16xi32>
        %sub3A_116 = arith.subi %get3A_113, %sub3A_115 : vector<16xi32>
        %ge3A_117 = arith.constant 0 : i32
        %ge3A_118 = vector.broadcast %ge3A_117 : i32 to vector<16xi32>
        %ge3A_119 = arith.cmpi sge, %sub3A_116, %ge3A_118 : vector<16xi32>
        %lt3A_120 = arith.constant 7936 : i32
        %lt3A_121 = vector.broadcast %lt3A_120 : i32 to vector<16xi32>
        %lt3A_122 = arith.cmpi slt, %sub3A_116, %lt3A_121 : vector<16xi32>
        %and3A_123 = arith.andi %ge3A_119, %lt3A_122 : vector<16xi1>
        %jit3A_124 = arith.constant 14080 : i32
        %broadcast_in_dim3A_125 = vector.broadcast %jit3A_124 : i32 to vector<16xi32>
        %select_n3A_126 = arith.select %and3A_123, %sub3A_116, %broadcast_in_dim3A_125 : vector<16xi1>, vector<16xi32>
        %swap3A_127 = arith.constant 64 : index
        %swap3A_128 = tpu.vector_load %arg8[%swap3A_127] {strides = array<i32>} : memref<128xi32, #tpu.memory_space<vmem>>, vector<16xi32>,
        %swap3A_129 = vector.shape_cast %swap3A_128 : vector<16xi32> to vector<16xi32>
        %swap3A_130 = vector.shape_cast %select_n3A_126 : vector<16xi32> to vector<16xi32>
        tpu.vector_store %arg8[%swap3A_127], %swap3A_130 {strides = array<i32>} : memref<128xi32, #tpu.memory_space<vmem>>, vector<16xi32>,
        %get3A_131 = arith.constant 80 : index
        %get3A_132 = tpu.vector_load %arg7[%get3A_131] {strides = array<i32>} : memref<128xi32, #tpu.memory_space<vmem>>, vector<16xi32>,
        %get3A_133 = vector.shape_cast %get3A_132 : vector<16xi32> to vector<16xi32>
        %sub3A_134 = arith.constant 42240 : i32
        %sub3A_135 = vector.broadcast %sub3A_134 : i32 to vector<16xi32>
        %sub3A_136 = arith.subi %get3A_133, %sub3A_135 : vector<16xi32>
        %ge3A_137 = arith.constant 0 : i32
        %ge3A_138 = vector.broadcast %ge3A_137 : i32 to vector<16xi32>
        %ge3A_139 = arith.cmpi sge, %sub3A_136, %ge3A_138 : vector<16xi32>
        %lt3A_140 = arith.constant 7936 : i32
        %lt3A_141 = vector.broadcast %lt3A_140 : i32 to vector<16xi32>
        %lt3A_142 = arith.cmpi slt, %sub3A_136, %lt3A_141 : vector<16xi32>
        %and3A_143 = arith.andi %ge3A_139, %lt3A_142 : vector<16xi1>
        %jit3A_144 = arith.constant 14080 : i32
        %broadcast_in_dim3A_145 = vector.broadcast %jit3A_144 : i32 to vector<16xi32>
        %select_n3A_146 = arith.select %and3A_143, %sub3A_136, %broadcast_in_dim3A_145 : vector<16xi1>, vector<16xi32>
        %swap3A_147 = arith.constant 80 : index
        %swap3A_148 = tpu.vector_load %arg8[%swap3A_147] {strides = array<i32>} : memref<128xi32, #tpu.memory_space<vmem>>, vector<16xi32>,
        %swap3A_149 = vector.shape_cast %swap3A_148 : vector<16xi32> to vector<16xi32>
        %swap3A_150 = vector.shape_cast %select_n3A_146 : vector<16xi32> to vector<16xi32>
        tpu.vector_store %arg8[%swap3A_147], %swap3A_150 {strides = array<i32>} : memref<128xi32, #tpu.memory_space<vmem>>, vector<16xi32>,
        %get3A_151 = arith.constant 96 : index
        %get3A_152 = tpu.vector_load %arg7[%get3A_151] {strides = array<i32>} : memref<128xi32, #tpu.memory_space<vmem>>, vector<16xi32>,
        %get3A_153 = vector.shape_cast %get3A_152 : vector<16xi32> to vector<16xi32>
        %sub3A_154 = arith.constant 42240 : i32
        %sub3A_155 = vector.broadcast %sub3A_154 : i32 to vector<16xi32>
        %sub3A_156 = arith.subi %get3A_153, %sub3A_155 : vector<16xi32>
        %ge3A_157 = arith.constant 0 : i32
        %ge3A_158 = vector.broadcast %ge3A_157 : i32 to vector<16xi32>
        %ge3A_159 = arith.cmpi sge, %sub3A_156, %ge3A_158 : vector<16xi32>
        %lt3A_160 = arith.constant 7936 : i32
        %lt3A_161 = vector.broadcast %lt3A_160 : i32 to vector<16xi32>
        %lt3A_162 = arith.cmpi slt, %sub3A_156, %lt3A_161 : vector<16xi32>
        %and3A_163 = arith.andi %ge3A_159, %lt3A_162 : vector<16xi1>
        %jit3A_164 = arith.constant 14080 : i32
        %broadcast_in_dim3A_165 = vector.broadcast %jit3A_164 : i32 to vector<16xi32>
        %select_n3A_166 = arith.select %and3A_163, %sub3A_156, %broadcast_in_dim3A_165 : vector<16xi1>, vector<16xi32>
        %swap3A_167 = arith.constant 96 : index
        %swap3A_168 = tpu.vector_load %arg8[%swap3A_167] {strides = array<i32>} : memref<128xi32, #tpu.memory_space<vmem>>, vector<16xi32>,
        %swap3A_169 = vector.shape_cast %swap3A_168 : vector<16xi32> to vector<16xi32>
        %swap3A_170 = vector.shape_cast %select_n3A_166 : vector<16xi32> to vector<16xi32>
        tpu.vector_store %arg8[%swap3A_167], %swap3A_170 {strides = array<i32>} : memref<128xi32, #tpu.memory_space<vmem>>, vector<16xi32>,
        %get3A_171 = arith.constant 112 : index
        %get3A_172 = tpu.vector_load %arg7[%get3A_171] {strides = array<i32>} : memref<128xi32, #tpu.memory_space<vmem>>, vector<16xi32>,
        %get3A_173 = vector.shape_cast %get3A_172 : vector<16xi32> to vector<16xi32>
        %sub3A_174 = arith.constant 42240 : i32
        %sub3A_175 = vector.broadcast %sub3A_174 : i32 to vector<16xi32>
        %sub3A_176 = arith.subi %get3A_173, %sub3A_175 : vector<16xi32>
        %ge3A_177 = arith.constant 0 : i32
        %ge3A_178 = vector.broadcast %ge3A_177 : i32 to vector<16xi32>
        %ge3A_179 = arith.cmpi sge, %sub3A_176, %ge3A_178 : vector<16xi32>
        %lt3A_180 = arith.constant 7936 : i32
        %lt3A_181 = vector.broadcast %lt3A_180 : i32 to vector<16xi32>
        %lt3A_182 = arith.cmpi slt, %sub3A_176, %lt3A_181 : vector<16xi32>
        %and3A_183 = arith.andi %ge3A_179, %lt3A_182 : vector<16xi1>
        %jit3A_184 = arith.constant 14080 : i32
        %broadcast_in_dim3A_185 = vector.broadcast %jit3A_184 : i32 to vector<16xi32>
        %select_n3A_186 = arith.select %and3A_183, %sub3A_176, %broadcast_in_dim3A_185 : vector<16xi1>, vector<16xi32>
        %swap3A_187 = arith.constant 112 : index
        %swap3A_188 = tpu.vector_load %arg8[%swap3A_187] {strides = array<i32>} : memref<128xi32, #tpu.memory_space<vmem>>, vector<16xi32>,
        %swap3A_189 = vector.shape_cast %swap3A_188 : vector<16xi32> to vector<16xi32>
        %swap3A_190 = vector.shape_cast %select_n3A_186 : vector<16xi32> to vector<16xi32>
        tpu.vector_store %arg8[%swap3A_187], %swap3A_190 {strides = array<i32>} : memref<128xi32, #tpu.memory_space<vmem>>, vector<16xi32>,
        "tpu.region"() ({
          %run_scoped3A = tpu.sem_alloc : memref<!tpu.dma_semaphore, #tpu.memory_space<semaphore_mem>>
          %dma_start3A = arith.constant 0 : i32
          %dma_start3A_191 = arith.constant 0 : i32
          %dma_start3A_192 = tpu.memref_slice %arg6[%dma_start3A, %dma_start3A_191] : memref<14088x128xf32, #tpu.memory_space<vmem_shared>> -> memref<14088x128xf32, #tpu.memory_space<vmem_shared>>
          tpu.enqueue_indirect_dma source(%arg9 : memref<128x128xf32, #tpu.memory_space<vmem>>) target(%dma_start3A_192 : memref<14088x128xf32, #tpu.memory_space<vmem_shared>>) offsets(%arg8 : memref<128xi32, #tpu.memory_space<vmem>>) semaphore(%run_scoped3A : memref<!tpu.dma_semaphore, #tpu.memory_space<semaphore_mem>>) {add = true}
          %dma_wait3A = arith.constant 0 : i32
          %dma_wait3A_193 = arith.constant 0 : i32
          %dma_wait3A_194 = tpu.memref_slice %arg6[%dma_wait3A, %dma_wait3A_193] : memref<14088x128xf32, #tpu.memory_space<vmem_shared>> -> memref<14088x128xf32, #tpu.memory_space<vmem_shared>>
          tpu.wait_indirect_dma semaphore(%run_scoped3A : memref<!tpu.dma_semaphore, #tpu.memory_space<semaphore_mem>>) src(%arg9 : memref<128x128xf32, #tpu.memory_space<vmem>>) dst(%dma_wait3A_194 : memref<14088x128xf32, #tpu.memory_space<vmem_shared>>)
          tpu.yield
        }) : () -> ()
      }
      %scan3A_25 = arith.constant 392 : i32
      %barrier3A_26 = arith.constant 0 : index
      tpu.barrier barrier_id(%barrier3A_26)
      %mul3A_27 = arith.constant 496 : i32
      %mul3A_28 = arith.muli %arg1, %mul3A_27 : i32
      %mul3A_29 = arith.constant 496 : i32
      %mul3A_30 = arith.muli %arg1, %mul3A_29 : i32
      %add3A_31 = arith.constant 42240 : i32
      %add3A_32 = arith.addi %add3A_31, %mul3A_30 : i32
      "tpu.region"() ({
        %run_scoped3A = tpu.sem_alloc : memref<!tpu.dma_semaphore, #tpu.memory_space<semaphore_mem>>
        %dma_start3A = arith.constant 0 : i32
        %dma_start3A_34 = tpu.memref_slice %arg5[%add3A_32, %dma_start3A] : memref<50176x128xf32, #tpu.memory_space<hbm>> -> memref<496x128xf32, #tpu.memory_space<hbm>>
        %dma_start3A_35 = arith.constant 0 : i32
        %dma_start3A_36 = tpu.memref_slice %arg6[%mul3A_28, %dma_start3A_35] : memref<14088x128xf32, #tpu.memory_space<vmem_shared>> -> memref<496x128xf32, #tpu.memory_space<vmem_shared>>
        tpu.enqueue_dma source(%dma_start3A_36 : memref<496x128xf32, #tpu.memory_space<vmem_shared>>) target(%dma_start3A_34 : memref<496x128xf32, #tpu.memory_space<hbm>>) target_semaphore(%run_scoped3A : memref<!tpu.dma_semaphore, #tpu.memory_space<semaphore_mem>>)
        %dma_wait3A = arith.constant 0 : i32
        %dma_wait3A_37 = tpu.memref_slice %arg5[%add3A_32, %dma_wait3A] : memref<50176x128xf32, #tpu.memory_space<hbm>> -> memref<496x128xf32, #tpu.memory_space<hbm>>
        %dma_wait3A_38 = arith.constant 0 : i32
        %dma_wait3A_39 = tpu.memref_slice %arg6[%mul3A_28, %dma_wait3A_38] : memref<14088x128xf32, #tpu.memory_space<vmem_shared>> -> memref<496x128xf32, #tpu.memory_space<vmem_shared>>
        tpu.wait_dma2 semaphore(%run_scoped3A : memref<!tpu.dma_semaphore, #tpu.memory_space<semaphore_mem>>) src(%dma_wait3A_39 : memref<496x128xf32, #tpu.memory_space<vmem_shared>>) dst(%dma_wait3A_37 : memref<496x128xf32, #tpu.memory_space<hbm>>)
        tpu.yield
      }) : () -> ()
      %barrier3A_33 = arith.constant 0 : index
      tpu.barrier barrier_id(%barrier3A_33)
    } else {
    }
    return
  }
}

#map = affine_map<(d0, d1) -> (0, 0)>
#map1 = affine_map<(d0, d1) -> (0)>
module attributes {stable_mosaic.version = 14 : i64} {
  func.func @k(%arg0: i32, %arg1: i32, %arg2: memref<100000x128xf32, #tpu.memory_space<hbm>>, %arg3: memref<100000x128xf32, #tpu.memory_space<hbm>>, %arg4: memref<802816x128xf32, #tpu.memory_space<hbm>>, %arg5: memref<802816xi32, #tpu.memory_space<hbm>>, %arg6: memref<802816xi32, #tpu.memory_space<hbm>>, %arg7: memref<802816x128xf32, #tpu.memory_space<hbm>>, %arg8: memref<128xi32, #tpu.memory_space<vmem>>, %arg9: memref<128xi32, #tpu.memory_space<vmem>>, %arg10: memref<128x128xf32, #tpu.memory_space<vmem>>, %arg11: memref<128x128xf32, #tpu.memory_space<vmem>>, %arg12: memref<128x128xf32, #tpu.memory_space<vmem>>, %arg13: memref<!tpu.dma_semaphore, #tpu.memory_space<semaphore_mem>>, %arg14: memref<!tpu.dma_semaphore, #tpu.memory_space<semaphore_mem>>) attributes {dimension_semantics = [#tpu.dimension_semantics<core_parallel>, #tpu.dimension_semantics<subcore_parallel>], iteration_bounds = array<i64: 2, 16>, scalar_prefetch = 0 : i64, scratch_operands = 7 : i64, tpu.core_type = #tpu.core_type<sc_vector_subcore>, window_params = [{transform_indices = #map}, {transform_indices = #map}, {transform_indices = #map}, {transform_indices = #map1}, {transform_indices = #map1}, {transform_indices = #map}]} {
    %mul3A = arith.constant 2 : i32
    %mul3A_0 = arith.muli %arg1, %mul3A : i32
    %add3A = arith.addi %mul3A_0, %arg0 : i32
    %mul3A_1 = arith.constant 25088 : i32
    %mul3A_2 = arith.muli %add3A, %mul3A_1 : i32
    %scan3A = arith.constant 0 : i32
    %scan3A_3 = arith.constant 0 : i32
    %scan3A_4 = arith.constant 196 : i32
    %scan3A_5 = arith.addi %scan3A_3, %scan3A_4 : i32
    %scan3A_6 = arith.constant 1 : i32
    scf.for %scan3A_8 = %scan3A_3 to %scan3A_5 step %scan3A_6  : i32 {
      %mul3A_9 = arith.constant 128 : i32
      %mul3A_10 = arith.muli %scan3A_8, %mul3A_9 : i32
      %add3A_11 = arith.addi %mul3A_2, %mul3A_10 : i32
      %multiple_of3A = tpu.assume_multiple %add3A_11, 128 : i32
      "tpu.region"() ({
        %run_scoped3A = tpu.sem_alloc : memref<!tpu.dma_semaphore, #tpu.memory_space<semaphore_mem>>
        %dma_start3A_28 = tpu.memref_slice %arg5[%multiple_of3A] : memref<802816xi32, #tpu.memory_space<hbm>> -> memref<128xi32, #tpu.memory_space<hbm>>
        %dma_start3A_29 = tpu.memref_slice %arg5[%multiple_of3A] : memref<802816xi32, #tpu.memory_space<hbm>> -> memref<128xi32, #tpu.memory_space<hbm>>
        tpu.enqueue_dma source(%dma_start3A_29 : memref<128xi32, #tpu.memory_space<hbm>>) target(%arg8 : memref<128xi32, #tpu.memory_space<vmem>>) target_semaphore(%run_scoped3A : memref<!tpu.dma_semaphore, #tpu.memory_space<semaphore_mem>>)
        %dma_wait3A_30 = tpu.memref_slice %arg5[%multiple_of3A] : memref<802816xi32, #tpu.memory_space<hbm>> -> memref<128xi32, #tpu.memory_space<hbm>>
        %dma_wait3A_31 = tpu.memref_slice %arg5[%multiple_of3A] : memref<802816xi32, #tpu.memory_space<hbm>> -> memref<128xi32, #tpu.memory_space<hbm>>
        tpu.wait_dma2 semaphore(%run_scoped3A : memref<!tpu.dma_semaphore, #tpu.memory_space<semaphore_mem>>) src(%dma_wait3A_31 : memref<128xi32, #tpu.memory_space<hbm>>) dst(%arg8 : memref<128xi32, #tpu.memory_space<vmem>>)
        tpu.yield
      }) : () -> ()
      "tpu.region"() ({
        %run_scoped3A = tpu.sem_alloc : memref<!tpu.dma_semaphore, #tpu.memory_space<semaphore_mem>>
        %dma_start3A_28 = tpu.memref_slice %arg6[%multiple_of3A] : memref<802816xi32, #tpu.memory_space<hbm>> -> memref<128xi32, #tpu.memory_space<hbm>>
        %dma_start3A_29 = tpu.memref_slice %arg6[%multiple_of3A] : memref<802816xi32, #tpu.memory_space<hbm>> -> memref<128xi32, #tpu.memory_space<hbm>>
        tpu.enqueue_dma source(%dma_start3A_29 : memref<128xi32, #tpu.memory_space<hbm>>) target(%arg9 : memref<128xi32, #tpu.memory_space<vmem>>) target_semaphore(%run_scoped3A : memref<!tpu.dma_semaphore, #tpu.memory_space<semaphore_mem>>)
        %dma_wait3A_30 = tpu.memref_slice %arg6[%multiple_of3A] : memref<802816xi32, #tpu.memory_space<hbm>> -> memref<128xi32, #tpu.memory_space<hbm>>
        %dma_wait3A_31 = tpu.memref_slice %arg6[%multiple_of3A] : memref<802816xi32, #tpu.memory_space<hbm>> -> memref<128xi32, #tpu.memory_space<hbm>>
        tpu.wait_dma2 semaphore(%run_scoped3A : memref<!tpu.dma_semaphore, #tpu.memory_space<semaphore_mem>>) src(%dma_wait3A_31 : memref<128xi32, #tpu.memory_space<hbm>>) dst(%arg9 : memref<128xi32, #tpu.memory_space<vmem>>)
        tpu.yield
      }) : () -> ()
      %dma_start3A = arith.constant 0 : i32
      %dma_start3A_12 = arith.constant 0 : i32
      %dma_start3A_13 = tpu.memref_slice %arg2[%dma_start3A, %dma_start3A_12] : memref<100000x128xf32, #tpu.memory_space<hbm>> -> memref<100000x128xf32, #tpu.memory_space<hbm>>
      tpu.enqueue_indirect_dma source(%dma_start3A_13 : memref<100000x128xf32, #tpu.memory_space<hbm>>) target(%arg10 : memref<128x128xf32, #tpu.memory_space<vmem>>) offsets(%arg8 : memref<128xi32, #tpu.memory_space<vmem>>) semaphore(%arg13 : memref<!tpu.dma_semaphore, #tpu.memory_space<semaphore_mem>>)
      %dma_start3A_14 = arith.constant 0 : i32
      %dma_start3A_15 = arith.constant 0 : i32
      %dma_start3A_16 = tpu.memref_slice %arg3[%dma_start3A_14, %dma_start3A_15] : memref<100000x128xf32, #tpu.memory_space<hbm>> -> memref<100000x128xf32, #tpu.memory_space<hbm>>
      tpu.enqueue_indirect_dma source(%dma_start3A_16 : memref<100000x128xf32, #tpu.memory_space<hbm>>) target(%arg11 : memref<128x128xf32, #tpu.memory_space<vmem>>) offsets(%arg9 : memref<128xi32, #tpu.memory_space<vmem>>) semaphore(%arg14 : memref<!tpu.dma_semaphore, #tpu.memory_space<semaphore_mem>>)
      "tpu.region"() ({
        %run_scoped3A = tpu.sem_alloc : memref<!tpu.dma_semaphore, #tpu.memory_space<semaphore_mem>>
        %dma_start3A_28 = arith.constant 0 : i32
        %dma_start3A_29 = tpu.memref_slice %arg4[%multiple_of3A, %dma_start3A_28] : memref<802816x128xf32, #tpu.memory_space<hbm>> -> memref<128x128xf32, #tpu.memory_space<hbm>>
        %dma_start3A_30 = arith.constant 0 : i32
        %dma_start3A_31 = tpu.memref_slice %arg4[%multiple_of3A, %dma_start3A_30] : memref<802816x128xf32, #tpu.memory_space<hbm>> -> memref<128x128xf32, #tpu.memory_space<hbm>>
        tpu.enqueue_dma source(%dma_start3A_31 : memref<128x128xf32, #tpu.memory_space<hbm>>) target(%arg12 : memref<128x128xf32, #tpu.memory_space<vmem>>) target_semaphore(%run_scoped3A : memref<!tpu.dma_semaphore, #tpu.memory_space<semaphore_mem>>)
        %dma_wait3A_32 = arith.constant 0 : i32
        %dma_wait3A_33 = tpu.memref_slice %arg4[%multiple_of3A, %dma_wait3A_32] : memref<802816x128xf32, #tpu.memory_space<hbm>> -> memref<128x128xf32, #tpu.memory_space<hbm>>
        %dma_wait3A_34 = arith.constant 0 : i32
        %dma_wait3A_35 = tpu.memref_slice %arg4[%multiple_of3A, %dma_wait3A_34] : memref<802816x128xf32, #tpu.memory_space<hbm>> -> memref<128x128xf32, #tpu.memory_space<hbm>>
        tpu.wait_dma2 semaphore(%run_scoped3A : memref<!tpu.dma_semaphore, #tpu.memory_space<semaphore_mem>>) src(%dma_wait3A_35 : memref<128x128xf32, #tpu.memory_space<hbm>>) dst(%arg12 : memref<128x128xf32, #tpu.memory_space<vmem>>)
        tpu.yield
      }) : () -> ()
      %dma_wait3A = arith.constant 0 : i32
      %dma_wait3A_17 = arith.constant 0 : i32
      %dma_wait3A_18 = tpu.memref_slice %arg2[%dma_wait3A, %dma_wait3A_17] : memref<100000x128xf32, #tpu.memory_space<hbm>> -> memref<100000x128xf32, #tpu.memory_space<hbm>>
      tpu.wait_indirect_dma semaphore(%arg13 : memref<!tpu.dma_semaphore, #tpu.memory_space<semaphore_mem>>) src(%dma_wait3A_18 : memref<100000x128xf32, #tpu.memory_space<hbm>>) dst(%arg10 : memref<128x128xf32, #tpu.memory_space<vmem>>)
      %dma_wait3A_19 = arith.constant 0 : i32
      %dma_wait3A_20 = arith.constant 0 : i32
      %dma_wait3A_21 = tpu.memref_slice %arg3[%dma_wait3A_19, %dma_wait3A_20] : memref<100000x128xf32, #tpu.memory_space<hbm>> -> memref<100000x128xf32, #tpu.memory_space<hbm>>
      tpu.wait_indirect_dma semaphore(%arg14 : memref<!tpu.dma_semaphore, #tpu.memory_space<semaphore_mem>>) src(%dma_wait3A_21 : memref<100000x128xf32, #tpu.memory_space<hbm>>) dst(%arg11 : memref<128x128xf32, #tpu.memory_space<vmem>>)
      %scan3A_22 = arith.constant 0 : i32
      %scan3A_23 = arith.constant 0 : i32
      %scan3A_24 = arith.constant 128 : i32
      %scan3A_25 = arith.addi %scan3A_23, %scan3A_24 : i32
      %scan3A_26 = arith.constant 1 : i32
      scf.for %scan3A_28 = %scan3A_23 to %scan3A_25 step %scan3A_26  : i32 {
        %get3A = arith.index_cast %scan3A_28 : i32 to index
        %get3A_29 = arith.constant 0 : index
        %get3A_30 = tpu.vector_load %arg10[%get3A, %get3A_29] {strides = array<i32>} : memref<128x128xf32, #tpu.memory_space<vmem>>, vector<1x16xf32>,
        %get3A_31 = vector.shape_cast %get3A_30 : vector<1x16xf32> to vector<16xf32>
        %get3A_32 = arith.index_cast %scan3A_28 : i32 to index
        %get3A_33 = arith.constant 0 : index
        %get3A_34 = tpu.vector_load %arg11[%get3A_32, %get3A_33] {strides = array<i32>} : memref<128x128xf32, #tpu.memory_space<vmem>>, vector<1x16xf32>,
        %get3A_35 = vector.shape_cast %get3A_34 : vector<1x16xf32> to vector<16xf32>
        %add3A_36 = arith.addf %get3A_31, %get3A_35 : vector<16xf32>
        %get3A_37 = arith.index_cast %scan3A_28 : i32 to index
        %get3A_38 = arith.constant 0 : index
        %get3A_39 = tpu.vector_load %arg12[%get3A_37, %get3A_38] {strides = array<i32>} : memref<128x128xf32, #tpu.memory_space<vmem>>, vector<1x16xf32>,
        %get3A_40 = vector.shape_cast %get3A_39 : vector<1x16xf32> to vector<16xf32>
        %add3A_41 = arith.addf %add3A_36, %get3A_40 : vector<16xf32>
        %max3A = arith.constant 0.000000e+00 : f32
        %max3A_42 = vector.broadcast %max3A : f32 to vector<16xf32>
        %max3A_43 = arith.maximumf %add3A_41, %max3A_42 : vector<16xf32>
        %swap3A = arith.index_cast %scan3A_28 : i32 to index
        %swap3A_44 = arith.constant 0 : index
        %swap3A_45 = tpu.vector_load %arg12[%swap3A, %swap3A_44] {strides = array<i32>} : memref<128x128xf32, #tpu.memory_space<vmem>>, vector<1x16xf32>,
        %swap3A_46 = vector.shape_cast %swap3A_45 : vector<1x16xf32> to vector<16xf32>
        %swap3A_47 = vector.shape_cast %max3A_43 : vector<16xf32> to vector<1x16xf32>
        tpu.vector_store %arg12[%swap3A, %swap3A_44], %swap3A_47 {strides = array<i32>} : memref<128x128xf32, #tpu.memory_space<vmem>>, vector<1x16xf32>,
        %get3A_48 = arith.index_cast %scan3A_28 : i32 to index
        %get3A_49 = arith.constant 16 : index
        %get3A_50 = tpu.vector_load %arg10[%get3A_48, %get3A_49] {strides = array<i32>} : memref<128x128xf32, #tpu.memory_space<vmem>>, vector<1x16xf32>,
        %get3A_51 = vector.shape_cast %get3A_50 : vector<1x16xf32> to vector<16xf32>
        %get3A_52 = arith.index_cast %scan3A_28 : i32 to index
        %get3A_53 = arith.constant 16 : index
        %get3A_54 = tpu.vector_load %arg11[%get3A_52, %get3A_53] {strides = array<i32>} : memref<128x128xf32, #tpu.memory_space<vmem>>, vector<1x16xf32>,
        %get3A_55 = vector.shape_cast %get3A_54 : vector<1x16xf32> to vector<16xf32>
        %add3A_56 = arith.addf %get3A_51, %get3A_55 : vector<16xf32>
        %get3A_57 = arith.index_cast %scan3A_28 : i32 to index
        %get3A_58 = arith.constant 16 : index
        %get3A_59 = tpu.vector_load %arg12[%get3A_57, %get3A_58] {strides = array<i32>} : memref<128x128xf32, #tpu.memory_space<vmem>>, vector<1x16xf32>,
        %get3A_60 = vector.shape_cast %get3A_59 : vector<1x16xf32> to vector<16xf32>
        %add3A_61 = arith.addf %add3A_56, %get3A_60 : vector<16xf32>
        %max3A_62 = arith.constant 0.000000e+00 : f32
        %max3A_63 = vector.broadcast %max3A_62 : f32 to vector<16xf32>
        %max3A_64 = arith.maximumf %add3A_61, %max3A_63 : vector<16xf32>
        %swap3A_65 = arith.index_cast %scan3A_28 : i32 to index
        %swap3A_66 = arith.constant 16 : index
        %swap3A_67 = tpu.vector_load %arg12[%swap3A_65, %swap3A_66] {strides = array<i32>} : memref<128x128xf32, #tpu.memory_space<vmem>>, vector<1x16xf32>,
        %swap3A_68 = vector.shape_cast %swap3A_67 : vector<1x16xf32> to vector<16xf32>
        %swap3A_69 = vector.shape_cast %max3A_64 : vector<16xf32> to vector<1x16xf32>
        tpu.vector_store %arg12[%swap3A_65, %swap3A_66], %swap3A_69 {strides = array<i32>} : memref<128x128xf32, #tpu.memory_space<vmem>>, vector<1x16xf32>,
        %get3A_70 = arith.index_cast %scan3A_28 : i32 to index
        %get3A_71 = arith.constant 32 : index
        %get3A_72 = tpu.vector_load %arg10[%get3A_70, %get3A_71] {strides = array<i32>} : memref<128x128xf32, #tpu.memory_space<vmem>>, vector<1x16xf32>,
        %get3A_73 = vector.shape_cast %get3A_72 : vector<1x16xf32> to vector<16xf32>
        %get3A_74 = arith.index_cast %scan3A_28 : i32 to index
        %get3A_75 = arith.constant 32 : index
        %get3A_76 = tpu.vector_load %arg11[%get3A_74, %get3A_75] {strides = array<i32>} : memref<128x128xf32, #tpu.memory_space<vmem>>, vector<1x16xf32>,
        %get3A_77 = vector.shape_cast %get3A_76 : vector<1x16xf32> to vector<16xf32>
        %add3A_78 = arith.addf %get3A_73, %get3A_77 : vector<16xf32>
        %get3A_79 = arith.index_cast %scan3A_28 : i32 to index
        %get3A_80 = arith.constant 32 : index
        %get3A_81 = tpu.vector_load %arg12[%get3A_79, %get3A_80] {strides = array<i32>} : memref<128x128xf32, #tpu.memory_space<vmem>>, vector<1x16xf32>,
        %get3A_82 = vector.shape_cast %get3A_81 : vector<1x16xf32> to vector<16xf32>
        %add3A_83 = arith.addf %add3A_78, %get3A_82 : vector<16xf32>
        %max3A_84 = arith.constant 0.000000e+00 : f32
        %max3A_85 = vector.broadcast %max3A_84 : f32 to vector<16xf32>
        %max3A_86 = arith.maximumf %add3A_83, %max3A_85 : vector<16xf32>
        %swap3A_87 = arith.index_cast %scan3A_28 : i32 to index
        %swap3A_88 = arith.constant 32 : index
        %swap3A_89 = tpu.vector_load %arg12[%swap3A_87, %swap3A_88] {strides = array<i32>} : memref<128x128xf32, #tpu.memory_space<vmem>>, vector<1x16xf32>,
        %swap3A_90 = vector.shape_cast %swap3A_89 : vector<1x16xf32> to vector<16xf32>
        %swap3A_91 = vector.shape_cast %max3A_86 : vector<16xf32> to vector<1x16xf32>
        tpu.vector_store %arg12[%swap3A_87, %swap3A_88], %swap3A_91 {strides = array<i32>} : memref<128x128xf32, #tpu.memory_space<vmem>>, vector<1x16xf32>,
        %get3A_92 = arith.index_cast %scan3A_28 : i32 to index
        %get3A_93 = arith.constant 48 : index
        %get3A_94 = tpu.vector_load %arg10[%get3A_92, %get3A_93] {strides = array<i32>} : memref<128x128xf32, #tpu.memory_space<vmem>>, vector<1x16xf32>,
        %get3A_95 = vector.shape_cast %get3A_94 : vector<1x16xf32> to vector<16xf32>
        %get3A_96 = arith.index_cast %scan3A_28 : i32 to index
        %get3A_97 = arith.constant 48 : index
        %get3A_98 = tpu.vector_load %arg11[%get3A_96, %get3A_97] {strides = array<i32>} : memref<128x128xf32, #tpu.memory_space<vmem>>, vector<1x16xf32>,
        %get3A_99 = vector.shape_cast %get3A_98 : vector<1x16xf32> to vector<16xf32>
        %add3A_100 = arith.addf %get3A_95, %get3A_99 : vector<16xf32>
        %get3A_101 = arith.index_cast %scan3A_28 : i32 to index
        %get3A_102 = arith.constant 48 : index
        %get3A_103 = tpu.vector_load %arg12[%get3A_101, %get3A_102] {strides = array<i32>} : memref<128x128xf32, #tpu.memory_space<vmem>>, vector<1x16xf32>,
        %get3A_104 = vector.shape_cast %get3A_103 : vector<1x16xf32> to vector<16xf32>
        %add3A_105 = arith.addf %add3A_100, %get3A_104 : vector<16xf32>
        %max3A_106 = arith.constant 0.000000e+00 : f32
        %max3A_107 = vector.broadcast %max3A_106 : f32 to vector<16xf32>
        %max3A_108 = arith.maximumf %add3A_105, %max3A_107 : vector<16xf32>
        %swap3A_109 = arith.index_cast %scan3A_28 : i32 to index
        %swap3A_110 = arith.constant 48 : index
        %swap3A_111 = tpu.vector_load %arg12[%swap3A_109, %swap3A_110] {strides = array<i32>} : memref<128x128xf32, #tpu.memory_space<vmem>>, vector<1x16xf32>,
        %swap3A_112 = vector.shape_cast %swap3A_111 : vector<1x16xf32> to vector<16xf32>
        %swap3A_113 = vector.shape_cast %max3A_108 : vector<16xf32> to vector<1x16xf32>
        tpu.vector_store %arg12[%swap3A_109, %swap3A_110], %swap3A_113 {strides = array<i32>} : memref<128x128xf32, #tpu.memory_space<vmem>>, vector<1x16xf32>,
        %get3A_114 = arith.index_cast %scan3A_28 : i32 to index
        %get3A_115 = arith.constant 64 : index
        %get3A_116 = tpu.vector_load %arg10[%get3A_114, %get3A_115] {strides = array<i32>} : memref<128x128xf32, #tpu.memory_space<vmem>>, vector<1x16xf32>,
        %get3A_117 = vector.shape_cast %get3A_116 : vector<1x16xf32> to vector<16xf32>
        %get3A_118 = arith.index_cast %scan3A_28 : i32 to index
        %get3A_119 = arith.constant 64 : index
        %get3A_120 = tpu.vector_load %arg11[%get3A_118, %get3A_119] {strides = array<i32>} : memref<128x128xf32, #tpu.memory_space<vmem>>, vector<1x16xf32>,
        %get3A_121 = vector.shape_cast %get3A_120 : vector<1x16xf32> to vector<16xf32>
        %add3A_122 = arith.addf %get3A_117, %get3A_121 : vector<16xf32>
        %get3A_123 = arith.index_cast %scan3A_28 : i32 to index
        %get3A_124 = arith.constant 64 : index
        %get3A_125 = tpu.vector_load %arg12[%get3A_123, %get3A_124] {strides = array<i32>} : memref<128x128xf32, #tpu.memory_space<vmem>>, vector<1x16xf32>,
        %get3A_126 = vector.shape_cast %get3A_125 : vector<1x16xf32> to vector<16xf32>
        %add3A_127 = arith.addf %add3A_122, %get3A_126 : vector<16xf32>
        %max3A_128 = arith.constant 0.000000e+00 : f32
        %max3A_129 = vector.broadcast %max3A_128 : f32 to vector<16xf32>
        %max3A_130 = arith.maximumf %add3A_127, %max3A_129 : vector<16xf32>
        %swap3A_131 = arith.index_cast %scan3A_28 : i32 to index
        %swap3A_132 = arith.constant 64 : index
        %swap3A_133 = tpu.vector_load %arg12[%swap3A_131, %swap3A_132] {strides = array<i32>} : memref<128x128xf32, #tpu.memory_space<vmem>>, vector<1x16xf32>,
        %swap3A_134 = vector.shape_cast %swap3A_133 : vector<1x16xf32> to vector<16xf32>
        %swap3A_135 = vector.shape_cast %max3A_130 : vector<16xf32> to vector<1x16xf32>
        tpu.vector_store %arg12[%swap3A_131, %swap3A_132], %swap3A_135 {strides = array<i32>} : memref<128x128xf32, #tpu.memory_space<vmem>>, vector<1x16xf32>,
        %get3A_136 = arith.index_cast %scan3A_28 : i32 to index
        %get3A_137 = arith.constant 80 : index
        %get3A_138 = tpu.vector_load %arg10[%get3A_136, %get3A_137] {strides = array<i32>} : memref<128x128xf32, #tpu.memory_space<vmem>>, vector<1x16xf32>,
        %get3A_139 = vector.shape_cast %get3A_138 : vector<1x16xf32> to vector<16xf32>
        %get3A_140 = arith.index_cast %scan3A_28 : i32 to index
        %get3A_141 = arith.constant 80 : index
        %get3A_142 = tpu.vector_load %arg11[%get3A_140, %get3A_141] {strides = array<i32>} : memref<128x128xf32, #tpu.memory_space<vmem>>, vector<1x16xf32>,
        %get3A_143 = vector.shape_cast %get3A_142 : vector<1x16xf32> to vector<16xf32>
        %add3A_144 = arith.addf %get3A_139, %get3A_143 : vector<16xf32>
        %get3A_145 = arith.index_cast %scan3A_28 : i32 to index
        %get3A_146 = arith.constant 80 : index
        %get3A_147 = tpu.vector_load %arg12[%get3A_145, %get3A_146] {strides = array<i32>} : memref<128x128xf32, #tpu.memory_space<vmem>>, vector<1x16xf32>,
        %get3A_148 = vector.shape_cast %get3A_147 : vector<1x16xf32> to vector<16xf32>
        %add3A_149 = arith.addf %add3A_144, %get3A_148 : vector<16xf32>
        %max3A_150 = arith.constant 0.000000e+00 : f32
        %max3A_151 = vector.broadcast %max3A_150 : f32 to vector<16xf32>
        %max3A_152 = arith.maximumf %add3A_149, %max3A_151 : vector<16xf32>
        %swap3A_153 = arith.index_cast %scan3A_28 : i32 to index
        %swap3A_154 = arith.constant 80 : index
        %swap3A_155 = tpu.vector_load %arg12[%swap3A_153, %swap3A_154] {strides = array<i32>} : memref<128x128xf32, #tpu.memory_space<vmem>>, vector<1x16xf32>,
        %swap3A_156 = vector.shape_cast %swap3A_155 : vector<1x16xf32> to vector<16xf32>
        %swap3A_157 = vector.shape_cast %max3A_152 : vector<16xf32> to vector<1x16xf32>
        tpu.vector_store %arg12[%swap3A_153, %swap3A_154], %swap3A_157 {strides = array<i32>} : memref<128x128xf32, #tpu.memory_space<vmem>>, vector<1x16xf32>,
        %get3A_158 = arith.index_cast %scan3A_28 : i32 to index
        %get3A_159 = arith.constant 96 : index
        %get3A_160 = tpu.vector_load %arg10[%get3A_158, %get3A_159] {strides = array<i32>} : memref<128x128xf32, #tpu.memory_space<vmem>>, vector<1x16xf32>,
        %get3A_161 = vector.shape_cast %get3A_160 : vector<1x16xf32> to vector<16xf32>
        %get3A_162 = arith.index_cast %scan3A_28 : i32 to index
        %get3A_163 = arith.constant 96 : index
        %get3A_164 = tpu.vector_load %arg11[%get3A_162, %get3A_163] {strides = array<i32>} : memref<128x128xf32, #tpu.memory_space<vmem>>, vector<1x16xf32>,
        %get3A_165 = vector.shape_cast %get3A_164 : vector<1x16xf32> to vector<16xf32>
        %add3A_166 = arith.addf %get3A_161, %get3A_165 : vector<16xf32>
        %get3A_167 = arith.index_cast %scan3A_28 : i32 to index
        %get3A_168 = arith.constant 96 : index
        %get3A_169 = tpu.vector_load %arg12[%get3A_167, %get3A_168] {strides = array<i32>} : memref<128x128xf32, #tpu.memory_space<vmem>>, vector<1x16xf32>,
        %get3A_170 = vector.shape_cast %get3A_169 : vector<1x16xf32> to vector<16xf32>
        %add3A_171 = arith.addf %add3A_166, %get3A_170 : vector<16xf32>
        %max3A_172 = arith.constant 0.000000e+00 : f32
        %max3A_173 = vector.broadcast %max3A_172 : f32 to vector<16xf32>
        %max3A_174 = arith.maximumf %add3A_171, %max3A_173 : vector<16xf32>
        %swap3A_175 = arith.index_cast %scan3A_28 : i32 to index
        %swap3A_176 = arith.constant 96 : index
        %swap3A_177 = tpu.vector_load %arg12[%swap3A_175, %swap3A_176] {strides = array<i32>} : memref<128x128xf32, #tpu.memory_space<vmem>>, vector<1x16xf32>,
        %swap3A_178 = vector.shape_cast %swap3A_177 : vector<1x16xf32> to vector<16xf32>
        %swap3A_179 = vector.shape_cast %max3A_174 : vector<16xf32> to vector<1x16xf32>
        tpu.vector_store %arg12[%swap3A_175, %swap3A_176], %swap3A_179 {strides = array<i32>} : memref<128x128xf32, #tpu.memory_space<vmem>>, vector<1x16xf32>,
        %get3A_180 = arith.index_cast %scan3A_28 : i32 to index
        %get3A_181 = arith.constant 112 : index
        %get3A_182 = tpu.vector_load %arg10[%get3A_180, %get3A_181] {strides = array<i32>} : memref<128x128xf32, #tpu.memory_space<vmem>>, vector<1x16xf32>,
        %get3A_183 = vector.shape_cast %get3A_182 : vector<1x16xf32> to vector<16xf32>
        %get3A_184 = arith.index_cast %scan3A_28 : i32 to index
        %get3A_185 = arith.constant 112 : index
        %get3A_186 = tpu.vector_load %arg11[%get3A_184, %get3A_185] {strides = array<i32>} : memref<128x128xf32, #tpu.memory_space<vmem>>, vector<1x16xf32>,
        %get3A_187 = vector.shape_cast %get3A_186 : vector<1x16xf32> to vector<16xf32>
        %add3A_188 = arith.addf %get3A_183, %get3A_187 : vector<16xf32>
        %get3A_189 = arith.index_cast %scan3A_28 : i32 to index
        %get3A_190 = arith.constant 112 : index
        %get3A_191 = tpu.vector_load %arg12[%get3A_189, %get3A_190] {strides = array<i32>} : memref<128x128xf32, #tpu.memory_space<vmem>>, vector<1x16xf32>,
        %get3A_192 = vector.shape_cast %get3A_191 : vector<1x16xf32> to vector<16xf32>
        %add3A_193 = arith.addf %add3A_188, %get3A_192 : vector<16xf32>
        %max3A_194 = arith.constant 0.000000e+00 : f32
        %max3A_195 = vector.broadcast %max3A_194 : f32 to vector<16xf32>
        %max3A_196 = arith.maximumf %add3A_193, %max3A_195 : vector<16xf32>
        %swap3A_197 = arith.index_cast %scan3A_28 : i32 to index
        %swap3A_198 = arith.constant 112 : index
        %swap3A_199 = tpu.vector_load %arg12[%swap3A_197, %swap3A_198] {strides = array<i32>} : memref<128x128xf32, #tpu.memory_space<vmem>>, vector<1x16xf32>,
        %swap3A_200 = vector.shape_cast %swap3A_199 : vector<1x16xf32> to vector<16xf32>
        %swap3A_201 = vector.shape_cast %max3A_196 : vector<16xf32> to vector<1x16xf32>
        tpu.vector_store %arg12[%swap3A_197, %swap3A_198], %swap3A_201 {strides = array<i32>} : memref<128x128xf32, #tpu.memory_space<vmem>>, vector<1x16xf32>,
      }
      %scan3A_27 = arith.constant 128 : i32
      "tpu.region"() ({
        %run_scoped3A = tpu.sem_alloc : memref<!tpu.dma_semaphore, #tpu.memory_space<semaphore_mem>>
        %dma_start3A_28 = arith.constant 0 : i32
        %dma_start3A_29 = tpu.memref_slice %arg7[%multiple_of3A, %dma_start3A_28] : memref<802816x128xf32, #tpu.memory_space<hbm>> -> memref<128x128xf32, #tpu.memory_space<hbm>>
        %dma_start3A_30 = arith.constant 0 : i32
        %dma_start3A_31 = tpu.memref_slice %arg7[%multiple_of3A, %dma_start3A_30] : memref<802816x128xf32, #tpu.memory_space<hbm>> -> memref<128x128xf32, #tpu.memory_space<hbm>>
        tpu.enqueue_dma source(%arg12 : memref<128x128xf32, #tpu.memory_space<vmem>>) target(%dma_start3A_31 : memref<128x128xf32, #tpu.memory_space<hbm>>) target_semaphore(%run_scoped3A : memref<!tpu.dma_semaphore, #tpu.memory_space<semaphore_mem>>)
        %dma_wait3A_32 = arith.constant 0 : i32
        %dma_wait3A_33 = tpu.memref_slice %arg7[%multiple_of3A, %dma_wait3A_32] : memref<802816x128xf32, #tpu.memory_space<hbm>> -> memref<128x128xf32, #tpu.memory_space<hbm>>
        %dma_wait3A_34 = arith.constant 0 : i32
        %dma_wait3A_35 = tpu.memref_slice %arg7[%multiple_of3A, %dma_wait3A_34] : memref<802816x128xf32, #tpu.memory_space<hbm>> -> memref<128x128xf32, #tpu.memory_space<hbm>>
        tpu.wait_dma2 semaphore(%run_scoped3A : memref<!tpu.dma_semaphore, #tpu.memory_space<semaphore_mem>>) src(%arg12 : memref<128x128xf32, #tpu.memory_space<vmem>>) dst(%dma_wait3A_35 : memref<128x128xf32, #tpu.memory_space<hbm>>)
        tpu.yield
      }) : () -> ()
    }
    %scan3A_7 = arith.constant 196 : i32
    return
  }
}

module attributes {stable_mosaic.version = 14 : i64} {
  func.func @body(%arg0: i32, %arg1: memref<512x128xf32, #tpu.memory_space<vmem>>, %arg2: memref<128x128xf32, #tpu.memory_space<vmem>>, %arg3: memref<1x128xf32, #tpu.memory_space<vmem>>, %arg4: memref<512x128xf32, #tpu.memory_space<vmem>>) attributes {dimension_semantics = [#tpu.dimension_semantics<arbitrary>], iteration_bounds = array<i64: 98>, scalar_prefetch = 0 : i64, scratch_operands = 0 : i64, tpu.core_type = #tpu.core_type<tc>, window_params = [{transform_indices = @transform_0, window_bounds = array<i64: 512, 128>}, {pipeline_mode = #tpu.pipeline_mode<synchronous>, transform_indices = @transform_1, window_bounds = array<i64: 128, 128>}, {pipeline_mode = #tpu.pipeline_mode<synchronous>, transform_indices = @transform_2, window_bounds = array<i64: 1, 128>}, {transform_indices = @transform_3, window_bounds = array<i64: 512, 128>}]} {
    %get3A = arith.constant 0 : index
    %get3A_0 = arith.constant 0 : index
    %get3A_1 = vector.load %arg1[%get3A, %get3A_0] : memref<512x128xf32, #tpu.memory_space<vmem>>, vector<512x128xf32>
    %get3A_2 = arith.constant 0 : index
    %get3A_3 = arith.constant 0 : index
    %get3A_4 = vector.load %arg2[%get3A_2, %get3A_3] : memref<128x128xf32, #tpu.memory_space<vmem>>, vector<128x128xf32>
    %dot_general3A = arith.constant dense<0.000000e+00> : vector<512x128xf32>
    %dot_general3A_5 = tpu.matmul %get3A_1, %get3A_4, %dot_general3A {dimension_numbers = #tpu.dot_dimension_numbers<[1], [0], [0], [1], [0, 0, 1, 1], [], []>, transpose_lhs_hint = false} : vector<512x128xf32>, vector<128x128xf32>, vector<512x128xf32> -> vector<512x128xf32>
    %get3A_6 = arith.constant 0 : index
    %get3A_7 = arith.constant 0 : index
    %get3A_8 = vector.load %arg3[%get3A_6, %get3A_7] : memref<1x128xf32, #tpu.memory_space<vmem>>, vector<1x128xf32>
    %add3A = vector.broadcast %get3A_8 : vector<1x128xf32> to vector<512x128xf32>
    %add3A_9 = arith.addf %dot_general3A_5, %add3A : vector<512x128xf32>
    %swap3A = arith.constant 0 : index
    %swap3A_10 = arith.constant 0 : index
    %swap3A_11 = vector.load %arg4[%swap3A, %swap3A_10] : memref<512x128xf32, #tpu.memory_space<vmem>>, vector<512x128xf32>
    tpu.vector_store %arg4[%swap3A, %swap3A_10], %add3A_9 {strides = array<i32>} : memref<512x128xf32, #tpu.memory_space<vmem>>, vector<512x128xf32>,
    return
  }
  func.func @transform_0(%arg0: i32) -> (i32, i32) {
    %c0_i32 = arith.constant 0 : i32
    %c0_i32_0 = arith.constant 0 : i32
    return %arg0, %c0_i32 : i32, i32
  }
  func.func @transform_1(%arg0: i32) -> (i32, i32) {
    %c0_i32 = arith.constant 0 : i32
    %c0_i32_0 = arith.constant 0 : i32
    %c0_i32_1 = arith.constant 0 : i32
    return %c0_i32, %c0_i32_0 : i32, i32
  }
  func.func @transform_2(%arg0: i32) -> (i32, i32) {
    %c0_i32 = arith.constant 0 : i32
    %c0_i32_0 = arith.constant 0 : i32
    %c0_i32_1 = arith.constant 0 : i32
    return %c0_i32, %c0_i32_0 : i32, i32
  }
  func.func @transform_3(%arg0: i32) -> (i32, i32) {
    %c0_i32 = arith.constant 0 : i32
    %c0_i32_0 = arith.constant 0 : i32
    return %arg0, %c0_i32 : i32, i32
  }
}

module attributes {stable_mosaic.version = 14 : i64} {
  func.func @body(%arg0: i32, %arg1: memref<512x128xf32, #tpu.memory_space<vmem>>, %arg2: memref<128x128xf32, #tpu.memory_space<vmem>>, %arg3: memref<1x128xf32, #tpu.memory_space<vmem>>, %arg4: memref<512x128xf32, #tpu.memory_space<vmem>>) attributes {dimension_semantics = [#tpu.dimension_semantics<arbitrary>], iteration_bounds = array<i64: 782>, scalar_prefetch = 0 : i64, scratch_operands = 0 : i64, tpu.core_type = #tpu.core_type<tc>, window_params = [{transform_indices = @transform_0, window_bounds = array<i64: 512, 128>}, {pipeline_mode = #tpu.pipeline_mode<synchronous>, transform_indices = @transform_1, window_bounds = array<i64: 128, 128>}, {pipeline_mode = #tpu.pipeline_mode<synchronous>, transform_indices = @transform_2, window_bounds = array<i64: 1, 128>}, {transform_indices = @transform_3, window_bounds = array<i64: 512, 128>}]} {
    %get3A = arith.constant 0 : index
    %get3A_0 = arith.constant 0 : index
    %get3A_1 = vector.load %arg1[%get3A, %get3A_0] : memref<512x128xf32, #tpu.memory_space<vmem>>, vector<512x128xf32>
    %get3A_2 = arith.constant 0 : index
    %get3A_3 = arith.constant 0 : index
    %get3A_4 = vector.load %arg2[%get3A_2, %get3A_3] : memref<128x128xf32, #tpu.memory_space<vmem>>, vector<128x128xf32>
    %dot_general3A = arith.constant dense<0.000000e+00> : vector<512x128xf32>
    %dot_general3A_5 = tpu.matmul %get3A_1, %get3A_4, %dot_general3A {dimension_numbers = #tpu.dot_dimension_numbers<[1], [0], [0], [1], [0, 0, 1, 1], [], []>, transpose_lhs_hint = false} : vector<512x128xf32>, vector<128x128xf32>, vector<512x128xf32> -> vector<512x128xf32>
    %get3A_6 = arith.constant 0 : index
    %get3A_7 = arith.constant 0 : index
    %get3A_8 = vector.load %arg3[%get3A_6, %get3A_7] : memref<1x128xf32, #tpu.memory_space<vmem>>, vector<1x128xf32>
    %add3A = vector.broadcast %get3A_8 : vector<1x128xf32> to vector<512x128xf32>
    %add3A_9 = arith.addf %dot_general3A_5, %add3A : vector<512x128xf32>
    %swap3A = arith.constant 0 : index
    %swap3A_10 = arith.constant 0 : index
    %swap3A_11 = vector.load %arg4[%swap3A, %swap3A_10] : memref<512x128xf32, #tpu.memory_space<vmem>>, vector<512x128xf32>
    tpu.vector_store %arg4[%swap3A, %swap3A_10], %add3A_9 {strides = array<i32>} : memref<512x128xf32, #tpu.memory_space<vmem>>, vector<512x128xf32>,
    return
  }
  func.func @transform_0(%arg0: i32) -> (i32, i32) {
    %c0_i32 = arith.constant 0 : i32
    %c0_i32_0 = arith.constant 0 : i32
    return %arg0, %c0_i32 : i32, i32
  }
  func.func @transform_1(%arg0: i32) -> (i32, i32) {
    %c0_i32 = arith.constant 0 : i32
    %c0_i32_0 = arith.constant 0 : i32
    %c0_i32_1 = arith.constant 0 : i32
    return %c0_i32, %c0_i32_0 : i32, i32
  }
  func.func @transform_2(%arg0: i32) -> (i32, i32) {
    %c0_i32 = arith.constant 0 : i32
    %c0_i32_0 = arith.constant 0 : i32
    %c0_i32_1 = arith.constant 0 : i32
    return %c0_i32, %c0_i32_0 : i32, i32
  }
  func.func @transform_3(%arg0: i32) -> (i32, i32) {
    %c0_i32 = arith.constant 0 : i32
    %c0_i32_0 = arith.constant 0 : i32
    return %arg0, %c0_i32 : i32, i32
  }
}

module attributes {stable_mosaic.version = 14 : i64} {
  func.func @body(%arg0: i32, %arg1: memref<512x128xf32, #tpu.memory_space<vmem>>, %arg2: memref<128x128xf32, #tpu.memory_space<vmem>>, %arg3: memref<1x128xf32, #tpu.memory_space<vmem>>, %arg4: memref<512x128xf32, #tpu.memory_space<vmem>>) attributes {dimension_semantics = [#tpu.dimension_semantics<arbitrary>], iteration_bounds = array<i64: 98>, scalar_prefetch = 0 : i64, scratch_operands = 0 : i64, tpu.core_type = #tpu.core_type<tc>, window_params = [{transform_indices = @transform_0, window_bounds = array<i64: 512, 128>}, {pipeline_mode = #tpu.pipeline_mode<synchronous>, transform_indices = @transform_1, window_bounds = array<i64: 128, 128>}, {pipeline_mode = #tpu.pipeline_mode<synchronous>, transform_indices = @transform_2, window_bounds = array<i64: 1, 128>}, {transform_indices = @transform_3, window_bounds = array<i64: 512, 128>}]} {
    %get3A = arith.constant 0 : index
    %get3A_0 = arith.constant 0 : index
    %get3A_1 = vector.load %arg1[%get3A, %get3A_0] : memref<512x128xf32, #tpu.memory_space<vmem>>, vector<512x128xf32>
    %get3A_2 = arith.constant 0 : index
    %get3A_3 = arith.constant 0 : index
    %get3A_4 = vector.load %arg2[%get3A_2, %get3A_3] : memref<128x128xf32, #tpu.memory_space<vmem>>, vector<128x128xf32>
    %dot_general3A = arith.constant dense<0.000000e+00> : vector<512x128xf32>
    %dot_general3A_5 = tpu.matmul %get3A_1, %get3A_4, %dot_general3A {dimension_numbers = #tpu.dot_dimension_numbers<[1], [0], [0], [1], [0, 0, 1, 1], [], []>, transpose_lhs_hint = false} : vector<512x128xf32>, vector<128x128xf32>, vector<512x128xf32> -> vector<512x128xf32>
    %get3A_6 = arith.constant 0 : index
    %get3A_7 = arith.constant 0 : index
    %get3A_8 = vector.load %arg3[%get3A_6, %get3A_7] : memref<1x128xf32, #tpu.memory_space<vmem>>, vector<1x128xf32>
    %add3A = vector.broadcast %get3A_8 : vector<1x128xf32> to vector<512x128xf32>
    %add3A_9 = arith.addf %dot_general3A_5, %add3A : vector<512x128xf32>
    %max3A = arith.constant 0.000000e+00 : f32
    %max3A_10 = vector.broadcast %max3A : f32 to vector<512x128xf32>
    %max3A_11 = arith.maximumf %add3A_9, %max3A_10 : vector<512x128xf32>
    %swap3A = arith.constant 0 : index
    %swap3A_12 = arith.constant 0 : index
    %swap3A_13 = vector.load %arg4[%swap3A, %swap3A_12] : memref<512x128xf32, #tpu.memory_space<vmem>>, vector<512x128xf32>
    tpu.vector_store %arg4[%swap3A, %swap3A_12], %max3A_11 {strides = array<i32>} : memref<512x128xf32, #tpu.memory_space<vmem>>, vector<512x128xf32>,
    return
  }
  func.func @transform_0(%arg0: i32) -> (i32, i32) {
    %c0_i32 = arith.constant 0 : i32
    %c0_i32_0 = arith.constant 0 : i32
    return %arg0, %c0_i32 : i32, i32
  }
  func.func @transform_1(%arg0: i32) -> (i32, i32) {
    %c0_i32 = arith.constant 0 : i32
    %c0_i32_0 = arith.constant 0 : i32
    %c0_i32_1 = arith.constant 0 : i32
    return %c0_i32, %c0_i32_0 : i32, i32
  }
  func.func @transform_2(%arg0: i32) -> (i32, i32) {
    %c0_i32 = arith.constant 0 : i32
    %c0_i32_0 = arith.constant 0 : i32
    %c0_i32_1 = arith.constant 0 : i32
    return %c0_i32, %c0_i32_0 : i32, i32
  }
  func.func @transform_3(%arg0: i32) -> (i32, i32) {
    %c0_i32 = arith.constant 0 : i32
    %c0_i32_0 = arith.constant 0 : i32
    return %arg0, %c0_i32 : i32, i32
  }
}

</mosaic_0001>

<sc_bundles>
// kernel: kernel.22.cloned.1.call-start
scs
__scs_entry_jumppad:
0x0: {  	(pc) =	sbr.rel $0x88, $3  }
0x1: {  	(tag) =	ssettag $0x0;
	lr =	simm.s32 $0x1  }
0x2: {  	[smem:$0x3F8E] =	sst lr;
	_ =	strace $0xD0000000  }
0x3: {  	_ = 	snop  }
0x4: {  	_ = 	snop  }
0x5: {  	_ = 	snop  }
0x6: {  	_ = 	snop  }
0x7: {  	_ = 	snop  }
__scs_overlays_trampoline_lowered:
0x8: {  	[smem:$0x3F9D] =	sst s0  }
0x9: {  	[smem:$0x3F9E] =	sst s1  }
0xa: {  	[smem:$0x3F9F] =	sst s2  }
0xb: {  	[smem:$0x3FA0] =	sst s3  }
0xc: {  	[smem:$0x3FA1] =	sst s4  }
0xd: {  	[smem:$0x3FA2] =	sst s5  }
0xe: {  	[smem:$0x3FA3] =	sst s6  }
0xf: {  	[smem:$0x3FA4] =	sst s7  }
0x10: {  	[smem:$0x3FA5] =	sst s8  }
0x11: {  	[smem:$0x3FA6] =	sst s9;
	s0 =	simm.s32 @!p0 $0x0  }
0x12: {  	s1 =	sld [smem:$0x3F8C];
	s0 =	simm.s32 @p0 $0x1  }
0x13: {  	[smem:$0x3FA7] =	sst s0;
	s0 =	simm.s32 @!p1 $0x0  }
0x14: {  	s2 =	sld [smem:$0x3F8B];
	s0 =	simm.s32 @p1 $0x1  }
0x15: {  	[smem:$0x3FA8] =	sst s0;
	s0 =	simm.s32 @!p2 $0x0  }
0x16: {  	s3 =	sld [smem:$0x3FDB];
	s0 =	simm.s32 @p2 $0x1  }
0x17: {  	s4 =	simm.s32 $0x1BF5;
	[smem:$0x3FAA] =	sst s0  }
0x18: {  	s0 =	sld [smem:$0x3F8D];
	_ =	swait.ge [sflag:s4], $0x0  }
0x19: {  	s7 =	sld [smem:$0x3F8E]  }
0x1a: {  	s8 =	sadd.s32 $0xFFFFE003, lr  }
0x1b: {  	s9 =	sadd.s32 $0xFFFFFEF7, lr;
	s5 =	simm.s32 $0xFFFFFFFF;
	p2 =	slt.u32 s8, $0xFFFFF086  }
0x1c: {  	p1 =	slt.u32 s9, $0xF7A;
	s5 =	simm.s32 @!p2 $0x0  }
0x1d: {  	s5 =	simm.s32 @p1 $0x1;
	p0 =	seq.s32 s7, s2  }
0x1e: {  	s7 =	smul.u32 @!p0 $0xF7A, s2;
	p2 =	seq.s32 @!p0 s5, $0x0  }
0x1f: {  	s9 =	smul.u32 $0xF7A, s1;
	s8 =	simm.s32 @!p0 $0x1BF5;
	p2 =	por !p2, p0  }
0x20: {  	[sflag:s8] =	ssyncset.s32 @!p0 $0xFFFFF086;
	s6 =	sadd.s32 @!p0 s3, s7;
	s7 =	simm.s32 @!p0 $0x108  }
0x21: {  	s3 =	sadd.s32 s3, s9;
	s6 =	sadd.s32 @!p0 $0x88, s6;
	s7 =	simm.s32 @p2 $0x1082  }
0x22: {  	[simem:s7], [sflag:s8] =	dma.local @!p0 [hbm:s6], $0xF7A  }
0x23: {  	s9 =	sor.u32 $0xD0000000, s2;
	s6 =	simm.s32 $0x108;
	_ =	swait.ge @!p0 [sflag:s8], $0x0  }
0x24: {  	s3 =	sadd.s32 $0x88, s3;
	s6 =	simm.s32 @!p1 $0x1082;
	[sflag:s4] =	ssyncset.s32 $0xFFFFF086  }
0x25: {  	[simem:s6], [sflag:s4] =	dma.local [hbm:s3], $0xF7A  }
0x26: {  	[smem:$0x3F8E] =	sst s1;
	(tag) =	ssettag s2;
	_ =	strace s9  }
0x27: {  	s1 =	sld [smem:$0x3F9E]  }
0x28: {  	s2 =	sld [smem:$0x3F9F]  }
0x29: {  	s4 =	sld [smem:$0x3FA1]  }
0x2a: {  	p0 =	seq.s32 s5, $0x0;
	s5 =	sld [smem:$0x3FA2]  }
0x2b: {  	s6 =	sld [smem:$0x3FA3]  }
0x2c: {  	s7 =	sld [smem:$0x3FA4]  }
0x2d: {  	s3 =	simm.s32 $0x108;
	s8 =	sld [smem:$0x3FA5]  }
0x2e: {  	s3 =	simm.s32 @!p0 $0x1082;
	s9 =	sld [smem:$0x3FA6]  }
0x2f: {  	lr =	sadd.s32 s0, s3;
	s0 =	sld [smem:$0x3F9D]  }
0x30: {  	s3 =	sld [smem:$0x3FA0]  }
0x31: {  	[smem:$0x3FA9] =	sst s10  }
0x32: {  	s10 =	sld [smem:$0x3FA7];
	_ =	sdelay $0x3  }
0x33: {  	p0 =	seq.s32 s10, $0x1;
	s10 =	sld [smem:$0x3FA9];
	_ =	sdelay $0x3  }
0x34: {  	[smem:$0x3FA9] =	sst s10  }
0x35: {  	s10 =	sld [smem:$0x3FA8];
	_ =	sdelay $0x3  }
0x36: {  	p1 =	seq.s32 s10, $0x1;
	s10 =	sld [smem:$0x3FA9];
	_ =	sdelay $0x3  }
0x37: {  	[smem:$0x3FA9] =	sst s10  }
0x38: {  	s10 =	sld [smem:$0x3FAA]  }
0x39: {  	_ = 	snop;
	(pc) =	sbr.ind lr, $3  }
0x3a: {  	_ = 	snop  }
0x3b: {  	_ = 	snop  }
0x3c: {  	p2 =	seq.s32 s10, $0x1;
	s10 =	sld [smem:$0x3FA9]  }
0x3d: {  	_ =	shalt  }
0x3e: {  	_ =	shalt  }
0x3f: {  	_ =	shalt  }
0x40: {  	_ =	shalt  }
0x41: {  	_ =	shalt  }
0x42: {  	_ =	shalt  }
0x43: {  	_ =	shalt  }
0x44: {  	_ =	shalt  }
0x45: {  	_ =	shalt  }
0x46: {  	_ =	shalt  }
0x47: {  	_ =	shalt  }
0x48: {  	_ =	shalt  }
0x49: {  	_ =	shalt  }
0x4a: {  	_ =	shalt  }
0x4b: {  	_ =	shalt  }
0x4c: {  	_ =	shalt  }
0x4d: {  	_ =	shalt  }
0x4e: {  	_ =	shalt  }
0x4f: {  	_ =	shalt  }
0x50: {  	_ =	shalt  }
0x51: {  	_ =	shalt  }
0x52: {  	_ =	shalt  }
0x53: {  	_ =	shalt  }
0x54: {  	_ =	shalt  }
0x55: {  	_ =	shalt  }
0x56: {  	_ =	shalt  }
0x57: {  	_ =	shalt  }
0x58: {  	_ =	shalt  }
0x59: {  	_ =	shalt  }
0x5a: {  	_ =	shalt  }
0x5b: {  	_ =	shalt  }
0x5c: {  	_ =	shalt  }
0x5d: {  	_ =	shalt  }
0x5e: {  	_ =	shalt  }
0x5f: {  	_ =	shalt  }
0x60: {  	_ =	shalt  }
0x61: {  	_ =	shalt  }
0x62: {  	_ =	shalt  }
0x63: {  	_ =	shalt  }
0x64: {  	_ =	shalt  }
0x65: {  	_ =	shalt  }
0x66: {  	_ =	shalt  }
0x67: {  	_ =	shalt  }
0x68: {  	_ =	shalt  }
0x69: {  	_ =	shalt  }
0x6a: {  	_ =	shalt  }
0x6b: {  	_ =	shalt  }
0x6c: {  	_ =	shalt  }
0x6d: {  	_ =	shalt  }
0x6e: {  	_ =	shalt  }
0x6f: {  	_ =	shalt  }
0x70: {  	_ =	shalt  }
0x71: {  	_ =	shalt  }
0x72: {  	_ =	shalt  }
0x73: {  	_ =	shalt  }
0x74: {  	_ =	shalt  }
0x75: {  	_ =	shalt  }
0x76: {  	_ =	shalt  }
0x77: {  	_ =	shalt  }
0x78: {  	_ =	shalt  }
0x79: {  	_ =	shalt  }
0x7a: {  	_ =	shalt  }
0x7b: {  	_ =	shalt  }
0x7c: {  	_ =	shalt  }
0x7d: {  	_ =	shalt  }
0x7e: {  	_ =	shalt  }
0x7f: {  	_ =	shalt  }
0x80: {  	_ =	shalt  }
0x81: {  	_ =	shalt  }
0x82: {  	_ =	shalt  }
0x83: {  	_ =	shalt  }
0x84: {  	_ =	shalt  }
0x85: {  	_ =	shalt  }
0x86: {  	_ =	shalt  }
0x87: {  	_ =	shalt  }
.Lfunc_end0:
.L_simem_size_0:
called_computation_lowered:
.L_overlay_start_0:
0x88: {  	s2 =	sld [smem:$0x3FD9]  }
0x89: {  	s3 =	sld [smem:$0x3FFE];
	_ =	sdelay $0x1  }
0x8a: {  	s1 =	srdreg.scid  }
0x8b: {  	s0 =	sand.u32 $0x1, s1  }
0x8c: {  	s16 =	sshll.u32 s0, $0xA;
	s2 =	sadd.s32 s3, s2  }
0x8d: {  	s2 =	sadd.s32 s2, s16  }
0x8e: {  	[smem:$0x3FB5] =	sst s2  }
0x8f: {  	_ = 	snop  }
0x90: {  	(tm) =	ssettm $0x1  }
0x91: {  	s17 =	sld [smem:$0x3FFB];
	_ =	sdelay $0x3  }
0x92: {  	_ =	strace s17  }
0x93: {  	s2 =	sld [smem:$0x3FFC];
	_ =	sdelay $0x3  }
0x94: {  	_ =	strace s2  }
0x95: {  	s2 =	sld [smem:$0x3FFD];
	_ =	sdelay $0x3  }
0x96: {  	_ =	strace s2  }
0x97: {  	_ =	strace $0x8FFFFFFF  }
0x98: {  	s18 =	sld [smem:$0x3FDB];
	_ =	sdelay $0x1  }
0x99: {  	s19 =	simm.s32 $_scs_section_size  }
0x9a: {  	s4 =	simm.s32 $_size__tile_overlayer_lowered;
	s5 =	simm.s32 $_tile_overlayer_lowered  }
0x9b: {  	s22 =	simm.s32 $0x1BFF;
	s21 =	sshll.u32 s5, $0x1;
	s2 =	sadd.s32 s19, s18  }
0x9c: {  	s6 =	simm.s32 $0x0;
	s20 =	sshll.u32 s4, $0x1;
	s4 =	sadd.s32 s21, s2  }
0x9d: {  	[timem:s6], [sflag:s22] =	dma.local [hbm:s4], s20  }
0x9e: {  	_ =	swait.ge [sflag:s22], s20  }
0x9f: {  	s3 =	ssub.s32 $0x0, s20;
	[sflag:s22] =	ssyncset.done $0x0  }
0xa0: {  	[sflag:s22] =	ssyncadd.s32 s3;
	_ =	sdelay $0x1  }
0xa1: {  	s23 =	simm.s32 $0x1B8B  }
0xa2: {  	_ =	swait.ge [sflag:s23], $0x1  }
0xa3: {  	[sflag:s23] =	ssyncset.done $0x0  }
0xa4: {  	s25 =	simm.s32 $0x1B8E;
	s24 =	sld [smem:$0x3FFE];
	[sflag:s23] =	ssyncadd.s32 $0xFFFFFFFF  }
0xa5: {  	s26 =	simm.s32 $execute0_lowered;
	[smem:$0x3FD2] =	sst s25  }
0xa6: {  	s4 =	sshll.u32 s26, $0x1;
	_ =	strace $0x80000046;
	[dreg:$0x1] =	wrdreg $0xFFFFFFFF  }
0xa7: {  	s28 =	simm.s32 $_size_execute0_lowered;
	s2 =	sadd.s32 s2, s4;
	[dreg:$0x0] =	wrdreg $0x0  }
0xa8: {  	s4 =	sshll.u32 s28, $0x1;
	[dreg:$0x2] =	wrdreg s2  }
0xa9: {  	[dreg:$0x3] =	wrdreg s4  }
0xaa: {  	[dreg:$0x4] =	wrdreg $0xC0  }
0xab: {  	_ =	task [dreg:s6], $0x5FFFF  }
0xac: {  	[dreg:$0x1] =	wrdreg $0xFFFFFFFF  }
0xad: {  	[dreg:$0x0] =	wrdreg $0x60  }
0xae: {  	[dreg:$0x2] =	wrdreg s24  }
0xaf: {  	[dreg:$0x3] =	wrdreg $0x9  }
0xb0: {  	_ =	task.clear_ibuf [dreg:s6], $0x4FFFF;
	_ =	strace $0x90000046  }
0xb1: {  	s29 =	simm.s32 $0x9;
	_ =	strace $0x80000048  }
0xb2: {  	_ =	swait.ge [sflag:s29], $0x1  }
0xb3: {  	[sflag:s29] =	ssyncadd.s32 $0xFFFFFFFF  }
0xb4: {  	_ =	strace $0x90000048  }
0xb5: {  	_ =	sfence  }
0xb6: {  	s30 =	sld [smem:$0x0];
	_ =	sdelay $0x2  }
0xb7: {  	s31 =	sshll.u32 s1, $0xD;
	s1 =	sshrl.u32 s1, $0x2  }
0xb8: {  	s3 =	sand.u32 $0x4000, s31;
	s1 =	sadd.s32 s1, s30  }
0xb9: {  	s0 =	sor.u32 s3, s0;
	s1 =	sshll.u32 s1, $0x11  }
0xba: {  	s0 =	sor.u32 s1, s0  }
0xbb: {  	s0 =	sadd.s32 $0x8F2B, s0  }
0xbc: {  	[sflag:s0] =	ssyncadd.remote.s32 $0x1  }
0xbd: {  	_ =	sfence.sel $0xFFFF  }
0xbe: {  	[dreg:$0x0] =	wrdreg $0xFFFFFFFF;
	(pc) =	sbr.abs _section_cstart, $3  }
0xbf: {  	[dreg:$0x1] =	wrdreg $0xFFFFFFFF  }
0xc0: {  	_ =	task.clear_ibuf [dreg:s6], $0x2FFFF;
	_ =	strace $0x9FFFFFFF  }
0xc1: {  	(tm) =	ssettm $0x7FFFFFFF  }
tec
execute0_lowered:
.L_overlay_start_1:
0x0: {  	(tag) =	ssettag $0x1  }
0x1: {  	s8 =	rddreg [dreg:$0x0]  }
0x2: {  	s0 =	rddreg [dreg:$0x1]  }
0x3: {  	s1 =	simm.s32 $0x0;
	s6 =	srdreg.scid;
	s2 =	stileid.u32  }
0x4: {  	s13 =	simm.s32 $0x100;
	s14 =	simm.s32 $0x4100;
	s15 =	simm.s32 $0x8100  }
0x5: {  	s16 =	simm.s32 $0x1;
	s17 =	simm.s32 $0x2;
	[smem:$0x7FF] =	sst s1  }
0x6: {  	s18 =	simm.s32 $0x0;
	s3 =	sadd.s32 $0x9F3C00, s8;
	s4 =	sadd.s32 $0xB7A600, s8  }
0x7: {  	s5 =	sadd.s32 $0x2631800, s8;
	s9 =	sand.u32 $0x1, s6;
	s6 =	sadd.s32 $0x1DA000, s8  }
0x8: {  	s11 =	sshll.u32 s2, $0x1;
	s7 =	sadd.s32 $0x1F2800, s8;
	s10 =	ssub.s32 $0x2, s9  }
0x9: {  	s8 =	sadd.s32 $0xD01000, s8;
	_ =	strace $0x80000047;
	s12 =	sshrl.u32 s10, $0x1  }
0xa: {  	s9 =	sor.u32 s9, s11;
	s11 =	simm.s32 $0x3;
	s10 =	ssub.s32 s10, s12  }
0xb: {  	s9 =	smul.u32 $0x6200, s9;
	s12 =	simm.s32 $0x80;
	s10 =	smax.u32 s10, $0x1  }
.LBB2_1:
0xc: {  	s19 =	simm.s32 $0x0  }
.LBB2_2:
0xd: {  	s20 =	sshll.u32 s19, $0x7  }
0xe: {  	s20 =	sadd.s32 s9, s20  }
0xf: {  	s21 =	sshrl.u32 s20, $0x3  }
0x10: {  	s23 =	simm.s32 $0x0;
	s22 =	sadd.s32 s6, s21  }
0x11: {  	[tilespmem:s23], [sflag:$0x3] =	stream.linear.gather [hbm4b:s22+s23], $0x80, $0x38;
	[tilespmem:$0xC100] =	vst v63  }
0x12: {  	_ =	swait.ge [sflag:s11], $0x80  }
0x13: {  	[sflag:s11] =	ssyncset.done $0x0  }
0x14: {  	s21 =	sadd.s32 s7, s21;
	[sflag:s11] =	ssyncadd.s32 $0xFFFFFF80  }
0x15: {  	[tilespmem:s12], [sflag:$0x3] =	stream.linear.gather [hbm4b:s21+s23], $0x80, $0x38;
	[tilespmem:$0xC100] =	vst v63  }
0x16: {  	_ =	swait.ge [sflag:s11], $0x80  }
0x17: {  	[sflag:s11] =	ssyncset.done $0x0  }
0x18: {  	[sflag:s11] =	ssyncadd.s32 $0xFFFFFF80  }
0x19: {  	[tilespmem:s13], [sflag:$0x1] =	stream.indirect.gather [hbm4b:s3+s12], $0x80, s23, s12, $0xb8;
	[tilespmem:$0xC100] =	vst v63  }
0x1a: {  	s20 =	sshll.u32 s20, $0x4  }
0x1b: {  	[tilespmem:s14], [sflag:$0x2] =	stream.indirect.gather [hbm4b:s4+s12], $0x80, s12, s12, $0xb8;
	[tilespmem:$0xC100] =	vst v63  }
0x1c: {  	s31 =	sadd.s32 s5, s20  }
0x1d: {  	[tilespmem:s15], [sflag:$0x3] =	stream.linear.gather [hbm4b:s31+s23], $0x4000, $0x38;
	[tilespmem:$0xC100] =	vst v63  }
0x1e: {  	_ =	swait.ge [sflag:s11], $0x4000  }
0x1f: {  	[sflag:s11] =	ssyncset.done $0x0  }
0x20: {  	[sflag:s11] =	ssyncadd.s32 $0xFFFFC000  }
0x21: {  	_ =	swait.ge [sflag:s16], $0x4000  }
0x22: {  	[sflag:s16] =	ssyncset.done $0x0  }
0x23: {  	[sflag:s16] =	ssyncadd.s32 $0xFFFFC000  }
0x24: {  	_ =	swait.ge [sflag:s17], $0x4000  }
0x25: {  	[sflag:s17] =	ssyncset.done $0x0  }
0x26: {  	s21 =	simm.s32 $0x0;
	[sflag:s17] =	ssyncadd.s32 $0xFFFFC000  }
0x27: {  	v12 =	vld [tilespmem:s21+$0x100]  }
0x28: {  	v17 =	vld [tilespmem:s21+$0x4100]  }
0x29: {  	v19 =	vld [tilespmem:s21+$0x110]  }
0x2a: {  	v20 =	vld [tilespmem:s21+$0x4110]  }
0x2b: {  	v5 =	vld [tilespmem:s21+$0x120]  }
0x2c: {  	v9 =	vld [tilespmem:s21+$0x4120]  }
0x2d: {  	v7 =	vld [tilespmem:s21+$0x130]  }
0x2e: {  	v11 =	vld [tilespmem:s21+$0x4130]  }
0x2f: {  	v8 =	vld [tilespmem:s21+$0x140]  }
0x30: {  	v10 =	vld [tilespmem:s21+$0x4140]  }
0x31: {  	v4 =	vld [tilespmem:s21+$0x150]  }
0x32: {  	v6 =	vld [tilespmem:s21+$0x4150]  }
0x33: {  	v2 =	vld [tilespmem:s21+$0x160]  }
0x34: {  	v3 =	vld [tilespmem:s21+$0x4160]  }
0x35: {  	v0 =	vld [tilespmem:s21+$0x170]  }
0x36: {  	v1 =	vld [tilespmem:s21+$0x4170]  }
0x37: {  	v16 =	vld [tilespmem:s21+$0x8100]  }
0x38: {  	v15 =	vld [tilespmem:s21+$0x8110]  }
0x39: {  	v14 =	vld [tilespmem:s21+$0x8120]  }
0x3a: {  	v13 =	vld [tilespmem:s21+$0x8130];
	v18 =	vadd.f32 v17, v12  }
0x3b: {  	s22 =	simm.s32 $0x200;
	v17 =	vadd.f32 v20, v19;
	v12 =	vld [tilespmem:s21+$0x8140]  }
.LBB2_3:
0x3c: {  	p0 =	sne.s32 s22, $0xFE00;
	v16 =	vadd.f32 v16, v18;
	v5 =	vadd.f32 v9, v5;
	v9 =	vld [tilespmem:s21+$0x8150]  }
0x3d: {  	v7 =	vadd.f32 v11, v7;
	v15 =	vadd.f32 v15, v17;
	v11 =	vld [tilespmem:s21+$0x8160]  }
0x3e: {  	s23 =	sshra.s32 s22, $0x2;
	v8 =	vadd.f32 v10, v8;
	v16 =	vmax.f32 v16, $0.0e+00;
	v5 =	vadd.f32 v14, v5;
	v10 =	vld [tilespmem:s21+$0x8170]  }
0x3f: {  	v4 =	vadd.f32 v6, v4;
	v17 =	vld [tilespmem:s23+$0x100];
	[tilespmem:s21+$0x8100] =	vst v16;
	v14 =	vmax.f32 v15, $0.0e+00;
	v7 =	vadd.f32 v13, v7  }
0x40: {  	v2 =	vadd.f32 v3, v2;
	v13 =	vld [tilespmem:s23+$0x4100];
	[tilespmem:s21+$0x8110] =	vst v14;
	v5 =	vmax.f32 v5, $0.0e+00;
	v6 =	vadd.f32 v12, v8  }
0x41: {  	v0 =	vadd.f32 v1, v0;
	v12 =	vld [tilespmem:s23+$0x110];
	[tilespmem:s21+$0x8120] =	vst v5;
	v3 =	vmax.f32 v7, $0.0e+00;
	v4 =	vadd.f32 v9, v4  }
0x42: {  	v19 =	vld [tilespmem:s23+$0x4110];
	[tilespmem:s21+$0x8130] =	vst v3;
	v1 =	vmax.f32 v6, $0.0e+00;
	v2 =	vadd.f32 v11, v2  }
0x43: {  	v5 =	vld [tilespmem:s23+$0x120];
	[tilespmem:s21+$0x8140] =	vst v1;
	v1 =	vmax.f32 v4, $0.0e+00;
	v0 =	vadd.f32 v10, v0  }
0x44: {  	v9 =	vld [tilespmem:s23+$0x4120];
	[tilespmem:s21+$0x8150] =	vst v1;
	v1 =	vmax.f32 v2, $0.0e+00  }
0x45: {  	v7 =	vld [tilespmem:s23+$0x130];
	[tilespmem:s21+$0x8160] =	vst v1;
	v0 =	vmax.f32 v0, $0.0e+00  }
0x46: {  	v11 =	vld [tilespmem:s23+$0x4130];
	[tilespmem:s21+$0x8170] =	vst v0;
	s21 =	smov.u32 s23  }
0x47: {  	v8 =	vld [tilespmem:s21+$0x140]  }
0x48: {  	v10 =	vld [tilespmem:s21+$0x4140]  }
0x49: {  	v4 =	vld [tilespmem:s21+$0x150]  }
0x4a: {  	v6 =	vld [tilespmem:s21+$0x4150]  }
0x4b: {  	v2 =	vld [tilespmem:s21+$0x160]  }
0x4c: {  	v3 =	vld [tilespmem:s21+$0x4160]  }
0x4d: {  	v0 =	vld [tilespmem:s21+$0x170]  }
0x4e: {  	v1 =	vld [tilespmem:s21+$0x4170]  }
.Ltmp0:
0x4f: {  	v16 =	vld [tilespmem:s21+$0x8100];
	(pc) =	sbr.rel @p0 .LBB2_3-.Ltmp0, $4  }
0x50: {  	v15 =	vld [tilespmem:s21+$0x8110]  }
0x51: {  	v14 =	vld [tilespmem:s21+$0x8120]  }
0x52: {  	v18 =	vadd.f32 v13, v17;
	v13 =	vld [tilespmem:s21+$0x8130]  }
0x53: {  	s22 =	sadd.s32 $0x200, s22;
	v17 =	vadd.f32 v19, v12;
	v12 =	vld [tilespmem:s21+$0x8140]  }
0x54: {  	v16 =	vadd.f32 v16, v18;
	v5 =	vadd.f32 v9, v5;
	v55 =	vld [tilespmem:s21+$0x8150]  }
0x55: {  	v7 =	vadd.f32 v11, v7;
	v56 =	vld [tilespmem:s21+$0x8160];
	v15 =	vadd.f32 v15, v17  }
0x56: {  	v8 =	vadd.f32 v10, v8;
	v57 =	vld [tilespmem:s21+$0x8170];
	v16 =	vmax.f32 v16, $0.0e+00;
	v5 =	vadd.f32 v14, v5  }
0x57: {  	v4 =	vadd.f32 v6, v4;
	[tilespmem:s21+$0x8100] =	vst v16;
	v58 =	vmax.f32 v15, $0.0e+00;
	v7 =	vadd.f32 v13, v7  }
0x58: {  	v2 =	vadd.f32 v3, v2;
	[tilespmem:s21+$0x8110] =	vst v58;
	v5 =	vmax.f32 v5, $0.0e+00;
	v59 =	vadd.f32 v12, v8  }
0x59: {  	v0 =	vadd.f32 v1, v0;
	[tilespmem:s21+$0x8120] =	vst v5;
	v60 =	vmax.f32 v7, $0.0e+00;
	v4 =	vadd.f32 v55, v4  }
0x5a: {  	v2 =	vadd.f32 v56, v2;
	[tilespmem:s21+$0x8130] =	vst v60;
	v61 =	vmax.f32 v59, $0.0e+00  }
0x5b: {  	v0 =	vadd.f32 v57, v0;
	[tilespmem:s21+$0x8140] =	vst v61;
	v62 =	vmax.f32 v4, $0.0e+00  }
0x5c: {  	s19 =	sadd.s32 $0x1, s19;
	v63 =	vmax.f32 v2, $0.0e+00;
	[tilespmem:s21+$0x8150] =	vst v62  }
0x5d: {  	p0 =	sne.s32 s19, $0xC4;
	v0 =	vmax.f32 v0, $0.0e+00;
	[tilespmem:s21+$0x8160] =	vst v63  }
.Ltmp1:
0x5e: {  	s20 =	sadd.s32 s8, s20;
	[tilespmem:s21+$0x8170] =	vst v0;
	(pc) =	sbr.rel @p0 .LBB2_2-.Ltmp1, $4  }
0x5f: {  	[hbm4b:s20+s1] =	stream.linear.scatter [tilespmem:s15], [sflag:$0x3], $0x4000, $0x38;
	[tilespmem:$0xC100] =	vst v63  }
0x60: {  	_ =	swait.ge [sflag:s11], $0x4000  }
0x61: {  	[sflag:s11] =	ssyncset.done $0x0  }
0x62: {  	[sflag:s11] =	ssyncadd.s32 $0xFFFFC000  }
0x63: {  	s18 =	sadd.s32 $0x1, s18  }
0x64: {  	p0 =	sne.s32 s18, s10  }
.Ltmp2:
0x65: {  	_ = 	snop;
	(pc) =	sbr.rel @p0 .LBB2_1-.Ltmp2, $1  }
0x66: {  	_ =	sdelay $0x3  }
0x67: {  	_ =	sfence.sel $0x180000  }
0x68: {  	[bflag:$0x0] =	sbarrier.arrive $0xFFFF  }
0x69: {  	p0 =	sne.s32 s2, $0x0;
	_ =	strace $0x90000047  }
0x6a: {  	s0 =	sadd.s32 @!p0 $0x100000, s0;
	[bflag:$0x2] =	sbarrier.arrive $0xFFFF  }
0x6b: {  	[sflag:s0] =	ssyncadd.tile.s32 @!p0 $0x1;
	_ =	shalt  }
.Lfunc_end2:
_tile_overlayer_lowered:
.L_overlay_start_2:
0x6c: {  	(tag) =	ssettag $0x2  }
0x6d: {  	s0 =	rddreg [dreg:$0x0];
	s2 =	stileid.u32  }
0x6e: {  	s1 =	rddreg [dreg:$0x1];
	p0 =	sne.s32 s2, $0x0  }
0x6f: {  	s3 =	rddreg [dreg:$0x2];
	[bflag:$0x3] =	sbarrier.arrive $0xFFFF;
	s2 =	simm.s32 @!p0 $0x1C03  }
0x70: {  	[timem:s3], [sflag:s2] =	dma.local @!p0 [hbm:s0], s1  }
0x71: {  	s0 =	simm.s32 @!p0 $0x3  }
0x72: {  	_ =	swait.ge @!p0 [sflag:s0], s1  }
0x73: {  	s1 =	ssub.s32 @!p0 $0x0, s1;
	[sflag:s0] =	ssyncset.done @!p0 $0x0  }
0x74: {  	[sflag:s0] =	ssyncadd.s32 @!p0 s1  }
0x75: {  	[bflag:$0x3] =	sbarrier.arrive $0xFFFF  }
0x76: {  	_ =	shalt  }

// kernel: kernel.25.cloned.1.call-start
scs
__scs_entry_jumppad:
0x0: {  	(pc) =	sbr.rel $0x88, $3  }
0x1: {  	(tag) =	ssettag $0x0;
	lr =	simm.s32 $0x1  }
0x2: {  	[smem:$0x3F8E] =	sst lr;
	_ =	strace $0xD0000000  }
0x3: {  	_ = 	snop  }
0x4: {  	_ = 	snop  }
0x5: {  	_ = 	snop  }
0x6: {  	_ = 	snop  }
0x7: {  	_ = 	snop  }
__scs_overlays_trampoline_lowered:
0x8: {  	[smem:$0x3F9D] =	sst s0  }
0x9: {  	[smem:$0x3F9E] =	sst s1  }
0xa: {  	[smem:$0x3F9F] =	sst s2  }
0xb: {  	[smem:$0x3FA0] =	sst s3  }
0xc: {  	[smem:$0x3FA1] =	sst s4  }
0xd: {  	[smem:$0x3FA2] =	sst s5  }
0xe: {  	[smem:$0x3FA3] =	sst s6  }
0xf: {  	[smem:$0x3FA4] =	sst s7  }
0x10: {  	[smem:$0x3FA5] =	sst s8  }
0x11: {  	[smem:$0x3FA6] =	sst s9;
	s0 =	simm.s32 @!p0 $0x0  }
0x12: {  	s1 =	sld [smem:$0x3F8C];
	s0 =	simm.s32 @p0 $0x1  }
0x13: {  	[smem:$0x3FA7] =	sst s0;
	s0 =	simm.s32 @!p1 $0x0  }
0x14: {  	s2 =	sld [smem:$0x3F8B];
	s0 =	simm.s32 @p1 $0x1  }
0x15: {  	[smem:$0x3FA8] =	sst s0;
	s0 =	simm.s32 @!p2 $0x0  }
0x16: {  	s3 =	sld [smem:$0x3FDB];
	s0 =	simm.s32 @p2 $0x1  }
0x17: {  	s4 =	simm.s32 $0x1BF5;
	[smem:$0x3FAA] =	sst s0  }
0x18: {  	s0 =	sld [smem:$0x3F8D];
	_ =	swait.ge [sflag:s4], $0x0  }
0x19: {  	s7 =	sld [smem:$0x3F8E]  }
0x1a: {  	s8 =	sadd.s32 $0xFFFFE003, lr  }
0x1b: {  	s9 =	sadd.s32 $0xFFFFFEF7, lr;
	s5 =	simm.s32 $0xFFFFFFFF;
	p2 =	slt.u32 s8, $0xFFFFF086  }
0x1c: {  	p1 =	slt.u32 s9, $0xF7A;
	s5 =	simm.s32 @!p2 $0x0  }
0x1d: {  	s5 =	simm.s32 @p1 $0x1;
	p0 =	seq.s32 s7, s2  }
0x1e: {  	s7 =	smul.u32 @!p0 $0xF7A, s2;
	p2 =	seq.s32 @!p0 s5, $0x0  }
0x1f: {  	s9 =	smul.u32 $0xF7A, s1;
	s8 =	simm.s32 @!p0 $0x1BF5;
	p2 =	por !p2, p0  }
0x20: {  	[sflag:s8] =	ssyncset.s32 @!p0 $0xFFFFF086;
	s6 =	sadd.s32 @!p0 s3, s7;
	s7 =	simm.s32 @!p0 $0x108  }
0x21: {  	s3 =	sadd.s32 s3, s9;
	s6 =	sadd.s32 @!p0 $0x88, s6;
	s7 =	simm.s32 @p2 $0x1082  }
0x22: {  	[simem:s7], [sflag:s8] =	dma.local @!p0 [hbm:s6], $0xF7A  }
0x23: {  	s9 =	sor.u32 $0xD0000000, s2;
	s6 =	simm.s32 $0x108;
	_ =	swait.ge @!p0 [sflag:s8], $0x0  }
0x24: {  	s3 =	sadd.s32 $0x88, s3;
	s6 =	simm.s32 @!p1 $0x1082;
	[sflag:s4] =	ssyncset.s32 $0xFFFFF086  }
0x25: {  	[simem:s6], [sflag:s4] =	dma.local [hbm:s3], $0xF7A  }
0x26: {  	[smem:$0x3F8E] =	sst s1;
	(tag) =	ssettag s2;
	_ =	strace s9  }
0x27: {  	s1 =	sld [smem:$0x3F9E]  }
0x28: {  	s2 =	sld [smem:$0x3F9F]  }
0x29: {  	s4 =	sld [smem:$0x3FA1]  }
0x2a: {  	p0 =	seq.s32 s5, $0x0;
	s5 =	sld [smem:$0x3FA2]  }
0x2b: {  	s6 =	sld [smem:$0x3FA3]  }
0x2c: {  	s7 =	sld [smem:$0x3FA4]  }
0x2d: {  	s3 =	simm.s32 $0x108;
	s8 =	sld [smem:$0x3FA5]  }
0x2e: {  	s3 =	simm.s32 @!p0 $0x1082;
	s9 =	sld [smem:$0x3FA6]  }
0x2f: {  	lr =	sadd.s32 s0, s3;
	s0 =	sld [smem:$0x3F9D]  }
0x30: {  	s3 =	sld [smem:$0x3FA0]  }
0x31: {  	[smem:$0x3FA9] =	sst s10  }
0x32: {  	s10 =	sld [smem:$0x3FA7];
	_ =	sdelay $0x3  }
0x33: {  	p0 =	seq.s32 s10, $0x1;
	s10 =	sld [smem:$0x3FA9];
	_ =	sdelay $0x3  }
0x34: {  	[smem:$0x3FA9] =	sst s10  }
0x35: {  	s10 =	sld [smem:$0x3FA8];
	_ =	sdelay $0x3  }
0x36: {  	p1 =	seq.s32 s10, $0x1;
	s10 =	sld [smem:$0x3FA9];
	_ =	sdelay $0x3  }
0x37: {  	[smem:$0x3FA9] =	sst s10  }
0x38: {  	s10 =	sld [smem:$0x3FAA]  }
0x39: {  	_ = 	snop;
	(pc) =	sbr.ind lr, $3  }
0x3a: {  	_ = 	snop  }
0x3b: {  	_ = 	snop  }
0x3c: {  	p2 =	seq.s32 s10, $0x1;
	s10 =	sld [smem:$0x3FA9]  }
0x3d: {  	_ =	shalt  }
0x3e: {  	_ =	shalt  }
0x3f: {  	_ =	shalt  }
0x40: {  	_ =	shalt  }
0x41: {  	_ =	shalt  }
0x42: {  	_ =	shalt  }
0x43: {  	_ =	shalt  }
0x44: {  	_ =	shalt  }
0x45: {  	_ =	shalt  }
0x46: {  	_ =	shalt  }
0x47: {  	_ =	shalt  }
0x48: {  	_ =	shalt  }
0x49: {  	_ =	shalt  }
0x4a: {  	_ =	shalt  }
0x4b: {  	_ =	shalt  }
0x4c: {  	_ =	shalt  }
0x4d: {  	_ =	shalt  }
0x4e: {  	_ =	shalt  }
0x4f: {  	_ =	shalt  }
0x50: {  	_ =	shalt  }
0x51: {  	_ =	shalt  }
0x52: {  	_ =	shalt  }
0x53: {  	_ =	shalt  }
0x54: {  	_ =	shalt  }
0x55: {  	_ =	shalt  }
0x56: {  	_ =	shalt  }
0x57: {  	_ =	shalt  }
0x58: {  	_ =	shalt  }
0x59: {  	_ =	shalt  }
0x5a: {  	_ =	shalt  }
0x5b: {  	_ =	shalt  }
0x5c: {  	_ =	shalt  }
0x5d: {  	_ =	shalt  }
0x5e: {  	_ =	shalt  }
0x5f: {  	_ =	shalt  }
0x60: {  	_ =	shalt  }
0x61: {  	_ =	shalt  }
0x62: {  	_ =	shalt  }
0x63: {  	_ =	shalt  }
0x64: {  	_ =	shalt  }
0x65: {  	_ =	shalt  }
0x66: {  	_ =	shalt  }
0x67: {  	_ =	shalt  }
0x68: {  	_ =	shalt  }
0x69: {  	_ =	shalt  }
0x6a: {  	_ =	shalt  }
0x6b: {  	_ =	shalt  }
0x6c: {  	_ =	shalt  }
0x6d: {  	_ =	shalt  }
0x6e: {  	_ =	shalt  }
0x6f: {  	_ =	shalt  }
0x70: {  	_ =	shalt  }
0x71: {  	_ =	shalt  }
0x72: {  	_ =	shalt  }
0x73: {  	_ =	shalt  }
0x74: {  	_ =	shalt  }
0x75: {  	_ =	shalt  }
0x76: {  	_ =	shalt  }
0x77: {  	_ =	shalt  }
0x78: {  	_ =	shalt  }
0x79: {  	_ =	shalt  }
0x7a: {  	_ =	shalt  }
0x7b: {  	_ =	shalt  }
0x7c: {  	_ =	shalt  }
0x7d: {  	_ =	shalt  }
0x7e: {  	_ =	shalt  }
0x7f: {  	_ =	shalt  }
0x80: {  	_ =	shalt  }
0x81: {  	_ =	shalt  }
0x82: {  	_ =	shalt  }
0x83: {  	_ =	shalt  }
0x84: {  	_ =	shalt  }
0x85: {  	_ =	shalt  }
0x86: {  	_ =	shalt  }
0x87: {  	_ =	shalt  }
.Lfunc_end0:
.L_simem_size_0:
called_computation.1_lowered:
.L_overlay_start_0:
0x88: {  	s2 =	sld [smem:$0x3FD9]  }
0x89: {  	s3 =	sld [smem:$0x3FFE];
	_ =	sdelay $0x1  }
0x8a: {  	s1 =	srdreg.scid  }
0x8b: {  	s0 =	sand.u32 $0x1, s1  }
0x8c: {  	s16 =	sshll.u32 s0, $0xA;
	s2 =	sadd.s32 s3, s2  }
0x8d: {  	s2 =	sadd.s32 s2, s16  }
0x8e: {  	[smem:$0x3FB5] =	sst s2  }
0x8f: {  	_ = 	snop  }
0x90: {  	(tm) =	ssettm $0x1  }
0x91: {  	s17 =	sld [smem:$0x3FFB];
	_ =	sdelay $0x3  }
0x92: {  	_ =	strace s17  }
0x93: {  	s2 =	sld [smem:$0x3FFC];
	_ =	sdelay $0x3  }
0x94: {  	_ =	strace s2  }
0x95: {  	s2 =	sld [smem:$0x3FFD];
	_ =	sdelay $0x3  }
0x96: {  	_ =	strace s2  }
0x97: {  	_ =	strace $0x8FFFFFFF  }
0x98: {  	s18 =	sld [smem:$0x3FDB];
	_ =	sdelay $0x1  }
0x99: {  	s19 =	simm.s32 $_scs_section_size  }
0x9a: {  	s4 =	simm.s32 $_size__tile_overlayer_lowered;
	s5 =	simm.s32 $_tile_overlayer_lowered  }
0x9b: {  	s22 =	simm.s32 $0x1BFF;
	s21 =	sshll.u32 s5, $0x1;
	s2 =	sadd.s32 s19, s18  }
0x9c: {  	s6 =	simm.s32 $0x0;
	s20 =	sshll.u32 s4, $0x1;
	s4 =	sadd.s32 s21, s2  }
0x9d: {  	[timem:s6], [sflag:s22] =	dma.local [hbm:s4], s20  }
0x9e: {  	_ =	swait.ge [sflag:s22], s20  }
0x9f: {  	s3 =	ssub.s32 $0x0, s20;
	[sflag:s22] =	ssyncset.done $0x0  }
0xa0: {  	[sflag:s22] =	ssyncadd.s32 s3;
	_ =	sdelay $0x1  }
0xa1: {  	s23 =	simm.s32 $0x1B8B  }
0xa2: {  	_ =	swait.ge [sflag:s23], $0x1  }
0xa3: {  	[sflag:s23] =	ssyncset.done $0x0  }
0xa4: {  	s25 =	simm.s32 $0x1B8E;
	s24 =	sld [smem:$0x3FFE];
	[sflag:s23] =	ssyncadd.s32 $0xFFFFFFFF  }
0xa5: {  	s26 =	simm.s32 $execute0_lowered;
	[smem:$0x3FD2] =	sst s25  }
0xa6: {  	s4 =	sshll.u32 s26, $0x1;
	_ =	strace $0x80000049;
	[dreg:$0x1] =	wrdreg $0xFFFFFFFF  }
0xa7: {  	s28 =	simm.s32 $_size_execute0_lowered;
	s2 =	sadd.s32 s2, s4;
	[dreg:$0x0] =	wrdreg $0x0  }
0xa8: {  	s4 =	sshll.u32 s28, $0x1;
	[dreg:$0x2] =	wrdreg s2  }
0xa9: {  	[dreg:$0x3] =	wrdreg s4  }
0xaa: {  	[dreg:$0x4] =	wrdreg $0xC0  }
0xab: {  	_ =	task [dreg:s6], $0x5FFFF  }
0xac: {  	[dreg:$0x1] =	wrdreg $0xFFFFFFFF  }
0xad: {  	[dreg:$0x0] =	wrdreg $0x60  }
0xae: {  	[dreg:$0x2] =	wrdreg s24  }
0xaf: {  	[dreg:$0x3] =	wrdreg $0x0  }
0xb0: {  	[dreg:$0x4] =	wrdreg $0x9  }
0xb1: {  	_ =	task.clear_ibuf [dreg:s6], $0x5FFFF;
	_ =	strace $0x90000049  }
0xb2: {  	s29 =	simm.s32 $0x9;
	_ =	strace $0x8000004B  }
0xb3: {  	_ =	swait.ge [sflag:s29], $0x1  }
0xb4: {  	[sflag:s29] =	ssyncadd.s32 $0xFFFFFFFF  }
0xb5: {  	_ =	strace $0x9000004B  }
0xb6: {  	_ =	sfence  }
0xb7: {  	s30 =	sld [smem:$0x0];
	_ =	sdelay $0x2  }
0xb8: {  	s31 =	sshll.u32 s1, $0xD;
	s1 =	sshrl.u32 s1, $0x2  }
0xb9: {  	s3 =	sand.u32 $0x4000, s31;
	s1 =	sadd.s32 s1, s30  }
0xba: {  	s0 =	sor.u32 s3, s0;
	s1 =	sshll.u32 s1, $0x11  }
0xbb: {  	s0 =	sor.u32 s1, s0  }
0xbc: {  	s0 =	sadd.s32 $0x8F2B, s0  }
0xbd: {  	[sflag:s0] =	ssyncadd.remote.s32 $0x1  }
0xbe: {  	_ =	sfence.sel $0xFFFF  }
0xbf: {  	[dreg:$0x0] =	wrdreg $0xFFFFFFFF;
	(pc) =	sbr.abs _section_cstart, $3  }
0xc0: {  	[dreg:$0x1] =	wrdreg $0xFFFFFFFF  }
0xc1: {  	_ =	task.clear_ibuf [dreg:s6], $0x2FFFF;
	_ =	strace $0x9FFFFFFF  }
0xc2: {  	(tm) =	ssettm $0x7FFFFFFF  }
0xc3: {  	_ =	shalt  }
tec
execute0_lowered:
.L_overlay_start_1:
0x0: {  	(tag) =	ssettag $0x1  }
0x1: {  	s4 =	rddreg [dreg:$0x0];
	s1 =	stileid.u32  }
0x2: {  	s2 =	rddreg [dreg:$0x1];
	s5 =	smul.u32 $0xC4000, s1  }
0x3: {  	s0 =	rddreg [dreg:$0x2];
	s7 =	smul.u32 $0x1880, s1  }
0x4: {  	s3 =	simm.s32 $0x0;
	s6 =	srdreg.scid;
	s24 =	smul.u32 $0x6E000, s1  }
0x5: {  	s21 =	simm.s32 $0x80;
	s22 =	simm.s32 $0x1B8C0;
	s8 =	smul.u32 $0x1B800, s1  }
0x6: {  	[smem:$0x7FF] =	sst s3;
	s16 =	sand.u32 $0x1, s6;
	s28 =	smul.u32 $0x3700, s1  }
0x7: {  	s11 =	sadd.s32 $0x5E00, s4;
	s12 =	sadd.s32 $0xCA000, s4;
	s9 =	smul.u32 $0x3E000, s1  }
0x8: {  	s10 =	smul.u32 $0xF800, s1;
	s31 =	sshll.u32 s1, $0x6;
	_ =	strace $0x8000004A  }
0x9: {  	s23 =	ssub.s32 $0x2, s16;
	p0 =	sne.s32 s16, $0x0;
	s16 =	sor.u32 $0x1C01, s31  }
0xa: {  	s14 =	sadd.s32 s5, s4;
	s15 =	sadd.s32 s7, s4;
	s25 =	sshrl.u32 s23, $0x1  }
0xb: {  	s26 =	sshrl.u32 s24, $0x2;
	s8 =	sshrl.u32 s8, $0x3;
	s6 =	sadd.s32 s11, s28  }
0xc: {  	s7 =	sadd.s32 s12, s28;
	s19 =	sshrl.u32 s9, $0x2;
	s20 =	sshrl.u32 s10, $0x3  }
0xd: {  	s13 =	ssub.s32 s23, s25;
	s17 =	sadd.s32 s26, s2;
	s29 =	sadd.s32 $0x37000, s8  }
0xe: {  	s18 =	sadd.s32 $0x6E000, s8;
	s10 =	sadd.s32 s19, s2;
	s30 =	sadd.s32 $0xA5000, s20  }
.Ltmp0:
0xf: {  	s14 =	sadd.s32 $0xD01000, s14;
	s15 =	sadd.s32 $0x190800, s15;
	(pc) =	sbr.rel .LBB2_1-.Ltmp0, $4  }
0x10: {  	s19 =	simm.s32 $0x1B840;
	s20 =	simm.s32 $0x1B940;
	s23 =	simm.s32 $0x0  }
0x11: {  	s4 =	sadd.s32 s11, s29;
	s5 =	sadd.s32 s12, s29;
	s8 =	sadd.s32 s11, s18  }
0x12: {  	s9 =	sadd.s32 s12, s18;
	s11 =	sadd.s32 s11, s30;
	s12 =	sadd.s32 s12, s30  }
0x13: {  	s13 =	smax.u32 s13, $0x1;
	s17 =	sshrl.u32 s17, $0x3;
	s18 =	simm.s32 $0x1  }
.LBB2_11:
0x14: {  	v6 =	vld [tilespmem:$0x1B890];
	vm0 =	vlt.u32 v5, $0x1F00;
	v4 =	vadd.s32 $0xFFFF5B00, v4  }
0x15: {  	v7 =	vld [tilespmem:$0x1B850];
	v3 =	vadd.s32 $0xFFFF5B00, v3;
	v5 =	vnsel vm0, $0x3700, v5;
	vm10 =	vlt.u32 v4, $0x1F00  }
0x16: {  	v2 =	vadd.s32 $0xFFFF5B00, v2;
	vm11 =	vlt.u32 v3, $0x1F00;
	[tilespmem:$0x1B8E0] =	vst v5;
	v4 =	vnsel vm10, $0x3700, v4  }
0x17: {  	v1 =	vadd.s32 $0xFFFF5B00, v1;
	vm1 =	vlt.u32 v2, $0x1F00;
	v3 =	vnsel vm11, $0x3700, v3;
	[tilespmem:$0x1B920] =	vst v4  }
0x18: {  	v0 =	vadd.s32 $0xFFFF5B00, v0;
	vm12 =	vlt.u32 v1, $0x1F00;
	v2 =	vnsel vm1, $0x3700, v2;
	[tilespmem:$0x1B930] =	vst v3  }
0x19: {  	vm15 =	vlt.u32 v0, $0x1F00;
	v1 =	vnsel vm12, $0x3700, v1;
	[tilespmem:$0x1B900] =	vst v2;
	v60 =	vadd.s32 $0xFFFF5B00, v6  }
0x1a: {  	v0 =	vnsel vm15, $0x3700, v0;
	[tilespmem:$0x1B8C0] =	vst v1;
	v61 =	vadd.s32 $0xFFFF5B00, v7;
	vm13 =	vlt.u32 v60, $0x1F00  }
0x1b: {  	[tilespmem:$0x1B8F0] =	vst v0;
	vm14 =	vlt.u32 v61, $0x1F00;
	v62 =	vnsel vm13, $0x3700, v60  }
0x1c: {  	v63 =	vnsel vm14, $0x3700, v61;
	[tilespmem:$0x1B910] =	vst v62  }
0x1d: {  	[tilespmem:$0x1B8D0] =	vst v63  }
0x1e: {  	[spmem:s2] =	stream.indirect.scatter.add.f32 [tilespmem:s20], [sflag:$0x1], $0x80, s22, s21, $0xb8;
	[tilespmem:$0x1F940] =	vst v63  }
0x1f: {  	_ =	swait.ge [sflag:s18], $0x4000  }
0x20: {  	[sflag:s18] =	ssyncset.done $0x0  }
0x21: {  	[sflag:s18] =	ssyncadd.s32 $0xFFFFC000  }
0x22: {  	[bflag:$0x0] =	sbarrier.arrive $0xFFFF  }
0x23: {  	[hbm:s12], [sflag:s16] =	dma.local [spmem:s24], $0x1F00  }
0x24: {  	_ =	swait.ge [sflag:s18], $0x1F00  }
0x25: {  	[sflag:s18] =	ssyncset.done $0x0  }
0x26: {  	[sflag:s18] =	ssyncadd.s32 $0xFFFFE100  }
.LBB2_12:
0x27: {  	s23 =	sadd.s32 $0x1, s23  }
0x28: {  	p1 =	sne.s32 s23, s13  }
.Ltmp1:
0x29: {  	_ = 	snop;
	(pc) =	sbr.rel @!p1 .LBB2_13-.Ltmp1, $2  }
0x2a: {  	_ =	sdelay $0x1  }
0x2b: {  	[bflag:$0x0] =	sbarrier.arrive $0xFFFF;
	_ =	sdelay $0x1  }
.LBB2_1:
.Ltmp2:
0x2c: {  	(pc) =	sbr.rel @p0 .LBB2_7-.Ltmp2, $1  }
0x2d: {  	_ =	sdelay $0x3  }
0x2e: {  	[spmem:s17], [sflag:s16] =	dma.local [hbm:s6], $0x3700  }
0x2f: {  	_ =	swait.ge [sflag:s18], $0x3700  }
0x30: {  	[sflag:s18] =	ssyncset.done $0x0  }
0x31: {  	[sflag:s18] =	ssyncadd.s32 $0xFFFFC900  }
0x32: {  	s24 =	sadd.s32 $0x0, s15;
	[bflag:$0x0] =	sbarrier.arrive $0xFFFF  }
0x33: {  	[tilespmem:s19], [sflag:$0x1] =	stream.linear.gather [hbm4b:s24+s3], $0x80, $0x38;
	[tilespmem:$0x1F940] =	vst v63  }
0x34: {  	_ =	swait.ge [sflag:s18], $0x80  }
0x35: {  	[sflag:s18] =	ssyncset.done $0x0  }
0x36: {  	[sflag:s18] =	ssyncadd.s32 $0xFFFFFF80  }
0x37: {  	[tilespmem:s20], [sflag:$0x1] =	stream.linear.gather [hbm4b:s14+s3], $0x4000, $0x38;
	[tilespmem:$0x1F940] =	vst v63  }
0x38: {  	_ =	swait.ge [sflag:s18], $0x4000  }
0x39: {  	[sflag:s18] =	ssyncset.done $0x0  }
0x3a: {  	[sflag:s18] =	ssyncadd.s32 $0xFFFFC000  }
0x3b: {  	v0 =	vld [tilespmem:$0x1B8B0]  }
0x3c: {  	v1 =	vld [tilespmem:$0x1B870]  }
0x3d: {  	v2 =	vld [tilespmem:$0x1B890]  }
0x3e: {  	v3 =	vld [tilespmem:$0x1B8A0]  }
0x3f: {  	v4 =	vld [tilespmem:$0x1B860]  }
0x40: {  	v0 =	vmin.u32 v0, $0x3700  }
0x41: {  	v1 =	vmin.u32 v1, $0x3700;
	[tilespmem:$0x1B930] =	vst v0;
	v0 =	vld [tilespmem:$0x1B850]  }
0x42: {  	v2 =	vmin.u32 v2, $0x3700;
	[tilespmem:$0x1B8F0] =	vst v1;
	v1 =	vld [tilespmem:$0x1B880]  }
0x43: {  	v5 =	vmin.u32 v3, $0x3700;
	[tilespmem:$0x1B910] =	vst v2;
	v2 =	vld [tilespmem:$0x1B840]  }
0x44: {  	s25 =	smov.u32 s14;
	s24 =	simm.s32 $0x10;
	v3 =	vmin.u32 v4, $0x3700;
	[tilespmem:$0x1B920] =	vst v5  }
.LBB2_3:
0x45: {  	p1 =	sne.s32 s24, $0x1870  }
0x46: {  	s25 =	sadd.s32 $0x800, s25;
	s26 =	smov.u32 s24;
	s24 =	sadd.s32 $0x10, s24  }
0x47: {  	[tilespmem:$0x1B8E0] =	vst v3;
	v1 =	vmin.u32 v1, $0x3700  }
0x48: {  	v0 =	vmin.u32 v0, $0x3700;
	v2 =	vmin.u32 v2, $0x3700;
	[tilespmem:$0x1B900] =	vst v1  }
0x49: {  	[tilespmem:$0x1B8D0] =	vst v0  }
0x4a: {  	[tilespmem:$0x1B8C0] =	vst v2  }
0x4b: {  	[spmem:s2] =	stream.indirect.scatter.add.f32 [tilespmem:s20], [sflag:$0x1], $0x80, s22, s21, $0xb8;
	[tilespmem:$0x1F940] =	vst v63  }
0x4c: {  	_ =	swait.ge [sflag:s18], $0x4000  }
0x4d: {  	[sflag:s18] =	ssyncset.done $0x0  }
0x4e: {  	s26 =	sadd.s32 s26, s15;
	[sflag:s18] =	ssyncadd.s32 $0xFFFFC000  }
0x4f: {  	[tilespmem:s19], [sflag:$0x1] =	stream.linear.gather [hbm4b:s26+s3], $0x80, $0x38;
	[tilespmem:$0x1F940] =	vst v63  }
0x50: {  	_ =	swait.ge [sflag:s18], $0x80  }
0x51: {  	[sflag:s18] =	ssyncset.done $0x0  }
0x52: {  	[sflag:s18] =	ssyncadd.s32 $0xFFFFFF80  }
0x53: {  	[tilespmem:s20], [sflag:$0x1] =	stream.linear.gather [hbm4b:s25+s3], $0x4000, $0x38;
	[tilespmem:$0x1F940] =	vst v63  }
0x54: {  	_ =	swait.ge [sflag:s18], $0x4000  }
0x55: {  	[sflag:s18] =	ssyncset.done $0x0  }
0x56: {  	[sflag:s18] =	ssyncadd.s32 $0xFFFFC000  }
0x57: {  	v1 =	vld [tilespmem:$0x1B8B0]  }
0x58: {  	v2 =	vld [tilespmem:$0x1B870]  }
0x59: {  	v3 =	vld [tilespmem:$0x1B890]  }
0x5a: {  	v4 =	vld [tilespmem:$0x1B8A0]  }
0x5b: {  	v5 =	vld [tilespmem:$0x1B860]  }
.Ltmp3:
0x5c: {  	v0 =	vld [tilespmem:$0x1B850];
	v6 =	vmin.u32 v1, $0x3700;
	(pc) =	sbr.rel @p1 .LBB2_3-.Ltmp3, $4  }
0x5d: {  	v7 =	vmin.u32 v2, $0x3700;
	v1 =	vld [tilespmem:$0x1B880];
	[tilespmem:$0x1B930] =	vst v6  }
0x5e: {  	v2 =	vld [tilespmem:$0x1B840];
	[tilespmem:$0x1B8F0] =	vst v7;
	v3 =	vmin.u32 v3, $0x3700  }
0x5f: {  	[tilespmem:$0x1B910] =	vst v3;
	v4 =	vmin.u32 v4, $0x3700  }
0x60: {  	v3 =	vmin.u32 v5, $0x3700;
	[tilespmem:$0x1B920] =	vst v4  }
0x61: {  	[tilespmem:$0x1B8E0] =	vst v3;
	v0 =	vmin.u32 v0, $0x3700  }
0x62: {  	v1 =	vmin.u32 v1, $0x3700;
	[tilespmem:$0x1B8D0] =	vst v0  }
0x63: {  	[tilespmem:$0x1B900] =	vst v1;
	v1 =	vmin.u32 v2, $0x3700  }
0x64: {  	[tilespmem:$0x1B8C0] =	vst v1  }
0x65: {  	[spmem:s2] =	stream.indirect.scatter.add.f32 [tilespmem:s20], [sflag:$0x1], $0x80, s22, s21, $0xb8;
	[tilespmem:$0x1F940] =	vst v63  }
0x66: {  	_ =	swait.ge [sflag:s18], $0x4000  }
0x67: {  	[sflag:s18] =	ssyncset.done $0x0  }
0x68: {  	[sflag:s18] =	ssyncadd.s32 $0xFFFFC000  }
0x69: {  	[bflag:$0x0] =	sbarrier.arrive $0xFFFF  }
0x6a: {  	[hbm:s7], [sflag:s16] =	dma.local [spmem:s17], $0x3700  }
0x6b: {  	_ =	swait.ge [sflag:s18], $0x3700  }
0x6c: {  	[sflag:s18] =	ssyncset.done $0x0  }
0x6d: {  	[sflag:s18] =	ssyncadd.s32 $0xFFFFC900  }
0x6e: {  	[bflag:$0x0] =	sbarrier.arrive $0xFFFF  }
0x6f: {  	[spmem:s17], [sflag:s16] =	dma.local [hbm:s8], $0x3700  }
0x70: {  	_ =	swait.ge [sflag:s18], $0x3700  }
0x71: {  	[sflag:s18] =	ssyncset.done $0x0  }
0x72: {  	[sflag:s18] =	ssyncadd.s32 $0xFFFFC900  }
0x73: {  	s24 =	sadd.s32 $0x0, s15;
	[bflag:$0x0] =	sbarrier.arrive $0xFFFF  }
0x74: {  	[tilespmem:s19], [sflag:$0x1] =	stream.linear.gather [hbm4b:s24+s3], $0x80, $0x38;
	[tilespmem:$0x1F940] =	vst v63  }
0x75: {  	_ =	swait.ge [sflag:s18], $0x80  }
0x76: {  	[sflag:s18] =	ssyncset.done $0x0  }
0x77: {  	[sflag:s18] =	ssyncadd.s32 $0xFFFFFF80  }
0x78: {  	[tilespmem:s20], [sflag:$0x1] =	stream.linear.gather [hbm4b:s14+s3], $0x4000, $0x38;
	[tilespmem:$0x1F940] =	vst v63  }
0x79: {  	_ =	swait.ge [sflag:s18], $0x4000  }
0x7a: {  	[sflag:s18] =	ssyncset.done $0x0  }
0x7b: {  	[sflag:s18] =	ssyncadd.s32 $0xFFFFC000  }
0x7c: {  	v0 =	vld [tilespmem:$0x1B890]  }
0x7d: {  	v2 =	vld [tilespmem:$0x1B8A0]  }
0x7e: {  	s25 =	smov.u32 s14;
	s24 =	simm.s32 $0x10;
	v1 =	vld [tilespmem:$0x1B8B0]  }
.LBB2_5:
0x7f: {  	p1 =	sne.s32 s24, $0x1870  }
0x80: {  	v3 =	vld [tilespmem:$0x1B870];
	s25 =	sadd.s32 $0x800, s25;
	s26 =	smov.u32 s24;
	s24 =	sadd.s32 $0x10, s24  }
0x81: {  	v4 =	vld [tilespmem:$0x1B850]  }
0x82: {  	v5 =	vld [tilespmem:$0x1B860]  }
0x83: {  	v6 =	vld [tilespmem:$0x1B840];
	v2 =	vadd.s32 $0xFFFF9200, v2  }
0x84: {  	v0 =	vadd.s32 $0xFFFF9200, v0;
	v7 =	vld [tilespmem:$0x1B880];
	v2 =	vmin.u32 v2, $0x3700;
	v1 =	vadd.s32 $0xFFFF9200, v1  }
0x85: {  	v0 =	vmin.u32 v0, $0x3700;
	v3 =	vadd.s32 $0xFFFF9200, v3;
	[tilespmem:$0x1B920] =	vst v2;
	v1 =	vmin.u32 v1, $0x3700  }
0x86: {  	v2 =	vadd.s32 $0xFFFF9200, v4;
	v3 =	vmin.u32 v3, $0x3700;
	[tilespmem:$0x1B930] =	vst v1  }
0x87: {  	v1 =	vmin.u32 v2, $0x3700;
	v2 =	vadd.s32 $0xFFFF9200, v5;
	[tilespmem:$0x1B910] =	vst v0  }
0x88: {  	v0 =	vadd.s32 $0xFFFF9200, v6;
	v2 =	vmin.u32 v2, $0x3700;
	[tilespmem:$0x1B8F0] =	vst v3  }
0x89: {  	v0 =	vmin.u32 v0, $0x3700;
	[tilespmem:$0x1B8D0] =	vst v1;
	v1 =	vadd.s32 $0xFFFF9200, v7  }
0x8a: {  	[tilespmem:$0x1B8E0] =	vst v2;
	v1 =	vmin.u32 v1, $0x3700  }
0x8b: {  	[tilespmem:$0x1B900] =	vst v1  }
0x8c: {  	[tilespmem:$0x1B8C0] =	vst v0  }
0x8d: {  	[spmem:s2] =	stream.indirect.scatter.add.f32 [tilespmem:s20], [sflag:$0x1], $0x80, s22, s21, $0xb8;
	[tilespmem:$0x1F940] =	vst v63  }
0x8e: {  	_ =	swait.ge [sflag:s18], $0x4000  }
0x8f: {  	[sflag:s18] =	ssyncset.done $0x0  }
0x90: {  	s26 =	sadd.s32 s26, s15;
	[sflag:s18] =	ssyncadd.s32 $0xFFFFC000  }
0x91: {  	[tilespmem:s19], [sflag:$0x1] =	stream.linear.gather [hbm4b:s26+s3], $0x80, $0x38;
	[tilespmem:$0x1F940] =	vst v63  }
0x92: {  	_ =	swait.ge [sflag:s18], $0x80  }
0x93: {  	[sflag:s18] =	ssyncset.done $0x0  }
0x94: {  	[sflag:s18] =	ssyncadd.s32 $0xFFFFFF80  }
0x95: {  	[tilespmem:s20], [sflag:$0x1] =	stream.linear.gather [hbm4b:s25+s3], $0x4000, $0x38;
	[tilespmem:$0x1F940] =	vst v63  }
0x96: {  	_ =	swait.ge [sflag:s18], $0x4000  }
.Ltmp4:
0x97: {  	[sflag:s18] =	ssyncset.done $0x0;
	(pc) =	sbr.rel @p1 .LBB2_5-.Ltmp4, $4  }
0x98: {  	[sflag:s18] =	ssyncadd.s32 $0xFFFFC000  }
0x99: {  	v0 =	vld [tilespmem:$0x1B890]  }
0x9a: {  	v2 =	vld [tilespmem:$0x1B8A0]  }
0x9b: {  	v1 =	vld [tilespmem:$0x1B8B0]  }
0x9c: {  	v3 =	vld [tilespmem:$0x1B870]  }
0x9d: {  	v4 =	vld [tilespmem:$0x1B850]  }
0x9e: {  	v5 =	vld [tilespmem:$0x1B860];
	v0 =	vadd.s32 $0xFFFF9200, v0  }
0x9f: {  	v6 =	vld [tilespmem:$0x1B880];
	v2 =	vadd.s32 $0xFFFF9200, v2;
	v0 =	vmin.u32 v0, $0x3700  }
0xa0: {  	v7 =	vld [tilespmem:$0x1B840];
	v2 =	vmin.u32 v2, $0x3700;
	v1 =	vadd.s32 $0xFFFF9200, v1;
	[tilespmem:$0x1B910] =	vst v0  }
0xa1: {  	[tilespmem:$0x1B920] =	vst v2;
	v1 =	vmin.u32 v1, $0x3700;
	v57 =	vadd.s32 $0xFFFF9200, v3  }
0xa2: {  	v58 =	vadd.s32 $0xFFFF9200, v4;
	[tilespmem:$0x1B930] =	vst v1;
	v2 =	vmin.u32 v57, $0x3700  }
0xa3: {  	v60 =	vadd.s32 $0xFFFF9200, v5;
	v59 =	vmin.u32 v58, $0x3700;
	[tilespmem:$0x1B8F0] =	vst v2  }
0xa4: {  	v61 =	vadd.s32 $0xFFFF9200, v6;
	v1 =	vmin.u32 v60, $0x3700;
	[tilespmem:$0x1B8D0] =	vst v59  }
0xa5: {  	v62 =	vadd.s32 $0xFFFF9200, v7;
	v0 =	vmin.u32 v61, $0x3700;
	[tilespmem:$0x1B8E0] =	vst v1  }
0xa6: {  	v63 =	vmin.u32 v62, $0x3700;
	[tilespmem:$0x1B900] =	vst v0  }
0xa7: {  	[tilespmem:$0x1B8C0] =	vst v63  }
0xa8: {  	[spmem:s2] =	stream.indirect.scatter.add.f32 [tilespmem:s20], [sflag:$0x1], $0x80, s22, s21, $0xb8;
	[tilespmem:$0x1F940] =	vst v63  }
0xa9: {  	_ =	swait.ge [sflag:s18], $0x4000  }
0xaa: {  	[sflag:s18] =	ssyncset.done $0x0  }
0xab: {  	[sflag:s18] =	ssyncadd.s32 $0xFFFFC000  }
.Ltmp5:
0xac: {  	[bflag:$0x0] =	sbarrier.arrive $0xFFFF;
	(pc) =	sbr.rel .LBB2_12-.Ltmp5, $4  }
0xad: {  	[hbm:s9], [sflag:s16] =	dma.local [spmem:s17], $0x3700  }
0xae: {  	_ =	swait.ge [sflag:s18], $0x3700  }
0xaf: {  	[sflag:s18] =	ssyncset.done $0x0  }
0xb0: {  	[sflag:s18] =	ssyncadd.s32 $0xFFFFC900  }
.LBB2_7:
0xb1: {  	[spmem:s17], [sflag:s16] =	dma.local [hbm:s4], $0x3700  }
0xb2: {  	_ =	swait.ge [sflag:s18], $0x3700  }
0xb3: {  	[sflag:s18] =	ssyncset.done $0x0  }
0xb4: {  	[sflag:s18] =	ssyncadd.s32 $0xFFFFC900  }
0xb5: {  	s24 =	sadd.s32 $0x0, s15;
	[bflag:$0x0] =	sbarrier.arrive $0xFFFF  }
0xb6: {  	[tilespmem:s19], [sflag:$0x1] =	stream.linear.gather [hbm4b:s24+s3], $0x80, $0x38;
	[tilespmem:$0x1F940] =	vst v63  }
0xb7: {  	_ =	swait.ge [sflag:s18], $0x80  }
0xb8: {  	[sflag:s18] =	ssyncset.done $0x0  }
0xb9: {  	[sflag:s18] =	ssyncadd.s32 $0xFFFFFF80  }
0xba: {  	[tilespmem:s20], [sflag:$0x1] =	stream.linear.gather [hbm4b:s14+s3], $0x4000, $0x38;
	[tilespmem:$0x1F940] =	vst v63  }
0xbb: {  	_ =	swait.ge [sflag:s18], $0x4000  }
0xbc: {  	[sflag:s18] =	ssyncset.done $0x0  }
0xbd: {  	[sflag:s18] =	ssyncadd.s32 $0xFFFFC000  }
0xbe: {  	v0 =	vld [tilespmem:$0x1B890]  }
0xbf: {  	v2 =	vld [tilespmem:$0x1B8A0]  }
0xc0: {  	s25 =	smov.u32 s14;
	s24 =	simm.s32 $0x10;
	v1 =	vld [tilespmem:$0x1B8B0]  }
.LBB2_8:
0xc1: {  	p1 =	seq.s32 s24, $0x1870  }
0xc2: {  	v3 =	vld [tilespmem:$0x1B870];
	s25 =	sadd.s32 $0x800, s25;
	s26 =	smov.u32 s24;
	s24 =	sadd.s32 $0x10, s24  }
0xc3: {  	v4 =	vld [tilespmem:$0x1B850]  }
0xc4: {  	v5 =	vld [tilespmem:$0x1B860]  }
0xc5: {  	v6 =	vld [tilespmem:$0x1B840];
	v2 =	vadd.s32 $0xFFFFC900, v2  }
0xc6: {  	v0 =	vadd.s32 $0xFFFFC900, v0;
	v7 =	vld [tilespmem:$0x1B880];
	v2 =	vmin.u32 v2, $0x3700;
	v1 =	vadd.s32 $0xFFFFC900, v1  }
0xc7: {  	v0 =	vmin.u32 v0, $0x3700;
	v3 =	vadd.s32 $0xFFFFC900, v3;
	[tilespmem:$0x1B920] =	vst v2;
	v1 =	vmin.u32 v1, $0x3700  }
0xc8: {  	v2 =	vadd.s32 $0xFFFFC900, v4;
	v3 =	vmin.u32 v3, $0x3700;
	[tilespmem:$0x1B930] =	vst v1  }
0xc9: {  	v1 =	vmin.u32 v2, $0x3700;
	v2 =	vadd.s32 $0xFFFFC900, v5;
	[tilespmem:$0x1B910] =	vst v0  }
0xca: {  	v0 =	vadd.s32 $0xFFFFC900, v6;
	v2 =	vmin.u32 v2, $0x3700;
	[tilespmem:$0x1B8F0] =	vst v3  }
0xcb: {  	v0 =	vmin.u32 v0, $0x3700;
	[tilespmem:$0x1B8D0] =	vst v1;
	v1 =	vadd.s32 $0xFFFFC900, v7  }
0xcc: {  	[tilespmem:$0x1B8E0] =	vst v2;
	v1 =	vmin.u32 v1, $0x3700  }
0xcd: {  	[tilespmem:$0x1B900] =	vst v1  }
0xce: {  	[tilespmem:$0x1B8C0] =	vst v0  }
0xcf: {  	[spmem:s2] =	stream.indirect.scatter.add.f32 [tilespmem:s20], [sflag:$0x1], $0x80, s22, s21, $0xb8;
	[tilespmem:$0x1F940] =	vst v63  }
0xd0: {  	_ =	swait.ge [sflag:s18], $0x4000  }
0xd1: {  	[sflag:s18] =	ssyncset.done $0x0  }
0xd2: {  	s26 =	sadd.s32 s26, s15;
	[sflag:s18] =	ssyncadd.s32 $0xFFFFC000  }
0xd3: {  	[tilespmem:s19], [sflag:$0x1] =	stream.linear.gather [hbm4b:s26+s3], $0x80, $0x38;
	[tilespmem:$0x1F940] =	vst v63  }
0xd4: {  	_ =	swait.ge [sflag:s18], $0x80  }
0xd5: {  	[sflag:s18] =	ssyncset.done $0x0  }
0xd6: {  	[sflag:s18] =	ssyncadd.s32 $0xFFFFFF80  }
0xd7: {  	[tilespmem:s20], [sflag:$0x1] =	stream.linear.gather [hbm4b:s25+s3], $0x4000, $0x38;
	[tilespmem:$0x1F940] =	vst v63  }
0xd8: {  	_ =	swait.ge [sflag:s18], $0x4000  }
.Ltmp6:
0xd9: {  	[sflag:s18] =	ssyncset.done $0x0;
	(pc) =	sbr.rel @!p1 .LBB2_8-.Ltmp6, $4  }
0xda: {  	[sflag:s18] =	ssyncadd.s32 $0xFFFFC000  }
0xdb: {  	v0 =	vld [tilespmem:$0x1B890]  }
0xdc: {  	v2 =	vld [tilespmem:$0x1B8A0]  }
0xdd: {  	v1 =	vld [tilespmem:$0x1B8B0]  }
0xde: {  	v3 =	vld [tilespmem:$0x1B870]  }
0xdf: {  	v4 =	vld [tilespmem:$0x1B850]  }
0xe0: {  	v5 =	vld [tilespmem:$0x1B860];
	v0 =	vadd.s32 $0xFFFFC900, v0  }
0xe1: {  	v6 =	vld [tilespmem:$0x1B880];
	v2 =	vadd.s32 $0xFFFFC900, v2;
	v0 =	vmin.u32 v0, $0x3700  }
0xe2: {  	v7 =	vld [tilespmem:$0x1B840];
	v2 =	vmin.u32 v2, $0x3700;
	v1 =	vadd.s32 $0xFFFFC900, v1;
	[tilespmem:$0x1B910] =	vst v0  }
0xe3: {  	[tilespmem:$0x1B920] =	vst v2;
	v1 =	vmin.u32 v1, $0x3700;
	v2 =	vadd.s32 $0xFFFFC900, v3  }
0xe4: {  	[tilespmem:$0x1B930] =	vst v1;
	v1 =	vadd.s32 $0xFFFFC900, v4;
	v2 =	vmin.u32 v2, $0x3700  }
0xe5: {  	v0 =	vmin.u32 v1, $0x3700;
	v1 =	vadd.s32 $0xFFFFC900, v5;
	[tilespmem:$0x1B8F0] =	vst v2  }
0xe6: {  	v1 =	vmin.u32 v1, $0x3700;
	[tilespmem:$0x1B8D0] =	vst v0;
	v0 =	vadd.s32 $0xFFFFC900, v6  }
0xe7: {  	v2 =	vadd.s32 $0xFFFFC900, v7;
	[tilespmem:$0x1B8E0] =	vst v1;
	v0 =	vmin.u32 v0, $0x3700  }
0xe8: {  	v1 =	vmin.u32 v2, $0x3700;
	[tilespmem:$0x1B900] =	vst v0  }
0xe9: {  	[tilespmem:$0x1B8C0] =	vst v1  }
0xea: {  	[spmem:s2] =	stream.indirect.scatter.add.f32 [tilespmem:s20], [sflag:$0x1], $0x80, s22, s21, $0xb8;
	[tilespmem:$0x1F940] =	vst v63  }
0xeb: {  	_ =	swait.ge [sflag:s18], $0x4000  }
0xec: {  	[sflag:s18] =	ssyncset.done $0x0  }
0xed: {  	[sflag:s18] =	ssyncadd.s32 $0xFFFFC000  }
0xee: {  	[bflag:$0x0] =	sbarrier.arrive $0xFFFF  }
0xef: {  	[hbm:s5], [sflag:s16] =	dma.local [spmem:s17], $0x3700  }
0xf0: {  	_ =	swait.ge [sflag:s18], $0x3700  }
0xf1: {  	[sflag:s18] =	ssyncset.done $0x0  }
0xf2: {  	[sflag:s18] =	ssyncadd.s32 $0xFFFFC900  }
0xf3: {  	s24 =	sshrl.u32 s10, $0x3;
	[bflag:$0x0] =	sbarrier.arrive $0xFFFF  }
0xf4: {  	[spmem:s24], [sflag:s16] =	dma.local [hbm:s11], $0x1F00  }
0xf5: {  	_ =	swait.ge [sflag:s18], $0x1F00  }
0xf6: {  	[sflag:s18] =	ssyncset.done $0x0  }
0xf7: {  	[sflag:s18] =	ssyncadd.s32 $0xFFFFE100  }
0xf8: {  	s25 =	sadd.s32 $0x0, s15;
	[bflag:$0x0] =	sbarrier.arrive $0xFFFF  }
0xf9: {  	[tilespmem:s19], [sflag:$0x1] =	stream.linear.gather [hbm4b:s25+s3], $0x80, $0x38;
	[tilespmem:$0x1F940] =	vst v63  }
0xfa: {  	_ =	swait.ge [sflag:s18], $0x80  }
0xfb: {  	[sflag:s18] =	ssyncset.done $0x0  }
0xfc: {  	[sflag:s18] =	ssyncadd.s32 $0xFFFFFF80  }
0xfd: {  	[tilespmem:s20], [sflag:$0x1] =	stream.linear.gather [hbm4b:s14+s3], $0x4000, $0x38;
	[tilespmem:$0x1F940] =	vst v63  }
0xfe: {  	_ =	swait.ge [sflag:s18], $0x4000  }
0xff: {  	[sflag:s18] =	ssyncset.done $0x0  }
0x100: {  	[sflag:s18] =	ssyncadd.s32 $0xFFFFC000  }
0x101: {  	v5 =	vld [tilespmem:$0x1B860]  }
0x102: {  	v0 =	vld [tilespmem:$0x1B870]  }
0x103: {  	v4 =	vld [tilespmem:$0x1B8A0]  }
0x104: {  	v3 =	vld [tilespmem:$0x1B8B0]  }
0x105: {  	v2 =	vld [tilespmem:$0x1B880]  }
0x106: {  	s26 =	smov.u32 s14;
	s25 =	simm.s32 $0x10;
	v1 =	vld [tilespmem:$0x1B840];
	v5 =	vadd.s32 $0xFFFF5B00, v5  }
.LBB2_10:
0x107: {  	p1 =	sne.s32 s25, $0x1870  }
0x108: {  	vm0 =	vlt.u32 v5, $0x1F00;
	v6 =	vld [tilespmem:$0x1B890];
	s26 =	sadd.s32 $0x800, s26;
	s28 =	smov.u32 s25;
	s25 =	sadd.s32 $0x10, s25  }
0x109: {  	v4 =	vadd.s32 $0xFFFF5B00, v4;
	v5 =	vnsel vm0, $0x3700, v5  }
0x10a: {  	v3 =	vadd.s32 $0xFFFF5B00, v3;
	vm0 =	vlt.u32 v4, $0x1F00;
	v7 =	vld [tilespmem:$0x1B850]  }
0x10b: {  	v2 =	vadd.s32 $0xFFFF5B00, v2;
	v4 =	vnsel vm0, $0x3700, v4;
	vm0 =	vlt.u32 v3, $0x1F00;
	[tilespmem:$0x1B8E0] =	vst v5  }
0x10c: {  	vm1 =	vlt.u32 v2, $0x1F00;
	v3 =	vnsel vm0, $0x3700, v3;
	[tilespmem:$0x1B920] =	vst v4  }
0x10d: {  	v1 =	vadd.s32 $0xFFFF5B00, v1;
	v2 =	vnsel vm1, $0x3700, v2;
	v4 =	vadd.s32 $0xFFFF5B00, v6;
	[tilespmem:$0x1B930] =	vst v3  }
0x10e: {  	vm0 =	vlt.u32 v1, $0x1F00;
	[tilespmem:$0x1B900] =	vst v2;
	vm1 =	vlt.u32 v4, $0x1F00  }
0x10f: {  	v1 =	vnsel vm0, $0x3700, v1;
	v2 =	vadd.s32 $0xFFFF5B00, v7;
	v3 =	vnsel vm1, $0x3700, v4  }
0x110: {  	v0 =	vadd.s32 $0xFFFF5B00, v0;
	[tilespmem:$0x1B8C0] =	vst v1;
	vm0 =	vlt.u32 v2, $0x1F00  }
0x111: {  	v1 =	vnsel vm0, $0x3700, v2;
	vm0 =	vlt.u32 v0, $0x1F00;
	[tilespmem:$0x1B910] =	vst v3  }
0x112: {  	[tilespmem:$0x1B8D0] =	vst v1;
	v0 =	vnsel vm0, $0x3700, v0  }
0x113: {  	[tilespmem:$0x1B8F0] =	vst v0  }
0x114: {  	[spmem:s2] =	stream.indirect.scatter.add.f32 [tilespmem:s20], [sflag:$0x1], $0x80, s22, s21, $0xb8;
	[tilespmem:$0x1F940] =	vst v63  }
0x115: {  	_ =	swait.ge [sflag:s18], $0x4000  }
0x116: {  	[sflag:s18] =	ssyncset.done $0x0  }
0x117: {  	s28 =	sadd.s32 s28, s15;
	[sflag:s18] =	ssyncadd.s32 $0xFFFFC000  }
0x118: {  	[tilespmem:s19], [sflag:$0x1] =	stream.linear.gather [hbm4b:s28+s3], $0x80, $0x38;
	[tilespmem:$0x1F940] =	vst v63  }
0x119: {  	_ =	swait.ge [sflag:s18], $0x80  }
0x11a: {  	[sflag:s18] =	ssyncset.done $0x0  }
0x11b: {  	[sflag:s18] =	ssyncadd.s32 $0xFFFFFF80  }
0x11c: {  	[tilespmem:s20], [sflag:$0x1] =	stream.linear.gather [hbm4b:s26+s3], $0x4000, $0x38;
	[tilespmem:$0x1F940] =	vst v63  }
0x11d: {  	_ =	swait.ge [sflag:s18], $0x4000  }
0x11e: {  	[sflag:s18] =	ssyncset.done $0x0  }
0x11f: {  	[sflag:s18] =	ssyncadd.s32 $0xFFFFC000  }
0x120: {  	v5 =	vld [tilespmem:$0x1B860]  }
.Ltmp7:
0x121: {  	v0 =	vld [tilespmem:$0x1B870];
	(pc) =	sbr.rel @p1 .LBB2_10-.Ltmp7, $4  }
0x122: {  	v4 =	vld [tilespmem:$0x1B8A0]  }
0x123: {  	v3 =	vld [tilespmem:$0x1B8B0]  }
0x124: {  	v2 =	vld [tilespmem:$0x1B880]  }
0x125: {  	v1 =	vld [tilespmem:$0x1B840];
	v5 =	vadd.s32 $0xFFFF5B00, v5  }
.Ltmp8:
0x126: {  	_ = 	snop;
	(pc) =	sbr.rel .LBB2_11-.Ltmp8, $1  }
0x127: {  	_ =	sdelay $0x3  }
.LBB2_13:
0x128: {  	_ =	sfence.sel $0x180000  }
0x129: {  	[bflag:$0x0] =	sbarrier.arrive $0xFFFF  }
0x12a: {  	p0 =	sne.s32 s1, $0x0;
	_ =	strace $0x9000004A  }
0x12b: {  	s0 =	sadd.s32 @!p0 $0x100000, s0;
	[bflag:$0x2] =	sbarrier.arrive $0xFFFF  }
0x12c: {  	[sflag:s0] =	ssyncadd.tile.s32 @!p0 $0x1;
	_ =	shalt  }
.Lfunc_end2:
_tile_overlayer_lowered:
.L_overlay_start_2:
0x12d: {  	(tag) =	ssettag $0x2  }
0x12e: {  	s0 =	rddreg [dreg:$0x0];
	s2 =	stileid.u32  }
0x12f: {  	s1 =	rddreg [dreg:$0x1];
	p0 =	sne.s32 s2, $0x0  }
0x130: {  	s3 =	rddreg [dreg:$0x2];
	[bflag:$0x3] =	sbarrier.arrive $0xFFFF;
	s2 =	simm.s32 @!p0 $0x1C01  }
0x131: {  	[timem:s3], [sflag:s2] =	dma.local @!p0 [hbm:s0], s1  }
0x132: {  	s0 =	simm.s32 @!p0 $0x1  }
0x133: {  	_ =	swait.ge @!p0 [sflag:s0], s1  }
0x134: {  	s1 =	ssub.s32 @!p0 $0x0, s1;
	[sflag:s0] =	ssyncset.done @!p0 $0x0  }
0x135: {  	[sflag:s0] =	ssyncadd.s32 @!p0 s1  }
0x136: {  	[bflag:$0x3] =	sbarrier.arrive $0xFFFF  }
0x137: {  	_ =	shalt  }

// kernel: kernel.28.cloned.1.call-start
scs
__scs_entry_jumppad:
0x0: {  	(pc) =	sbr.rel $0x88, $3  }
0x1: {  	(tag) =	ssettag $0x0;
	lr =	simm.s32 $0x1  }
0x2: {  	[smem:$0x3F8E] =	sst lr;
	_ =	strace $0xD0000000  }
0x3: {  	_ = 	snop  }
0x4: {  	_ = 	snop  }
0x5: {  	_ = 	snop  }
0x6: {  	_ = 	snop  }
0x7: {  	_ = 	snop  }
__scs_overlays_trampoline_lowered:
0x8: {  	[smem:$0x3F9D] =	sst s0  }
0x9: {  	[smem:$0x3F9E] =	sst s1  }
0xa: {  	[smem:$0x3F9F] =	sst s2  }
0xb: {  	[smem:$0x3FA0] =	sst s3  }
0xc: {  	[smem:$0x3FA1] =	sst s4  }
0xd: {  	[smem:$0x3FA2] =	sst s5  }
0xe: {  	[smem:$0x3FA3] =	sst s6  }
0xf: {  	[smem:$0x3FA4] =	sst s7  }
0x10: {  	[smem:$0x3FA5] =	sst s8  }
0x11: {  	[smem:$0x3FA6] =	sst s9;
	s0 =	simm.s32 @!p0 $0x0  }
0x12: {  	s1 =	sld [smem:$0x3F8C];
	s0 =	simm.s32 @p0 $0x1  }
0x13: {  	[smem:$0x3FA7] =	sst s0;
	s0 =	simm.s32 @!p1 $0x0  }
0x14: {  	s2 =	sld [smem:$0x3F8B];
	s0 =	simm.s32 @p1 $0x1  }
0x15: {  	[smem:$0x3FA8] =	sst s0;
	s0 =	simm.s32 @!p2 $0x0  }
0x16: {  	s3 =	sld [smem:$0x3FDB];
	s0 =	simm.s32 @p2 $0x1  }
0x17: {  	s4 =	simm.s32 $0x1BF5;
	[smem:$0x3FAA] =	sst s0  }
0x18: {  	s0 =	sld [smem:$0x3F8D];
	_ =	swait.ge [sflag:s4], $0x0  }
0x19: {  	s7 =	sld [smem:$0x3F8E]  }
0x1a: {  	s8 =	sadd.s32 $0xFFFFE003, lr  }
0x1b: {  	s9 =	sadd.s32 $0xFFFFFEF7, lr;
	s5 =	simm.s32 $0xFFFFFFFF;
	p2 =	slt.u32 s8, $0xFFFFF086  }
0x1c: {  	p1 =	slt.u32 s9, $0xF7A;
	s5 =	simm.s32 @!p2 $0x0  }
0x1d: {  	s5 =	simm.s32 @p1 $0x1;
	p0 =	seq.s32 s7, s2  }
0x1e: {  	s7 =	smul.u32 @!p0 $0xF7A, s2;
	p2 =	seq.s32 @!p0 s5, $0x0  }
0x1f: {  	s9 =	smul.u32 $0xF7A, s1;
	s8 =	simm.s32 @!p0 $0x1BF5;
	p2 =	por !p2, p0  }
0x20: {  	[sflag:s8] =	ssyncset.s32 @!p0 $0xFFFFF086;
	s6 =	sadd.s32 @!p0 s3, s7;
	s7 =	simm.s32 @!p0 $0x108  }
0x21: {  	s3 =	sadd.s32 s3, s9;
	s6 =	sadd.s32 @!p0 $0x88, s6;
	s7 =	simm.s32 @p2 $0x1082  }
0x22: {  	[simem:s7], [sflag:s8] =	dma.local @!p0 [hbm:s6], $0xF7A  }
0x23: {  	s9 =	sor.u32 $0xD0000000, s2;
	s6 =	simm.s32 $0x108;
	_ =	swait.ge @!p0 [sflag:s8], $0x0  }
0x24: {  	s3 =	sadd.s32 $0x88, s3;
	s6 =	simm.s32 @!p1 $0x1082;
	[sflag:s4] =	ssyncset.s32 $0xFFFFF086  }
0x25: {  	[simem:s6], [sflag:s4] =	dma.local [hbm:s3], $0xF7A  }
0x26: {  	[smem:$0x3F8E] =	sst s1;
	(tag) =	ssettag s2;
	_ =	strace s9  }
0x27: {  	s1 =	sld [smem:$0x3F9E]  }
0x28: {  	s2 =	sld [smem:$0x3F9F]  }
0x29: {  	s4 =	sld [smem:$0x3FA1]  }
0x2a: {  	p0 =	seq.s32 s5, $0x0;
	s5 =	sld [smem:$0x3FA2]  }
0x2b: {  	s6 =	sld [smem:$0x3FA3]  }
0x2c: {  	s7 =	sld [smem:$0x3FA4]  }
0x2d: {  	s3 =	simm.s32 $0x108;
	s8 =	sld [smem:$0x3FA5]  }
0x2e: {  	s3 =	simm.s32 @!p0 $0x1082;
	s9 =	sld [smem:$0x3FA6]  }
0x2f: {  	lr =	sadd.s32 s0, s3;
	s0 =	sld [smem:$0x3F9D]  }
0x30: {  	s3 =	sld [smem:$0x3FA0]  }
0x31: {  	[smem:$0x3FA9] =	sst s10  }
0x32: {  	s10 =	sld [smem:$0x3FA7];
	_ =	sdelay $0x3  }
0x33: {  	p0 =	seq.s32 s10, $0x1;
	s10 =	sld [smem:$0x3FA9];
	_ =	sdelay $0x3  }
0x34: {  	[smem:$0x3FA9] =	sst s10  }
0x35: {  	s10 =	sld [smem:$0x3FA8];
	_ =	sdelay $0x3  }
0x36: {  	p1 =	seq.s32 s10, $0x1;
	s10 =	sld [smem:$0x3FA9];
	_ =	sdelay $0x3  }
0x37: {  	[smem:$0x3FA9] =	sst s10  }
0x38: {  	s10 =	sld [smem:$0x3FAA]  }
0x39: {  	_ = 	snop;
	(pc) =	sbr.ind lr, $3  }
0x3a: {  	_ = 	snop  }
0x3b: {  	_ = 	snop  }
0x3c: {  	p2 =	seq.s32 s10, $0x1;
	s10 =	sld [smem:$0x3FA9]  }
0x3d: {  	_ =	shalt  }
0x3e: {  	_ =	shalt  }
0x3f: {  	_ =	shalt  }
0x40: {  	_ =	shalt  }
0x41: {  	_ =	shalt  }
0x42: {  	_ =	shalt  }
0x43: {  	_ =	shalt  }
0x44: {  	_ =	shalt  }
0x45: {  	_ =	shalt  }
0x46: {  	_ =	shalt  }
0x47: {  	_ =	shalt  }
0x48: {  	_ =	shalt  }
0x49: {  	_ =	shalt  }
0x4a: {  	_ =	shalt  }
0x4b: {  	_ =	shalt  }
0x4c: {  	_ =	shalt  }
0x4d: {  	_ =	shalt  }
0x4e: {  	_ =	shalt  }
0x4f: {  	_ =	shalt  }
0x50: {  	_ =	shalt  }
0x51: {  	_ =	shalt  }
0x52: {  	_ =	shalt  }
0x53: {  	_ =	shalt  }
0x54: {  	_ =	shalt  }
0x55: {  	_ =	shalt  }
0x56: {  	_ =	shalt  }
0x57: {  	_ =	shalt  }
0x58: {  	_ =	shalt  }
0x59: {  	_ =	shalt  }
0x5a: {  	_ =	shalt  }
0x5b: {  	_ =	shalt  }
0x5c: {  	_ =	shalt  }
0x5d: {  	_ =	shalt  }
0x5e: {  	_ =	shalt  }
0x5f: {  	_ =	shalt  }
0x60: {  	_ =	shalt  }
0x61: {  	_ =	shalt  }
0x62: {  	_ =	shalt  }
0x63: {  	_ =	shalt  }
0x64: {  	_ =	shalt  }
0x65: {  	_ =	shalt  }
0x66: {  	_ =	shalt  }
0x67: {  	_ =	shalt  }
0x68: {  	_ =	shalt  }
0x69: {  	_ =	shalt  }
0x6a: {  	_ =	shalt  }
0x6b: {  	_ =	shalt  }
0x6c: {  	_ =	shalt  }
0x6d: {  	_ =	shalt  }
0x6e: {  	_ =	shalt  }
0x6f: {  	_ =	shalt  }
0x70: {  	_ =	shalt  }
0x71: {  	_ =	shalt  }
0x72: {  	_ =	shalt  }
0x73: {  	_ =	shalt  }
0x74: {  	_ =	shalt  }
0x75: {  	_ =	shalt  }
0x76: {  	_ =	shalt  }
0x77: {  	_ =	shalt  }
0x78: {  	_ =	shalt  }
0x79: {  	_ =	shalt  }
0x7a: {  	_ =	shalt  }
0x7b: {  	_ =	shalt  }
0x7c: {  	_ =	shalt  }
0x7d: {  	_ =	shalt  }
0x7e: {  	_ =	shalt  }
0x7f: {  	_ =	shalt  }
0x80: {  	_ =	shalt  }
0x81: {  	_ =	shalt  }
0x82: {  	_ =	shalt  }
0x83: {  	_ =	shalt  }
0x84: {  	_ =	shalt  }
0x85: {  	_ =	shalt  }
0x86: {  	_ =	shalt  }
0x87: {  	_ =	shalt  }
.Lfunc_end0:
.L_simem_size_0:
called_computation.2_lowered:
.L_overlay_start_0:
0x88: {  	s2 =	sld [smem:$0x3FD9]  }
0x89: {  	s3 =	sld [smem:$0x3FFE];
	_ =	sdelay $0x1  }
0x8a: {  	s1 =	srdreg.scid  }
0x8b: {  	s0 =	sand.u32 $0x1, s1  }
0x8c: {  	s16 =	sshll.u32 s0, $0xA;
	s2 =	sadd.s32 s3, s2  }
0x8d: {  	s2 =	sadd.s32 s2, s16  }
0x8e: {  	[smem:$0x3FB5] =	sst s2  }
0x8f: {  	_ = 	snop  }
0x90: {  	(tm) =	ssettm $0x1  }
0x91: {  	s17 =	sld [smem:$0x3FFB];
	_ =	sdelay $0x3  }
0x92: {  	_ =	strace s17  }
0x93: {  	s2 =	sld [smem:$0x3FFC];
	_ =	sdelay $0x3  }
0x94: {  	_ =	strace s2  }
0x95: {  	s2 =	sld [smem:$0x3FFD];
	_ =	sdelay $0x3  }
0x96: {  	_ =	strace s2  }
0x97: {  	_ =	strace $0x8FFFFFFF  }
0x98: {  	s18 =	sld [smem:$0x3FDB];
	_ =	sdelay $0x1  }
0x99: {  	s19 =	simm.s32 $_scs_section_size  }
0x9a: {  	s4 =	simm.s32 $_size__tile_overlayer_lowered;
	s5 =	simm.s32 $_tile_overlayer_lowered  }
0x9b: {  	s22 =	simm.s32 $0x1BFF;
	s21 =	sshll.u32 s5, $0x1;
	s2 =	sadd.s32 s19, s18  }
0x9c: {  	s6 =	simm.s32 $0x0;
	s20 =	sshll.u32 s4, $0x1;
	s4 =	sadd.s32 s21, s2  }
0x9d: {  	[timem:s6], [sflag:s22] =	dma.local [hbm:s4], s20  }
0x9e: {  	_ =	swait.ge [sflag:s22], s20  }
0x9f: {  	s3 =	ssub.s32 $0x0, s20;
	[sflag:s22] =	ssyncset.done $0x0  }
0xa0: {  	[sflag:s22] =	ssyncadd.s32 s3;
	_ =	sdelay $0x1  }
0xa1: {  	s23 =	simm.s32 $0x1B8B  }
0xa2: {  	_ =	swait.ge [sflag:s23], $0x1  }
0xa3: {  	[sflag:s23] =	ssyncset.done $0x0  }
0xa4: {  	s25 =	simm.s32 $0x1B8E;
	s24 =	sld [smem:$0x3FFE];
	[sflag:s23] =	ssyncadd.s32 $0xFFFFFFFF  }
0xa5: {  	s26 =	simm.s32 $execute0_lowered;
	[smem:$0x3FD2] =	sst s25  }
0xa6: {  	s4 =	sshll.u32 s26, $0x1;
	_ =	strace $0x8000004C;
	[dreg:$0x1] =	wrdreg $0xFFFFFFFF  }
0xa7: {  	s28 =	simm.s32 $_size_execute0_lowered;
	s2 =	sadd.s32 s2, s4;
	[dreg:$0x0] =	wrdreg $0x0  }
0xa8: {  	s4 =	sshll.u32 s28, $0x1;
	[dreg:$0x2] =	wrdreg s2  }
0xa9: {  	[dreg:$0x3] =	wrdreg s4  }
0xaa: {  	[dreg:$0x4] =	wrdreg $0xC0  }
0xab: {  	_ =	task [dreg:s6], $0x5FFFF  }
0xac: {  	[dreg:$0x1] =	wrdreg $0xFFFFFFFF  }
0xad: {  	[dreg:$0x0] =	wrdreg $0x60  }
0xae: {  	[dreg:$0x2] =	wrdreg s24  }
0xaf: {  	[dreg:$0x3] =	wrdreg $0x9  }
0xb0: {  	_ =	task.clear_ibuf [dreg:s6], $0x4FFFF;
	_ =	strace $0x9000004C  }
0xb1: {  	s29 =	simm.s32 $0x9;
	_ =	strace $0x8000004E  }
0xb2: {  	_ =	swait.ge [sflag:s29], $0x1  }
0xb3: {  	[sflag:s29] =	ssyncadd.s32 $0xFFFFFFFF  }
0xb4: {  	_ =	strace $0x9000004E  }
0xb5: {  	_ =	sfence  }
0xb6: {  	s30 =	sld [smem:$0x0];
	_ =	sdelay $0x2  }
0xb7: {  	s31 =	sshll.u32 s1, $0xD;
	s1 =	sshrl.u32 s1, $0x2  }
0xb8: {  	s3 =	sand.u32 $0x4000, s31;
	s1 =	sadd.s32 s1, s30  }
0xb9: {  	s0 =	sor.u32 s3, s0;
	s1 =	sshll.u32 s1, $0x11  }
0xba: {  	s0 =	sor.u32 s1, s0  }
0xbb: {  	s0 =	sadd.s32 $0x8F2B, s0  }
0xbc: {  	[sflag:s0] =	ssyncadd.remote.s32 $0x1  }
0xbd: {  	_ =	sfence.sel $0xFFFF  }
0xbe: {  	[dreg:$0x0] =	wrdreg $0xFFFFFFFF;
	(pc) =	sbr.abs _section_cstart, $3  }
0xbf: {  	[dreg:$0x1] =	wrdreg $0xFFFFFFFF  }
0xc0: {  	_ =	task.clear_ibuf [dreg:s6], $0x2FFFF;
	_ =	strace $0x9FFFFFFF  }
0xc1: {  	(tm) =	ssettm $0x7FFFFFFF  }
tec
execute0_lowered:
.L_overlay_start_1:
0x0: {  	(tag) =	ssettag $0x1  }
0x1: {  	s8 =	rddreg [dreg:$0x0]  }
0x2: {  	s0 =	rddreg [dreg:$0x1]  }
0x3: {  	s1 =	simm.s32 $0x0;
	s6 =	srdreg.scid;
	s2 =	stileid.u32  }
0x4: {  	s13 =	simm.s32 $0x100;
	s14 =	simm.s32 $0x4100;
	s15 =	simm.s32 $0x8100  }
0x5: {  	s16 =	simm.s32 $0x1;
	s17 =	simm.s32 $0x2;
	s18 =	simm.s32 $0x0  }
0x6: {  	[smem:$0x7FF] =	sst s1;
	s3 =	sadd.s32 $0x20B000, s8;
	s4 =	sadd.s32 $0x391C00, s8  }
0x7: {  	s5 =	sadd.s32 $0x3271800, s8;
	s9 =	sand.u32 $0x1, s6;
	s6 =	sadd.s32 $0x1DA000, s8  }
0x8: {  	s11 =	sshll.u32 s2, $0x1;
	s7 =	sadd.s32 $0x1F2800, s8;
	s10 =	ssub.s32 $0x2, s9  }
0x9: {  	s8 =	sadd.s32 $0x518600, s8;
	_ =	strace $0x8000004D;
	s12 =	sshrl.u32 s10, $0x1  }
0xa: {  	s9 =	sor.u32 s9, s11;
	s11 =	simm.s32 $0x3;
	s10 =	ssub.s32 s10, s12  }
0xb: {  	s9 =	smul.u32 $0x6200, s9;
	s12 =	simm.s32 $0x80;
	s10 =	smax.u32 s10, $0x1  }
.LBB2_1:
0xc: {  	s19 =	simm.s32 $0x0  }
.LBB2_2:
0xd: {  	s20 =	sshll.u32 s19, $0x7  }
0xe: {  	s20 =	sadd.s32 s9, s20  }
0xf: {  	s21 =	sshrl.u32 s20, $0x3  }
0x10: {  	s23 =	simm.s32 $0x0;
	s22 =	sadd.s32 s6, s21  }
0x11: {  	[tilespmem:s23], [sflag:$0x3] =	stream.linear.gather [hbm4b:s22+s23], $0x80, $0x38;
	[tilespmem:$0xC100] =	vst v63  }
0x12: {  	_ =	swait.ge [sflag:s11], $0x80  }
0x13: {  	[sflag:s11] =	ssyncset.done $0x0  }
0x14: {  	s21 =	sadd.s32 s7, s21;
	[sflag:s11] =	ssyncadd.s32 $0xFFFFFF80  }
0x15: {  	[tilespmem:s12], [sflag:$0x3] =	stream.linear.gather [hbm4b:s21+s23], $0x80, $0x38;
	[tilespmem:$0xC100] =	vst v63  }
0x16: {  	_ =	swait.ge [sflag:s11], $0x80  }
0x17: {  	[sflag:s11] =	ssyncset.done $0x0  }
0x18: {  	[sflag:s11] =	ssyncadd.s32 $0xFFFFFF80  }
0x19: {  	[tilespmem:s13], [sflag:$0x1] =	stream.indirect.gather [hbm4b:s3+s12], $0x80, s23, s12, $0xb8;
	[tilespmem:$0xC100] =	vst v63  }
0x1a: {  	s20 =	sshll.u32 s20, $0x4  }
0x1b: {  	[tilespmem:s14], [sflag:$0x2] =	stream.indirect.gather [hbm4b:s4+s12], $0x80, s12, s12, $0xb8;
	[tilespmem:$0xC100] =	vst v63  }
0x1c: {  	s31 =	sadd.s32 s5, s20  }
0x1d: {  	[tilespmem:s15], [sflag:$0x3] =	stream.linear.gather [hbm4b:s31+s23], $0x4000, $0x38;
	[tilespmem:$0xC100] =	vst v63  }
0x1e: {  	_ =	swait.ge [sflag:s11], $0x4000  }
0x1f: {  	[sflag:s11] =	ssyncset.done $0x0  }
0x20: {  	[sflag:s11] =	ssyncadd.s32 $0xFFFFC000  }
0x21: {  	_ =	swait.ge [sflag:s16], $0x4000  }
0x22: {  	[sflag:s16] =	ssyncset.done $0x0  }
0x23: {  	[sflag:s16] =	ssyncadd.s32 $0xFFFFC000  }
0x24: {  	_ =	swait.ge [sflag:s17], $0x4000  }
0x25: {  	[sflag:s17] =	ssyncset.done $0x0  }
0x26: {  	s21 =	simm.s32 $0x0;
	[sflag:s17] =	ssyncadd.s32 $0xFFFFC000  }
0x27: {  	v12 =	vld [tilespmem:s21+$0x100]  }
0x28: {  	v17 =	vld [tilespmem:s21+$0x4100]  }
0x29: {  	v19 =	vld [tilespmem:s21+$0x110]  }
0x2a: {  	v20 =	vld [tilespmem:s21+$0x4110]  }
0x2b: {  	v5 =	vld [tilespmem:s21+$0x120]  }
0x2c: {  	v9 =	vld [tilespmem:s21+$0x4120]  }
0x2d: {  	v7 =	vld [tilespmem:s21+$0x130]  }
0x2e: {  	v11 =	vld [tilespmem:s21+$0x4130]  }
0x2f: {  	v8 =	vld [tilespmem:s21+$0x140]  }
0x30: {  	v10 =	vld [tilespmem:s21+$0x4140]  }
0x31: {  	v4 =	vld [tilespmem:s21+$0x150]  }
0x32: {  	v6 =	vld [tilespmem:s21+$0x4150]  }
0x33: {  	v2 =	vld [tilespmem:s21+$0x160]  }
0x34: {  	v3 =	vld [tilespmem:s21+$0x4160]  }
0x35: {  	v0 =	vld [tilespmem:s21+$0x170]  }
0x36: {  	v1 =	vld [tilespmem:s21+$0x4170]  }
0x37: {  	v16 =	vld [tilespmem:s21+$0x8100]  }
0x38: {  	v15 =	vld [tilespmem:s21+$0x8110]  }
0x39: {  	v14 =	vld [tilespmem:s21+$0x8120]  }
0x3a: {  	v13 =	vld [tilespmem:s21+$0x8130];
	v18 =	vadd.f32 v17, v12  }
0x3b: {  	s22 =	simm.s32 $0x200;
	v17 =	vadd.f32 v20, v19;
	v12 =	vld [tilespmem:s21+$0x8140]  }
.LBB2_3:
0x3c: {  	p0 =	sne.s32 s22, $0xFE00;
	v16 =	vadd.f32 v16, v18;
	v5 =	vadd.f32 v9, v5;
	v9 =	vld [tilespmem:s21+$0x8150]  }
0x3d: {  	v7 =	vadd.f32 v11, v7;
	v15 =	vadd.f32 v15, v17;
	v11 =	vld [tilespmem:s21+$0x8160]  }
0x3e: {  	s23 =	sshra.s32 s22, $0x2;
	v8 =	vadd.f32 v10, v8;
	v16 =	vmax.f32 v16, $0.0e+00;
	v5 =	vadd.f32 v14, v5;
	v10 =	vld [tilespmem:s21+$0x8170]  }
0x3f: {  	v4 =	vadd.f32 v6, v4;
	v17 =	vld [tilespmem:s23+$0x100];
	[tilespmem:s21+$0x8100] =	vst v16;
	v14 =	vmax.f32 v15, $0.0e+00;
	v7 =	vadd.f32 v13, v7  }
0x40: {  	v2 =	vadd.f32 v3, v2;
	v13 =	vld [tilespmem:s23+$0x4100];
	[tilespmem:s21+$0x8110] =	vst v14;
	v5 =	vmax.f32 v5, $0.0e+00;
	v6 =	vadd.f32 v12, v8  }
0x41: {  	v0 =	vadd.f32 v1, v0;
	v12 =	vld [tilespmem:s23+$0x110];
	[tilespmem:s21+$0x8120] =	vst v5;
	v3 =	vmax.f32 v7, $0.0e+00;
	v4 =	vadd.f32 v9, v4  }
0x42: {  	v19 =	vld [tilespmem:s23+$0x4110];
	[tilespmem:s21+$0x8130] =	vst v3;
	v1 =	vmax.f32 v6, $0.0e+00;
	v2 =	vadd.f32 v11, v2  }
0x43: {  	v5 =	vld [tilespmem:s23+$0x120];
	[tilespmem:s21+$0x8140] =	vst v1;
	v1 =	vmax.f32 v4, $0.0e+00;
	v0 =	vadd.f32 v10, v0  }
0x44: {  	v9 =	vld [tilespmem:s23+$0x4120];
	[tilespmem:s21+$0x8150] =	vst v1;
	v1 =	vmax.f32 v2, $0.0e+00  }
0x45: {  	v7 =	vld [tilespmem:s23+$0x130];
	[tilespmem:s21+$0x8160] =	vst v1;
	v0 =	vmax.f32 v0, $0.0e+00  }
0x46: {  	v11 =	vld [tilespmem:s23+$0x4130];
	[tilespmem:s21+$0x8170] =	vst v0;
	s21 =	smov.u32 s23  }
0x47: {  	v8 =	vld [tilespmem:s21+$0x140]  }
0x48: {  	v10 =	vld [tilespmem:s21+$0x4140]  }
0x49: {  	v4 =	vld [tilespmem:s21+$0x150]  }
0x4a: {  	v6 =	vld [tilespmem:s21+$0x4150]  }
0x4b: {  	v2 =	vld [tilespmem:s21+$0x160]  }
0x4c: {  	v3 =	vld [tilespmem:s21+$0x4160]  }
0x4d: {  	v0 =	vld [tilespmem:s21+$0x170]  }
0x4e: {  	v1 =	vld [tilespmem:s21+$0x4170]  }
.Ltmp0:
0x4f: {  	v16 =	vld [tilespmem:s21+$0x8100];
	(pc) =	sbr.rel @p0 .LBB2_3-.Ltmp0, $4  }
0x50: {  	v15 =	vld [tilespmem:s21+$0x8110]  }
0x51: {  	v14 =	vld [tilespmem:s21+$0x8120]  }
0x52: {  	v18 =	vadd.f32 v13, v17;
	v13 =	vld [tilespmem:s21+$0x8130]  }
0x53: {  	s22 =	sadd.s32 $0x200, s22;
	v17 =	vadd.f32 v19, v12;
	v12 =	vld [tilespmem:s21+$0x8140]  }
0x54: {  	v16 =	vadd.f32 v16, v18;
	v5 =	vadd.f32 v9, v5;
	v55 =	vld [tilespmem:s21+$0x8150]  }
0x55: {  	v7 =	vadd.f32 v11, v7;
	v56 =	vld [tilespmem:s21+$0x8160];
	v15 =	vadd.f32 v15, v17  }
0x56: {  	v8 =	vadd.f32 v10, v8;
	v57 =	vld [tilespmem:s21+$0x8170];
	v16 =	vmax.f32 v16, $0.0e+00;
	v5 =	vadd.f32 v14, v5  }
0x57: {  	v4 =	vadd.f32 v6, v4;
	[tilespmem:s21+$0x8100] =	vst v16;
	v58 =	vmax.f32 v15, $0.0e+00;
	v7 =	vadd.f32 v13, v7  }
0x58: {  	v2 =	vadd.f32 v3, v2;
	[tilespmem:s21+$0x8110] =	vst v58;
	v5 =	vmax.f32 v5, $0.0e+00;
	v59 =	vadd.f32 v12, v8  }
0x59: {  	v0 =	vadd.f32 v1, v0;
	[tilespmem:s21+$0x8120] =	vst v5;
	v60 =	vmax.f32 v7, $0.0e+00;
	v4 =	vadd.f32 v55, v4  }
0x5a: {  	v2 =	vadd.f32 v56, v2;
	[tilespmem:s21+$0x8130] =	vst v60;
	v61 =	vmax.f32 v59, $0.0e+00  }
0x5b: {  	v0 =	vadd.f32 v57, v0;
	[tilespmem:s21+$0x8140] =	vst v61;
	v62 =	vmax.f32 v4, $0.0e+00  }
0x5c: {  	s19 =	sadd.s32 $0x1, s19;
	v63 =	vmax.f32 v2, $0.0e+00;
	[tilespmem:s21+$0x8150] =	vst v62  }
0x5d: {  	p0 =	sne.s32 s19, $0xC4;
	v0 =	vmax.f32 v0, $0.0e+00;
	[tilespmem:s21+$0x8160] =	vst v63  }
.Ltmp1:
0x5e: {  	s20 =	sadd.s32 s8, s20;
	[tilespmem:s21+$0x8170] =	vst v0;
	(pc) =	sbr.rel @p0 .LBB2_2-.Ltmp1, $4  }
0x5f: {  	[hbm4b:s20+s1] =	stream.linear.scatter [tilespmem:s15], [sflag:$0x3], $0x4000, $0x38;
	[tilespmem:$0xC100] =	vst v63  }
0x60: {  	_ =	swait.ge [sflag:s11], $0x4000  }
0x61: {  	[sflag:s11] =	ssyncset.done $0x0  }
0x62: {  	[sflag:s11] =	ssyncadd.s32 $0xFFFFC000  }
0x63: {  	s18 =	sadd.s32 $0x1, s18  }
0x64: {  	p0 =	sne.s32 s18, s10  }
.Ltmp2:
0x65: {  	_ = 	snop;
	(pc) =	sbr.rel @p0 .LBB2_1-.Ltmp2, $1  }
0x66: {  	_ =	sdelay $0x3  }
0x67: {  	_ =	sfence.sel $0x180000  }
0x68: {  	[bflag:$0x0] =	sbarrier.arrive $0xFFFF  }
0x69: {  	p0 =	sne.s32 s2, $0x0;
	_ =	strace $0x9000004D  }
0x6a: {  	s0 =	sadd.s32 @!p0 $0x100000, s0;
	[bflag:$0x2] =	sbarrier.arrive $0xFFFF  }
0x6b: {  	[sflag:s0] =	ssyncadd.tile.s32 @!p0 $0x1;
	_ =	shalt  }
.Lfunc_end2:
_tile_overlayer_lowered:
.L_overlay_start_2:
0x6c: {  	(tag) =	ssettag $0x2  }
0x6d: {  	s0 =	rddreg [dreg:$0x0];
	s2 =	stileid.u32  }
0x6e: {  	s1 =	rddreg [dreg:$0x1];
	p0 =	sne.s32 s2, $0x0  }
0x6f: {  	s3 =	rddreg [dreg:$0x2];
	[bflag:$0x3] =	sbarrier.arrive $0xFFFF;
	s2 =	simm.s32 @!p0 $0x1C03  }
0x70: {  	[timem:s3], [sflag:s2] =	dma.local @!p0 [hbm:s0], s1  }
0x71: {  	s0 =	simm.s32 @!p0 $0x3  }
0x72: {  	_ =	swait.ge @!p0 [sflag:s0], s1  }
0x73: {  	s1 =	ssub.s32 @!p0 $0x0, s1;
	[sflag:s0] =	ssyncset.done @!p0 $0x0  }
0x74: {  	[sflag:s0] =	ssyncadd.s32 @!p0 s1  }
0x75: {  	[bflag:$0x3] =	sbarrier.arrive $0xFFFF  }
0x76: {  	_ =	shalt  }

// kernel: kernel.31.cloned.1.call-start
scs
__scs_entry_jumppad:
0x0: {  	(pc) =	sbr.rel $0x88, $3  }
0x1: {  	(tag) =	ssettag $0x0;
	lr =	simm.s32 $0x1  }
0x2: {  	[smem:$0x3F8E] =	sst lr;
	_ =	strace $0xD0000000  }
0x3: {  	_ = 	snop  }
0x4: {  	_ = 	snop  }
0x5: {  	_ = 	snop  }
0x6: {  	_ = 	snop  }
0x7: {  	_ = 	snop  }
__scs_overlays_trampoline_lowered:
0x8: {  	[smem:$0x3F9D] =	sst s0  }
0x9: {  	[smem:$0x3F9E] =	sst s1  }
0xa: {  	[smem:$0x3F9F] =	sst s2  }
0xb: {  	[smem:$0x3FA0] =	sst s3  }
0xc: {  	[smem:$0x3FA1] =	sst s4  }
0xd: {  	[smem:$0x3FA2] =	sst s5  }
0xe: {  	[smem:$0x3FA3] =	sst s6  }
0xf: {  	[smem:$0x3FA4] =	sst s7  }
0x10: {  	[smem:$0x3FA5] =	sst s8  }
0x11: {  	[smem:$0x3FA6] =	sst s9;
	s0 =	simm.s32 @!p0 $0x0  }
0x12: {  	s1 =	sld [smem:$0x3F8C];
	s0 =	simm.s32 @p0 $0x1  }
0x13: {  	[smem:$0x3FA7] =	sst s0;
	s0 =	simm.s32 @!p1 $0x0  }
0x14: {  	s2 =	sld [smem:$0x3F8B];
	s0 =	simm.s32 @p1 $0x1  }
0x15: {  	[smem:$0x3FA8] =	sst s0;
	s0 =	simm.s32 @!p2 $0x0  }
0x16: {  	s3 =	sld [smem:$0x3FDB];
	s0 =	simm.s32 @p2 $0x1  }
0x17: {  	s4 =	simm.s32 $0x1BF5;
	[smem:$0x3FAA] =	sst s0  }
0x18: {  	s0 =	sld [smem:$0x3F8D];
	_ =	swait.ge [sflag:s4], $0x0  }
0x19: {  	s7 =	sld [smem:$0x3F8E]  }
0x1a: {  	s8 =	sadd.s32 $0xFFFFE003, lr  }
0x1b: {  	s9 =	sadd.s32 $0xFFFFFEF7, lr;
	s5 =	simm.s32 $0xFFFFFFFF;
	p2 =	slt.u32 s8, $0xFFFFF086  }
0x1c: {  	p1 =	slt.u32 s9, $0xF7A;
	s5 =	simm.s32 @!p2 $0x0  }
0x1d: {  	s5 =	simm.s32 @p1 $0x1;
	p0 =	seq.s32 s7, s2  }
0x1e: {  	s7 =	smul.u32 @!p0 $0xF7A, s2;
	p2 =	seq.s32 @!p0 s5, $0x0  }
0x1f: {  	s9 =	smul.u32 $0xF7A, s1;
	s8 =	simm.s32 @!p0 $0x1BF5;
	p2 =	por !p2, p0  }
0x20: {  	[sflag:s8] =	ssyncset.s32 @!p0 $0xFFFFF086;
	s6 =	sadd.s32 @!p0 s3, s7;
	s7 =	simm.s32 @!p0 $0x108  }
0x21: {  	s3 =	sadd.s32 s3, s9;
	s6 =	sadd.s32 @!p0 $0x88, s6;
	s7 =	simm.s32 @p2 $0x1082  }
0x22: {  	[simem:s7], [sflag:s8] =	dma.local @!p0 [hbm:s6], $0xF7A  }
0x23: {  	s9 =	sor.u32 $0xD0000000, s2;
	s6 =	simm.s32 $0x108;
	_ =	swait.ge @!p0 [sflag:s8], $0x0  }
0x24: {  	s3 =	sadd.s32 $0x88, s3;
	s6 =	simm.s32 @!p1 $0x1082;
	[sflag:s4] =	ssyncset.s32 $0xFFFFF086  }
0x25: {  	[simem:s6], [sflag:s4] =	dma.local [hbm:s3], $0xF7A  }
0x26: {  	[smem:$0x3F8E] =	sst s1;
	(tag) =	ssettag s2;
	_ =	strace s9  }
0x27: {  	s1 =	sld [smem:$0x3F9E]  }
0x28: {  	s2 =	sld [smem:$0x3F9F]  }
0x29: {  	s4 =	sld [smem:$0x3FA1]  }
0x2a: {  	p0 =	seq.s32 s5, $0x0;
	s5 =	sld [smem:$0x3FA2]  }
0x2b: {  	s6 =	sld [smem:$0x3FA3]  }
0x2c: {  	s7 =	sld [smem:$0x3FA4]  }
0x2d: {  	s3 =	simm.s32 $0x108;
	s8 =	sld [smem:$0x3FA5]  }
0x2e: {  	s3 =	simm.s32 @!p0 $0x1082;
	s9 =	sld [smem:$0x3FA6]  }
0x2f: {  	lr =	sadd.s32 s0, s3;
	s0 =	sld [smem:$0x3F9D]  }
0x30: {  	s3 =	sld [smem:$0x3FA0]  }
0x31: {  	[smem:$0x3FA9] =	sst s10  }
0x32: {  	s10 =	sld [smem:$0x3FA7];
	_ =	sdelay $0x3  }
0x33: {  	p0 =	seq.s32 s10, $0x1;
	s10 =	sld [smem:$0x3FA9];
	_ =	sdelay $0x3  }
0x34: {  	[smem:$0x3FA9] =	sst s10  }
0x35: {  	s10 =	sld [smem:$0x3FA8];
	_ =	sdelay $0x3  }
0x36: {  	p1 =	seq.s32 s10, $0x1;
	s10 =	sld [smem:$0x3FA9];
	_ =	sdelay $0x3  }
0x37: {  	[smem:$0x3FA9] =	sst s10  }
0x38: {  	s10 =	sld [smem:$0x3FAA]  }
0x39: {  	_ = 	snop;
	(pc) =	sbr.ind lr, $3  }
0x3a: {  	_ = 	snop  }
0x3b: {  	_ = 	snop  }
0x3c: {  	p2 =	seq.s32 s10, $0x1;
	s10 =	sld [smem:$0x3FA9]  }
0x3d: {  	_ =	shalt  }
0x3e: {  	_ =	shalt  }
0x3f: {  	_ =	shalt  }
0x40: {  	_ =	shalt  }
0x41: {  	_ =	shalt  }
0x42: {  	_ =	shalt  }
0x43: {  	_ =	shalt  }
0x44: {  	_ =	shalt  }
0x45: {  	_ =	shalt  }
0x46: {  	_ =	shalt  }
0x47: {  	_ =	shalt  }
0x48: {  	_ =	shalt  }
0x49: {  	_ =	shalt  }
0x4a: {  	_ =	shalt  }
0x4b: {  	_ =	shalt  }
0x4c: {  	_ =	shalt  }
0x4d: {  	_ =	shalt  }
0x4e: {  	_ =	shalt  }
0x4f: {  	_ =	shalt  }
0x50: {  	_ =	shalt  }
0x51: {  	_ =	shalt  }
0x52: {  	_ =	shalt  }
0x53: {  	_ =	shalt  }
0x54: {  	_ =	shalt  }
0x55: {  	_ =	shalt  }
0x56: {  	_ =	shalt  }
0x57: {  	_ =	shalt  }
0x58: {  	_ =	shalt  }
0x59: {  	_ =	shalt  }
0x5a: {  	_ =	shalt  }
0x5b: {  	_ =	shalt  }
0x5c: {  	_ =	shalt  }
0x5d: {  	_ =	shalt  }
0x5e: {  	_ =	shalt  }
0x5f: {  	_ =	shalt  }
0x60: {  	_ =	shalt  }
0x61: {  	_ =	shalt  }
0x62: {  	_ =	shalt  }
0x63: {  	_ =	shalt  }
0x64: {  	_ =	shalt  }
0x65: {  	_ =	shalt  }
0x66: {  	_ =	shalt  }
0x67: {  	_ =	shalt  }
0x68: {  	_ =	shalt  }
0x69: {  	_ =	shalt  }
0x6a: {  	_ =	shalt  }
0x6b: {  	_ =	shalt  }
0x6c: {  	_ =	shalt  }
0x6d: {  	_ =	shalt  }
0x6e: {  	_ =	shalt  }
0x6f: {  	_ =	shalt  }
0x70: {  	_ =	shalt  }
0x71: {  	_ =	shalt  }
0x72: {  	_ =	shalt  }
0x73: {  	_ =	shalt  }
0x74: {  	_ =	shalt  }
0x75: {  	_ =	shalt  }
0x76: {  	_ =	shalt  }
0x77: {  	_ =	shalt  }
0x78: {  	_ =	shalt  }
0x79: {  	_ =	shalt  }
0x7a: {  	_ =	shalt  }
0x7b: {  	_ =	shalt  }
0x7c: {  	_ =	shalt  }
0x7d: {  	_ =	shalt  }
0x7e: {  	_ =	shalt  }
0x7f: {  	_ =	shalt  }
0x80: {  	_ =	shalt  }
0x81: {  	_ =	shalt  }
0x82: {  	_ =	shalt  }
0x83: {  	_ =	shalt  }
0x84: {  	_ =	shalt  }
0x85: {  	_ =	shalt  }
0x86: {  	_ =	shalt  }
0x87: {  	_ =	shalt  }
.Lfunc_end0:
.L_simem_size_0:
called_computation.3_lowered:
.L_overlay_start_0:
0x88: {  	s2 =	sld [smem:$0x3FD9]  }
0x89: {  	s3 =	sld [smem:$0x3FFE];
	_ =	sdelay $0x1  }
0x8a: {  	s1 =	srdreg.scid  }
0x8b: {  	s0 =	sand.u32 $0x1, s1  }
0x8c: {  	s16 =	sshll.u32 s0, $0xA;
	s2 =	sadd.s32 s3, s2  }
0x8d: {  	s2 =	sadd.s32 s2, s16  }
0x8e: {  	[smem:$0x3FB5] =	sst s2  }
0x8f: {  	_ = 	snop  }
0x90: {  	(tm) =	ssettm $0x1  }
0x91: {  	s17 =	sld [smem:$0x3FFB];
	_ =	sdelay $0x3  }
0x92: {  	_ =	strace s17  }
0x93: {  	s2 =	sld [smem:$0x3FFC];
	_ =	sdelay $0x3  }
0x94: {  	_ =	strace s2  }
0x95: {  	s2 =	sld [smem:$0x3FFD];
	_ =	sdelay $0x3  }
0x96: {  	_ =	strace s2  }
0x97: {  	_ =	strace $0x8FFFFFFF  }
0x98: {  	s18 =	sld [smem:$0x3FDB];
	_ =	sdelay $0x1  }
0x99: {  	s19 =	simm.s32 $_scs_section_size  }
0x9a: {  	s4 =	simm.s32 $_size__tile_overlayer_lowered;
	s5 =	simm.s32 $_tile_overlayer_lowered  }
0x9b: {  	s22 =	simm.s32 $0x1BFF;
	s21 =	sshll.u32 s5, $0x1;
	s2 =	sadd.s32 s19, s18  }
0x9c: {  	s6 =	simm.s32 $0x0;
	s20 =	sshll.u32 s4, $0x1;
	s4 =	sadd.s32 s21, s2  }
0x9d: {  	[timem:s6], [sflag:s22] =	dma.local [hbm:s4], s20  }
0x9e: {  	_ =	swait.ge [sflag:s22], s20  }
0x9f: {  	s3 =	ssub.s32 $0x0, s20;
	[sflag:s22] =	ssyncset.done $0x0  }
0xa0: {  	[sflag:s22] =	ssyncadd.s32 s3;
	_ =	sdelay $0x1  }
0xa1: {  	s23 =	simm.s32 $0x1B8B  }
0xa2: {  	_ =	swait.ge [sflag:s23], $0x1  }
0xa3: {  	[sflag:s23] =	ssyncset.done $0x0  }
0xa4: {  	s25 =	simm.s32 $0x1B8E;
	s24 =	sld [smem:$0x3FFE];
	[sflag:s23] =	ssyncadd.s32 $0xFFFFFFFF  }
0xa5: {  	s26 =	simm.s32 $execute0_lowered;
	[smem:$0x3FD2] =	sst s25  }
0xa6: {  	s4 =	sshll.u32 s26, $0x1;
	_ =	strace $0x8000004F;
	[dreg:$0x1] =	wrdreg $0xFFFFFFFF  }
0xa7: {  	s28 =	simm.s32 $_size_execute0_lowered;
	s2 =	sadd.s32 s2, s4;
	[dreg:$0x0] =	wrdreg $0x0  }
0xa8: {  	s4 =	sshll.u32 s28, $0x1;
	[dreg:$0x2] =	wrdreg s2  }
0xa9: {  	[dreg:$0x3] =	wrdreg s4  }
0xaa: {  	[dreg:$0x4] =	wrdreg $0xC0  }
0xab: {  	_ =	task [dreg:s6], $0x5FFFF  }
0xac: {  	[dreg:$0x1] =	wrdreg $0xFFFFFFFF  }
0xad: {  	[dreg:$0x0] =	wrdreg $0x60  }
0xae: {  	[dreg:$0x2] =	wrdreg s24  }
0xaf: {  	[dreg:$0x3] =	wrdreg $0x0  }
0xb0: {  	[dreg:$0x4] =	wrdreg $0x9  }
0xb1: {  	_ =	task.clear_ibuf [dreg:s6], $0x5FFFF;
	_ =	strace $0x9000004F  }
0xb2: {  	s29 =	simm.s32 $0x9;
	_ =	strace $0x80000051  }
0xb3: {  	_ =	swait.ge [sflag:s29], $0x1  }
0xb4: {  	[sflag:s29] =	ssyncadd.s32 $0xFFFFFFFF  }
0xb5: {  	_ =	strace $0x90000051  }
0xb6: {  	_ =	sfence  }
0xb7: {  	s30 =	sld [smem:$0x0];
	_ =	sdelay $0x2  }
0xb8: {  	s31 =	sshll.u32 s1, $0xD;
	s1 =	sshrl.u32 s1, $0x2  }
0xb9: {  	s3 =	sand.u32 $0x4000, s31;
	s1 =	sadd.s32 s1, s30  }
0xba: {  	s0 =	sor.u32 s3, s0;
	s1 =	sshll.u32 s1, $0x11  }
0xbb: {  	s0 =	sor.u32 s1, s0  }
0xbc: {  	s0 =	sadd.s32 $0x8F2B, s0  }
0xbd: {  	[sflag:s0] =	ssyncadd.remote.s32 $0x1  }
0xbe: {  	_ =	sfence.sel $0xFFFF  }
0xbf: {  	[dreg:$0x0] =	wrdreg $0xFFFFFFFF;
	(pc) =	sbr.abs _section_cstart, $3  }
0xc0: {  	[dreg:$0x1] =	wrdreg $0xFFFFFFFF  }
0xc1: {  	_ =	task.clear_ibuf [dreg:s6], $0x2FFFF;
	_ =	strace $0x9FFFFFFF  }
0xc2: {  	(tm) =	ssettm $0x7FFFFFFF  }
0xc3: {  	_ =	shalt  }
tec
execute0_lowered:
.L_overlay_start_1:
0x0: {  	(tag) =	ssettag $0x1  }
0x1: {  	s4 =	rddreg [dreg:$0x0];
	s1 =	stileid.u32  }
0x2: {  	s2 =	rddreg [dreg:$0x1];
	s5 =	smul.u32 $0xC4000, s1  }
0x3: {  	s0 =	rddreg [dreg:$0x2];
	s7 =	smul.u32 $0x1880, s1  }
0x4: {  	s3 =	simm.s32 $0x0;
	s6 =	srdreg.scid;
	s24 =	smul.u32 $0x6E000, s1  }
0x5: {  	s21 =	simm.s32 $0x80;
	s22 =	simm.s32 $0x1B8C0;
	s8 =	smul.u32 $0x1B800, s1  }
0x6: {  	[smem:$0x7FF] =	sst s3;
	s16 =	sand.u32 $0x1, s6;
	s28 =	smul.u32 $0x3700, s1  }
0x7: {  	s11 =	sadd.s32 $0xCA000, s4;
	s12 =	sadd.s32 $0x5600, s4;
	s9 =	smul.u32 $0x3E000, s1  }
0x8: {  	s10 =	smul.u32 $0xF800, s1;
	s31 =	sshll.u32 s1, $0x6;
	_ =	strace $0x80000050  }
0x9: {  	s23 =	ssub.s32 $0x2, s16;
	p0 =	sne.s32 s16, $0x0;
	s16 =	sor.u32 $0x1C01, s31  }
0xa: {  	s14 =	sadd.s32 s5, s4;
	s15 =	sadd.s32 s7, s4;
	s25 =	sshrl.u32 s23, $0x1  }
0xb: {  	s26 =	sshrl.u32 s24, $0x2;
	s8 =	sshrl.u32 s8, $0x3;
	s6 =	sadd.s32 s11, s28  }
0xc: {  	s7 =	sadd.s32 s12, s28;
	s19 =	sshrl.u32 s9, $0x2;
	s20 =	sshrl.u32 s10, $0x3  }
0xd: {  	s13 =	ssub.s32 s23, s25;
	s17 =	sadd.s32 s26, s2;
	s29 =	sadd.s32 $0x37000, s8  }
0xe: {  	s18 =	sadd.s32 $0x6E000, s8;
	s10 =	sadd.s32 s19, s2;
	s14 =	sadd.s32 $0x518600, s14  }
.Ltmp0:
0xf: {  	s30 =	sadd.s32 $0xA5000, s20;
	s15 =	sadd.s32 $0x190800, s15;
	(pc) =	sbr.rel .LBB2_1-.Ltmp0, $4  }
0x10: {  	s19 =	simm.s32 $0x1B840;
	s20 =	simm.s32 $0x1B940;
	s23 =	simm.s32 $0x0  }
0x11: {  	s4 =	sadd.s32 s11, s29;
	s5 =	sadd.s32 s12, s29;
	s8 =	sadd.s32 s11, s18  }
0x12: {  	s9 =	sadd.s32 s12, s18;
	s11 =	sadd.s32 s11, s30;
	s12 =	sadd.s32 s12, s30  }
0x13: {  	s13 =	smax.u32 s13, $0x1;
	s17 =	sshrl.u32 s17, $0x3;
	s18 =	simm.s32 $0x1  }
.LBB2_11:
0x14: {  	v6 =	vld [tilespmem:$0x1B890];
	vm0 =	vlt.u32 v5, $0x1F00;
	v4 =	vadd.s32 $0xFFFF5B00, v4  }
0x15: {  	v7 =	vld [tilespmem:$0x1B850];
	v3 =	vadd.s32 $0xFFFF5B00, v3;
	v5 =	vnsel vm0, $0x3700, v5;
	vm10 =	vlt.u32 v4, $0x1F00  }
0x16: {  	v2 =	vadd.s32 $0xFFFF5B00, v2;
	vm11 =	vlt.u32 v3, $0x1F00;
	[tilespmem:$0x1B8E0] =	vst v5;
	v4 =	vnsel vm10, $0x3700, v4  }
0x17: {  	v1 =	vadd.s32 $0xFFFF5B00, v1;
	vm1 =	vlt.u32 v2, $0x1F00;
	v3 =	vnsel vm11, $0x3700, v3;
	[tilespmem:$0x1B920] =	vst v4  }
0x18: {  	v0 =	vadd.s32 $0xFFFF5B00, v0;
	vm12 =	vlt.u32 v1, $0x1F00;
	v2 =	vnsel vm1, $0x3700, v2;
	[tilespmem:$0x1B930] =	vst v3  }
0x19: {  	vm15 =	vlt.u32 v0, $0x1F00;
	v1 =	vnsel vm12, $0x3700, v1;
	[tilespmem:$0x1B900] =	vst v2;
	v60 =	vadd.s32 $0xFFFF5B00, v6  }
0x1a: {  	v0 =	vnsel vm15, $0x3700, v0;
	[tilespmem:$0x1B8C0] =	vst v1;
	v61 =	vadd.s32 $0xFFFF5B00, v7;
	vm13 =	vlt.u32 v60, $0x1F00  }
0x1b: {  	[tilespmem:$0x1B8F0] =	vst v0;
	vm14 =	vlt.u32 v61, $0x1F00;
	v62 =	vnsel vm13, $0x3700, v60  }
0x1c: {  	v63 =	vnsel vm14, $0x3700, v61;
	[tilespmem:$0x1B910] =	vst v62  }
0x1d: {  	[tilespmem:$0x1B8D0] =	vst v63  }
0x1e: {  	[spmem:s2] =	stream.indirect.scatter.add.f32 [tilespmem:s20], [sflag:$0x1], $0x80, s22, s21, $0xb8;
	[tilespmem:$0x1F940] =	vst v63  }
0x1f: {  	_ =	swait.ge [sflag:s18], $0x4000  }
0x20: {  	[sflag:s18] =	ssyncset.done $0x0  }
0x21: {  	[sflag:s18] =	ssyncadd.s32 $0xFFFFC000  }
0x22: {  	[bflag:$0x0] =	sbarrier.arrive $0xFFFF  }
0x23: {  	[hbm:s12], [sflag:s16] =	dma.local [spmem:s24], $0x1F00  }
0x24: {  	_ =	swait.ge [sflag:s18], $0x1F00  }
0x25: {  	[sflag:s18] =	ssyncset.done $0x0  }
0x26: {  	[sflag:s18] =	ssyncadd.s32 $0xFFFFE100  }
.LBB2_12:
0x27: {  	s23 =	sadd.s32 $0x1, s23  }
0x28: {  	p1 =	sne.s32 s23, s13  }
.Ltmp1:
0x29: {  	_ = 	snop;
	(pc) =	sbr.rel @!p1 .LBB2_13-.Ltmp1, $2  }
0x2a: {  	_ =	sdelay $0x1  }
0x2b: {  	[bflag:$0x0] =	sbarrier.arrive $0xFFFF;
	_ =	sdelay $0x1  }
.LBB2_1:
.Ltmp2:
0x2c: {  	(pc) =	sbr.rel @p0 .LBB2_7-.Ltmp2, $1  }
0x2d: {  	_ =	sdelay $0x3  }
0x2e: {  	[spmem:s17], [sflag:s16] =	dma.local [hbm:s6], $0x3700  }
0x2f: {  	_ =	swait.ge [sflag:s18], $0x3700  }
0x30: {  	[sflag:s18] =	ssyncset.done $0x0  }
0x31: {  	[sflag:s18] =	ssyncadd.s32 $0xFFFFC900  }
0x32: {  	s24 =	sadd.s32 $0x0, s15;
	[bflag:$0x0] =	sbarrier.arrive $0xFFFF  }
0x33: {  	[tilespmem:s19], [sflag:$0x1] =	stream.linear.gather [hbm4b:s24+s3], $0x80, $0x38;
	[tilespmem:$0x1F940] =	vst v63  }
0x34: {  	_ =	swait.ge [sflag:s18], $0x80  }
0x35: {  	[sflag:s18] =	ssyncset.done $0x0  }
0x36: {  	[sflag:s18] =	ssyncadd.s32 $0xFFFFFF80  }
0x37: {  	[tilespmem:s20], [sflag:$0x1] =	stream.linear.gather [hbm4b:s14+s3], $0x4000, $0x38;
	[tilespmem:$0x1F940] =	vst v63  }
0x38: {  	_ =	swait.ge [sflag:s18], $0x4000  }
0x39: {  	[sflag:s18] =	ssyncset.done $0x0  }
0x3a: {  	[sflag:s18] =	ssyncadd.s32 $0xFFFFC000  }
0x3b: {  	v0 =	vld [tilespmem:$0x1B8B0]  }
0x3c: {  	v1 =	vld [tilespmem:$0x1B870]  }
0x3d: {  	v2 =	vld [tilespmem:$0x1B890]  }
0x3e: {  	v3 =	vld [tilespmem:$0x1B8A0]  }
0x3f: {  	v4 =	vld [tilespmem:$0x1B860]  }
0x40: {  	v0 =	vmin.u32 v0, $0x3700  }
0x41: {  	v1 =	vmin.u32 v1, $0x3700;
	[tilespmem:$0x1B930] =	vst v0;
	v0 =	vld [tilespmem:$0x1B850]  }
0x42: {  	v2 =	vmin.u32 v2, $0x3700;
	[tilespmem:$0x1B8F0] =	vst v1;
	v1 =	vld [tilespmem:$0x1B880]  }
0x43: {  	v5 =	vmin.u32 v3, $0x3700;
	[tilespmem:$0x1B910] =	vst v2;
	v2 =	vld [tilespmem:$0x1B840]  }
0x44: {  	s25 =	smov.u32 s14;
	s24 =	simm.s32 $0x10;
	v3 =	vmin.u32 v4, $0x3700;
	[tilespmem:$0x1B920] =	vst v5  }
.LBB2_3:
0x45: {  	p1 =	sne.s32 s24, $0x1870  }
0x46: {  	s25 =	sadd.s32 $0x800, s25;
	s26 =	smov.u32 s24;
	s24 =	sadd.s32 $0x10, s24  }
0x47: {  	[tilespmem:$0x1B8E0] =	vst v3;
	v1 =	vmin.u32 v1, $0x3700  }
0x48: {  	v0 =	vmin.u32 v0, $0x3700;
	v2 =	vmin.u32 v2, $0x3700;
	[tilespmem:$0x1B900] =	vst v1  }
0x49: {  	[tilespmem:$0x1B8D0] =	vst v0  }
0x4a: {  	[tilespmem:$0x1B8C0] =	vst v2  }
0x4b: {  	[spmem:s2] =	stream.indirect.scatter.add.f32 [tilespmem:s20], [sflag:$0x1], $0x80, s22, s21, $0xb8;
	[tilespmem:$0x1F940] =	vst v63  }
0x4c: {  	_ =	swait.ge [sflag:s18], $0x4000  }
0x4d: {  	[sflag:s18] =	ssyncset.done $0x0  }
0x4e: {  	s26 =	sadd.s32 s26, s15;
	[sflag:s18] =	ssyncadd.s32 $0xFFFFC000  }
0x4f: {  	[tilespmem:s19], [sflag:$0x1] =	stream.linear.gather [hbm4b:s26+s3], $0x80, $0x38;
	[tilespmem:$0x1F940] =	vst v63  }
0x50: {  	_ =	swait.ge [sflag:s18], $0x80  }
0x51: {  	[sflag:s18] =	ssyncset.done $0x0  }
0x52: {  	[sflag:s18] =	ssyncadd.s32 $0xFFFFFF80  }
0x53: {  	[tilespmem:s20], [sflag:$0x1] =	stream.linear.gather [hbm4b:s25+s3], $0x4000, $0x38;
	[tilespmem:$0x1F940] =	vst v63  }
0x54: {  	_ =	swait.ge [sflag:s18], $0x4000  }
0x55: {  	[sflag:s18] =	ssyncset.done $0x0  }
0x56: {  	[sflag:s18] =	ssyncadd.s32 $0xFFFFC000  }
0x57: {  	v1 =	vld [tilespmem:$0x1B8B0]  }
0x58: {  	v2 =	vld [tilespmem:$0x1B870]  }
0x59: {  	v3 =	vld [tilespmem:$0x1B890]  }
0x5a: {  	v4 =	vld [tilespmem:$0x1B8A0]  }
0x5b: {  	v5 =	vld [tilespmem:$0x1B860]  }
.Ltmp3:
0x5c: {  	v0 =	vld [tilespmem:$0x1B850];
	v6 =	vmin.u32 v1, $0x3700;
	(pc) =	sbr.rel @p1 .LBB2_3-.Ltmp3, $4  }
0x5d: {  	v7 =	vmin.u32 v2, $0x3700;
	v1 =	vld [tilespmem:$0x1B880];
	[tilespmem:$0x1B930] =	vst v6  }
0x5e: {  	v2 =	vld [tilespmem:$0x1B840];
	[tilespmem:$0x1B8F0] =	vst v7;
	v3 =	vmin.u32 v3, $0x3700  }
0x5f: {  	[tilespmem:$0x1B910] =	vst v3;
	v4 =	vmin.u32 v4, $0x3700  }
0x60: {  	v3 =	vmin.u32 v5, $0x3700;
	[tilespmem:$0x1B920] =	vst v4  }
0x61: {  	[tilespmem:$0x1B8E0] =	vst v3;
	v0 =	vmin.u32 v0, $0x3700  }
0x62: {  	v1 =	vmin.u32 v1, $0x3700;
	[tilespmem:$0x1B8D0] =	vst v0  }
0x63: {  	[tilespmem:$0x1B900] =	vst v1;
	v1 =	vmin.u32 v2, $0x3700  }
0x64: {  	[tilespmem:$0x1B8C0] =	vst v1  }
0x65: {  	[spmem:s2] =	stream.indirect.scatter.add.f32 [tilespmem:s20], [sflag:$0x1], $0x80, s22, s21, $0xb8;
	[tilespmem:$0x1F940] =	vst v63  }
0x66: {  	_ =	swait.ge [sflag:s18], $0x4000  }
0x67: {  	[sflag:s18] =	ssyncset.done $0x0  }
0x68: {  	[sflag:s18] =	ssyncadd.s32 $0xFFFFC000  }
0x69: {  	[bflag:$0x0] =	sbarrier.arrive $0xFFFF  }
0x6a: {  	[hbm:s7], [sflag:s16] =	dma.local [spmem:s17], $0x3700  }
0x6b: {  	_ =	swait.ge [sflag:s18], $0x3700  }
0x6c: {  	[sflag:s18] =	ssyncset.done $0x0  }
0x6d: {  	[sflag:s18] =	ssyncadd.s32 $0xFFFFC900  }
0x6e: {  	[bflag:$0x0] =	sbarrier.arrive $0xFFFF  }
0x6f: {  	[spmem:s17], [sflag:s16] =	dma.local [hbm:s8], $0x3700  }
0x70: {  	_ =	swait.ge [sflag:s18], $0x3700  }
0x71: {  	[sflag:s18] =	ssyncset.done $0x0  }
0x72: {  	[sflag:s18] =	ssyncadd.s32 $0xFFFFC900  }
0x73: {  	s24 =	sadd.s32 $0x0, s15;
	[bflag:$0x0] =	sbarrier.arrive $0xFFFF  }
0x74: {  	[tilespmem:s19], [sflag:$0x1] =	stream.linear.gather [hbm4b:s24+s3], $0x80, $0x38;
	[tilespmem:$0x1F940] =	vst v63  }
0x75: {  	_ =	swait.ge [sflag:s18], $0x80  }
0x76: {  	[sflag:s18] =	ssyncset.done $0x0  }
0x77: {  	[sflag:s18] =	ssyncadd.s32 $0xFFFFFF80  }
0x78: {  	[tilespmem:s20], [sflag:$0x1] =	stream.linear.gather [hbm4b:s14+s3], $0x4000, $0x38;
	[tilespmem:$0x1F940] =	vst v63  }
0x79: {  	_ =	swait.ge [sflag:s18], $0x4000  }
0x7a: {  	[sflag:s18] =	ssyncset.done $0x0  }
0x7b: {  	[sflag:s18] =	ssyncadd.s32 $0xFFFFC000  }
0x7c: {  	v0 =	vld [tilespmem:$0x1B890]  }
0x7d: {  	v2 =	vld [tilespmem:$0x1B8A0]  }
0x7e: {  	s25 =	smov.u32 s14;
	s24 =	simm.s32 $0x10;
	v1 =	vld [tilespmem:$0x1B8B0]  }
.LBB2_5:
0x7f: {  	p1 =	sne.s32 s24, $0x1870  }
0x80: {  	v3 =	vld [tilespmem:$0x1B870];
	s25 =	sadd.s32 $0x800, s25;
	s26 =	smov.u32 s24;
	s24 =	sadd.s32 $0x10, s24  }
0x81: {  	v4 =	vld [tilespmem:$0x1B850]  }
0x82: {  	v5 =	vld [tilespmem:$0x1B860]  }
0x83: {  	v6 =	vld [tilespmem:$0x1B840];
	v2 =	vadd.s32 $0xFFFF9200, v2  }
0x84: {  	v0 =	vadd.s32 $0xFFFF9200, v0;
	v7 =	vld [tilespmem:$0x1B880];
	v2 =	vmin.u32 v2, $0x3700;
	v1 =	vadd.s32 $0xFFFF9200, v1  }
0x85: {  	v0 =	vmin.u32 v0, $0x3700;
	v3 =	vadd.s32 $0xFFFF9200, v3;
	[tilespmem:$0x1B920] =	vst v2;
	v1 =	vmin.u32 v1, $0x3700  }
0x86: {  	v2 =	vadd.s32 $0xFFFF9200, v4;
	v3 =	vmin.u32 v3, $0x3700;
	[tilespmem:$0x1B930] =	vst v1  }
0x87: {  	v1 =	vmin.u32 v2, $0x3700;
	v2 =	vadd.s32 $0xFFFF9200, v5;
	[tilespmem:$0x1B910] =	vst v0  }
0x88: {  	v0 =	vadd.s32 $0xFFFF9200, v6;
	v2 =	vmin.u32 v2, $0x3700;
	[tilespmem:$0x1B8F0] =	vst v3  }
0x89: {  	v0 =	vmin.u32 v0, $0x3700;
	[tilespmem:$0x1B8D0] =	vst v1;
	v1 =	vadd.s32 $0xFFFF9200, v7  }
0x8a: {  	[tilespmem:$0x1B8E0] =	vst v2;
	v1 =	vmin.u32 v1, $0x3700  }
0x8b: {  	[tilespmem:$0x1B900] =	vst v1  }
0x8c: {  	[tilespmem:$0x1B8C0] =	vst v0  }
0x8d: {  	[spmem:s2] =	stream.indirect.scatter.add.f32 [tilespmem:s20], [sflag:$0x1], $0x80, s22, s21, $0xb8;
	[tilespmem:$0x1F940] =	vst v63  }
0x8e: {  	_ =	swait.ge [sflag:s18], $0x4000  }
0x8f: {  	[sflag:s18] =	ssyncset.done $0x0  }
0x90: {  	s26 =	sadd.s32 s26, s15;
	[sflag:s18] =	ssyncadd.s32 $0xFFFFC000  }
0x91: {  	[tilespmem:s19], [sflag:$0x1] =	stream.linear.gather [hbm4b:s26+s3], $0x80, $0x38;
	[tilespmem:$0x1F940] =	vst v63  }
0x92: {  	_ =	swait.ge [sflag:s18], $0x80  }
0x93: {  	[sflag:s18] =	ssyncset.done $0x0  }
0x94: {  	[sflag:s18] =	ssyncadd.s32 $0xFFFFFF80  }
0x95: {  	[tilespmem:s20], [sflag:$0x1] =	stream.linear.gather [hbm4b:s25+s3], $0x4000, $0x38;
	[tilespmem:$0x1F940] =	vst v63  }
0x96: {  	_ =	swait.ge [sflag:s18], $0x4000  }
.Ltmp4:
0x97: {  	[sflag:s18] =	ssyncset.done $0x0;
	(pc) =	sbr.rel @p1 .LBB2_5-.Ltmp4, $4  }
0x98: {  	[sflag:s18] =	ssyncadd.s32 $0xFFFFC000  }
0x99: {  	v0 =	vld [tilespmem:$0x1B890]  }
0x9a: {  	v2 =	vld [tilespmem:$0x1B8A0]  }
0x9b: {  	v1 =	vld [tilespmem:$0x1B8B0]  }
0x9c: {  	v3 =	vld [tilespmem:$0x1B870]  }
0x9d: {  	v4 =	vld [tilespmem:$0x1B850]  }
0x9e: {  	v5 =	vld [tilespmem:$0x1B860];
	v0 =	vadd.s32 $0xFFFF9200, v0  }
0x9f: {  	v6 =	vld [tilespmem:$0x1B880];
	v2 =	vadd.s32 $0xFFFF9200, v2;
	v0 =	vmin.u32 v0, $0x3700  }
0xa0: {  	v7 =	vld [tilespmem:$0x1B840];
	v2 =	vmin.u32 v2, $0x3700;
	v1 =	vadd.s32 $0xFFFF9200, v1;
	[tilespmem:$0x1B910] =	vst v0  }
0xa1: {  	[tilespmem:$0x1B920] =	vst v2;
	v1 =	vmin.u32 v1, $0x3700;
	v57 =	vadd.s32 $0xFFFF9200, v3  }
0xa2: {  	v58 =	vadd.s32 $0xFFFF9200, v4;
	[tilespmem:$0x1B930] =	vst v1;
	v2 =	vmin.u32 v57, $0x3700  }
0xa3: {  	v60 =	vadd.s32 $0xFFFF9200, v5;
	v59 =	vmin.u32 v58, $0x3700;
	[tilespmem:$0x1B8F0] =	vst v2  }
0xa4: {  	v61 =	vadd.s32 $0xFFFF9200, v6;
	v1 =	vmin.u32 v60, $0x3700;
	[tilespmem:$0x1B8D0] =	vst v59  }
0xa5: {  	v62 =	vadd.s32 $0xFFFF9200, v7;
	v0 =	vmin.u32 v61, $0x3700;
	[tilespmem:$0x1B8E0] =	vst v1  }
0xa6: {  	v63 =	vmin.u32 v62, $0x3700;
	[tilespmem:$0x1B900] =	vst v0  }
0xa7: {  	[tilespmem:$0x1B8C0] =	vst v63  }
0xa8: {  	[spmem:s2] =	stream.indirect.scatter.add.f32 [tilespmem:s20], [sflag:$0x1], $0x80, s22, s21, $0xb8;
	[tilespmem:$0x1F940] =	vst v63  }
0xa9: {  	_ =	swait.ge [sflag:s18], $0x4000  }
0xaa: {  	[sflag:s18] =	ssyncset.done $0x0  }
0xab: {  	[sflag:s18] =	ssyncadd.s32 $0xFFFFC000  }
.Ltmp5:
0xac: {  	[bflag:$0x0] =	sbarrier.arrive $0xFFFF;
	(pc) =	sbr.rel .LBB2_12-.Ltmp5, $4  }
0xad: {  	[hbm:s9], [sflag:s16] =	dma.local [spmem:s17], $0x3700  }
0xae: {  	_ =	swait.ge [sflag:s18], $0x3700  }
0xaf: {  	[sflag:s18] =	ssyncset.done $0x0  }
0xb0: {  	[sflag:s18] =	ssyncadd.s32 $0xFFFFC900  }
.LBB2_7:
0xb1: {  	[spmem:s17], [sflag:s16] =	dma.local [hbm:s4], $0x3700  }
0xb2: {  	_ =	swait.ge [sflag:s18], $0x3700  }
0xb3: {  	[sflag:s18] =	ssyncset.done $0x0  }
0xb4: {  	[sflag:s18] =	ssyncadd.s32 $0xFFFFC900  }
0xb5: {  	s24 =	sadd.s32 $0x0, s15;
	[bflag:$0x0] =	sbarrier.arrive $0xFFFF  }
0xb6: {  	[tilespmem:s19], [sflag:$0x1] =	stream.linear.gather [hbm4b:s24+s3], $0x80, $0x38;
	[tilespmem:$0x1F940] =	vst v63  }
0xb7: {  	_ =	swait.ge [sflag:s18], $0x80  }
0xb8: {  	[sflag:s18] =	ssyncset.done $0x0  }
0xb9: {  	[sflag:s18] =	ssyncadd.s32 $0xFFFFFF80  }
0xba: {  	[tilespmem:s20], [sflag:$0x1] =	stream.linear.gather [hbm4b:s14+s3], $0x4000, $0x38;
	[tilespmem:$0x1F940] =	vst v63  }
0xbb: {  	_ =	swait.ge [sflag:s18], $0x4000  }
0xbc: {  	[sflag:s18] =	ssyncset.done $0x0  }
0xbd: {  	[sflag:s18] =	ssyncadd.s32 $0xFFFFC000  }
0xbe: {  	v0 =	vld [tilespmem:$0x1B890]  }
0xbf: {  	v2 =	vld [tilespmem:$0x1B8A0]  }
0xc0: {  	s25 =	smov.u32 s14;
	s24 =	simm.s32 $0x10;
	v1 =	vld [tilespmem:$0x1B8B0]  }
.LBB2_8:
0xc1: {  	p1 =	seq.s32 s24, $0x1870  }
0xc2: {  	v3 =	vld [tilespmem:$0x1B870];
	s25 =	sadd.s32 $0x800, s25;
	s26 =	smov.u32 s24;
	s24 =	sadd.s32 $0x10, s24  }
0xc3: {  	v4 =	vld [tilespmem:$0x1B850]  }
0xc4: {  	v5 =	vld [tilespmem:$0x1B860]  }
0xc5: {  	v6 =	vld [tilespmem:$0x1B840];
	v2 =	vadd.s32 $0xFFFFC900, v2  }
0xc6: {  	v0 =	vadd.s32 $0xFFFFC900, v0;
	v7 =	vld [tilespmem:$0x1B880];
	v2 =	vmin.u32 v2, $0x3700;
	v1 =	vadd.s32 $0xFFFFC900, v1  }
0xc7: {  	v0 =	vmin.u32 v0, $0x3700;
	v3 =	vadd.s32 $0xFFFFC900, v3;
	[tilespmem:$0x1B920] =	vst v2;
	v1 =	vmin.u32 v1, $0x3700  }
0xc8: {  	v2 =	vadd.s32 $0xFFFFC900, v4;
	v3 =	vmin.u32 v3, $0x3700;
	[tilespmem:$0x1B930] =	vst v1  }
0xc9: {  	v1 =	vmin.u32 v2, $0x3700;
	v2 =	vadd.s32 $0xFFFFC900, v5;
	[tilespmem:$0x1B910] =	vst v0  }
0xca: {  	v0 =	vadd.s32 $0xFFFFC900, v6;
	v2 =	vmin.u32 v2, $0x3700;
	[tilespmem:$0x1B8F0] =	vst v3  }
0xcb: {  	v0 =	vmin.u32 v0, $0x3700;
	[tilespmem:$0x1B8D0] =	vst v1;
	v1 =	vadd.s32 $0xFFFFC900, v7  }
0xcc: {  	[tilespmem:$0x1B8E0] =	vst v2;
	v1 =	vmin.u32 v1, $0x3700  }
0xcd: {  	[tilespmem:$0x1B900] =	vst v1  }
0xce: {  	[tilespmem:$0x1B8C0] =	vst v0  }
0xcf: {  	[spmem:s2] =	stream.indirect.scatter.add.f32 [tilespmem:s20], [sflag:$0x1], $0x80, s22, s21, $0xb8;
	[tilespmem:$0x1F940] =	vst v63  }
0xd0: {  	_ =	swait.ge [sflag:s18], $0x4000  }
0xd1: {  	[sflag:s18] =	ssyncset.done $0x0  }
0xd2: {  	s26 =	sadd.s32 s26, s15;
	[sflag:s18] =	ssyncadd.s32 $0xFFFFC000  }
0xd3: {  	[tilespmem:s19], [sflag:$0x1] =	stream.linear.gather [hbm4b:s26+s3], $0x80, $0x38;
	[tilespmem:$0x1F940] =	vst v63  }
0xd4: {  	_ =	swait.ge [sflag:s18], $0x80  }
0xd5: {  	[sflag:s18] =	ssyncset.done $0x0  }
0xd6: {  	[sflag:s18] =	ssyncadd.s32 $0xFFFFFF80  }
0xd7: {  	[tilespmem:s20], [sflag:$0x1] =	stream.linear.gather [hbm4b:s25+s3], $0x4000, $0x38;
	[tilespmem:$0x1F940] =	vst v63  }
0xd8: {  	_ =	swait.ge [sflag:s18], $0x4000  }
.Ltmp6:
0xd9: {  	[sflag:s18] =	ssyncset.done $0x0;
	(pc) =	sbr.rel @!p1 .LBB2_8-.Ltmp6, $4  }
0xda: {  	[sflag:s18] =	ssyncadd.s32 $0xFFFFC000  }
0xdb: {  	v0 =	vld [tilespmem:$0x1B890]  }
0xdc: {  	v2 =	vld [tilespmem:$0x1B8A0]  }
0xdd: {  	v1 =	vld [tilespmem:$0x1B8B0]  }
0xde: {  	v3 =	vld [tilespmem:$0x1B870]  }
0xdf: {  	v4 =	vld [tilespmem:$0x1B850]  }
0xe0: {  	v5 =	vld [tilespmem:$0x1B860];
	v0 =	vadd.s32 $0xFFFFC900, v0  }
0xe1: {  	v6 =	vld [tilespmem:$0x1B880];
	v2 =	vadd.s32 $0xFFFFC900, v2;
	v0 =	vmin.u32 v0, $0x3700  }
0xe2: {  	v7 =	vld [tilespmem:$0x1B840];
	v2 =	vmin.u32 v2, $0x3700;
	v1 =	vadd.s32 $0xFFFFC900, v1;
	[tilespmem:$0x1B910] =	vst v0  }
0xe3: {  	[tilespmem:$0x1B920] =	vst v2;
	v1 =	vmin.u32 v1, $0x3700;
	v2 =	vadd.s32 $0xFFFFC900, v3  }
0xe4: {  	[tilespmem:$0x1B930] =	vst v1;
	v1 =	vadd.s32 $0xFFFFC900, v4;
	v2 =	vmin.u32 v2, $0x3700  }
0xe5: {  	v0 =	vmin.u32 v1, $0x3700;
	v1 =	vadd.s32 $0xFFFFC900, v5;
	[tilespmem:$0x1B8F0] =	vst v2  }
0xe6: {  	v1 =	vmin.u32 v1, $0x3700;
	[tilespmem:$0x1B8D0] =	vst v0;
	v0 =	vadd.s32 $0xFFFFC900, v6  }
0xe7: {  	v2 =	vadd.s32 $0xFFFFC900, v7;
	[tilespmem:$0x1B8E0] =	vst v1;
	v0 =	vmin.u32 v0, $0x3700  }
0xe8: {  	v1 =	vmin.u32 v2, $0x3700;
	[tilespmem:$0x1B900] =	vst v0  }
0xe9: {  	[tilespmem:$0x1B8C0] =	vst v1  }
0xea: {  	[spmem:s2] =	stream.indirect.scatter.add.f32 [tilespmem:s20], [sflag:$0x1], $0x80, s22, s21, $0xb8;
	[tilespmem:$0x1F940] =	vst v63  }
0xeb: {  	_ =	swait.ge [sflag:s18], $0x4000  }
0xec: {  	[sflag:s18] =	ssyncset.done $0x0  }
0xed: {  	[sflag:s18] =	ssyncadd.s32 $0xFFFFC000  }
0xee: {  	[bflag:$0x0] =	sbarrier.arrive $0xFFFF  }
0xef: {  	[hbm:s5], [sflag:s16] =	dma.local [spmem:s17], $0x3700  }
0xf0: {  	_ =	swait.ge [sflag:s18], $0x3700  }
0xf1: {  	[sflag:s18] =	ssyncset.done $0x0  }
0xf2: {  	[sflag:s18] =	ssyncadd.s32 $0xFFFFC900  }
0xf3: {  	s24 =	sshrl.u32 s10, $0x3;
	[bflag:$0x0] =	sbarrier.arrive $0xFFFF  }
0xf4: {  	[spmem:s24], [sflag:s16] =	dma.local [hbm:s11], $0x1F00  }
0xf5: {  	_ =	swait.ge [sflag:s18], $0x1F00  }
0xf6: {  	[sflag:s18] =	ssyncset.done $0x0  }
0xf7: {  	[sflag:s18] =	ssyncadd.s32 $0xFFFFE100  }
0xf8: {  	s25 =	sadd.s32 $0x0, s15;
	[bflag:$0x0] =	sbarrier.arrive $0xFFFF  }
0xf9: {  	[tilespmem:s19], [sflag:$0x1] =	stream.linear.gather [hbm4b:s25+s3], $0x80, $0x38;
	[tilespmem:$0x1F940] =	vst v63  }
0xfa: {  	_ =	swait.ge [sflag:s18], $0x80  }
0xfb: {  	[sflag:s18] =	ssyncset.done $0x0  }
0xfc: {  	[sflag:s18] =	ssyncadd.s32 $0xFFFFFF80  }
0xfd: {  	[tilespmem:s20], [sflag:$0x1] =	stream.linear.gather [hbm4b:s14+s3], $0x4000, $0x38;
	[tilespmem:$0x1F940] =	vst v63  }
0xfe: {  	_ =	swait.ge [sflag:s18], $0x4000  }
0xff: {  	[sflag:s18] =	ssyncset.done $0x0  }
0x100: {  	[sflag:s18] =	ssyncadd.s32 $0xFFFFC000  }
0x101: {  	v5 =	vld [tilespmem:$0x1B860]  }
0x102: {  	v0 =	vld [tilespmem:$0x1B870]  }
0x103: {  	v4 =	vld [tilespmem:$0x1B8A0]  }
0x104: {  	v3 =	vld [tilespmem:$0x1B8B0]  }
0x105: {  	v2 =	vld [tilespmem:$0x1B880]  }
0x106: {  	s26 =	smov.u32 s14;
	s25 =	simm.s32 $0x10;
	v1 =	vld [tilespmem:$0x1B840];
	v5 =	vadd.s32 $0xFFFF5B00, v5  }
.LBB2_10:
0x107: {  	p1 =	sne.s32 s25, $0x1870  }
0x108: {  	vm0 =	vlt.u32 v5, $0x1F00;
	v6 =	vld [tilespmem:$0x1B890];
	s26 =	sadd.s32 $0x800, s26;
	s28 =	smov.u32 s25;
	s25 =	sadd.s32 $0x10, s25  }
0x109: {  	v4 =	vadd.s32 $0xFFFF5B00, v4;
	v5 =	vnsel vm0, $0x3700, v5  }
0x10a: {  	v3 =	vadd.s32 $0xFFFF5B00, v3;
	vm0 =	vlt.u32 v4, $0x1F00;
	v7 =	vld [tilespmem:$0x1B850]  }
0x10b: {  	v2 =	vadd.s32 $0xFFFF5B00, v2;
	v4 =	vnsel vm0, $0x3700, v4;
	vm0 =	vlt.u32 v3, $0x1F00;
	[tilespmem:$0x1B8E0] =	vst v5  }
0x10c: {  	vm1 =	vlt.u32 v2, $0x1F00;
	v3 =	vnsel vm0, $0x3700, v3;
	[tilespmem:$0x1B920] =	vst v4  }
0x10d: {  	v1 =	vadd.s32 $0xFFFF5B00, v1;
	v2 =	vnsel vm1, $0x3700, v2;
	v4 =	vadd.s32 $0xFFFF5B00, v6;
	[tilespmem:$0x1B930] =	vst v3  }
0x10e: {  	vm0 =	vlt.u32 v1, $0x1F00;
	[tilespmem:$0x1B900] =	vst v2;
	vm1 =	vlt.u32 v4, $0x1F00  }
0x10f: {  	v1 =	vnsel vm0, $0x3700, v1;
	v2 =	vadd.s32 $0xFFFF5B00, v7;
	v3 =	vnsel vm1, $0x3700, v4  }
0x110: {  	v0 =	vadd.s32 $0xFFFF5B00, v0;
	[tilespmem:$0x1B8C0] =	vst v1;
	vm0 =	vlt.u32 v2, $0x1F00  }
0x111: {  	v1 =	vnsel vm0, $0x3700, v2;
	vm0 =	vlt.u32 v0, $0x1F00;
	[tilespmem:$0x1B910] =	vst v3  }
0x112: {  	[tilespmem:$0x1B8D0] =	vst v1;
	v0 =	vnsel vm0, $0x3700, v0  }
0x113: {  	[tilespmem:$0x1B8F0] =	vst v0  }
0x114: {  	[spmem:s2] =	stream.indirect.scatter.add.f32 [tilespmem:s20], [sflag:$0x1], $0x80, s22, s21, $0xb8;
	[tilespmem:$0x1F940] =	vst v63  }
0x115: {  	_ =	swait.ge [sflag:s18], $0x4000  }
0x116: {  	[sflag:s18] =	ssyncset.done $0x0  }
0x117: {  	s28 =	sadd.s32 s28, s15;
	[sflag:s18] =	ssyncadd.s32 $0xFFFFC000  }
0x118: {  	[tilespmem:s19], [sflag:$0x1] =	stream.linear.gather [hbm4b:s28+s3], $0x80, $0x38;
	[tilespmem:$0x1F940] =	vst v63  }
0x119: {  	_ =	swait.ge [sflag:s18], $0x80  }
0x11a: {  	[sflag:s18] =	ssyncset.done $0x0  }
0x11b: {  	[sflag:s18] =	ssyncadd.s32 $0xFFFFFF80  }
0x11c: {  	[tilespmem:s20], [sflag:$0x1] =	stream.linear.gather [hbm4b:s26+s3], $0x4000, $0x38;
	[tilespmem:$0x1F940] =	vst v63  }
0x11d: {  	_ =	swait.ge [sflag:s18], $0x4000  }
0x11e: {  	[sflag:s18] =	ssyncset.done $0x0  }
0x11f: {  	[sflag:s18] =	ssyncadd.s32 $0xFFFFC000  }
0x120: {  	v5 =	vld [tilespmem:$0x1B860]  }
.Ltmp7:
0x121: {  	v0 =	vld [tilespmem:$0x1B870];
	(pc) =	sbr.rel @p1 .LBB2_10-.Ltmp7, $4  }
0x122: {  	v4 =	vld [tilespmem:$0x1B8A0]  }
0x123: {  	v3 =	vld [tilespmem:$0x1B8B0]  }
0x124: {  	v2 =	vld [tilespmem:$0x1B880]  }
0x125: {  	v1 =	vld [tilespmem:$0x1B840];
	v5 =	vadd.s32 $0xFFFF5B00, v5  }
.Ltmp8:
0x126: {  	_ = 	snop;
	(pc) =	sbr.rel .LBB2_11-.Ltmp8, $1  }
0x127: {  	_ =	sdelay $0x3  }
.LBB2_13:
0x128: {  	_ =	sfence.sel $0x180000  }
0x129: {  	[bflag:$0x0] =	sbarrier.arrive $0xFFFF  }
0x12a: {  	p0 =	sne.s32 s1, $0x0;
	_ =	strace $0x90000050  }
0x12b: {  	s0 =	sadd.s32 @!p0 $0x100000, s0;
	[bflag:$0x2] =	sbarrier.arrive $0xFFFF  }
0x12c: {  	[sflag:s0] =	ssyncadd.tile.s32 @!p0 $0x1;
	_ =	shalt  }
.Lfunc_end2:
_tile_overlayer_lowered:
.L_overlay_start_2:
0x12d: {  	(tag) =	ssettag $0x2  }
0x12e: {  	s0 =	rddreg [dreg:$0x0];
	s2 =	stileid.u32  }
0x12f: {  	s1 =	rddreg [dreg:$0x1];
	p0 =	sne.s32 s2, $0x0  }
0x130: {  	s3 =	rddreg [dreg:$0x2];
	[bflag:$0x3] =	sbarrier.arrive $0xFFFF;
	s2 =	simm.s32 @!p0 $0x1C01  }
0x131: {  	[timem:s3], [sflag:s2] =	dma.local @!p0 [hbm:s0], s1  }
0x132: {  	s0 =	simm.s32 @!p0 $0x1  }
0x133: {  	_ =	swait.ge @!p0 [sflag:s0], s1  }
0x134: {  	s1 =	ssub.s32 @!p0 $0x0, s1;
	[sflag:s0] =	ssyncset.done @!p0 $0x0  }
0x135: {  	[sflag:s0] =	ssyncadd.s32 @!p0 s1  }
0x136: {  	[bflag:$0x3] =	sbarrier.arrive $0xFFFF  }
0x137: {  	_ =	shalt  }

</sc_bundles>
